<compile_context>
chip_gen: v7x
topology: tpu7x:2x2x1
jax: 0.10.2.dev20260603
libtpu: 0.0.44.dev20260713+nightly
codegen_flags: <defaults>
</compile_context>

<pallas_src>
import functools

import jax
import jax.numpy as jnp
from jax import lax
from jax.experimental import pallas as pl
from jax.experimental.pallas import tpu as pltpu
from jax.experimental.pallas import tpu_sc as plsc

_B, _L, _V, _H, _D = 128, 2048, 64, 64, 3
_HW = 80
_NC, _NS, _NL = 2, 16, 16
_NW = _NC * _NS
_RPW = _B // _NW


@functools.lru_cache(maxsize=None)
def _hist_kernel():
    mesh = plsc.VectorSubcoreMesh(core_axis_name="c", subcore_axis_name="s")

    _BS = _V + 1

    @functools.partial(
        pl.kernel,
        mesh=mesh,
        compiler_params=pltpu.CompilerParams(needs_layout_passes=False),
        out_type=jax.ShapeDtypeStruct((_B, _HW), jnp.int32),
        scratch_types=[
            pltpu.VMEM((_RPW, _L), jnp.int32),
            pltpu.VMEM((_NL, _BS), jnp.int32),
            pltpu.VMEM((_RPW, _HW), jnp.int32),
        ],
    )
    def hist(seq_hbm, hist_hbm, seq_v, bins_v, hist_v):
        wid = lax.axis_index("s") * _NC + lax.axis_index("c")
        base = wid * _RPW
        pltpu.sync_copy(seq_hbm.at[pl.ds(base, _RPW)], seq_v)
        lanes = lax.iota(jnp.int32, _NL)
        ones = jnp.ones((_NL,), jnp.int32)
        zeros = jnp.zeros((_NL,), jnp.int32)
        unroll = 8
        for i in range(_RPW):
            for r in range(_NL):
                for c in range(_V // _NL):
                    bins_v[r, pl.ds(c * _NL, _NL)] = zeros

            def body(c, carry):
                off = c * (_NL * unroll)
                vals = [seq_v[i, pl.ds(off + u * _NL, _NL)]
                        for u in range(unroll)]
                for v in vals:
                    plsc.addupdate_scatter(bins_v, [lanes, v], ones)
                return carry

            lax.fori_loop(0, _L // (_NL * unroll), body, 0)
            for c in range(_V // _NL):
                acc = bins_v[0, pl.ds(c * _NL, _NL)]
                for r in range(1, _NL):
                    acc = acc + bins_v[r, pl.ds(c * _NL, _NL)]
                hist_v[i, pl.ds(c * _NL, _NL)] = acc
            hist_v[i, pl.ds(_V, _NL)] = seq_v[i, pl.ds(_L - _NL, _NL)]
        pltpu.sync_copy(hist_v, hist_hbm.at[pl.ds(base, _RPW)])

    return hist


def _tc_body(hist_ref, embed_ref, w1_ref, b1_ref, w2_ref, b2_ref,
             lng_ref, lnb_ref, gw_ref, dw_ref, db_ref, qw_ref, qb_ref,
             ow_ref, ob_ref, logits_ref, dom_ref):
    f32 = jnp.float32
    b1 = b1_ref[...].reshape(1, -1)
    b2 = b2_ref[...].reshape(1, -1)
    lng = lng_ref[...].reshape(1, -1)
    lnb = lnb_ref[...].reshape(1, -1)
    db = db_ref[...].reshape(1, -1)
    qb = qb_ref[...].reshape(1, -1)
    ob = ob_ref[...].reshape(1, -1)
    emb = embed_ref[...]
    t = jnp.dot(emb, w1_ref[...], preferred_element_type=f32) + b1
    t = jnp.maximum(t, 0.0)
    t = jnp.dot(t, w2_ref[...], preferred_element_type=f32) + b2
    x = emb + t
    mu = jnp.mean(x, axis=1, keepdims=True)
    xc = x - mu
    var = jnp.mean(xc * xc, axis=1, keepdims=True)
    h_tab = xc * lax.rsqrt(var + 1e-5) * lng + lnb

    histw = hist_ref[...]
    hist = histw[:, :_V]
    last = histw[:, _HW - 1:_HW]
    histf = hist.astype(f32)
    present = hist > 0
    vio = lax.broadcasted_iota(jnp.int32, (_B, _V), 1)
    ohl = (last == vio).astype(f32)
    h_last = jnp.dot(ohl, h_tab, preferred_element_type=f32)
    dom_logits = jnp.dot(h_last, dw_ref[...], preferred_element_type=f32) + db
    dom_ref[...] = dom_logits
    dmx = jnp.max(dom_logits, axis=1, keepdims=True)
    de = jnp.exp(dom_logits - dmx)
    dprobs = de / jnp.sum(de, axis=1, keepdims=True)
    q = jnp.dot(h_last, qw_ref[...], preferred_element_type=f32) + qb

    gvals = lax.dot_general(gw_ref[...], h_tab, (((1,), (1,)), ((), ())),
                            preferred_element_type=f32)
    neg = f32(-1e30)
    slots, scores = [], []
    for d in range(_D):
        gv = gvals[d:d + 1, :]
        masked = jnp.where(present, gv, neg)
        m1 = jnp.max(masked, axis=1, keepdims=True)
        v1 = jnp.min(jnp.where((masked == m1) & present, vio, _V),
                     axis=1, keepdims=True)
        oh1 = jnp.where(vio == v1, 1.0, 0.0)
        slot1 = jnp.dot(oh1, h_tab, preferred_element_type=f32)
        cnt1 = jnp.sum(oh1 * histf, axis=1, keepdims=True)
        masked2 = jnp.where(masked < m1, masked, neg)
        m2 = jnp.max(masked2, axis=1, keepdims=True)
        v2 = jnp.min(jnp.where((masked2 == m2) & (masked2 > neg * 0.5),
                               vio, _V), axis=1, keepdims=True)
        oh2 = jnp.where(vio == v2, 1.0, 0.0)
        slot2b = jnp.dot(oh2, h_tab, preferred_element_type=f32)
        slot2 = jnp.where(cnt1 >= 2.0, slot1, slot2b)
        p = dprobs[:, d:d + 1]
        for s in (slot1 * p, slot2 * p):
            slots.append(s)
            scores.append(jnp.sum(s * q, axis=1, keepdims=True) * f32(0.125))

    smx = scores[0]
    for s in scores[1:]:
        smx = jnp.maximum(smx, s)
    es = [jnp.exp(s - smx) for s in scores]
    z = es[0]
    for e in es[1:]:
        z = z + e
    pooled = (es[0] / z) * slots[0]
    for e, s in zip(es[1:], slots[1:]):
        pooled = pooled + (e / z) * s
    logits_ref[...] = jnp.dot(pooled, ow_ref[...], preferred_element_type=f32) + ob


def kernel(seq, embed, w1, b1, w2, b2, ln_g, ln_b, gate_w, gate_b,
           dom_w, dom_b, q_w, q_b, out_w, out_b):
    del gate_b
    hist = _hist_kernel()(seq)
    logits, dom_logits = pl.pallas_call(
        _tc_body,
        out_shape=(jax.ShapeDtypeStruct((_B, _V), jnp.float32),
                   jax.ShapeDtypeStruct((_B, _D), jnp.float32)),
    )(hist, embed, w1, b1, w2, b2, ln_g, ln_b, gate_w, dom_w,
      dom_b, q_w, q_b, out_w, out_b)
    return logits, dom_logits

# --- scband reference (transcript-rebuilt; emitter-appended) ---
"""Pipeline reference for scband-domain-slot-model-3204045603638 (READ-ONLY COPY).

The authoritative reference and input builder live on the scoring server;
editing this copy changes nothing except your own understanding.
"""

import jax, jax.numpy as jnp
import numpy as np

HIDDEN_DIM = 64
VOCAB_SIZE = 64
NUM_DOMAINS = 3
SLD = 2

def setup_inputs(seed: int = 0) -> dict:
    key = jax.random.key(seed)
    ks = jax.random.split(key, 16)
    B, L = 128, 2048
    inp = {}
    inp['seq'] = jax.random.randint(ks[0], (B, L), 0, VOCAB_SIZE, dtype=jnp.int64 if jax.config.jax_enable_x64 else jnp.int32).astype(jnp.int32)
    inp['embed'] = jax.random.normal(ks[1], (VOCAB_SIZE, HIDDEN_DIM), dtype=jnp.float32)
    inp['w1'] = jax.random.normal(ks[2], (HIDDEN_DIM, HIDDEN_DIM * 2), dtype=jnp.float32) * 0.05
    inp['b1'] = jax.random.normal(ks[3], (HIDDEN_DIM * 2,), dtype=jnp.float32) * 0.05
    inp['w2'] = jax.random.normal(ks[4], (HIDDEN_DIM * 2, HIDDEN_DIM), dtype=jnp.float32) * 0.05
    inp['b2'] = jax.random.normal(ks[5], (HIDDEN_DIM,), dtype=jnp.float32) * 0.05
    inp['ln_g'] = jnp.ones((HIDDEN_DIM,), dtype=jnp.float32)
    inp['ln_b'] = jnp.zeros((HIDDEN_DIM,), dtype=jnp.float32)
    inp['gate_w'] = jax.random.normal(ks[6], (NUM_DOMAINS, HIDDEN_DIM), dtype=jnp.float32) * 0.05
    inp['gate_b'] = jax.random.normal(ks[7], (NUM_DOMAINS,), dtype=jnp.float32) * 0.05
    inp['dom_w'] = jax.random.normal(ks[8], (HIDDEN_DIM, NUM_DOMAINS), dtype=jnp.float32) * 0.05
    inp['dom_b'] = jax.random.normal(ks[9], (NUM_DOMAINS,), dtype=jnp.float32) * 0.05
    inp['q_w'] = jax.random.normal(ks[10], (HIDDEN_DIM, HIDDEN_DIM), dtype=jnp.float32) * 0.05
    inp['q_b'] = jax.random.normal(ks[11], (HIDDEN_DIM,), dtype=jnp.float32) * 0.05
    inp['out_w'] = jax.random.normal(ks[12], (HIDDEN_DIM, VOCAB_SIZE), dtype=jnp.float32) * 0.05
    inp['out_b'] = jax.random.normal(ks[13], (VOCAB_SIZE,), dtype=jnp.float32) * 0.05
    return inp

def _layernorm(x, g, b, eps=1e-5):
    mu = x.mean(axis=-1, keepdims=True)
    var = x.var(axis=-1, keepdims=True)
    return (x - mu) / jnp.sqrt(var + eps) * g + b

def reference(seq, embed, w1, b1, w2, b2, ln_g, ln_b, gate_w, gate_b, dom_w, dom_b, q_w, q_b, out_w, out_b):
    h0 = jnp.take(embed, seq, axis=0)
    ff = jnp.maximum(h0 @ w1 + b1, 0.0) @ w2 + b2
    h = _layernorm(h0 + ff, ln_g, ln_b)
    B, L, H = h.shape
    h_last = h[:, -1, :]
    dom_logits = h_last @ dom_w + dom_b
    dom_probs = jax.nn.softmax(dom_logits, axis=-1)
    k = min(SLD, L)
    all_slots = []
    for d in range(NUM_DOMAINS):
        g = jax.nn.sigmoid(h @ gate_w[d] + gate_b[d])  # [B, L]
        _, idx = jax.lax.top_k(g, k)
        slots_d = jnp.take_along_axis(h, jnp.broadcast_to(idx[:, :, None], (B, k, H)), axis=1)
        all_slots.append(slots_d * dom_probs[:, d][:, None, None])
    memory = jnp.concatenate(all_slots, axis=1)  # [B, num_domains*k, H]
    q = h_last @ q_w + q_b
    attn = jax.nn.softmax(jnp.einsum('bmh,bh->bm', memory, q) / (H ** 0.5), axis=-1)
    pooled = (attn[:, :, None] * memory).sum(axis=1)
    logits = pooled @ out_w + out_b
    return logits, dom_logits

if __name__ == "__main__":
    import jax
    _d = setup_inputs()
    print(jax.jit(kernel)(*tuple(_d.values())))

</pallas_src>

<mosaic_0001>
#map = affine_map<(d0, d1) -> (0, 0)>
module attributes {stable_mosaic.version = 14 : i64} {
  func.func @hist(%arg0: i32, %arg1: i32, %arg2: memref<128x2048xi32, #tpu.memory_space<hbm>>, %arg3: memref<128x80xi32, #tpu.memory_space<hbm>>, %arg4: memref<4x2048xi32, #tpu.memory_space<vmem>>, %arg5: memref<16x65xi32, #tpu.memory_space<vmem>>, %arg6: memref<4x80xi32, #tpu.memory_space<vmem>>) attributes {dimension_semantics = [#tpu.dimension_semantics<core_parallel>, #tpu.dimension_semantics<subcore_parallel>], iteration_bounds = array<i64: 2, 16>, scalar_prefetch = 0 : i64, scratch_operands = 3 : i64, tpu.core_type = #tpu.core_type<sc_vector_subcore>, window_params = [{transform_indices = #map}, {transform_indices = #map}]} {
    %mul3A = arith.constant 2 : i32
    %mul3A_0 = arith.muli %arg1, %mul3A : i32
    %add3A = arith.addi %mul3A_0, %arg0 : i32
    %mul3A_1 = arith.constant 4 : i32
    %mul3A_2 = arith.muli %add3A, %mul3A_1 : i32
    "tpu.region"() ({
      %run_scoped3A = tpu.sem_alloc : memref<!tpu.dma_semaphore, #tpu.memory_space<semaphore_mem>>
      %dma_start3A = arith.constant 0 : i32
      %dma_start3A_2411 = tpu.memref_slice %arg2[%mul3A_2, %dma_start3A] : memref<128x2048xi32, #tpu.memory_space<hbm>> -> memref<4x2048xi32, #tpu.memory_space<hbm>>
      %dma_start3A_2412 = arith.constant 0 : i32
      %dma_start3A_2413 = tpu.memref_slice %arg2[%mul3A_2, %dma_start3A_2412] : memref<128x2048xi32, #tpu.memory_space<hbm>> -> memref<4x2048xi32, #tpu.memory_space<hbm>>
      tpu.enqueue_dma source(%dma_start3A_2413 : memref<4x2048xi32, #tpu.memory_space<hbm>>) target(%arg4 : memref<4x2048xi32, #tpu.memory_space<vmem>>) target_semaphore(%run_scoped3A : memref<!tpu.dma_semaphore, #tpu.memory_space<semaphore_mem>>)
      %dma_wait3A = arith.constant 0 : i32
      %dma_wait3A_2414 = tpu.memref_slice %arg2[%mul3A_2, %dma_wait3A] : memref<128x2048xi32, #tpu.memory_space<hbm>> -> memref<4x2048xi32, #tpu.memory_space<hbm>>
      %dma_wait3A_2415 = arith.constant 0 : i32
      %dma_wait3A_2416 = tpu.memref_slice %arg2[%mul3A_2, %dma_wait3A_2415] : memref<128x2048xi32, #tpu.memory_space<hbm>> -> memref<4x2048xi32, #tpu.memory_space<hbm>>
      tpu.wait_dma2 semaphore(%run_scoped3A : memref<!tpu.dma_semaphore, #tpu.memory_space<semaphore_mem>>) src(%dma_wait3A_2416 : memref<4x2048xi32, #tpu.memory_space<hbm>>) dst(%arg4 : memref<4x2048xi32, #tpu.memory_space<vmem>>)
      tpu.yield
    }) : () -> ()
    %iota3A = tpu.iota {dimensions = array<i32: 0>} : vector<16xi32>
    %broadcast_in_dim3A = arith.constant 1 : i32
    %broadcast_in_dim3A_3 = vector.broadcast %broadcast_in_dim3A : i32 to vector<16xi32>
    %broadcast_in_dim3A_4 = arith.constant 0 : i32
    %broadcast_in_dim3A_5 = vector.broadcast %broadcast_in_dim3A_4 : i32 to vector<16xi32>
    %swap3A = arith.constant 0 : i32
    %swap3A_6 = arith.index_cast %swap3A : i32 to index
    %swap3A_7 = arith.constant 0 : index
    %swap3A_8 = tpu.vector_load %arg5[%swap3A_6, %swap3A_7] {strides = array<i32>} : memref<16x65xi32, #tpu.memory_space<vmem>>, vector<16xi32>,
    tpu.vector_store %arg5[%swap3A_6, %swap3A_7], %broadcast_in_dim3A_5 {strides = array<i32>} : memref<16x65xi32, #tpu.memory_space<vmem>>, vector<16xi32>,
    %swap3A_9 = arith.constant 0 : i32
    %swap3A_10 = arith.index_cast %swap3A_9 : i32 to index
    %swap3A_11 = arith.constant 16 : index
    %swap3A_12 = tpu.vector_load %arg5[%swap3A_10, %swap3A_11] {strides = array<i32>} : memref<16x65xi32, #tpu.memory_space<vmem>>, vector<16xi32>,
    tpu.vector_store %arg5[%swap3A_10, %swap3A_11], %broadcast_in_dim3A_5 {strides = array<i32>} : memref<16x65xi32, #tpu.memory_space<vmem>>, vector<16xi32>,
    %swap3A_13 = arith.constant 0 : i32
    %swap3A_14 = arith.index_cast %swap3A_13 : i32 to index
    %swap3A_15 = arith.constant 32 : index
    %swap3A_16 = tpu.vector_load %arg5[%swap3A_14, %swap3A_15] {strides = array<i32>} : memref<16x65xi32, #tpu.memory_space<vmem>>, vector<16xi32>,
    tpu.vector_store %arg5[%swap3A_14, %swap3A_15], %broadcast_in_dim3A_5 {strides = array<i32>} : memref<16x65xi32, #tpu.memory_space<vmem>>, vector<16xi32>,
    %swap3A_17 = arith.constant 0 : i32
    %swap3A_18 = arith.index_cast %swap3A_17 : i32 to index
    %swap3A_19 = arith.constant 48 : index
    %swap3A_20 = tpu.vector_load %arg5[%swap3A_18, %swap3A_19] {strides = array<i32>} : memref<16x65xi32, #tpu.memory_space<vmem>>, vector<16xi32>,
    tpu.vector_store %arg5[%swap3A_18, %swap3A_19], %broadcast_in_dim3A_5 {strides = array<i32>} : memref<16x65xi32, #tpu.memory_space<vmem>>, vector<16xi32>,
    %swap3A_21 = arith.constant 1 : i32
    %swap3A_22 = arith.index_cast %swap3A_21 : i32 to index
    %swap3A_23 = arith.constant 0 : index
    %swap3A_24 = tpu.vector_load %arg5[%swap3A_22, %swap3A_23] {strides = array<i32>} : memref<16x65xi32, #tpu.memory_space<vmem>>, vector<16xi32>,
    tpu.vector_store %arg5[%swap3A_22, %swap3A_23], %broadcast_in_dim3A_5 {strides = array<i32>} : memref<16x65xi32, #tpu.memory_space<vmem>>, vector<16xi32>,
    %swap3A_25 = arith.constant 1 : i32
    %swap3A_26 = arith.index_cast %swap3A_25 : i32 to index
    %swap3A_27 = arith.constant 16 : index
    %swap3A_28 = tpu.vector_load %arg5[%swap3A_26, %swap3A_27] {strides = array<i32>} : memref<16x65xi32, #tpu.memory_space<vmem>>, vector<16xi32>,
    tpu.vector_store %arg5[%swap3A_26, %swap3A_27], %broadcast_in_dim3A_5 {strides = array<i32>} : memref<16x65xi32, #tpu.memory_space<vmem>>, vector<16xi32>,
    %swap3A_29 = arith.constant 1 : i32
    %swap3A_30 = arith.index_cast %swap3A_29 : i32 to index
    %swap3A_31 = arith.constant 32 : index
    %swap3A_32 = tpu.vector_load %arg5[%swap3A_30, %swap3A_31] {strides = array<i32>} : memref<16x65xi32, #tpu.memory_space<vmem>>, vector<16xi32>,
    tpu.vector_store %arg5[%swap3A_30, %swap3A_31], %broadcast_in_dim3A_5 {strides = array<i32>} : memref<16x65xi32, #tpu.memory_space<vmem>>, vector<16xi32>,
    %swap3A_33 = arith.constant 1 : i32
    %swap3A_34 = arith.index_cast %swap3A_33 : i32 to index
    %swap3A_35 = arith.constant 48 : index
    %swap3A_36 = tpu.vector_load %arg5[%swap3A_34, %swap3A_35] {strides = array<i32>} : memref<16x65xi32, #tpu.memory_space<vmem>>, vector<16xi32>,
    tpu.vector_store %arg5[%swap3A_34, %swap3A_35], %broadcast_in_dim3A_5 {strides = array<i32>} : memref<16x65xi32, #tpu.memory_space<vmem>>, vector<16xi32>,
    %swap3A_37 = arith.constant 2 : i32
    %swap3A_38 = arith.index_cast %swap3A_37 : i32 to index
    %swap3A_39 = arith.constant 0 : index
    %swap3A_40 = tpu.vector_load %arg5[%swap3A_38, %swap3A_39] {strides = array<i32>} : memref<16x65xi32, #tpu.memory_space<vmem>>, vector<16xi32>,
    tpu.vector_store %arg5[%swap3A_38, %swap3A_39], %broadcast_in_dim3A_5 {strides = array<i32>} : memref<16x65xi32, #tpu.memory_space<vmem>>, vector<16xi32>,
    %swap3A_41 = arith.constant 2 : i32
    %swap3A_42 = arith.index_cast %swap3A_41 : i32 to index
    %swap3A_43 = arith.constant 16 : index
    %swap3A_44 = tpu.vector_load %arg5[%swap3A_42, %swap3A_43] {strides = array<i32>} : memref<16x65xi32, #tpu.memory_space<vmem>>, vector<16xi32>,
    tpu.vector_store %arg5[%swap3A_42, %swap3A_43], %broadcast_in_dim3A_5 {strides = array<i32>} : memref<16x65xi32, #tpu.memory_space<vmem>>, vector<16xi32>,
    %swap3A_45 = arith.constant 2 : i32
    %swap3A_46 = arith.index_cast %swap3A_45 : i32 to index
    %swap3A_47 = arith.constant 32 : index
    %swap3A_48 = tpu.vector_load %arg5[%swap3A_46, %swap3A_47] {strides = array<i32>} : memref<16x65xi32, #tpu.memory_space<vmem>>, vector<16xi32>,
    tpu.vector_store %arg5[%swap3A_46, %swap3A_47], %broadcast_in_dim3A_5 {strides = array<i32>} : memref<16x65xi32, #tpu.memory_space<vmem>>, vector<16xi32>,
    %swap3A_49 = arith.constant 2 : i32
    %swap3A_50 = arith.index_cast %swap3A_49 : i32 to index
    %swap3A_51 = arith.constant 48 : index
    %swap3A_52 = tpu.vector_load %arg5[%swap3A_50, %swap3A_51] {strides = array<i32>} : memref<16x65xi32, #tpu.memory_space<vmem>>, vector<16xi32>,
    tpu.vector_store %arg5[%swap3A_50, %swap3A_51], %broadcast_in_dim3A_5 {strides = array<i32>} : memref<16x65xi32, #tpu.memory_space<vmem>>, vector<16xi32>,
    %swap3A_53 = arith.constant 3 : i32
    %swap3A_54 = arith.index_cast %swap3A_53 : i32 to index
    %swap3A_55 = arith.constant 0 : index
    %swap3A_56 = tpu.vector_load %arg5[%swap3A_54, %swap3A_55] {strides = array<i32>} : memref<16x65xi32, #tpu.memory_space<vmem>>, vector<16xi32>,
    tpu.vector_store %arg5[%swap3A_54, %swap3A_55], %broadcast_in_dim3A_5 {strides = array<i32>} : memref<16x65xi32, #tpu.memory_space<vmem>>, vector<16xi32>,
    %swap3A_57 = arith.constant 3 : i32
    %swap3A_58 = arith.index_cast %swap3A_57 : i32 to index
    %swap3A_59 = arith.constant 16 : index
    %swap3A_60 = tpu.vector_load %arg5[%swap3A_58, %swap3A_59] {strides = array<i32>} : memref<16x65xi32, #tpu.memory_space<vmem>>, vector<16xi32>,
    tpu.vector_store %arg5[%swap3A_58, %swap3A_59], %broadcast_in_dim3A_5 {strides = array<i32>} : memref<16x65xi32, #tpu.memory_space<vmem>>, vector<16xi32>,
    %swap3A_61 = arith.constant 3 : i32
    %swap3A_62 = arith.index_cast %swap3A_61 : i32 to index
    %swap3A_63 = arith.constant 32 : index
    %swap3A_64 = tpu.vector_load %arg5[%swap3A_62, %swap3A_63] {strides = array<i32>} : memref<16x65xi32, #tpu.memory_space<vmem>>, vector<16xi32>,
    tpu.vector_store %arg5[%swap3A_62, %swap3A_63], %broadcast_in_dim3A_5 {strides = array<i32>} : memref<16x65xi32, #tpu.memory_space<vmem>>, vector<16xi32>,
    %swap3A_65 = arith.constant 3 : i32
    %swap3A_66 = arith.index_cast %swap3A_65 : i32 to index
    %swap3A_67 = arith.constant 48 : index
    %swap3A_68 = tpu.vector_load %arg5[%swap3A_66, %swap3A_67] {strides = array<i32>} : memref<16x65xi32, #tpu.memory_space<vmem>>, vector<16xi32>,
    tpu.vector_store %arg5[%swap3A_66, %swap3A_67], %broadcast_in_dim3A_5 {strides = array<i32>} : memref<16x65xi32, #tpu.memory_space<vmem>>, vector<16xi32>,
    %swap3A_69 = arith.constant 4 : i32
    %swap3A_70 = arith.index_cast %swap3A_69 : i32 to index
    %swap3A_71 = arith.constant 0 : index
    %swap3A_72 = tpu.vector_load %arg5[%swap3A_70, %swap3A_71] {strides = array<i32>} : memref<16x65xi32, #tpu.memory_space<vmem>>, vector<16xi32>,
    tpu.vector_store %arg5[%swap3A_70, %swap3A_71], %broadcast_in_dim3A_5 {strides = array<i32>} : memref<16x65xi32, #tpu.memory_space<vmem>>, vector<16xi32>,
    %swap3A_73 = arith.constant 4 : i32
    %swap3A_74 = arith.index_cast %swap3A_73 : i32 to index
    %swap3A_75 = arith.constant 16 : index
    %swap3A_76 = tpu.vector_load %arg5[%swap3A_74, %swap3A_75] {strides = array<i32>} : memref<16x65xi32, #tpu.memory_space<vmem>>, vector<16xi32>,
    tpu.vector_store %arg5[%swap3A_74, %swap3A_75], %broadcast_in_dim3A_5 {strides = array<i32>} : memref<16x65xi32, #tpu.memory_space<vmem>>, vector<16xi32>,
    %swap3A_77 = arith.constant 4 : i32
    %swap3A_78 = arith.index_cast %swap3A_77 : i32 to index
    %swap3A_79 = arith.constant 32 : index
    %swap3A_80 = tpu.vector_load %arg5[%swap3A_78, %swap3A_79] {strides = array<i32>} : memref<16x65xi32, #tpu.memory_space<vmem>>, vector<16xi32>,
    tpu.vector_store %arg5[%swap3A_78, %swap3A_79], %broadcast_in_dim3A_5 {strides = array<i32>} : memref<16x65xi32, #tpu.memory_space<vmem>>, vector<16xi32>,
    %swap3A_81 = arith.constant 4 : i32
    %swap3A_82 = arith.index_cast %swap3A_81 : i32 to index
    %swap3A_83 = arith.constant 48 : index
    %swap3A_84 = tpu.vector_load %arg5[%swap3A_82, %swap3A_83] {strides = array<i32>} : memref<16x65xi32, #tpu.memory_space<vmem>>, vector<16xi32>,
    tpu.vector_store %arg5[%swap3A_82, %swap3A_83], %broadcast_in_dim3A_5 {strides = array<i32>} : memref<16x65xi32, #tpu.memory_space<vmem>>, vector<16xi32>,
    %swap3A_85 = arith.constant 5 : i32
    %swap3A_86 = arith.index_cast %swap3A_85 : i32 to index
    %swap3A_87 = arith.constant 0 : index
    %swap3A_88 = tpu.vector_load %arg5[%swap3A_86, %swap3A_87] {strides = array<i32>} : memref<16x65xi32, #tpu.memory_space<vmem>>, vector<16xi32>,
    tpu.vector_store %arg5[%swap3A_86, %swap3A_87], %broadcast_in_dim3A_5 {strides = array<i32>} : memref<16x65xi32, #tpu.memory_space<vmem>>, vector<16xi32>,
    %swap3A_89 = arith.constant 5 : i32
    %swap3A_90 = arith.index_cast %swap3A_89 : i32 to index
    %swap3A_91 = arith.constant 16 : index
    %swap3A_92 = tpu.vector_load %arg5[%swap3A_90, %swap3A_91] {strides = array<i32>} : memref<16x65xi32, #tpu.memory_space<vmem>>, vector<16xi32>,
    tpu.vector_store %arg5[%swap3A_90, %swap3A_91], %broadcast_in_dim3A_5 {strides = array<i32>} : memref<16x65xi32, #tpu.memory_space<vmem>>, vector<16xi32>,
    %swap3A_93 = arith.constant 5 : i32
    %swap3A_94 = arith.index_cast %swap3A_93 : i32 to index
    %swap3A_95 = arith.constant 32 : index
    %swap3A_96 = tpu.vector_load %arg5[%swap3A_94, %swap3A_95] {strides = array<i32>} : memref<16x65xi32, #tpu.memory_space<vmem>>, vector<16xi32>,
    tpu.vector_store %arg5[%swap3A_94, %swap3A_95], %broadcast_in_dim3A_5 {strides = array<i32>} : memref<16x65xi32, #tpu.memory_space<vmem>>, vector<16xi32>,
    %swap3A_97 = arith.constant 5 : i32
    %swap3A_98 = arith.index_cast %swap3A_97 : i32 to index
    %swap3A_99 = arith.constant 48 : index
    %swap3A_100 = tpu.vector_load %arg5[%swap3A_98, %swap3A_99] {strides = array<i32>} : memref<16x65xi32, #tpu.memory_space<vmem>>, vector<16xi32>,
    tpu.vector_store %arg5[%swap3A_98, %swap3A_99], %broadcast_in_dim3A_5 {strides = array<i32>} : memref<16x65xi32, #tpu.memory_space<vmem>>, vector<16xi32>,
    %swap3A_101 = arith.constant 6 : i32
    %swap3A_102 = arith.index_cast %swap3A_101 : i32 to index
    %swap3A_103 = arith.constant 0 : index
    %swap3A_104 = tpu.vector_load %arg5[%swap3A_102, %swap3A_103] {strides = array<i32>} : memref<16x65xi32, #tpu.memory_space<vmem>>, vector<16xi32>,
    tpu.vector_store %arg5[%swap3A_102, %swap3A_103], %broadcast_in_dim3A_5 {strides = array<i32>} : memref<16x65xi32, #tpu.memory_space<vmem>>, vector<16xi32>,
    %swap3A_105 = arith.constant 6 : i32
    %swap3A_106 = arith.index_cast %swap3A_105 : i32 to index
    %swap3A_107 = arith.constant 16 : index
    %swap3A_108 = tpu.vector_load %arg5[%swap3A_106, %swap3A_107] {strides = array<i32>} : memref<16x65xi32, #tpu.memory_space<vmem>>, vector<16xi32>,
    tpu.vector_store %arg5[%swap3A_106, %swap3A_107], %broadcast_in_dim3A_5 {strides = array<i32>} : memref<16x65xi32, #tpu.memory_space<vmem>>, vector<16xi32>,
    %swap3A_109 = arith.constant 6 : i32
    %swap3A_110 = arith.index_cast %swap3A_109 : i32 to index
    %swap3A_111 = arith.constant 32 : index
    %swap3A_112 = tpu.vector_load %arg5[%swap3A_110, %swap3A_111] {strides = array<i32>} : memref<16x65xi32, #tpu.memory_space<vmem>>, vector<16xi32>,
    tpu.vector_store %arg5[%swap3A_110, %swap3A_111], %broadcast_in_dim3A_5 {strides = array<i32>} : memref<16x65xi32, #tpu.memory_space<vmem>>, vector<16xi32>,
    %swap3A_113 = arith.constant 6 : i32
    %swap3A_114 = arith.index_cast %swap3A_113 : i32 to index
    %swap3A_115 = arith.constant 48 : index
    %swap3A_116 = tpu.vector_load %arg5[%swap3A_114, %swap3A_115] {strides = array<i32>} : memref<16x65xi32, #tpu.memory_space<vmem>>, vector<16xi32>,
    tpu.vector_store %arg5[%swap3A_114, %swap3A_115], %broadcast_in_dim3A_5 {strides = array<i32>} : memref<16x65xi32, #tpu.memory_space<vmem>>, vector<16xi32>,
    %swap3A_117 = arith.constant 7 : i32
    %swap3A_118 = arith.index_cast %swap3A_117 : i32 to index
    %swap3A_119 = arith.constant 0 : index
    %swap3A_120 = tpu.vector_load %arg5[%swap3A_118, %swap3A_119] {strides = array<i32>} : memref<16x65xi32, #tpu.memory_space<vmem>>, vector<16xi32>,
    tpu.vector_store %arg5[%swap3A_118, %swap3A_119], %broadcast_in_dim3A_5 {strides = array<i32>} : memref<16x65xi32, #tpu.memory_space<vmem>>, vector<16xi32>,
    %swap3A_121 = arith.constant 7 : i32
    %swap3A_122 = arith.index_cast %swap3A_121 : i32 to index
    %swap3A_123 = arith.constant 16 : index
    %swap3A_124 = tpu.vector_load %arg5[%swap3A_122, %swap3A_123] {strides = array<i32>} : memref<16x65xi32, #tpu.memory_space<vmem>>, vector<16xi32>,
    tpu.vector_store %arg5[%swap3A_122, %swap3A_123], %broadcast_in_dim3A_5 {strides = array<i32>} : memref<16x65xi32, #tpu.memory_space<vmem>>, vector<16xi32>,
    %swap3A_125 = arith.constant 7 : i32
    %swap3A_126 = arith.index_cast %swap3A_125 : i32 to index
    %swap3A_127 = arith.constant 32 : index
    %swap3A_128 = tpu.vector_load %arg5[%swap3A_126, %swap3A_127] {strides = array<i32>} : memref<16x65xi32, #tpu.memory_space<vmem>>, vector<16xi32>,
    tpu.vector_store %arg5[%swap3A_126, %swap3A_127], %broadcast_in_dim3A_5 {strides = array<i32>} : memref<16x65xi32, #tpu.memory_space<vmem>>, vector<16xi32>,
    %swap3A_129 = arith.constant 7 : i32
    %swap3A_130 = arith.index_cast %swap3A_129 : i32 to index
    %swap3A_131 = arith.constant 48 : index
    %swap3A_132 = tpu.vector_load %arg5[%swap3A_130, %swap3A_131] {strides = array<i32>} : memref<16x65xi32, #tpu.memory_space<vmem>>, vector<16xi32>,
    tpu.vector_store %arg5[%swap3A_130, %swap3A_131], %broadcast_in_dim3A_5 {strides = array<i32>} : memref<16x65xi32, #tpu.memory_space<vmem>>, vector<16xi32>,
    %swap3A_133 = arith.constant 8 : i32
    %swap3A_134 = arith.index_cast %swap3A_133 : i32 to index
    %swap3A_135 = arith.constant 0 : index
    %swap3A_136 = tpu.vector_load %arg5[%swap3A_134, %swap3A_135] {strides = array<i32>} : memref<16x65xi32, #tpu.memory_space<vmem>>, vector<16xi32>,
    tpu.vector_store %arg5[%swap3A_134, %swap3A_135], %broadcast_in_dim3A_5 {strides = array<i32>} : memref<16x65xi32, #tpu.memory_space<vmem>>, vector<16xi32>,
    %swap3A_137 = arith.constant 8 : i32
    %swap3A_138 = arith.index_cast %swap3A_137 : i32 to index
    %swap3A_139 = arith.constant 16 : index
    %swap3A_140 = tpu.vector_load %arg5[%swap3A_138, %swap3A_139] {strides = array<i32>} : memref<16x65xi32, #tpu.memory_space<vmem>>, vector<16xi32>,
    tpu.vector_store %arg5[%swap3A_138, %swap3A_139], %broadcast_in_dim3A_5 {strides = array<i32>} : memref<16x65xi32, #tpu.memory_space<vmem>>, vector<16xi32>,
    %swap3A_141 = arith.constant 8 : i32
    %swap3A_142 = arith.index_cast %swap3A_141 : i32 to index
    %swap3A_143 = arith.constant 32 : index
    %swap3A_144 = tpu.vector_load %arg5[%swap3A_142, %swap3A_143] {strides = array<i32>} : memref<16x65xi32, #tpu.memory_space<vmem>>, vector<16xi32>,
    tpu.vector_store %arg5[%swap3A_142, %swap3A_143], %broadcast_in_dim3A_5 {strides = array<i32>} : memref<16x65xi32, #tpu.memory_space<vmem>>, vector<16xi32>,
    %swap3A_145 = arith.constant 8 : i32
    %swap3A_146 = arith.index_cast %swap3A_145 : i32 to index
    %swap3A_147 = arith.constant 48 : index
    %swap3A_148 = tpu.vector_load %arg5[%swap3A_146, %swap3A_147] {strides = array<i32>} : memref<16x65xi32, #tpu.memory_space<vmem>>, vector<16xi32>,
    tpu.vector_store %arg5[%swap3A_146, %swap3A_147], %broadcast_in_dim3A_5 {strides = array<i32>} : memref<16x65xi32, #tpu.memory_space<vmem>>, vector<16xi32>,
    %swap3A_149 = arith.constant 9 : i32
    %swap3A_150 = arith.index_cast %swap3A_149 : i32 to index
    %swap3A_151 = arith.constant 0 : index
    %swap3A_152 = tpu.vector_load %arg5[%swap3A_150, %swap3A_151] {strides = array<i32>} : memref<16x65xi32, #tpu.memory_space<vmem>>, vector<16xi32>,
    tpu.vector_store %arg5[%swap3A_150, %swap3A_151], %broadcast_in_dim3A_5 {strides = array<i32>} : memref<16x65xi32, #tpu.memory_space<vmem>>, vector<16xi32>,
    %swap3A_153 = arith.constant 9 : i32
    %swap3A_154 = arith.index_cast %swap3A_153 : i32 to index
    %swap3A_155 = arith.constant 16 : index
    %swap3A_156 = tpu.vector_load %arg5[%swap3A_154, %swap3A_155] {strides = array<i32>} : memref<16x65xi32, #tpu.memory_space<vmem>>, vector<16xi32>,
    tpu.vector_store %arg5[%swap3A_154, %swap3A_155], %broadcast_in_dim3A_5 {strides = array<i32>} : memref<16x65xi32, #tpu.memory_space<vmem>>, vector<16xi32>,
    %swap3A_157 = arith.constant 9 : i32
    %swap3A_158 = arith.index_cast %swap3A_157 : i32 to index
    %swap3A_159 = arith.constant 32 : index
    %swap3A_160 = tpu.vector_load %arg5[%swap3A_158, %swap3A_159] {strides = array<i32>} : memref<16x65xi32, #tpu.memory_space<vmem>>, vector<16xi32>,
    tpu.vector_store %arg5[%swap3A_158, %swap3A_159], %broadcast_in_dim3A_5 {strides = array<i32>} : memref<16x65xi32, #tpu.memory_space<vmem>>, vector<16xi32>,
    %swap3A_161 = arith.constant 9 : i32
    %swap3A_162 = arith.index_cast %swap3A_161 : i32 to index
    %swap3A_163 = arith.constant 48 : index
    %swap3A_164 = tpu.vector_load %arg5[%swap3A_162, %swap3A_163] {strides = array<i32>} : memref<16x65xi32, #tpu.memory_space<vmem>>, vector<16xi32>,
    tpu.vector_store %arg5[%swap3A_162, %swap3A_163], %broadcast_in_dim3A_5 {strides = array<i32>} : memref<16x65xi32, #tpu.memory_space<vmem>>, vector<16xi32>,
    %swap3A_165 = arith.constant 10 : i32
    %swap3A_166 = arith.index_cast %swap3A_165 : i32 to index
    %swap3A_167 = arith.constant 0 : index
    %swap3A_168 = tpu.vector_load %arg5[%swap3A_166, %swap3A_167] {strides = array<i32>} : memref<16x65xi32, #tpu.memory_space<vmem>>, vector<16xi32>,
    tpu.vector_store %arg5[%swap3A_166, %swap3A_167], %broadcast_in_dim3A_5 {strides = array<i32>} : memref<16x65xi32, #tpu.memory_space<vmem>>, vector<16xi32>,
    %swap3A_169 = arith.constant 10 : i32
    %swap3A_170 = arith.index_cast %swap3A_169 : i32 to index
    %swap3A_171 = arith.constant 16 : index
    %swap3A_172 = tpu.vector_load %arg5[%swap3A_170, %swap3A_171] {strides = array<i32>} : memref<16x65xi32, #tpu.memory_space<vmem>>, vector<16xi32>,
    tpu.vector_store %arg5[%swap3A_170, %swap3A_171], %broadcast_in_dim3A_5 {strides = array<i32>} : memref<16x65xi32, #tpu.memory_space<vmem>>, vector<16xi32>,
    %swap3A_173 = arith.constant 10 : i32
    %swap3A_174 = arith.index_cast %swap3A_173 : i32 to index
    %swap3A_175 = arith.constant 32 : index
    %swap3A_176 = tpu.vector_load %arg5[%swap3A_174, %swap3A_175] {strides = array<i32>} : memref<16x65xi32, #tpu.memory_space<vmem>>, vector<16xi32>,
    tpu.vector_store %arg5[%swap3A_174, %swap3A_175], %broadcast_in_dim3A_5 {strides = array<i32>} : memref<16x65xi32, #tpu.memory_space<vmem>>, vector<16xi32>,
    %swap3A_177 = arith.constant 10 : i32
    %swap3A_178 = arith.index_cast %swap3A_177 : i32 to index
    %swap3A_179 = arith.constant 48 : index
    %swap3A_180 = tpu.vector_load %arg5[%swap3A_178, %swap3A_179] {strides = array<i32>} : memref<16x65xi32, #tpu.memory_space<vmem>>, vector<16xi32>,
    tpu.vector_store %arg5[%swap3A_178, %swap3A_179], %broadcast_in_dim3A_5 {strides = array<i32>} : memref<16x65xi32, #tpu.memory_space<vmem>>, vector<16xi32>,
    %swap3A_181 = arith.constant 11 : i32
    %swap3A_182 = arith.index_cast %swap3A_181 : i32 to index
    %swap3A_183 = arith.constant 0 : index
    %swap3A_184 = tpu.vector_load %arg5[%swap3A_182, %swap3A_183] {strides = array<i32>} : memref<16x65xi32, #tpu.memory_space<vmem>>, vector<16xi32>,
    tpu.vector_store %arg5[%swap3A_182, %swap3A_183], %broadcast_in_dim3A_5 {strides = array<i32>} : memref<16x65xi32, #tpu.memory_space<vmem>>, vector<16xi32>,
    %swap3A_185 = arith.constant 11 : i32
    %swap3A_186 = arith.index_cast %swap3A_185 : i32 to index
    %swap3A_187 = arith.constant 16 : index
    %swap3A_188 = tpu.vector_load %arg5[%swap3A_186, %swap3A_187] {strides = array<i32>} : memref<16x65xi32, #tpu.memory_space<vmem>>, vector<16xi32>,
    tpu.vector_store %arg5[%swap3A_186, %swap3A_187], %broadcast_in_dim3A_5 {strides = array<i32>} : memref<16x65xi32, #tpu.memory_space<vmem>>, vector<16xi32>,
    %swap3A_189 = arith.constant 11 : i32
    %swap3A_190 = arith.index_cast %swap3A_189 : i32 to index
    %swap3A_191 = arith.constant 32 : index
    %swap3A_192 = tpu.vector_load %arg5[%swap3A_190, %swap3A_191] {strides = array<i32>} : memref<16x65xi32, #tpu.memory_space<vmem>>, vector<16xi32>,
    tpu.vector_store %arg5[%swap3A_190, %swap3A_191], %broadcast_in_dim3A_5 {strides = array<i32>} : memref<16x65xi32, #tpu.memory_space<vmem>>, vector<16xi32>,
    %swap3A_193 = arith.constant 11 : i32
    %swap3A_194 = arith.index_cast %swap3A_193 : i32 to index
    %swap3A_195 = arith.constant 48 : index
    %swap3A_196 = tpu.vector_load %arg5[%swap3A_194, %swap3A_195] {strides = array<i32>} : memref<16x65xi32, #tpu.memory_space<vmem>>, vector<16xi32>,
    tpu.vector_store %arg5[%swap3A_194, %swap3A_195], %broadcast_in_dim3A_5 {strides = array<i32>} : memref<16x65xi32, #tpu.memory_space<vmem>>, vector<16xi32>,
    %swap3A_197 = arith.constant 12 : i32
    %swap3A_198 = arith.index_cast %swap3A_197 : i32 to index
    %swap3A_199 = arith.constant 0 : index
    %swap3A_200 = tpu.vector_load %arg5[%swap3A_198, %swap3A_199] {strides = array<i32>} : memref<16x65xi32, #tpu.memory_space<vmem>>, vector<16xi32>,
    tpu.vector_store %arg5[%swap3A_198, %swap3A_199], %broadcast_in_dim3A_5 {strides = array<i32>} : memref<16x65xi32, #tpu.memory_space<vmem>>, vector<16xi32>,
    %swap3A_201 = arith.constant 12 : i32
    %swap3A_202 = arith.index_cast %swap3A_201 : i32 to index
    %swap3A_203 = arith.constant 16 : index
    %swap3A_204 = tpu.vector_load %arg5[%swap3A_202, %swap3A_203] {strides = array<i32>} : memref<16x65xi32, #tpu.memory_space<vmem>>, vector<16xi32>,
    tpu.vector_store %arg5[%swap3A_202, %swap3A_203], %broadcast_in_dim3A_5 {strides = array<i32>} : memref<16x65xi32, #tpu.memory_space<vmem>>, vector<16xi32>,
    %swap3A_205 = arith.constant 12 : i32
    %swap3A_206 = arith.index_cast %swap3A_205 : i32 to index
    %swap3A_207 = arith.constant 32 : index
    %swap3A_208 = tpu.vector_load %arg5[%swap3A_206, %swap3A_207] {strides = array<i32>} : memref<16x65xi32, #tpu.memory_space<vmem>>, vector<16xi32>,
    tpu.vector_store %arg5[%swap3A_206, %swap3A_207], %broadcast_in_dim3A_5 {strides = array<i32>} : memref<16x65xi32, #tpu.memory_space<vmem>>, vector<16xi32>,
    %swap3A_209 = arith.constant 12 : i32
    %swap3A_210 = arith.index_cast %swap3A_209 : i32 to index
    %swap3A_211 = arith.constant 48 : index
    %swap3A_212 = tpu.vector_load %arg5[%swap3A_210, %swap3A_211] {strides = array<i32>} : memref<16x65xi32, #tpu.memory_space<vmem>>, vector<16xi32>,
    tpu.vector_store %arg5[%swap3A_210, %swap3A_211], %broadcast_in_dim3A_5 {strides = array<i32>} : memref<16x65xi32, #tpu.memory_space<vmem>>, vector<16xi32>,
    %swap3A_213 = arith.constant 13 : i32
    %swap3A_214 = arith.index_cast %swap3A_213 : i32 to index
    %swap3A_215 = arith.constant 0 : index
    %swap3A_216 = tpu.vector_load %arg5[%swap3A_214, %swap3A_215] {strides = array<i32>} : memref<16x65xi32, #tpu.memory_space<vmem>>, vector<16xi32>,
    tpu.vector_store %arg5[%swap3A_214, %swap3A_215], %broadcast_in_dim3A_5 {strides = array<i32>} : memref<16x65xi32, #tpu.memory_space<vmem>>, vector<16xi32>,
    %swap3A_217 = arith.constant 13 : i32
    %swap3A_218 = arith.index_cast %swap3A_217 : i32 to index
    %swap3A_219 = arith.constant 16 : index
    %swap3A_220 = tpu.vector_load %arg5[%swap3A_218, %swap3A_219] {strides = array<i32>} : memref<16x65xi32, #tpu.memory_space<vmem>>, vector<16xi32>,
    tpu.vector_store %arg5[%swap3A_218, %swap3A_219], %broadcast_in_dim3A_5 {strides = array<i32>} : memref<16x65xi32, #tpu.memory_space<vmem>>, vector<16xi32>,
    %swap3A_221 = arith.constant 13 : i32
    %swap3A_222 = arith.index_cast %swap3A_221 : i32 to index
    %swap3A_223 = arith.constant 32 : index
    %swap3A_224 = tpu.vector_load %arg5[%swap3A_222, %swap3A_223] {strides = array<i32>} : memref<16x65xi32, #tpu.memory_space<vmem>>, vector<16xi32>,
    tpu.vector_store %arg5[%swap3A_222, %swap3A_223], %broadcast_in_dim3A_5 {strides = array<i32>} : memref<16x65xi32, #tpu.memory_space<vmem>>, vector<16xi32>,
    %swap3A_225 = arith.constant 13 : i32
    %swap3A_226 = arith.index_cast %swap3A_225 : i32 to index
    %swap3A_227 = arith.constant 48 : index
    %swap3A_228 = tpu.vector_load %arg5[%swap3A_226, %swap3A_227] {strides = array<i32>} : memref<16x65xi32, #tpu.memory_space<vmem>>, vector<16xi32>,
    tpu.vector_store %arg5[%swap3A_226, %swap3A_227], %broadcast_in_dim3A_5 {strides = array<i32>} : memref<16x65xi32, #tpu.memory_space<vmem>>, vector<16xi32>,
    %swap3A_229 = arith.constant 14 : i32
    %swap3A_230 = arith.index_cast %swap3A_229 : i32 to index
    %swap3A_231 = arith.constant 0 : index
    %swap3A_232 = tpu.vector_load %arg5[%swap3A_230, %swap3A_231] {strides = array<i32>} : memref<16x65xi32, #tpu.memory_space<vmem>>, vector<16xi32>,
    tpu.vector_store %arg5[%swap3A_230, %swap3A_231], %broadcast_in_dim3A_5 {strides = array<i32>} : memref<16x65xi32, #tpu.memory_space<vmem>>, vector<16xi32>,
    %swap3A_233 = arith.constant 14 : i32
    %swap3A_234 = arith.index_cast %swap3A_233 : i32 to index
    %swap3A_235 = arith.constant 16 : index
    %swap3A_236 = tpu.vector_load %arg5[%swap3A_234, %swap3A_235] {strides = array<i32>} : memref<16x65xi32, #tpu.memory_space<vmem>>, vector<16xi32>,
    tpu.vector_store %arg5[%swap3A_234, %swap3A_235], %broadcast_in_dim3A_5 {strides = array<i32>} : memref<16x65xi32, #tpu.memory_space<vmem>>, vector<16xi32>,
    %swap3A_237 = arith.constant 14 : i32
    %swap3A_238 = arith.index_cast %swap3A_237 : i32 to index
    %swap3A_239 = arith.constant 32 : index
    %swap3A_240 = tpu.vector_load %arg5[%swap3A_238, %swap3A_239] {strides = array<i32>} : memref<16x65xi32, #tpu.memory_space<vmem>>, vector<16xi32>,
    tpu.vector_store %arg5[%swap3A_238, %swap3A_239], %broadcast_in_dim3A_5 {strides = array<i32>} : memref<16x65xi32, #tpu.memory_space<vmem>>, vector<16xi32>,
    %swap3A_241 = arith.constant 14 : i32
    %swap3A_242 = arith.index_cast %swap3A_241 : i32 to index
    %swap3A_243 = arith.constant 48 : index
    %swap3A_244 = tpu.vector_load %arg5[%swap3A_242, %swap3A_243] {strides = array<i32>} : memref<16x65xi32, #tpu.memory_space<vmem>>, vector<16xi32>,
    tpu.vector_store %arg5[%swap3A_242, %swap3A_243], %broadcast_in_dim3A_5 {strides = array<i32>} : memref<16x65xi32, #tpu.memory_space<vmem>>, vector<16xi32>,
    %swap3A_245 = arith.constant 15 : i32
    %swap3A_246 = arith.index_cast %swap3A_245 : i32 to index
    %swap3A_247 = arith.constant 0 : index
    %swap3A_248 = tpu.vector_load %arg5[%swap3A_246, %swap3A_247] {strides = array<i32>} : memref<16x65xi32, #tpu.memory_space<vmem>>, vector<16xi32>,
    tpu.vector_store %arg5[%swap3A_246, %swap3A_247], %broadcast_in_dim3A_5 {strides = array<i32>} : memref<16x65xi32, #tpu.memory_space<vmem>>, vector<16xi32>,
    %swap3A_249 = arith.constant 15 : i32
    %swap3A_250 = arith.index_cast %swap3A_249 : i32 to index
    %swap3A_251 = arith.constant 16 : index
    %swap3A_252 = tpu.vector_load %arg5[%swap3A_250, %swap3A_251] {strides = array<i32>} : memref<16x65xi32, #tpu.memory_space<vmem>>, vector<16xi32>,
    tpu.vector_store %arg5[%swap3A_250, %swap3A_251], %broadcast_in_dim3A_5 {strides = array<i32>} : memref<16x65xi32, #tpu.memory_space<vmem>>, vector<16xi32>,
    %swap3A_253 = arith.constant 15 : i32
    %swap3A_254 = arith.index_cast %swap3A_253 : i32 to index
    %swap3A_255 = arith.constant 32 : index
    %swap3A_256 = tpu.vector_load %arg5[%swap3A_254, %swap3A_255] {strides = array<i32>} : memref<16x65xi32, #tpu.memory_space<vmem>>, vector<16xi32>,
    tpu.vector_store %arg5[%swap3A_254, %swap3A_255], %broadcast_in_dim3A_5 {strides = array<i32>} : memref<16x65xi32, #tpu.memory_space<vmem>>, vector<16xi32>,
    %swap3A_257 = arith.constant 15 : i32
    %swap3A_258 = arith.index_cast %swap3A_257 : i32 to index
    %swap3A_259 = arith.constant 48 : index
    %swap3A_260 = tpu.vector_load %arg5[%swap3A_258, %swap3A_259] {strides = array<i32>} : memref<16x65xi32, #tpu.memory_space<vmem>>, vector<16xi32>,
    tpu.vector_store %arg5[%swap3A_258, %swap3A_259], %broadcast_in_dim3A_5 {strides = array<i32>} : memref<16x65xi32, #tpu.memory_space<vmem>>, vector<16xi32>,
    %scan3A = arith.constant 0 : i32
    %scan3A_261 = arith.constant 0 : i32
    %scan3A_262 = arith.constant 16 : i32
    %scan3A_263 = arith.addi %scan3A_261, %scan3A_262 : i32
    %scan3A_264 = arith.constant 1 : i32
    scf.for %scan3A_2411 = %scan3A_261 to %scan3A_263 step %scan3A_264  : i32 {
      %mul3A_2412 = arith.constant 128 : i32
      %mul3A_2413 = arith.muli %scan3A_2411, %mul3A_2412 : i32
      %add3A_2414 = arith.constant 0 : i32
      %add3A_2415 = arith.addi %mul3A_2413, %add3A_2414 : i32
      %get3A_2416 = arith.constant 0 : i32
      %get3A_2417 = arith.index_cast %get3A_2416 : i32 to index
      %get3A_2418 = arith.index_cast %add3A_2415 : i32 to index
      %get3A_2419 = tpu.vector_load %arg4[%get3A_2417, %get3A_2418] {strides = array<i32>} : memref<4x2048xi32, #tpu.memory_space<vmem>>, vector<16xi32>,
      %add3A_2420 = arith.constant 16 : i32
      %add3A_2421 = arith.addi %mul3A_2413, %add3A_2420 : i32
      %get3A_2422 = arith.constant 0 : i32
      %get3A_2423 = arith.index_cast %get3A_2422 : i32 to index
      %get3A_2424 = arith.index_cast %add3A_2421 : i32 to index
      %get3A_2425 = tpu.vector_load %arg4[%get3A_2423, %get3A_2424] {strides = array<i32>} : memref<4x2048xi32, #tpu.memory_space<vmem>>, vector<16xi32>,
      %add3A_2426 = arith.constant 32 : i32
      %add3A_2427 = arith.addi %mul3A_2413, %add3A_2426 : i32
      %get3A_2428 = arith.constant 0 : i32
      %get3A_2429 = arith.index_cast %get3A_2428 : i32 to index
      %get3A_2430 = arith.index_cast %add3A_2427 : i32 to index
      %get3A_2431 = tpu.vector_load %arg4[%get3A_2429, %get3A_2430] {strides = array<i32>} : memref<4x2048xi32, #tpu.memory_space<vmem>>, vector<16xi32>,
      %add3A_2432 = arith.constant 48 : i32
      %add3A_2433 = arith.addi %mul3A_2413, %add3A_2432 : i32
      %get3A_2434 = arith.constant 0 : i32
      %get3A_2435 = arith.index_cast %get3A_2434 : i32 to index
      %get3A_2436 = arith.index_cast %add3A_2433 : i32 to index
      %get3A_2437 = tpu.vector_load %arg4[%get3A_2435, %get3A_2436] {strides = array<i32>} : memref<4x2048xi32, #tpu.memory_space<vmem>>, vector<16xi32>,
      %add3A_2438 = arith.constant 64 : i32
      %add3A_2439 = arith.addi %mul3A_2413, %add3A_2438 : i32
      %get3A_2440 = arith.constant 0 : i32
      %get3A_2441 = arith.index_cast %get3A_2440 : i32 to index
      %get3A_2442 = arith.index_cast %add3A_2439 : i32 to index
      %get3A_2443 = tpu.vector_load %arg4[%get3A_2441, %get3A_2442] {strides = array<i32>} : memref<4x2048xi32, #tpu.memory_space<vmem>>, vector<16xi32>,
      %add3A_2444 = arith.constant 80 : i32
      %add3A_2445 = arith.addi %mul3A_2413, %add3A_2444 : i32
      %get3A_2446 = arith.constant 0 : i32
      %get3A_2447 = arith.index_cast %get3A_2446 : i32 to index
      %get3A_2448 = arith.index_cast %add3A_2445 : i32 to index
      %get3A_2449 = tpu.vector_load %arg4[%get3A_2447, %get3A_2448] {strides = array<i32>} : memref<4x2048xi32, #tpu.memory_space<vmem>>, vector<16xi32>,
      %add3A_2450 = arith.constant 96 : i32
      %add3A_2451 = arith.addi %mul3A_2413, %add3A_2450 : i32
      %get3A_2452 = arith.constant 0 : i32
      %get3A_2453 = arith.index_cast %get3A_2452 : i32 to index
      %get3A_2454 = arith.index_cast %add3A_2451 : i32 to index
      %get3A_2455 = tpu.vector_load %arg4[%get3A_2453, %get3A_2454] {strides = array<i32>} : memref<4x2048xi32, #tpu.memory_space<vmem>>, vector<16xi32>,
      %add3A_2456 = arith.constant 112 : i32
      %add3A_2457 = arith.addi %mul3A_2413, %add3A_2456 : i32
      %get3A_2458 = arith.constant 0 : i32
      %get3A_2459 = arith.index_cast %get3A_2458 : i32 to index
      %get3A_2460 = arith.index_cast %add3A_2457 : i32 to index
      %get3A_2461 = tpu.vector_load %arg4[%get3A_2459, %get3A_2460] {strides = array<i32>} : memref<4x2048xi32, #tpu.memory_space<vmem>>, vector<16xi32>,
      tpu.vector_store_idx %arg5[%iota3A, %get3A_2419], %broadcast_in_dim3A_3 {add = true} : memref<16x65xi32, #tpu.memory_space<vmem>>[vector<16xi32>, vector<16xi32>], vector<16xi32>,
      tpu.vector_store_idx %arg5[%iota3A, %get3A_2425], %broadcast_in_dim3A_3 {add = true} : memref<16x65xi32, #tpu.memory_space<vmem>>[vector<16xi32>, vector<16xi32>], vector<16xi32>,
      tpu.vector_store_idx %arg5[%iota3A, %get3A_2431], %broadcast_in_dim3A_3 {add = true} : memref<16x65xi32, #tpu.memory_space<vmem>>[vector<16xi32>, vector<16xi32>], vector<16xi32>,
      tpu.vector_store_idx %arg5[%iota3A, %get3A_2437], %broadcast_in_dim3A_3 {add = true} : memref<16x65xi32, #tpu.memory_space<vmem>>[vector<16xi32>, vector<16xi32>], vector<16xi32>,
      tpu.vector_store_idx %arg5[%iota3A, %get3A_2443], %broadcast_in_dim3A_3 {add = true} : memref<16x65xi32, #tpu.memory_space<vmem>>[vector<16xi32>, vector<16xi32>], vector<16xi32>,
      tpu.vector_store_idx %arg5[%iota3A, %get3A_2449], %broadcast_in_dim3A_3 {add = true} : memref<16x65xi32, #tpu.memory_space<vmem>>[vector<16xi32>, vector<16xi32>], vector<16xi32>,
      tpu.vector_store_idx %arg5[%iota3A, %get3A_2455], %broadcast_in_dim3A_3 {add = true} : memref<16x65xi32, #tpu.memory_space<vmem>>[vector<16xi32>, vector<16xi32>], vector<16xi32>,
      tpu.vector_store_idx %arg5[%iota3A, %get3A_2461], %broadcast_in_dim3A_3 {add = true} : memref<16x65xi32, #tpu.memory_space<vmem>>[vector<16xi32>, vector<16xi32>], vector<16xi32>,
    }
    %scan3A_265 = arith.constant 16 : i32
    %get3A = arith.constant 0 : i32
    %get3A_266 = arith.index_cast %get3A : i32 to index
    %get3A_267 = arith.constant 0 : index
    %get3A_268 = tpu.vector_load %arg5[%get3A_266, %get3A_267] {strides = array<i32>} : memref<16x65xi32, #tpu.memory_space<vmem>>, vector<16xi32>,
    %get3A_269 = arith.constant 1 : i32
    %get3A_270 = arith.index_cast %get3A_269 : i32 to index
    %get3A_271 = arith.constant 0 : index
    %get3A_272 = tpu.vector_load %arg5[%get3A_270, %get3A_271] {strides = array<i32>} : memref<16x65xi32, #tpu.memory_space<vmem>>, vector<16xi32>,
    %add3A_273 = arith.addi %get3A_268, %get3A_272 : vector<16xi32>
    %get3A_274 = arith.constant 2 : i32
    %get3A_275 = arith.index_cast %get3A_274 : i32 to index
    %get3A_276 = arith.constant 0 : index
    %get3A_277 = tpu.vector_load %arg5[%get3A_275, %get3A_276] {strides = array<i32>} : memref<16x65xi32, #tpu.memory_space<vmem>>, vector<16xi32>,
    %add3A_278 = arith.addi %add3A_273, %get3A_277 : vector<16xi32>
    %get3A_279 = arith.constant 3 : i32
    %get3A_280 = arith.index_cast %get3A_279 : i32 to index
    %get3A_281 = arith.constant 0 : index
    %get3A_282 = tpu.vector_load %arg5[%get3A_280, %get3A_281] {strides = array<i32>} : memref<16x65xi32, #tpu.memory_space<vmem>>, vector<16xi32>,
    %add3A_283 = arith.addi %add3A_278, %get3A_282 : vector<16xi32>
    %get3A_284 = arith.constant 4 : i32
    %get3A_285 = arith.index_cast %get3A_284 : i32 to index
    %get3A_286 = arith.constant 0 : index
    %get3A_287 = tpu.vector_load %arg5[%get3A_285, %get3A_286] {strides = array<i32>} : memref<16x65xi32, #tpu.memory_space<vmem>>, vector<16xi32>,
    %add3A_288 = arith.addi %add3A_283, %get3A_287 : vector<16xi32>
    %get3A_289 = arith.constant 5 : i32
    %get3A_290 = arith.index_cast %get3A_289 : i32 to index
    %get3A_291 = arith.constant 0 : index
    %get3A_292 = tpu.vector_load %arg5[%get3A_290, %get3A_291] {strides = array<i32>} : memref<16x65xi32, #tpu.memory_space<vmem>>, vector<16xi32>,
    %add3A_293 = arith.addi %add3A_288, %get3A_292 : vector<16xi32>
    %get3A_294 = arith.constant 6 : i32
    %get3A_295 = arith.index_cast %get3A_294 : i32 to index
    %get3A_296 = arith.constant 0 : index
    %get3A_297 = tpu.vector_load %arg5[%get3A_295, %get3A_296] {strides = array<i32>} : memref<16x65xi32, #tpu.memory_space<vmem>>, vector<16xi32>,
    %add3A_298 = arith.addi %add3A_293, %get3A_297 : vector<16xi32>
    %get3A_299 = arith.constant 7 : i32
    %get3A_300 = arith.index_cast %get3A_299 : i32 to index
    %get3A_301 = arith.constant 0 : index
    %get3A_302 = tpu.vector_load %arg5[%get3A_300, %get3A_301] {strides = array<i32>} : memref<16x65xi32, #tpu.memory_space<vmem>>, vector<16xi32>,
    %add3A_303 = arith.addi %add3A_298, %get3A_302 : vector<16xi32>
    %get3A_304 = arith.constant 8 : i32
    %get3A_305 = arith.index_cast %get3A_304 : i32 to index
    %get3A_306 = arith.constant 0 : index
    %get3A_307 = tpu.vector_load %arg5[%get3A_305, %get3A_306] {strides = array<i32>} : memref<16x65xi32, #tpu.memory_space<vmem>>, vector<16xi32>,
    %add3A_308 = arith.addi %add3A_303, %get3A_307 : vector<16xi32>
    %get3A_309 = arith.constant 9 : i32
    %get3A_310 = arith.index_cast %get3A_309 : i32 to index
    %get3A_311 = arith.constant 0 : index
    %get3A_312 = tpu.vector_load %arg5[%get3A_310, %get3A_311] {strides = array<i32>} : memref<16x65xi32, #tpu.memory_space<vmem>>, vector<16xi32>,
    %add3A_313 = arith.addi %add3A_308, %get3A_312 : vector<16xi32>
    %get3A_314 = arith.constant 10 : i32
    %get3A_315 = arith.index_cast %get3A_314 : i32 to index
    %get3A_316 = arith.constant 0 : index
    %get3A_317 = tpu.vector_load %arg5[%get3A_315, %get3A_316] {strides = array<i32>} : memref<16x65xi32, #tpu.memory_space<vmem>>, vector<16xi32>,
    %add3A_318 = arith.addi %add3A_313, %get3A_317 : vector<16xi32>
    %get3A_319 = arith.constant 11 : i32
    %get3A_320 = arith.index_cast %get3A_319 : i32 to index
    %get3A_321 = arith.constant 0 : index
    %get3A_322 = tpu.vector_load %arg5[%get3A_320, %get3A_321] {strides = array<i32>} : memref<16x65xi32, #tpu.memory_space<vmem>>, vector<16xi32>,
    %add3A_323 = arith.addi %add3A_318, %get3A_322 : vector<16xi32>
    %get3A_324 = arith.constant 12 : i32
    %get3A_325 = arith.index_cast %get3A_324 : i32 to index
    %get3A_326 = arith.constant 0 : index
    %get3A_327 = tpu.vector_load %arg5[%get3A_325, %get3A_326] {strides = array<i32>} : memref<16x65xi32, #tpu.memory_space<vmem>>, vector<16xi32>,
    %add3A_328 = arith.addi %add3A_323, %get3A_327 : vector<16xi32>
    %get3A_329 = arith.constant 13 : i32
    %get3A_330 = arith.index_cast %get3A_329 : i32 to index
    %get3A_331 = arith.constant 0 : index
    %get3A_332 = tpu.vector_load %arg5[%get3A_330, %get3A_331] {strides = array<i32>} : memref<16x65xi32, #tpu.memory_space<vmem>>, vector<16xi32>,
    %add3A_333 = arith.addi %add3A_328, %get3A_332 : vector<16xi32>
    %get3A_334 = arith.constant 14 : i32
    %get3A_335 = arith.index_cast %get3A_334 : i32 to index
    %get3A_336 = arith.constant 0 : index
    %get3A_337 = tpu.vector_load %arg5[%get3A_335, %get3A_336] {strides = array<i32>} : memref<16x65xi32, #tpu.memory_space<vmem>>, vector<16xi32>,
    %add3A_338 = arith.addi %add3A_333, %get3A_337 : vector<16xi32>
    %get3A_339 = arith.constant 15 : i32
    %get3A_340 = arith.index_cast %get3A_339 : i32 to index
    %get3A_341 = arith.constant 0 : index
    %get3A_342 = tpu.vector_load %arg5[%get3A_340, %get3A_341] {strides = array<i32>} : memref<16x65xi32, #tpu.memory_space<vmem>>, vector<16xi32>,
    %add3A_343 = arith.addi %add3A_338, %get3A_342 : vector<16xi32>
    %swap3A_344 = arith.constant 0 : i32
    %swap3A_345 = arith.index_cast %swap3A_344 : i32 to index
    %swap3A_346 = arith.constant 0 : index
    %swap3A_347 = tpu.vector_load %arg6[%swap3A_345, %swap3A_346] {strides = array<i32>} : memref<4x80xi32, #tpu.memory_space<vmem>>, vector<16xi32>,
    tpu.vector_store %arg6[%swap3A_345, %swap3A_346], %add3A_343 {strides = array<i32>} : memref<4x80xi32, #tpu.memory_space<vmem>>, vector<16xi32>,
    %get3A_348 = arith.constant 0 : i32
    %get3A_349 = arith.index_cast %get3A_348 : i32 to index
    %get3A_350 = arith.constant 16 : index
    %get3A_351 = tpu.vector_load %arg5[%get3A_349, %get3A_350] {strides = array<i32>} : memref<16x65xi32, #tpu.memory_space<vmem>>, vector<16xi32>,
    %get3A_352 = arith.constant 1 : i32
    %get3A_353 = arith.index_cast %get3A_352 : i32 to index
    %get3A_354 = arith.constant 16 : index
    %get3A_355 = tpu.vector_load %arg5[%get3A_353, %get3A_354] {strides = array<i32>} : memref<16x65xi32, #tpu.memory_space<vmem>>, vector<16xi32>,
    %add3A_356 = arith.addi %get3A_351, %get3A_355 : vector<16xi32>
    %get3A_357 = arith.constant 2 : i32
    %get3A_358 = arith.index_cast %get3A_357 : i32 to index
    %get3A_359 = arith.constant 16 : index
    %get3A_360 = tpu.vector_load %arg5[%get3A_358, %get3A_359] {strides = array<i32>} : memref<16x65xi32, #tpu.memory_space<vmem>>, vector<16xi32>,
    %add3A_361 = arith.addi %add3A_356, %get3A_360 : vector<16xi32>
    %get3A_362 = arith.constant 3 : i32
    %get3A_363 = arith.index_cast %get3A_362 : i32 to index
    %get3A_364 = arith.constant 16 : index
    %get3A_365 = tpu.vector_load %arg5[%get3A_363, %get3A_364] {strides = array<i32>} : memref<16x65xi32, #tpu.memory_space<vmem>>, vector<16xi32>,
    %add3A_366 = arith.addi %add3A_361, %get3A_365 : vector<16xi32>
    %get3A_367 = arith.constant 4 : i32
    %get3A_368 = arith.index_cast %get3A_367 : i32 to index
    %get3A_369 = arith.constant 16 : index
    %get3A_370 = tpu.vector_load %arg5[%get3A_368, %get3A_369] {strides = array<i32>} : memref<16x65xi32, #tpu.memory_space<vmem>>, vector<16xi32>,
    %add3A_371 = arith.addi %add3A_366, %get3A_370 : vector<16xi32>
    %get3A_372 = arith.constant 5 : i32
    %get3A_373 = arith.index_cast %get3A_372 : i32 to index
    %get3A_374 = arith.constant 16 : index
    %get3A_375 = tpu.vector_load %arg5[%get3A_373, %get3A_374] {strides = array<i32>} : memref<16x65xi32, #tpu.memory_space<vmem>>, vector<16xi32>,
    %add3A_376 = arith.addi %add3A_371, %get3A_375 : vector<16xi32>
    %get3A_377 = arith.constant 6 : i32
    %get3A_378 = arith.index_cast %get3A_377 : i32 to index
    %get3A_379 = arith.constant 16 : index
    %get3A_380 = tpu.vector_load %arg5[%get3A_378, %get3A_379] {strides = array<i32>} : memref<16x65xi32, #tpu.memory_space<vmem>>, vector<16xi32>,
    %add3A_381 = arith.addi %add3A_376, %get3A_380 : vector<16xi32>
    %get3A_382 = arith.constant 7 : i32
    %get3A_383 = arith.index_cast %get3A_382 : i32 to index
    %get3A_384 = arith.constant 16 : index
    %get3A_385 = tpu.vector_load %arg5[%get3A_383, %get3A_384] {strides = array<i32>} : memref<16x65xi32, #tpu.memory_space<vmem>>, vector<16xi32>,
    %add3A_386 = arith.addi %add3A_381, %get3A_385 : vector<16xi32>
    %get3A_387 = arith.constant 8 : i32
    %get3A_388 = arith.index_cast %get3A_387 : i32 to index
    %get3A_389 = arith.constant 16 : index
    %get3A_390 = tpu.vector_load %arg5[%get3A_388, %get3A_389] {strides = array<i32>} : memref<16x65xi32, #tpu.memory_space<vmem>>, vector<16xi32>,
    %add3A_391 = arith.addi %add3A_386, %get3A_390 : vector<16xi32>
    %get3A_392 = arith.constant 9 : i32
    %get3A_393 = arith.index_cast %get3A_392 : i32 to index
    %get3A_394 = arith.constant 16 : index
    %get3A_395 = tpu.vector_load %arg5[%get3A_393, %get3A_394] {strides = array<i32>} : memref<16x65xi32, #tpu.memory_space<vmem>>, vector<16xi32>,
    %add3A_396 = arith.addi %add3A_391, %get3A_395 : vector<16xi32>
    %get3A_397 = arith.constant 10 : i32
    %get3A_398 = arith.index_cast %get3A_397 : i32 to index
    %get3A_399 = arith.constant 16 : index
    %get3A_400 = tpu.vector_load %arg5[%get3A_398, %get3A_399] {strides = array<i32>} : memref<16x65xi32, #tpu.memory_space<vmem>>, vector<16xi32>,
    %add3A_401 = arith.addi %add3A_396, %get3A_400 : vector<16xi32>
    %get3A_402 = arith.constant 11 : i32
    %get3A_403 = arith.index_cast %get3A_402 : i32 to index
    %get3A_404 = arith.constant 16 : index
    %get3A_405 = tpu.vector_load %arg5[%get3A_403, %get3A_404] {strides = array<i32>} : memref<16x65xi32, #tpu.memory_space<vmem>>, vector<16xi32>,
    %add3A_406 = arith.addi %add3A_401, %get3A_405 : vector<16xi32>
    %get3A_407 = arith.constant 12 : i32
    %get3A_408 = arith.index_cast %get3A_407 : i32 to index
    %get3A_409 = arith.constant 16 : index
    %get3A_410 = tpu.vector_load %arg5[%get3A_408, %get3A_409] {strides = array<i32>} : memref<16x65xi32, #tpu.memory_space<vmem>>, vector<16xi32>,
    %add3A_411 = arith.addi %add3A_406, %get3A_410 : vector<16xi32>
    %get3A_412 = arith.constant 13 : i32
    %get3A_413 = arith.index_cast %get3A_412 : i32 to index
    %get3A_414 = arith.constant 16 : index
    %get3A_415 = tpu.vector_load %arg5[%get3A_413, %get3A_414] {strides = array<i32>} : memref<16x65xi32, #tpu.memory_space<vmem>>, vector<16xi32>,
    %add3A_416 = arith.addi %add3A_411, %get3A_415 : vector<16xi32>
    %get3A_417 = arith.constant 14 : i32
    %get3A_418 = arith.index_cast %get3A_417 : i32 to index
    %get3A_419 = arith.constant 16 : index
    %get3A_420 = tpu.vector_load %arg5[%get3A_418, %get3A_419] {strides = array<i32>} : memref<16x65xi32, #tpu.memory_space<vmem>>, vector<16xi32>,
    %add3A_421 = arith.addi %add3A_416, %get3A_420 : vector<16xi32>
    %get3A_422 = arith.constant 15 : i32
    %get3A_423 = arith.index_cast %get3A_422 : i32 to index
    %get3A_424 = arith.constant 16 : index
    %get3A_425 = tpu.vector_load %arg5[%get3A_423, %get3A_424] {strides = array<i32>} : memref<16x65xi32, #tpu.memory_space<vmem>>, vector<16xi32>,
    %add3A_426 = arith.addi %add3A_421, %get3A_425 : vector<16xi32>
    %swap3A_427 = arith.constant 0 : i32
    %swap3A_428 = arith.index_cast %swap3A_427 : i32 to index
    %swap3A_429 = arith.constant 16 : index
    %swap3A_430 = tpu.vector_load %arg6[%swap3A_428, %swap3A_429] {strides = array<i32>} : memref<4x80xi32, #tpu.memory_space<vmem>>, vector<16xi32>,
    tpu.vector_store %arg6[%swap3A_428, %swap3A_429], %add3A_426 {strides = array<i32>} : memref<4x80xi32, #tpu.memory_space<vmem>>, vector<16xi32>,
    %get3A_431 = arith.constant 0 : i32
    %get3A_432 = arith.index_cast %get3A_431 : i32 to index
    %get3A_433 = arith.constant 32 : index
    %get3A_434 = tpu.vector_load %arg5[%get3A_432, %get3A_433] {strides = array<i32>} : memref<16x65xi32, #tpu.memory_space<vmem>>, vector<16xi32>,
    %get3A_435 = arith.constant 1 : i32
    %get3A_436 = arith.index_cast %get3A_435 : i32 to index
    %get3A_437 = arith.constant 32 : index
    %get3A_438 = tpu.vector_load %arg5[%get3A_436, %get3A_437] {strides = array<i32>} : memref<16x65xi32, #tpu.memory_space<vmem>>, vector<16xi32>,
    %add3A_439 = arith.addi %get3A_434, %get3A_438 : vector<16xi32>
    %get3A_440 = arith.constant 2 : i32
    %get3A_441 = arith.index_cast %get3A_440 : i32 to index
    %get3A_442 = arith.constant 32 : index
    %get3A_443 = tpu.vector_load %arg5[%get3A_441, %get3A_442] {strides = array<i32>} : memref<16x65xi32, #tpu.memory_space<vmem>>, vector<16xi32>,
    %add3A_444 = arith.addi %add3A_439, %get3A_443 : vector<16xi32>
    %get3A_445 = arith.constant 3 : i32
    %get3A_446 = arith.index_cast %get3A_445 : i32 to index
    %get3A_447 = arith.constant 32 : index
    %get3A_448 = tpu.vector_load %arg5[%get3A_446, %get3A_447] {strides = array<i32>} : memref<16x65xi32, #tpu.memory_space<vmem>>, vector<16xi32>,
    %add3A_449 = arith.addi %add3A_444, %get3A_448 : vector<16xi32>
    %get3A_450 = arith.constant 4 : i32
    %get3A_451 = arith.index_cast %get3A_450 : i32 to index
    %get3A_452 = arith.constant 32 : index
    %get3A_453 = tpu.vector_load %arg5[%get3A_451, %get3A_452] {strides = array<i32>} : memref<16x65xi32, #tpu.memory_space<vmem>>, vector<16xi32>,
    %add3A_454 = arith.addi %add3A_449, %get3A_453 : vector<16xi32>
    %get3A_455 = arith.constant 5 : i32
    %get3A_456 = arith.index_cast %get3A_455 : i32 to index
    %get3A_457 = arith.constant 32 : index
    %get3A_458 = tpu.vector_load %arg5[%get3A_456, %get3A_457] {strides = array<i32>} : memref<16x65xi32, #tpu.memory_space<vmem>>, vector<16xi32>,
    %add3A_459 = arith.addi %add3A_454, %get3A_458 : vector<16xi32>
    %get3A_460 = arith.constant 6 : i32
    %get3A_461 = arith.index_cast %get3A_460 : i32 to index
    %get3A_462 = arith.constant 32 : index
    %get3A_463 = tpu.vector_load %arg5[%get3A_461, %get3A_462] {strides = array<i32>} : memref<16x65xi32, #tpu.memory_space<vmem>>, vector<16xi32>,
    %add3A_464 = arith.addi %add3A_459, %get3A_463 : vector<16xi32>
    %get3A_465 = arith.constant 7 : i32
    %get3A_466 = arith.index_cast %get3A_465 : i32 to index
    %get3A_467 = arith.constant 32 : index
    %get3A_468 = tpu.vector_load %arg5[%get3A_466, %get3A_467] {strides = array<i32>} : memref<16x65xi32, #tpu.memory_space<vmem>>, vector<16xi32>,
    %add3A_469 = arith.addi %add3A_464, %get3A_468 : vector<16xi32>
    %get3A_470 = arith.constant 8 : i32
    %get3A_471 = arith.index_cast %get3A_470 : i32 to index
    %get3A_472 = arith.constant 32 : index
    %get3A_473 = tpu.vector_load %arg5[%get3A_471, %get3A_472] {strides = array<i32>} : memref<16x65xi32, #tpu.memory_space<vmem>>, vector<16xi32>,
    %add3A_474 = arith.addi %add3A_469, %get3A_473 : vector<16xi32>
    %get3A_475 = arith.constant 9 : i32
    %get3A_476 = arith.index_cast %get3A_475 : i32 to index
    %get3A_477 = arith.constant 32 : index
    %get3A_478 = tpu.vector_load %arg5[%get3A_476, %get3A_477] {strides = array<i32>} : memref<16x65xi32, #tpu.memory_space<vmem>>, vector<16xi32>,
    %add3A_479 = arith.addi %add3A_474, %get3A_478 : vector<16xi32>
    %get3A_480 = arith.constant 10 : i32
    %get3A_481 = arith.index_cast %get3A_480 : i32 to index
    %get3A_482 = arith.constant 32 : index
    %get3A_483 = tpu.vector_load %arg5[%get3A_481, %get3A_482] {strides = array<i32>} : memref<16x65xi32, #tpu.memory_space<vmem>>, vector<16xi32>,
    %add3A_484 = arith.addi %add3A_479, %get3A_483 : vector<16xi32>
    %get3A_485 = arith.constant 11 : i32
    %get3A_486 = arith.index_cast %get3A_485 : i32 to index
    %get3A_487 = arith.constant 32 : index
    %get3A_488 = tpu.vector_load %arg5[%get3A_486, %get3A_487] {strides = array<i32>} : memref<16x65xi32, #tpu.memory_space<vmem>>, vector<16xi32>,
    %add3A_489 = arith.addi %add3A_484, %get3A_488 : vector<16xi32>
    %get3A_490 = arith.constant 12 : i32
    %get3A_491 = arith.index_cast %get3A_490 : i32 to index
    %get3A_492 = arith.constant 32 : index
    %get3A_493 = tpu.vector_load %arg5[%get3A_491, %get3A_492] {strides = array<i32>} : memref<16x65xi32, #tpu.memory_space<vmem>>, vector<16xi32>,
    %add3A_494 = arith.addi %add3A_489, %get3A_493 : vector<16xi32>
    %get3A_495 = arith.constant 13 : i32
    %get3A_496 = arith.index_cast %get3A_495 : i32 to index
    %get3A_497 = arith.constant 32 : index
    %get3A_498 = tpu.vector_load %arg5[%get3A_496, %get3A_497] {strides = array<i32>} : memref<16x65xi32, #tpu.memory_space<vmem>>, vector<16xi32>,
    %add3A_499 = arith.addi %add3A_494, %get3A_498 : vector<16xi32>
    %get3A_500 = arith.constant 14 : i32
    %get3A_501 = arith.index_cast %get3A_500 : i32 to index
    %get3A_502 = arith.constant 32 : index
    %get3A_503 = tpu.vector_load %arg5[%get3A_501, %get3A_502] {strides = array<i32>} : memref<16x65xi32, #tpu.memory_space<vmem>>, vector<16xi32>,
    %add3A_504 = arith.addi %add3A_499, %get3A_503 : vector<16xi32>
    %get3A_505 = arith.constant 15 : i32
    %get3A_506 = arith.index_cast %get3A_505 : i32 to index
    %get3A_507 = arith.constant 32 : index
    %get3A_508 = tpu.vector_load %arg5[%get3A_506, %get3A_507] {strides = array<i32>} : memref<16x65xi32, #tpu.memory_space<vmem>>, vector<16xi32>,
    %add3A_509 = arith.addi %add3A_504, %get3A_508 : vector<16xi32>
    %swap3A_510 = arith.constant 0 : i32
    %swap3A_511 = arith.index_cast %swap3A_510 : i32 to index
    %swap3A_512 = arith.constant 32 : index
    %swap3A_513 = tpu.vector_load %arg6[%swap3A_511, %swap3A_512] {strides = array<i32>} : memref<4x80xi32, #tpu.memory_space<vmem>>, vector<16xi32>,
    tpu.vector_store %arg6[%swap3A_511, %swap3A_512], %add3A_509 {strides = array<i32>} : memref<4x80xi32, #tpu.memory_space<vmem>>, vector<16xi32>,
    %get3A_514 = arith.constant 0 : i32
    %get3A_515 = arith.index_cast %get3A_514 : i32 to index
    %get3A_516 = arith.constant 48 : index
    %get3A_517 = tpu.vector_load %arg5[%get3A_515, %get3A_516] {strides = array<i32>} : memref<16x65xi32, #tpu.memory_space<vmem>>, vector<16xi32>,
    %get3A_518 = arith.constant 1 : i32
    %get3A_519 = arith.index_cast %get3A_518 : i32 to index
    %get3A_520 = arith.constant 48 : index
    %get3A_521 = tpu.vector_load %arg5[%get3A_519, %get3A_520] {strides = array<i32>} : memref<16x65xi32, #tpu.memory_space<vmem>>, vector<16xi32>,
    %add3A_522 = arith.addi %get3A_517, %get3A_521 : vector<16xi32>
    %get3A_523 = arith.constant 2 : i32
    %get3A_524 = arith.index_cast %get3A_523 : i32 to index
    %get3A_525 = arith.constant 48 : index
    %get3A_526 = tpu.vector_load %arg5[%get3A_524, %get3A_525] {strides = array<i32>} : memref<16x65xi32, #tpu.memory_space<vmem>>, vector<16xi32>,
    %add3A_527 = arith.addi %add3A_522, %get3A_526 : vector<16xi32>
    %get3A_528 = arith.constant 3 : i32
    %get3A_529 = arith.index_cast %get3A_528 : i32 to index
    %get3A_530 = arith.constant 48 : index
    %get3A_531 = tpu.vector_load %arg5[%get3A_529, %get3A_530] {strides = array<i32>} : memref<16x65xi32, #tpu.memory_space<vmem>>, vector<16xi32>,
    %add3A_532 = arith.addi %add3A_527, %get3A_531 : vector<16xi32>
    %get3A_533 = arith.constant 4 : i32
    %get3A_534 = arith.index_cast %get3A_533 : i32 to index
    %get3A_535 = arith.constant 48 : index
    %get3A_536 = tpu.vector_load %arg5[%get3A_534, %get3A_535] {strides = array<i32>} : memref<16x65xi32, #tpu.memory_space<vmem>>, vector<16xi32>,
    %add3A_537 = arith.addi %add3A_532, %get3A_536 : vector<16xi32>
    %get3A_538 = arith.constant 5 : i32
    %get3A_539 = arith.index_cast %get3A_538 : i32 to index
    %get3A_540 = arith.constant 48 : index
    %get3A_541 = tpu.vector_load %arg5[%get3A_539, %get3A_540] {strides = array<i32>} : memref<16x65xi32, #tpu.memory_space<vmem>>, vector<16xi32>,
    %add3A_542 = arith.addi %add3A_537, %get3A_541 : vector<16xi32>
    %get3A_543 = arith.constant 6 : i32
    %get3A_544 = arith.index_cast %get3A_543 : i32 to index
    %get3A_545 = arith.constant 48 : index
    %get3A_546 = tpu.vector_load %arg5[%get3A_544, %get3A_545] {strides = array<i32>} : memref<16x65xi32, #tpu.memory_space<vmem>>, vector<16xi32>,
    %add3A_547 = arith.addi %add3A_542, %get3A_546 : vector<16xi32>
    %get3A_548 = arith.constant 7 : i32
    %get3A_549 = arith.index_cast %get3A_548 : i32 to index
    %get3A_550 = arith.constant 48 : index
    %get3A_551 = tpu.vector_load %arg5[%get3A_549, %get3A_550] {strides = array<i32>} : memref<16x65xi32, #tpu.memory_space<vmem>>, vector<16xi32>,
    %add3A_552 = arith.addi %add3A_547, %get3A_551 : vector<16xi32>
    %get3A_553 = arith.constant 8 : i32
    %get3A_554 = arith.index_cast %get3A_553 : i32 to index
    %get3A_555 = arith.constant 48 : index
    %get3A_556 = tpu.vector_load %arg5[%get3A_554, %get3A_555] {strides = array<i32>} : memref<16x65xi32, #tpu.memory_space<vmem>>, vector<16xi32>,
    %add3A_557 = arith.addi %add3A_552, %get3A_556 : vector<16xi32>
    %get3A_558 = arith.constant 9 : i32
    %get3A_559 = arith.index_cast %get3A_558 : i32 to index
    %get3A_560 = arith.constant 48 : index
    %get3A_561 = tpu.vector_load %arg5[%get3A_559, %get3A_560] {strides = array<i32>} : memref<16x65xi32, #tpu.memory_space<vmem>>, vector<16xi32>,
    %add3A_562 = arith.addi %add3A_557, %get3A_561 : vector<16xi32>
    %get3A_563 = arith.constant 10 : i32
    %get3A_564 = arith.index_cast %get3A_563 : i32 to index
    %get3A_565 = arith.constant 48 : index
    %get3A_566 = tpu.vector_load %arg5[%get3A_564, %get3A_565] {strides = array<i32>} : memref<16x65xi32, #tpu.memory_space<vmem>>, vector<16xi32>,
    %add3A_567 = arith.addi %add3A_562, %get3A_566 : vector<16xi32>
    %get3A_568 = arith.constant 11 : i32
    %get3A_569 = arith.index_cast %get3A_568 : i32 to index
    %get3A_570 = arith.constant 48 : index
    %get3A_571 = tpu.vector_load %arg5[%get3A_569, %get3A_570] {strides = array<i32>} : memref<16x65xi32, #tpu.memory_space<vmem>>, vector<16xi32>,
    %add3A_572 = arith.addi %add3A_567, %get3A_571 : vector<16xi32>
    %get3A_573 = arith.constant 12 : i32
    %get3A_574 = arith.index_cast %get3A_573 : i32 to index
    %get3A_575 = arith.constant 48 : index
    %get3A_576 = tpu.vector_load %arg5[%get3A_574, %get3A_575] {strides = array<i32>} : memref<16x65xi32, #tpu.memory_space<vmem>>, vector<16xi32>,
    %add3A_577 = arith.addi %add3A_572, %get3A_576 : vector<16xi32>
    %get3A_578 = arith.constant 13 : i32
    %get3A_579 = arith.index_cast %get3A_578 : i32 to index
    %get3A_580 = arith.constant 48 : index
    %get3A_581 = tpu.vector_load %arg5[%get3A_579, %get3A_580] {strides = array<i32>} : memref<16x65xi32, #tpu.memory_space<vmem>>, vector<16xi32>,
    %add3A_582 = arith.addi %add3A_577, %get3A_581 : vector<16xi32>
    %get3A_583 = arith.constant 14 : i32
    %get3A_584 = arith.index_cast %get3A_583 : i32 to index
    %get3A_585 = arith.constant 48 : index
    %get3A_586 = tpu.vector_load %arg5[%get3A_584, %get3A_585] {strides = array<i32>} : memref<16x65xi32, #tpu.memory_space<vmem>>, vector<16xi32>,
    %add3A_587 = arith.addi %add3A_582, %get3A_586 : vector<16xi32>
    %get3A_588 = arith.constant 15 : i32
    %get3A_589 = arith.index_cast %get3A_588 : i32 to index
    %get3A_590 = arith.constant 48 : index
    %get3A_591 = tpu.vector_load %arg5[%get3A_589, %get3A_590] {strides = array<i32>} : memref<16x65xi32, #tpu.memory_space<vmem>>, vector<16xi32>,
    %add3A_592 = arith.addi %add3A_587, %get3A_591 : vector<16xi32>
    %swap3A_593 = arith.constant 0 : i32
    %swap3A_594 = arith.index_cast %swap3A_593 : i32 to index
    %swap3A_595 = arith.constant 48 : index
    %swap3A_596 = tpu.vector_load %arg6[%swap3A_594, %swap3A_595] {strides = array<i32>} : memref<4x80xi32, #tpu.memory_space<vmem>>, vector<16xi32>,
    tpu.vector_store %arg6[%swap3A_594, %swap3A_595], %add3A_592 {strides = array<i32>} : memref<4x80xi32, #tpu.memory_space<vmem>>, vector<16xi32>,
    %get3A_597 = arith.constant 0 : i32
    %get3A_598 = arith.index_cast %get3A_597 : i32 to index
    %get3A_599 = arith.constant 2032 : index
    %get3A_600 = tpu.vector_load %arg4[%get3A_598, %get3A_599] {strides = array<i32>} : memref<4x2048xi32, #tpu.memory_space<vmem>>, vector<16xi32>,
    %swap3A_601 = arith.constant 0 : i32
    %swap3A_602 = arith.index_cast %swap3A_601 : i32 to index
    %swap3A_603 = arith.constant 64 : index
    %swap3A_604 = tpu.vector_load %arg6[%swap3A_602, %swap3A_603] {strides = array<i32>} : memref<4x80xi32, #tpu.memory_space<vmem>>, vector<16xi32>,
    tpu.vector_store %arg6[%swap3A_602, %swap3A_603], %get3A_600 {strides = array<i32>} : memref<4x80xi32, #tpu.memory_space<vmem>>, vector<16xi32>,
    %swap3A_605 = arith.constant 0 : i32
    %swap3A_606 = arith.index_cast %swap3A_605 : i32 to index
    %swap3A_607 = arith.constant 0 : index
    %swap3A_608 = tpu.vector_load %arg5[%swap3A_606, %swap3A_607] {strides = array<i32>} : memref<16x65xi32, #tpu.memory_space<vmem>>, vector<16xi32>,
    tpu.vector_store %arg5[%swap3A_606, %swap3A_607], %broadcast_in_dim3A_5 {strides = array<i32>} : memref<16x65xi32, #tpu.memory_space<vmem>>, vector<16xi32>,
    %swap3A_609 = arith.constant 0 : i32
    %swap3A_610 = arith.index_cast %swap3A_609 : i32 to index
    %swap3A_611 = arith.constant 16 : index
    %swap3A_612 = tpu.vector_load %arg5[%swap3A_610, %swap3A_611] {strides = array<i32>} : memref<16x65xi32, #tpu.memory_space<vmem>>, vector<16xi32>,
    tpu.vector_store %arg5[%swap3A_610, %swap3A_611], %broadcast_in_dim3A_5 {strides = array<i32>} : memref<16x65xi32, #tpu.memory_space<vmem>>, vector<16xi32>,
    %swap3A_613 = arith.constant 0 : i32
    %swap3A_614 = arith.index_cast %swap3A_613 : i32 to index
    %swap3A_615 = arith.constant 32 : index
    %swap3A_616 = tpu.vector_load %arg5[%swap3A_614, %swap3A_615] {strides = array<i32>} : memref<16x65xi32, #tpu.memory_space<vmem>>, vector<16xi32>,
    tpu.vector_store %arg5[%swap3A_614, %swap3A_615], %broadcast_in_dim3A_5 {strides = array<i32>} : memref<16x65xi32, #tpu.memory_space<vmem>>, vector<16xi32>,
    %swap3A_617 = arith.constant 0 : i32
    %swap3A_618 = arith.index_cast %swap3A_617 : i32 to index
    %swap3A_619 = arith.constant 48 : index
    %swap3A_620 = tpu.vector_load %arg5[%swap3A_618, %swap3A_619] {strides = array<i32>} : memref<16x65xi32, #tpu.memory_space<vmem>>, vector<16xi32>,
    tpu.vector_store %arg5[%swap3A_618, %swap3A_619], %broadcast_in_dim3A_5 {strides = array<i32>} : memref<16x65xi32, #tpu.memory_space<vmem>>, vector<16xi32>,
    %swap3A_621 = arith.constant 1 : i32
    %swap3A_622 = arith.index_cast %swap3A_621 : i32 to index
    %swap3A_623 = arith.constant 0 : index
    %swap3A_624 = tpu.vector_load %arg5[%swap3A_622, %swap3A_623] {strides = array<i32>} : memref<16x65xi32, #tpu.memory_space<vmem>>, vector<16xi32>,
    tpu.vector_store %arg5[%swap3A_622, %swap3A_623], %broadcast_in_dim3A_5 {strides = array<i32>} : memref<16x65xi32, #tpu.memory_space<vmem>>, vector<16xi32>,
    %swap3A_625 = arith.constant 1 : i32
    %swap3A_626 = arith.index_cast %swap3A_625 : i32 to index
    %swap3A_627 = arith.constant 16 : index
    %swap3A_628 = tpu.vector_load %arg5[%swap3A_626, %swap3A_627] {strides = array<i32>} : memref<16x65xi32, #tpu.memory_space<vmem>>, vector<16xi32>,
    tpu.vector_store %arg5[%swap3A_626, %swap3A_627], %broadcast_in_dim3A_5 {strides = array<i32>} : memref<16x65xi32, #tpu.memory_space<vmem>>, vector<16xi32>,
    %swap3A_629 = arith.constant 1 : i32
    %swap3A_630 = arith.index_cast %swap3A_629 : i32 to index
    %swap3A_631 = arith.constant 32 : index
    %swap3A_632 = tpu.vector_load %arg5[%swap3A_630, %swap3A_631] {strides = array<i32>} : memref<16x65xi32, #tpu.memory_space<vmem>>, vector<16xi32>,
    tpu.vector_store %arg5[%swap3A_630, %swap3A_631], %broadcast_in_dim3A_5 {strides = array<i32>} : memref<16x65xi32, #tpu.memory_space<vmem>>, vector<16xi32>,
    %swap3A_633 = arith.constant 1 : i32
    %swap3A_634 = arith.index_cast %swap3A_633 : i32 to index
    %swap3A_635 = arith.constant 48 : index
    %swap3A_636 = tpu.vector_load %arg5[%swap3A_634, %swap3A_635] {strides = array<i32>} : memref<16x65xi32, #tpu.memory_space<vmem>>, vector<16xi32>,
    tpu.vector_store %arg5[%swap3A_634, %swap3A_635], %broadcast_in_dim3A_5 {strides = array<i32>} : memref<16x65xi32, #tpu.memory_space<vmem>>, vector<16xi32>,
    %swap3A_637 = arith.constant 2 : i32
    %swap3A_638 = arith.index_cast %swap3A_637 : i32 to index
    %swap3A_639 = arith.constant 0 : index
    %swap3A_640 = tpu.vector_load %arg5[%swap3A_638, %swap3A_639] {strides = array<i32>} : memref<16x65xi32, #tpu.memory_space<vmem>>, vector<16xi32>,
    tpu.vector_store %arg5[%swap3A_638, %swap3A_639], %broadcast_in_dim3A_5 {strides = array<i32>} : memref<16x65xi32, #tpu.memory_space<vmem>>, vector<16xi32>,
    %swap3A_641 = arith.constant 2 : i32
    %swap3A_642 = arith.index_cast %swap3A_641 : i32 to index
    %swap3A_643 = arith.constant 16 : index
    %swap3A_644 = tpu.vector_load %arg5[%swap3A_642, %swap3A_643] {strides = array<i32>} : memref<16x65xi32, #tpu.memory_space<vmem>>, vector<16xi32>,
    tpu.vector_store %arg5[%swap3A_642, %swap3A_643], %broadcast_in_dim3A_5 {strides = array<i32>} : memref<16x65xi32, #tpu.memory_space<vmem>>, vector<16xi32>,
    %swap3A_645 = arith.constant 2 : i32
    %swap3A_646 = arith.index_cast %swap3A_645 : i32 to index
    %swap3A_647 = arith.constant 32 : index
    %swap3A_648 = tpu.vector_load %arg5[%swap3A_646, %swap3A_647] {strides = array<i32>} : memref<16x65xi32, #tpu.memory_space<vmem>>, vector<16xi32>,
    tpu.vector_store %arg5[%swap3A_646, %swap3A_647], %broadcast_in_dim3A_5 {strides = array<i32>} : memref<16x65xi32, #tpu.memory_space<vmem>>, vector<16xi32>,
    %swap3A_649 = arith.constant 2 : i32
    %swap3A_650 = arith.index_cast %swap3A_649 : i32 to index
    %swap3A_651 = arith.constant 48 : index
    %swap3A_652 = tpu.vector_load %arg5[%swap3A_650, %swap3A_651] {strides = array<i32>} : memref<16x65xi32, #tpu.memory_space<vmem>>, vector<16xi32>,
    tpu.vector_store %arg5[%swap3A_650, %swap3A_651], %broadcast_in_dim3A_5 {strides = array<i32>} : memref<16x65xi32, #tpu.memory_space<vmem>>, vector<16xi32>,
    %swap3A_653 = arith.constant 3 : i32
    %swap3A_654 = arith.index_cast %swap3A_653 : i32 to index
    %swap3A_655 = arith.constant 0 : index
    %swap3A_656 = tpu.vector_load %arg5[%swap3A_654, %swap3A_655] {strides = array<i32>} : memref<16x65xi32, #tpu.memory_space<vmem>>, vector<16xi32>,
    tpu.vector_store %arg5[%swap3A_654, %swap3A_655], %broadcast_in_dim3A_5 {strides = array<i32>} : memref<16x65xi32, #tpu.memory_space<vmem>>, vector<16xi32>,
    %swap3A_657 = arith.constant 3 : i32
    %swap3A_658 = arith.index_cast %swap3A_657 : i32 to index
    %swap3A_659 = arith.constant 16 : index
    %swap3A_660 = tpu.vector_load %arg5[%swap3A_658, %swap3A_659] {strides = array<i32>} : memref<16x65xi32, #tpu.memory_space<vmem>>, vector<16xi32>,
    tpu.vector_store %arg5[%swap3A_658, %swap3A_659], %broadcast_in_dim3A_5 {strides = array<i32>} : memref<16x65xi32, #tpu.memory_space<vmem>>, vector<16xi32>,
    %swap3A_661 = arith.constant 3 : i32
    %swap3A_662 = arith.index_cast %swap3A_661 : i32 to index
    %swap3A_663 = arith.constant 32 : index
    %swap3A_664 = tpu.vector_load %arg5[%swap3A_662, %swap3A_663] {strides = array<i32>} : memref<16x65xi32, #tpu.memory_space<vmem>>, vector<16xi32>,
    tpu.vector_store %arg5[%swap3A_662, %swap3A_663], %broadcast_in_dim3A_5 {strides = array<i32>} : memref<16x65xi32, #tpu.memory_space<vmem>>, vector<16xi32>,
    %swap3A_665 = arith.constant 3 : i32
    %swap3A_666 = arith.index_cast %swap3A_665 : i32 to index
    %swap3A_667 = arith.constant 48 : index
    %swap3A_668 = tpu.vector_load %arg5[%swap3A_666, %swap3A_667] {strides = array<i32>} : memref<16x65xi32, #tpu.memory_space<vmem>>, vector<16xi32>,
    tpu.vector_store %arg5[%swap3A_666, %swap3A_667], %broadcast_in_dim3A_5 {strides = array<i32>} : memref<16x65xi32, #tpu.memory_space<vmem>>, vector<16xi32>,
    %swap3A_669 = arith.constant 4 : i32
    %swap3A_670 = arith.index_cast %swap3A_669 : i32 to index
    %swap3A_671 = arith.constant 0 : index
    %swap3A_672 = tpu.vector_load %arg5[%swap3A_670, %swap3A_671] {strides = array<i32>} : memref<16x65xi32, #tpu.memory_space<vmem>>, vector<16xi32>,
    tpu.vector_store %arg5[%swap3A_670, %swap3A_671], %broadcast_in_dim3A_5 {strides = array<i32>} : memref<16x65xi32, #tpu.memory_space<vmem>>, vector<16xi32>,
    %swap3A_673 = arith.constant 4 : i32
    %swap3A_674 = arith.index_cast %swap3A_673 : i32 to index
    %swap3A_675 = arith.constant 16 : index
    %swap3A_676 = tpu.vector_load %arg5[%swap3A_674, %swap3A_675] {strides = array<i32>} : memref<16x65xi32, #tpu.memory_space<vmem>>, vector<16xi32>,
    tpu.vector_store %arg5[%swap3A_674, %swap3A_675], %broadcast_in_dim3A_5 {strides = array<i32>} : memref<16x65xi32, #tpu.memory_space<vmem>>, vector<16xi32>,
    %swap3A_677 = arith.constant 4 : i32
    %swap3A_678 = arith.index_cast %swap3A_677 : i32 to index
    %swap3A_679 = arith.constant 32 : index
    %swap3A_680 = tpu.vector_load %arg5[%swap3A_678, %swap3A_679] {strides = array<i32>} : memref<16x65xi32, #tpu.memory_space<vmem>>, vector<16xi32>,
    tpu.vector_store %arg5[%swap3A_678, %swap3A_679], %broadcast_in_dim3A_5 {strides = array<i32>} : memref<16x65xi32, #tpu.memory_space<vmem>>, vector<16xi32>,
    %swap3A_681 = arith.constant 4 : i32
    %swap3A_682 = arith.index_cast %swap3A_681 : i32 to index
    %swap3A_683 = arith.constant 48 : index
    %swap3A_684 = tpu.vector_load %arg5[%swap3A_682, %swap3A_683] {strides = array<i32>} : memref<16x65xi32, #tpu.memory_space<vmem>>, vector<16xi32>,
    tpu.vector_store %arg5[%swap3A_682, %swap3A_683], %broadcast_in_dim3A_5 {strides = array<i32>} : memref<16x65xi32, #tpu.memory_space<vmem>>, vector<16xi32>,
    %swap3A_685 = arith.constant 5 : i32
    %swap3A_686 = arith.index_cast %swap3A_685 : i32 to index
    %swap3A_687 = arith.constant 0 : index
    %swap3A_688 = tpu.vector_load %arg5[%swap3A_686, %swap3A_687] {strides = array<i32>} : memref<16x65xi32, #tpu.memory_space<vmem>>, vector<16xi32>,
    tpu.vector_store %arg5[%swap3A_686, %swap3A_687], %broadcast_in_dim3A_5 {strides = array<i32>} : memref<16x65xi32, #tpu.memory_space<vmem>>, vector<16xi32>,
    %swap3A_689 = arith.constant 5 : i32
    %swap3A_690 = arith.index_cast %swap3A_689 : i32 to index
    %swap3A_691 = arith.constant 16 : index
    %swap3A_692 = tpu.vector_load %arg5[%swap3A_690, %swap3A_691] {strides = array<i32>} : memref<16x65xi32, #tpu.memory_space<vmem>>, vector<16xi32>,
    tpu.vector_store %arg5[%swap3A_690, %swap3A_691], %broadcast_in_dim3A_5 {strides = array<i32>} : memref<16x65xi32, #tpu.memory_space<vmem>>, vector<16xi32>,
    %swap3A_693 = arith.constant 5 : i32
    %swap3A_694 = arith.index_cast %swap3A_693 : i32 to index
    %swap3A_695 = arith.constant 32 : index
    %swap3A_696 = tpu.vector_load %arg5[%swap3A_694, %swap3A_695] {strides = array<i32>} : memref<16x65xi32, #tpu.memory_space<vmem>>, vector<16xi32>,
    tpu.vector_store %arg5[%swap3A_694, %swap3A_695], %broadcast_in_dim3A_5 {strides = array<i32>} : memref<16x65xi32, #tpu.memory_space<vmem>>, vector<16xi32>,
    %swap3A_697 = arith.constant 5 : i32
    %swap3A_698 = arith.index_cast %swap3A_697 : i32 to index
    %swap3A_699 = arith.constant 48 : index
    %swap3A_700 = tpu.vector_load %arg5[%swap3A_698, %swap3A_699] {strides = array<i32>} : memref<16x65xi32, #tpu.memory_space<vmem>>, vector<16xi32>,
    tpu.vector_store %arg5[%swap3A_698, %swap3A_699], %broadcast_in_dim3A_5 {strides = array<i32>} : memref<16x65xi32, #tpu.memory_space<vmem>>, vector<16xi32>,
    %swap3A_701 = arith.constant 6 : i32
    %swap3A_702 = arith.index_cast %swap3A_701 : i32 to index
    %swap3A_703 = arith.constant 0 : index
    %swap3A_704 = tpu.vector_load %arg5[%swap3A_702, %swap3A_703] {strides = array<i32>} : memref<16x65xi32, #tpu.memory_space<vmem>>, vector<16xi32>,
    tpu.vector_store %arg5[%swap3A_702, %swap3A_703], %broadcast_in_dim3A_5 {strides = array<i32>} : memref<16x65xi32, #tpu.memory_space<vmem>>, vector<16xi32>,
    %swap3A_705 = arith.constant 6 : i32
    %swap3A_706 = arith.index_cast %swap3A_705 : i32 to index
    %swap3A_707 = arith.constant 16 : index
    %swap3A_708 = tpu.vector_load %arg5[%swap3A_706, %swap3A_707] {strides = array<i32>} : memref<16x65xi32, #tpu.memory_space<vmem>>, vector<16xi32>,
    tpu.vector_store %arg5[%swap3A_706, %swap3A_707], %broadcast_in_dim3A_5 {strides = array<i32>} : memref<16x65xi32, #tpu.memory_space<vmem>>, vector<16xi32>,
    %swap3A_709 = arith.constant 6 : i32
    %swap3A_710 = arith.index_cast %swap3A_709 : i32 to index
    %swap3A_711 = arith.constant 32 : index
    %swap3A_712 = tpu.vector_load %arg5[%swap3A_710, %swap3A_711] {strides = array<i32>} : memref<16x65xi32, #tpu.memory_space<vmem>>, vector<16xi32>,
    tpu.vector_store %arg5[%swap3A_710, %swap3A_711], %broadcast_in_dim3A_5 {strides = array<i32>} : memref<16x65xi32, #tpu.memory_space<vmem>>, vector<16xi32>,
    %swap3A_713 = arith.constant 6 : i32
    %swap3A_714 = arith.index_cast %swap3A_713 : i32 to index
    %swap3A_715 = arith.constant 48 : index
    %swap3A_716 = tpu.vector_load %arg5[%swap3A_714, %swap3A_715] {strides = array<i32>} : memref<16x65xi32, #tpu.memory_space<vmem>>, vector<16xi32>,
    tpu.vector_store %arg5[%swap3A_714, %swap3A_715], %broadcast_in_dim3A_5 {strides = array<i32>} : memref<16x65xi32, #tpu.memory_space<vmem>>, vector<16xi32>,
    %swap3A_717 = arith.constant 7 : i32
    %swap3A_718 = arith.index_cast %swap3A_717 : i32 to index
    %swap3A_719 = arith.constant 0 : index
    %swap3A_720 = tpu.vector_load %arg5[%swap3A_718, %swap3A_719] {strides = array<i32>} : memref<16x65xi32, #tpu.memory_space<vmem>>, vector<16xi32>,
    tpu.vector_store %arg5[%swap3A_718, %swap3A_719], %broadcast_in_dim3A_5 {strides = array<i32>} : memref<16x65xi32, #tpu.memory_space<vmem>>, vector<16xi32>,
    %swap3A_721 = arith.constant 7 : i32
    %swap3A_722 = arith.index_cast %swap3A_721 : i32 to index
    %swap3A_723 = arith.constant 16 : index
    %swap3A_724 = tpu.vector_load %arg5[%swap3A_722, %swap3A_723] {strides = array<i32>} : memref<16x65xi32, #tpu.memory_space<vmem>>, vector<16xi32>,
    tpu.vector_store %arg5[%swap3A_722, %swap3A_723], %broadcast_in_dim3A_5 {strides = array<i32>} : memref<16x65xi32, #tpu.memory_space<vmem>>, vector<16xi32>,
    %swap3A_725 = arith.constant 7 : i32
    %swap3A_726 = arith.index_cast %swap3A_725 : i32 to index
    %swap3A_727 = arith.constant 32 : index
    %swap3A_728 = tpu.vector_load %arg5[%swap3A_726, %swap3A_727] {strides = array<i32>} : memref<16x65xi32, #tpu.memory_space<vmem>>, vector<16xi32>,
    tpu.vector_store %arg5[%swap3A_726, %swap3A_727], %broadcast_in_dim3A_5 {strides = array<i32>} : memref<16x65xi32, #tpu.memory_space<vmem>>, vector<16xi32>,
    %swap3A_729 = arith.constant 7 : i32
    %swap3A_730 = arith.index_cast %swap3A_729 : i32 to index
    %swap3A_731 = arith.constant 48 : index
    %swap3A_732 = tpu.vector_load %arg5[%swap3A_730, %swap3A_731] {strides = array<i32>} : memref<16x65xi32, #tpu.memory_space<vmem>>, vector<16xi32>,
    tpu.vector_store %arg5[%swap3A_730, %swap3A_731], %broadcast_in_dim3A_5 {strides = array<i32>} : memref<16x65xi32, #tpu.memory_space<vmem>>, vector<16xi32>,
    %swap3A_733 = arith.constant 8 : i32
    %swap3A_734 = arith.index_cast %swap3A_733 : i32 to index
    %swap3A_735 = arith.constant 0 : index
    %swap3A_736 = tpu.vector_load %arg5[%swap3A_734, %swap3A_735] {strides = array<i32>} : memref<16x65xi32, #tpu.memory_space<vmem>>, vector<16xi32>,
    tpu.vector_store %arg5[%swap3A_734, %swap3A_735], %broadcast_in_dim3A_5 {strides = array<i32>} : memref<16x65xi32, #tpu.memory_space<vmem>>, vector<16xi32>,
    %swap3A_737 = arith.constant 8 : i32
    %swap3A_738 = arith.index_cast %swap3A_737 : i32 to index
    %swap3A_739 = arith.constant 16 : index
    %swap3A_740 = tpu.vector_load %arg5[%swap3A_738, %swap3A_739] {strides = array<i32>} : memref<16x65xi32, #tpu.memory_space<vmem>>, vector<16xi32>,
    tpu.vector_store %arg5[%swap3A_738, %swap3A_739], %broadcast_in_dim3A_5 {strides = array<i32>} : memref<16x65xi32, #tpu.memory_space<vmem>>, vector<16xi32>,
    %swap3A_741 = arith.constant 8 : i32
    %swap3A_742 = arith.index_cast %swap3A_741 : i32 to index
    %swap3A_743 = arith.constant 32 : index
    %swap3A_744 = tpu.vector_load %arg5[%swap3A_742, %swap3A_743] {strides = array<i32>} : memref<16x65xi32, #tpu.memory_space<vmem>>, vector<16xi32>,
    tpu.vector_store %arg5[%swap3A_742, %swap3A_743], %broadcast_in_dim3A_5 {strides = array<i32>} : memref<16x65xi32, #tpu.memory_space<vmem>>, vector<16xi32>,
    %swap3A_745 = arith.constant 8 : i32
    %swap3A_746 = arith.index_cast %swap3A_745 : i32 to index
    %swap3A_747 = arith.constant 48 : index
    %swap3A_748 = tpu.vector_load %arg5[%swap3A_746, %swap3A_747] {strides = array<i32>} : memref<16x65xi32, #tpu.memory_space<vmem>>, vector<16xi32>,
    tpu.vector_store %arg5[%swap3A_746, %swap3A_747], %broadcast_in_dim3A_5 {strides = array<i32>} : memref<16x65xi32, #tpu.memory_space<vmem>>, vector<16xi32>,
    %swap3A_749 = arith.constant 9 : i32
    %swap3A_750 = arith.index_cast %swap3A_749 : i32 to index
    %swap3A_751 = arith.constant 0 : index
    %swap3A_752 = tpu.vector_load %arg5[%swap3A_750, %swap3A_751] {strides = array<i32>} : memref<16x65xi32, #tpu.memory_space<vmem>>, vector<16xi32>,
    tpu.vector_store %arg5[%swap3A_750, %swap3A_751], %broadcast_in_dim3A_5 {strides = array<i32>} : memref<16x65xi32, #tpu.memory_space<vmem>>, vector<16xi32>,
    %swap3A_753 = arith.constant 9 : i32
    %swap3A_754 = arith.index_cast %swap3A_753 : i32 to index
    %swap3A_755 = arith.constant 16 : index
    %swap3A_756 = tpu.vector_load %arg5[%swap3A_754, %swap3A_755] {strides = array<i32>} : memref<16x65xi32, #tpu.memory_space<vmem>>, vector<16xi32>,
    tpu.vector_store %arg5[%swap3A_754, %swap3A_755], %broadcast_in_dim3A_5 {strides = array<i32>} : memref<16x65xi32, #tpu.memory_space<vmem>>, vector<16xi32>,
    %swap3A_757 = arith.constant 9 : i32
    %swap3A_758 = arith.index_cast %swap3A_757 : i32 to index
    %swap3A_759 = arith.constant 32 : index
    %swap3A_760 = tpu.vector_load %arg5[%swap3A_758, %swap3A_759] {strides = array<i32>} : memref<16x65xi32, #tpu.memory_space<vmem>>, vector<16xi32>,
    tpu.vector_store %arg5[%swap3A_758, %swap3A_759], %broadcast_in_dim3A_5 {strides = array<i32>} : memref<16x65xi32, #tpu.memory_space<vmem>>, vector<16xi32>,
    %swap3A_761 = arith.constant 9 : i32
    %swap3A_762 = arith.index_cast %swap3A_761 : i32 to index
    %swap3A_763 = arith.constant 48 : index
    %swap3A_764 = tpu.vector_load %arg5[%swap3A_762, %swap3A_763] {strides = array<i32>} : memref<16x65xi32, #tpu.memory_space<vmem>>, vector<16xi32>,
    tpu.vector_store %arg5[%swap3A_762, %swap3A_763], %broadcast_in_dim3A_5 {strides = array<i32>} : memref<16x65xi32, #tpu.memory_space<vmem>>, vector<16xi32>,
    %swap3A_765 = arith.constant 10 : i32
    %swap3A_766 = arith.index_cast %swap3A_765 : i32 to index
    %swap3A_767 = arith.constant 0 : index
    %swap3A_768 = tpu.vector_load %arg5[%swap3A_766, %swap3A_767] {strides = array<i32>} : memref<16x65xi32, #tpu.memory_space<vmem>>, vector<16xi32>,
    tpu.vector_store %arg5[%swap3A_766, %swap3A_767], %broadcast_in_dim3A_5 {strides = array<i32>} : memref<16x65xi32, #tpu.memory_space<vmem>>, vector<16xi32>,
    %swap3A_769 = arith.constant 10 : i32
    %swap3A_770 = arith.index_cast %swap3A_769 : i32 to index
    %swap3A_771 = arith.constant 16 : index
    %swap3A_772 = tpu.vector_load %arg5[%swap3A_770, %swap3A_771] {strides = array<i32>} : memref<16x65xi32, #tpu.memory_space<vmem>>, vector<16xi32>,
    tpu.vector_store %arg5[%swap3A_770, %swap3A_771], %broadcast_in_dim3A_5 {strides = array<i32>} : memref<16x65xi32, #tpu.memory_space<vmem>>, vector<16xi32>,
    %swap3A_773 = arith.constant 10 : i32
    %swap3A_774 = arith.index_cast %swap3A_773 : i32 to index
    %swap3A_775 = arith.constant 32 : index
    %swap3A_776 = tpu.vector_load %arg5[%swap3A_774, %swap3A_775] {strides = array<i32>} : memref<16x65xi32, #tpu.memory_space<vmem>>, vector<16xi32>,
    tpu.vector_store %arg5[%swap3A_774, %swap3A_775], %broadcast_in_dim3A_5 {strides = array<i32>} : memref<16x65xi32, #tpu.memory_space<vmem>>, vector<16xi32>,
    %swap3A_777 = arith.constant 10 : i32
    %swap3A_778 = arith.index_cast %swap3A_777 : i32 to index
    %swap3A_779 = arith.constant 48 : index
    %swap3A_780 = tpu.vector_load %arg5[%swap3A_778, %swap3A_779] {strides = array<i32>} : memref<16x65xi32, #tpu.memory_space<vmem>>, vector<16xi32>,
    tpu.vector_store %arg5[%swap3A_778, %swap3A_779], %broadcast_in_dim3A_5 {strides = array<i32>} : memref<16x65xi32, #tpu.memory_space<vmem>>, vector<16xi32>,
    %swap3A_781 = arith.constant 11 : i32
    %swap3A_782 = arith.index_cast %swap3A_781 : i32 to index
    %swap3A_783 = arith.constant 0 : index
    %swap3A_784 = tpu.vector_load %arg5[%swap3A_782, %swap3A_783] {strides = array<i32>} : memref<16x65xi32, #tpu.memory_space<vmem>>, vector<16xi32>,
    tpu.vector_store %arg5[%swap3A_782, %swap3A_783], %broadcast_in_dim3A_5 {strides = array<i32>} : memref<16x65xi32, #tpu.memory_space<vmem>>, vector<16xi32>,
    %swap3A_785 = arith.constant 11 : i32
    %swap3A_786 = arith.index_cast %swap3A_785 : i32 to index
    %swap3A_787 = arith.constant 16 : index
    %swap3A_788 = tpu.vector_load %arg5[%swap3A_786, %swap3A_787] {strides = array<i32>} : memref<16x65xi32, #tpu.memory_space<vmem>>, vector<16xi32>,
    tpu.vector_store %arg5[%swap3A_786, %swap3A_787], %broadcast_in_dim3A_5 {strides = array<i32>} : memref<16x65xi32, #tpu.memory_space<vmem>>, vector<16xi32>,
    %swap3A_789 = arith.constant 11 : i32
    %swap3A_790 = arith.index_cast %swap3A_789 : i32 to index
    %swap3A_791 = arith.constant 32 : index
    %swap3A_792 = tpu.vector_load %arg5[%swap3A_790, %swap3A_791] {strides = array<i32>} : memref<16x65xi32, #tpu.memory_space<vmem>>, vector<16xi32>,
    tpu.vector_store %arg5[%swap3A_790, %swap3A_791], %broadcast_in_dim3A_5 {strides = array<i32>} : memref<16x65xi32, #tpu.memory_space<vmem>>, vector<16xi32>,
    %swap3A_793 = arith.constant 11 : i32
    %swap3A_794 = arith.index_cast %swap3A_793 : i32 to index
    %swap3A_795 = arith.constant 48 : index
    %swap3A_796 = tpu.vector_load %arg5[%swap3A_794, %swap3A_795] {strides = array<i32>} : memref<16x65xi32, #tpu.memory_space<vmem>>, vector<16xi32>,
    tpu.vector_store %arg5[%swap3A_794, %swap3A_795], %broadcast_in_dim3A_5 {strides = array<i32>} : memref<16x65xi32, #tpu.memory_space<vmem>>, vector<16xi32>,
    %swap3A_797 = arith.constant 12 : i32
    %swap3A_798 = arith.index_cast %swap3A_797 : i32 to index
    %swap3A_799 = arith.constant 0 : index
    %swap3A_800 = tpu.vector_load %arg5[%swap3A_798, %swap3A_799] {strides = array<i32>} : memref<16x65xi32, #tpu.memory_space<vmem>>, vector<16xi32>,
    tpu.vector_store %arg5[%swap3A_798, %swap3A_799], %broadcast_in_dim3A_5 {strides = array<i32>} : memref<16x65xi32, #tpu.memory_space<vmem>>, vector<16xi32>,
    %swap3A_801 = arith.constant 12 : i32
    %swap3A_802 = arith.index_cast %swap3A_801 : i32 to index
    %swap3A_803 = arith.constant 16 : index
    %swap3A_804 = tpu.vector_load %arg5[%swap3A_802, %swap3A_803] {strides = array<i32>} : memref<16x65xi32, #tpu.memory_space<vmem>>, vector<16xi32>,
    tpu.vector_store %arg5[%swap3A_802, %swap3A_803], %broadcast_in_dim3A_5 {strides = array<i32>} : memref<16x65xi32, #tpu.memory_space<vmem>>, vector<16xi32>,
    %swap3A_805 = arith.constant 12 : i32
    %swap3A_806 = arith.index_cast %swap3A_805 : i32 to index
    %swap3A_807 = arith.constant 32 : index
    %swap3A_808 = tpu.vector_load %arg5[%swap3A_806, %swap3A_807] {strides = array<i32>} : memref<16x65xi32, #tpu.memory_space<vmem>>, vector<16xi32>,
    tpu.vector_store %arg5[%swap3A_806, %swap3A_807], %broadcast_in_dim3A_5 {strides = array<i32>} : memref<16x65xi32, #tpu.memory_space<vmem>>, vector<16xi32>,
    %swap3A_809 = arith.constant 12 : i32
    %swap3A_810 = arith.index_cast %swap3A_809 : i32 to index
    %swap3A_811 = arith.constant 48 : index
    %swap3A_812 = tpu.vector_load %arg5[%swap3A_810, %swap3A_811] {strides = array<i32>} : memref<16x65xi32, #tpu.memory_space<vmem>>, vector<16xi32>,
    tpu.vector_store %arg5[%swap3A_810, %swap3A_811], %broadcast_in_dim3A_5 {strides = array<i32>} : memref<16x65xi32, #tpu.memory_space<vmem>>, vector<16xi32>,
    %swap3A_813 = arith.constant 13 : i32
    %swap3A_814 = arith.index_cast %swap3A_813 : i32 to index
    %swap3A_815 = arith.constant 0 : index
    %swap3A_816 = tpu.vector_load %arg5[%swap3A_814, %swap3A_815] {strides = array<i32>} : memref<16x65xi32, #tpu.memory_space<vmem>>, vector<16xi32>,
    tpu.vector_store %arg5[%swap3A_814, %swap3A_815], %broadcast_in_dim3A_5 {strides = array<i32>} : memref<16x65xi32, #tpu.memory_space<vmem>>, vector<16xi32>,
    %swap3A_817 = arith.constant 13 : i32
    %swap3A_818 = arith.index_cast %swap3A_817 : i32 to index
    %swap3A_819 = arith.constant 16 : index
    %swap3A_820 = tpu.vector_load %arg5[%swap3A_818, %swap3A_819] {strides = array<i32>} : memref<16x65xi32, #tpu.memory_space<vmem>>, vector<16xi32>,
    tpu.vector_store %arg5[%swap3A_818, %swap3A_819], %broadcast_in_dim3A_5 {strides = array<i32>} : memref<16x65xi32, #tpu.memory_space<vmem>>, vector<16xi32>,
    %swap3A_821 = arith.constant 13 : i32
    %swap3A_822 = arith.index_cast %swap3A_821 : i32 to index
    %swap3A_823 = arith.constant 32 : index
    %swap3A_824 = tpu.vector_load %arg5[%swap3A_822, %swap3A_823] {strides = array<i32>} : memref<16x65xi32, #tpu.memory_space<vmem>>, vector<16xi32>,
    tpu.vector_store %arg5[%swap3A_822, %swap3A_823], %broadcast_in_dim3A_5 {strides = array<i32>} : memref<16x65xi32, #tpu.memory_space<vmem>>, vector<16xi32>,
    %swap3A_825 = arith.constant 13 : i32
    %swap3A_826 = arith.index_cast %swap3A_825 : i32 to index
    %swap3A_827 = arith.constant 48 : index
    %swap3A_828 = tpu.vector_load %arg5[%swap3A_826, %swap3A_827] {strides = array<i32>} : memref<16x65xi32, #tpu.memory_space<vmem>>, vector<16xi32>,
    tpu.vector_store %arg5[%swap3A_826, %swap3A_827], %broadcast_in_dim3A_5 {strides = array<i32>} : memref<16x65xi32, #tpu.memory_space<vmem>>, vector<16xi32>,
    %swap3A_829 = arith.constant 14 : i32
    %swap3A_830 = arith.index_cast %swap3A_829 : i32 to index
    %swap3A_831 = arith.constant 0 : index
    %swap3A_832 = tpu.vector_load %arg5[%swap3A_830, %swap3A_831] {strides = array<i32>} : memref<16x65xi32, #tpu.memory_space<vmem>>, vector<16xi32>,
    tpu.vector_store %arg5[%swap3A_830, %swap3A_831], %broadcast_in_dim3A_5 {strides = array<i32>} : memref<16x65xi32, #tpu.memory_space<vmem>>, vector<16xi32>,
    %swap3A_833 = arith.constant 14 : i32
    %swap3A_834 = arith.index_cast %swap3A_833 : i32 to index
    %swap3A_835 = arith.constant 16 : index
    %swap3A_836 = tpu.vector_load %arg5[%swap3A_834, %swap3A_835] {strides = array<i32>} : memref<16x65xi32, #tpu.memory_space<vmem>>, vector<16xi32>,
    tpu.vector_store %arg5[%swap3A_834, %swap3A_835], %broadcast_in_dim3A_5 {strides = array<i32>} : memref<16x65xi32, #tpu.memory_space<vmem>>, vector<16xi32>,
    %swap3A_837 = arith.constant 14 : i32
    %swap3A_838 = arith.index_cast %swap3A_837 : i32 to index
    %swap3A_839 = arith.constant 32 : index
    %swap3A_840 = tpu.vector_load %arg5[%swap3A_838, %swap3A_839] {strides = array<i32>} : memref<16x65xi32, #tpu.memory_space<vmem>>, vector<16xi32>,
    tpu.vector_store %arg5[%swap3A_838, %swap3A_839], %broadcast_in_dim3A_5 {strides = array<i32>} : memref<16x65xi32, #tpu.memory_space<vmem>>, vector<16xi32>,
    %swap3A_841 = arith.constant 14 : i32
    %swap3A_842 = arith.index_cast %swap3A_841 : i32 to index
    %swap3A_843 = arith.constant 48 : index
    %swap3A_844 = tpu.vector_load %arg5[%swap3A_842, %swap3A_843] {strides = array<i32>} : memref<16x65xi32, #tpu.memory_space<vmem>>, vector<16xi32>,
    tpu.vector_store %arg5[%swap3A_842, %swap3A_843], %broadcast_in_dim3A_5 {strides = array<i32>} : memref<16x65xi32, #tpu.memory_space<vmem>>, vector<16xi32>,
    %swap3A_845 = arith.constant 15 : i32
    %swap3A_846 = arith.index_cast %swap3A_845 : i32 to index
    %swap3A_847 = arith.constant 0 : index
    %swap3A_848 = tpu.vector_load %arg5[%swap3A_846, %swap3A_847] {strides = array<i32>} : memref<16x65xi32, #tpu.memory_space<vmem>>, vector<16xi32>,
    tpu.vector_store %arg5[%swap3A_846, %swap3A_847], %broadcast_in_dim3A_5 {strides = array<i32>} : memref<16x65xi32, #tpu.memory_space<vmem>>, vector<16xi32>,
    %swap3A_849 = arith.constant 15 : i32
    %swap3A_850 = arith.index_cast %swap3A_849 : i32 to index
    %swap3A_851 = arith.constant 16 : index
    %swap3A_852 = tpu.vector_load %arg5[%swap3A_850, %swap3A_851] {strides = array<i32>} : memref<16x65xi32, #tpu.memory_space<vmem>>, vector<16xi32>,
    tpu.vector_store %arg5[%swap3A_850, %swap3A_851], %broadcast_in_dim3A_5 {strides = array<i32>} : memref<16x65xi32, #tpu.memory_space<vmem>>, vector<16xi32>,
    %swap3A_853 = arith.constant 15 : i32
    %swap3A_854 = arith.index_cast %swap3A_853 : i32 to index
    %swap3A_855 = arith.constant 32 : index
    %swap3A_856 = tpu.vector_load %arg5[%swap3A_854, %swap3A_855] {strides = array<i32>} : memref<16x65xi32, #tpu.memory_space<vmem>>, vector<16xi32>,
    tpu.vector_store %arg5[%swap3A_854, %swap3A_855], %broadcast_in_dim3A_5 {strides = array<i32>} : memref<16x65xi32, #tpu.memory_space<vmem>>, vector<16xi32>,
    %swap3A_857 = arith.constant 15 : i32
    %swap3A_858 = arith.index_cast %swap3A_857 : i32 to index
    %swap3A_859 = arith.constant 48 : index
    %swap3A_860 = tpu.vector_load %arg5[%swap3A_858, %swap3A_859] {strides = array<i32>} : memref<16x65xi32, #tpu.memory_space<vmem>>, vector<16xi32>,
    tpu.vector_store %arg5[%swap3A_858, %swap3A_859], %broadcast_in_dim3A_5 {strides = array<i32>} : memref<16x65xi32, #tpu.memory_space<vmem>>, vector<16xi32>,
    %scan3A_861 = arith.constant 0 : i32
    %scan3A_862 = arith.constant 0 : i32
    %scan3A_863 = arith.constant 16 : i32
    %scan3A_864 = arith.addi %scan3A_862, %scan3A_863 : i32
    %scan3A_865 = arith.constant 1 : i32
    scf.for %scan3A_2411 = %scan3A_862 to %scan3A_864 step %scan3A_865  : i32 {
      %mul3A_2412 = arith.constant 128 : i32
      %mul3A_2413 = arith.muli %scan3A_2411, %mul3A_2412 : i32
      %add3A_2414 = arith.constant 0 : i32
      %add3A_2415 = arith.addi %mul3A_2413, %add3A_2414 : i32
      %get3A_2416 = arith.constant 1 : i32
      %get3A_2417 = arith.index_cast %get3A_2416 : i32 to index
      %get3A_2418 = arith.index_cast %add3A_2415 : i32 to index
      %get3A_2419 = tpu.vector_load %arg4[%get3A_2417, %get3A_2418] {strides = array<i32>} : memref<4x2048xi32, #tpu.memory_space<vmem>>, vector<16xi32>,
      %add3A_2420 = arith.constant 16 : i32
      %add3A_2421 = arith.addi %mul3A_2413, %add3A_2420 : i32
      %get3A_2422 = arith.constant 1 : i32
      %get3A_2423 = arith.index_cast %get3A_2422 : i32 to index
      %get3A_2424 = arith.index_cast %add3A_2421 : i32 to index
      %get3A_2425 = tpu.vector_load %arg4[%get3A_2423, %get3A_2424] {strides = array<i32>} : memref<4x2048xi32, #tpu.memory_space<vmem>>, vector<16xi32>,
      %add3A_2426 = arith.constant 32 : i32
      %add3A_2427 = arith.addi %mul3A_2413, %add3A_2426 : i32
      %get3A_2428 = arith.constant 1 : i32
      %get3A_2429 = arith.index_cast %get3A_2428 : i32 to index
      %get3A_2430 = arith.index_cast %add3A_2427 : i32 to index
      %get3A_2431 = tpu.vector_load %arg4[%get3A_2429, %get3A_2430] {strides = array<i32>} : memref<4x2048xi32, #tpu.memory_space<vmem>>, vector<16xi32>,
      %add3A_2432 = arith.constant 48 : i32
      %add3A_2433 = arith.addi %mul3A_2413, %add3A_2432 : i32
      %get3A_2434 = arith.constant 1 : i32
      %get3A_2435 = arith.index_cast %get3A_2434 : i32 to index
      %get3A_2436 = arith.index_cast %add3A_2433 : i32 to index
      %get3A_2437 = tpu.vector_load %arg4[%get3A_2435, %get3A_2436] {strides = array<i32>} : memref<4x2048xi32, #tpu.memory_space<vmem>>, vector<16xi32>,
      %add3A_2438 = arith.constant 64 : i32
      %add3A_2439 = arith.addi %mul3A_2413, %add3A_2438 : i32
      %get3A_2440 = arith.constant 1 : i32
      %get3A_2441 = arith.index_cast %get3A_2440 : i32 to index
      %get3A_2442 = arith.index_cast %add3A_2439 : i32 to index
      %get3A_2443 = tpu.vector_load %arg4[%get3A_2441, %get3A_2442] {strides = array<i32>} : memref<4x2048xi32, #tpu.memory_space<vmem>>, vector<16xi32>,
      %add3A_2444 = arith.constant 80 : i32
      %add3A_2445 = arith.addi %mul3A_2413, %add3A_2444 : i32
      %get3A_2446 = arith.constant 1 : i32
      %get3A_2447 = arith.index_cast %get3A_2446 : i32 to index
      %get3A_2448 = arith.index_cast %add3A_2445 : i32 to index
      %get3A_2449 = tpu.vector_load %arg4[%get3A_2447, %get3A_2448] {strides = array<i32>} : memref<4x2048xi32, #tpu.memory_space<vmem>>, vector<16xi32>,
      %add3A_2450 = arith.constant 96 : i32
      %add3A_2451 = arith.addi %mul3A_2413, %add3A_2450 : i32
      %get3A_2452 = arith.constant 1 : i32
      %get3A_2453 = arith.index_cast %get3A_2452 : i32 to index
      %get3A_2454 = arith.index_cast %add3A_2451 : i32 to index
      %get3A_2455 = tpu.vector_load %arg4[%get3A_2453, %get3A_2454] {strides = array<i32>} : memref<4x2048xi32, #tpu.memory_space<vmem>>, vector<16xi32>,
      %add3A_2456 = arith.constant 112 : i32
      %add3A_2457 = arith.addi %mul3A_2413, %add3A_2456 : i32
      %get3A_2458 = arith.constant 1 : i32
      %get3A_2459 = arith.index_cast %get3A_2458 : i32 to index
      %get3A_2460 = arith.index_cast %add3A_2457 : i32 to index
      %get3A_2461 = tpu.vector_load %arg4[%get3A_2459, %get3A_2460] {strides = array<i32>} : memref<4x2048xi32, #tpu.memory_space<vmem>>, vector<16xi32>,
      tpu.vector_store_idx %arg5[%iota3A, %get3A_2419], %broadcast_in_dim3A_3 {add = true} : memref<16x65xi32, #tpu.memory_space<vmem>>[vector<16xi32>, vector<16xi32>], vector<16xi32>,
      tpu.vector_store_idx %arg5[%iota3A, %get3A_2425], %broadcast_in_dim3A_3 {add = true} : memref<16x65xi32, #tpu.memory_space<vmem>>[vector<16xi32>, vector<16xi32>], vector<16xi32>,
      tpu.vector_store_idx %arg5[%iota3A, %get3A_2431], %broadcast_in_dim3A_3 {add = true} : memref<16x65xi32, #tpu.memory_space<vmem>>[vector<16xi32>, vector<16xi32>], vector<16xi32>,
      tpu.vector_store_idx %arg5[%iota3A, %get3A_2437], %broadcast_in_dim3A_3 {add = true} : memref<16x65xi32, #tpu.memory_space<vmem>>[vector<16xi32>, vector<16xi32>], vector<16xi32>,
      tpu.vector_store_idx %arg5[%iota3A, %get3A_2443], %broadcast_in_dim3A_3 {add = true} : memref<16x65xi32, #tpu.memory_space<vmem>>[vector<16xi32>, vector<16xi32>], vector<16xi32>,
      tpu.vector_store_idx %arg5[%iota3A, %get3A_2449], %broadcast_in_dim3A_3 {add = true} : memref<16x65xi32, #tpu.memory_space<vmem>>[vector<16xi32>, vector<16xi32>], vector<16xi32>,
      tpu.vector_store_idx %arg5[%iota3A, %get3A_2455], %broadcast_in_dim3A_3 {add = true} : memref<16x65xi32, #tpu.memory_space<vmem>>[vector<16xi32>, vector<16xi32>], vector<16xi32>,
      tpu.vector_store_idx %arg5[%iota3A, %get3A_2461], %broadcast_in_dim3A_3 {add = true} : memref<16x65xi32, #tpu.memory_space<vmem>>[vector<16xi32>, vector<16xi32>], vector<16xi32>,
    }
    %scan3A_866 = arith.constant 16 : i32
    %get3A_867 = arith.constant 0 : i32
    %get3A_868 = arith.index_cast %get3A_867 : i32 to index
    %get3A_869 = arith.constant 0 : index
    %get3A_870 = tpu.vector_load %arg5[%get3A_868, %get3A_869] {strides = array<i32>} : memref<16x65xi32, #tpu.memory_space<vmem>>, vector<16xi32>,
    %get3A_871 = arith.constant 1 : i32
    %get3A_872 = arith.index_cast %get3A_871 : i32 to index
    %get3A_873 = arith.constant 0 : index
    %get3A_874 = tpu.vector_load %arg5[%get3A_872, %get3A_873] {strides = array<i32>} : memref<16x65xi32, #tpu.memory_space<vmem>>, vector<16xi32>,
    %add3A_875 = arith.addi %get3A_870, %get3A_874 : vector<16xi32>
    %get3A_876 = arith.constant 2 : i32
    %get3A_877 = arith.index_cast %get3A_876 : i32 to index
    %get3A_878 = arith.constant 0 : index
    %get3A_879 = tpu.vector_load %arg5[%get3A_877, %get3A_878] {strides = array<i32>} : memref<16x65xi32, #tpu.memory_space<vmem>>, vector<16xi32>,
    %add3A_880 = arith.addi %add3A_875, %get3A_879 : vector<16xi32>
    %get3A_881 = arith.constant 3 : i32
    %get3A_882 = arith.index_cast %get3A_881 : i32 to index
    %get3A_883 = arith.constant 0 : index
    %get3A_884 = tpu.vector_load %arg5[%get3A_882, %get3A_883] {strides = array<i32>} : memref<16x65xi32, #tpu.memory_space<vmem>>, vector<16xi32>,
    %add3A_885 = arith.addi %add3A_880, %get3A_884 : vector<16xi32>
    %get3A_886 = arith.constant 4 : i32
    %get3A_887 = arith.index_cast %get3A_886 : i32 to index
    %get3A_888 = arith.constant 0 : index
    %get3A_889 = tpu.vector_load %arg5[%get3A_887, %get3A_888] {strides = array<i32>} : memref<16x65xi32, #tpu.memory_space<vmem>>, vector<16xi32>,
    %add3A_890 = arith.addi %add3A_885, %get3A_889 : vector<16xi32>
    %get3A_891 = arith.constant 5 : i32
    %get3A_892 = arith.index_cast %get3A_891 : i32 to index
    %get3A_893 = arith.constant 0 : index
    %get3A_894 = tpu.vector_load %arg5[%get3A_892, %get3A_893] {strides = array<i32>} : memref<16x65xi32, #tpu.memory_space<vmem>>, vector<16xi32>,
    %add3A_895 = arith.addi %add3A_890, %get3A_894 : vector<16xi32>
    %get3A_896 = arith.constant 6 : i32
    %get3A_897 = arith.index_cast %get3A_896 : i32 to index
    %get3A_898 = arith.constant 0 : index
    %get3A_899 = tpu.vector_load %arg5[%get3A_897, %get3A_898] {strides = array<i32>} : memref<16x65xi32, #tpu.memory_space<vmem>>, vector<16xi32>,
    %add3A_900 = arith.addi %add3A_895, %get3A_899 : vector<16xi32>
    %get3A_901 = arith.constant 7 : i32
    %get3A_902 = arith.index_cast %get3A_901 : i32 to index
    %get3A_903 = arith.constant 0 : index
    %get3A_904 = tpu.vector_load %arg5[%get3A_902, %get3A_903] {strides = array<i32>} : memref<16x65xi32, #tpu.memory_space<vmem>>, vector<16xi32>,
    %add3A_905 = arith.addi %add3A_900, %get3A_904 : vector<16xi32>
    %get3A_906 = arith.constant 8 : i32
    %get3A_907 = arith.index_cast %get3A_906 : i32 to index
    %get3A_908 = arith.constant 0 : index
    %get3A_909 = tpu.vector_load %arg5[%get3A_907, %get3A_908] {strides = array<i32>} : memref<16x65xi32, #tpu.memory_space<vmem>>, vector<16xi32>,
    %add3A_910 = arith.addi %add3A_905, %get3A_909 : vector<16xi32>
    %get3A_911 = arith.constant 9 : i32
    %get3A_912 = arith.index_cast %get3A_911 : i32 to index
    %get3A_913 = arith.constant 0 : index
    %get3A_914 = tpu.vector_load %arg5[%get3A_912, %get3A_913] {strides = array<i32>} : memref<16x65xi32, #tpu.memory_space<vmem>>, vector<16xi32>,
    %add3A_915 = arith.addi %add3A_910, %get3A_914 : vector<16xi32>
    %get3A_916 = arith.constant 10 : i32
    %get3A_917 = arith.index_cast %get3A_916 : i32 to index
    %get3A_918 = arith.constant 0 : index
    %get3A_919 = tpu.vector_load %arg5[%get3A_917, %get3A_918] {strides = array<i32>} : memref<16x65xi32, #tpu.memory_space<vmem>>, vector<16xi32>,
    %add3A_920 = arith.addi %add3A_915, %get3A_919 : vector<16xi32>
    %get3A_921 = arith.constant 11 : i32
    %get3A_922 = arith.index_cast %get3A_921 : i32 to index
    %get3A_923 = arith.constant 0 : index
    %get3A_924 = tpu.vector_load %arg5[%get3A_922, %get3A_923] {strides = array<i32>} : memref<16x65xi32, #tpu.memory_space<vmem>>, vector<16xi32>,
    %add3A_925 = arith.addi %add3A_920, %get3A_924 : vector<16xi32>
    %get3A_926 = arith.constant 12 : i32
    %get3A_927 = arith.index_cast %get3A_926 : i32 to index
    %get3A_928 = arith.constant 0 : index
    %get3A_929 = tpu.vector_load %arg5[%get3A_927, %get3A_928] {strides = array<i32>} : memref<16x65xi32, #tpu.memory_space<vmem>>, vector<16xi32>,
    %add3A_930 = arith.addi %add3A_925, %get3A_929 : vector<16xi32>
    %get3A_931 = arith.constant 13 : i32
    %get3A_932 = arith.index_cast %get3A_931 : i32 to index
    %get3A_933 = arith.constant 0 : index
    %get3A_934 = tpu.vector_load %arg5[%get3A_932, %get3A_933] {strides = array<i32>} : memref<16x65xi32, #tpu.memory_space<vmem>>, vector<16xi32>,
    %add3A_935 = arith.addi %add3A_930, %get3A_934 : vector<16xi32>
    %get3A_936 = arith.constant 14 : i32
    %get3A_937 = arith.index_cast %get3A_936 : i32 to index
    %get3A_938 = arith.constant 0 : index
    %get3A_939 = tpu.vector_load %arg5[%get3A_937, %get3A_938] {strides = array<i32>} : memref<16x65xi32, #tpu.memory_space<vmem>>, vector<16xi32>,
    %add3A_940 = arith.addi %add3A_935, %get3A_939 : vector<16xi32>
    %get3A_941 = arith.constant 15 : i32
    %get3A_942 = arith.index_cast %get3A_941 : i32 to index
    %get3A_943 = arith.constant 0 : index
    %get3A_944 = tpu.vector_load %arg5[%get3A_942, %get3A_943] {strides = array<i32>} : memref<16x65xi32, #tpu.memory_space<vmem>>, vector<16xi32>,
    %add3A_945 = arith.addi %add3A_940, %get3A_944 : vector<16xi32>
    %swap3A_946 = arith.constant 1 : i32
    %swap3A_947 = arith.index_cast %swap3A_946 : i32 to index
    %swap3A_948 = arith.constant 0 : index
    %swap3A_949 = tpu.vector_load %arg6[%swap3A_947, %swap3A_948] {strides = array<i32>} : memref<4x80xi32, #tpu.memory_space<vmem>>, vector<16xi32>,
    tpu.vector_store %arg6[%swap3A_947, %swap3A_948], %add3A_945 {strides = array<i32>} : memref<4x80xi32, #tpu.memory_space<vmem>>, vector<16xi32>,
    %get3A_950 = arith.constant 0 : i32
    %get3A_951 = arith.index_cast %get3A_950 : i32 to index
    %get3A_952 = arith.constant 16 : index
    %get3A_953 = tpu.vector_load %arg5[%get3A_951, %get3A_952] {strides = array<i32>} : memref<16x65xi32, #tpu.memory_space<vmem>>, vector<16xi32>,
    %get3A_954 = arith.constant 1 : i32
    %get3A_955 = arith.index_cast %get3A_954 : i32 to index
    %get3A_956 = arith.constant 16 : index
    %get3A_957 = tpu.vector_load %arg5[%get3A_955, %get3A_956] {strides = array<i32>} : memref<16x65xi32, #tpu.memory_space<vmem>>, vector<16xi32>,
    %add3A_958 = arith.addi %get3A_953, %get3A_957 : vector<16xi32>
    %get3A_959 = arith.constant 2 : i32
    %get3A_960 = arith.index_cast %get3A_959 : i32 to index
    %get3A_961 = arith.constant 16 : index
    %get3A_962 = tpu.vector_load %arg5[%get3A_960, %get3A_961] {strides = array<i32>} : memref<16x65xi32, #tpu.memory_space<vmem>>, vector<16xi32>,
    %add3A_963 = arith.addi %add3A_958, %get3A_962 : vector<16xi32>
    %get3A_964 = arith.constant 3 : i32
    %get3A_965 = arith.index_cast %get3A_964 : i32 to index
    %get3A_966 = arith.constant 16 : index
    %get3A_967 = tpu.vector_load %arg5[%get3A_965, %get3A_966] {strides = array<i32>} : memref<16x65xi32, #tpu.memory_space<vmem>>, vector<16xi32>,
    %add3A_968 = arith.addi %add3A_963, %get3A_967 : vector<16xi32>
    %get3A_969 = arith.constant 4 : i32
    %get3A_970 = arith.index_cast %get3A_969 : i32 to index
    %get3A_971 = arith.constant 16 : index
    %get3A_972 = tpu.vector_load %arg5[%get3A_970, %get3A_971] {strides = array<i32>} : memref<16x65xi32, #tpu.memory_space<vmem>>, vector<16xi32>,
    %add3A_973 = arith.addi %add3A_968, %get3A_972 : vector<16xi32>
    %get3A_974 = arith.constant 5 : i32
    %get3A_975 = arith.index_cast %get3A_974 : i32 to index
    %get3A_976 = arith.constant 16 : index
    %get3A_977 = tpu.vector_load %arg5[%get3A_975, %get3A_976] {strides = array<i32>} : memref<16x65xi32, #tpu.memory_space<vmem>>, vector<16xi32>,
    %add3A_978 = arith.addi %add3A_973, %get3A_977 : vector<16xi32>
    %get3A_979 = arith.constant 6 : i32
    %get3A_980 = arith.index_cast %get3A_979 : i32 to index
    %get3A_981 = arith.constant 16 : index
    %get3A_982 = tpu.vector_load %arg5[%get3A_980, %get3A_981] {strides = array<i32>} : memref<16x65xi32, #tpu.memory_space<vmem>>, vector<16xi32>,
    %add3A_983 = arith.addi %add3A_978, %get3A_982 : vector<16xi32>
    %get3A_984 = arith.constant 7 : i32
    %get3A_985 = arith.index_cast %get3A_984 : i32 to index
    %get3A_986 = arith.constant 16 : index
    %get3A_987 = tpu.vector_load %arg5[%get3A_985, %get3A_986] {strides = array<i32>} : memref<16x65xi32, #tpu.memory_space<vmem>>, vector<16xi32>,
    %add3A_988 = arith.addi %add3A_983, %get3A_987 : vector<16xi32>
    %get3A_989 = arith.constant 8 : i32
    %get3A_990 = arith.index_cast %get3A_989 : i32 to index
    %get3A_991 = arith.constant 16 : index
    %get3A_992 = tpu.vector_load %arg5[%get3A_990, %get3A_991] {strides = array<i32>} : memref<16x65xi32, #tpu.memory_space<vmem>>, vector<16xi32>,
    %add3A_993 = arith.addi %add3A_988, %get3A_992 : vector<16xi32>
    %get3A_994 = arith.constant 9 : i32
    %get3A_995 = arith.index_cast %get3A_994 : i32 to index
    %get3A_996 = arith.constant 16 : index
    %get3A_997 = tpu.vector_load %arg5[%get3A_995, %get3A_996] {strides = array<i32>} : memref<16x65xi32, #tpu.memory_space<vmem>>, vector<16xi32>,
    %add3A_998 = arith.addi %add3A_993, %get3A_997 : vector<16xi32>
    %get3A_999 = arith.constant 10 : i32
    %get3A_1000 = arith.index_cast %get3A_999 : i32 to index
    %get3A_1001 = arith.constant 16 : index
    %get3A_1002 = tpu.vector_load %arg5[%get3A_1000, %get3A_1001] {strides = array<i32>} : memref<16x65xi32, #tpu.memory_space<vmem>>, vector<16xi32>,
    %add3A_1003 = arith.addi %add3A_998, %get3A_1002 : vector<16xi32>
    %get3A_1004 = arith.constant 11 : i32
    %get3A_1005 = arith.index_cast %get3A_1004 : i32 to index
    %get3A_1006 = arith.constant 16 : index
    %get3A_1007 = tpu.vector_load %arg5[%get3A_1005, %get3A_1006] {strides = array<i32>} : memref<16x65xi32, #tpu.memory_space<vmem>>, vector<16xi32>,
    %add3A_1008 = arith.addi %add3A_1003, %get3A_1007 : vector<16xi32>
    %get3A_1009 = arith.constant 12 : i32
    %get3A_1010 = arith.index_cast %get3A_1009 : i32 to index
    %get3A_1011 = arith.constant 16 : index
    %get3A_1012 = tpu.vector_load %arg5[%get3A_1010, %get3A_1011] {strides = array<i32>} : memref<16x65xi32, #tpu.memory_space<vmem>>, vector<16xi32>,
    %add3A_1013 = arith.addi %add3A_1008, %get3A_1012 : vector<16xi32>
    %get3A_1014 = arith.constant 13 : i32
    %get3A_1015 = arith.index_cast %get3A_1014 : i32 to index
    %get3A_1016 = arith.constant 16 : index
    %get3A_1017 = tpu.vector_load %arg5[%get3A_1015, %get3A_1016] {strides = array<i32>} : memref<16x65xi32, #tpu.memory_space<vmem>>, vector<16xi32>,
    %add3A_1018 = arith.addi %add3A_1013, %get3A_1017 : vector<16xi32>
    %get3A_1019 = arith.constant 14 : i32
    %get3A_1020 = arith.index_cast %get3A_1019 : i32 to index
    %get3A_1021 = arith.constant 16 : index
    %get3A_1022 = tpu.vector_load %arg5[%get3A_1020, %get3A_1021] {strides = array<i32>} : memref<16x65xi32, #tpu.memory_space<vmem>>, vector<16xi32>,
    %add3A_1023 = arith.addi %add3A_1018, %get3A_1022 : vector<16xi32>
    %get3A_1024 = arith.constant 15 : i32
    %get3A_1025 = arith.index_cast %get3A_1024 : i32 to index
    %get3A_1026 = arith.constant 16 : index
    %get3A_1027 = tpu.vector_load %arg5[%get3A_1025, %get3A_1026] {strides = array<i32>} : memref<16x65xi32, #tpu.memory_space<vmem>>, vector<16xi32>,
    %add3A_1028 = arith.addi %add3A_1023, %get3A_1027 : vector<16xi32>
    %swap3A_1029 = arith.constant 1 : i32
    %swap3A_1030 = arith.index_cast %swap3A_1029 : i32 to index
    %swap3A_1031 = arith.constant 16 : index
    %swap3A_1032 = tpu.vector_load %arg6[%swap3A_1030, %swap3A_1031] {strides = array<i32>} : memref<4x80xi32, #tpu.memory_space<vmem>>, vector<16xi32>,
    tpu.vector_store %arg6[%swap3A_1030, %swap3A_1031], %add3A_1028 {strides = array<i32>} : memref<4x80xi32, #tpu.memory_space<vmem>>, vector<16xi32>,
    %get3A_1033 = arith.constant 0 : i32
    %get3A_1034 = arith.index_cast %get3A_1033 : i32 to index
    %get3A_1035 = arith.constant 32 : index
    %get3A_1036 = tpu.vector_load %arg5[%get3A_1034, %get3A_1035] {strides = array<i32>} : memref<16x65xi32, #tpu.memory_space<vmem>>, vector<16xi32>,
    %get3A_1037 = arith.constant 1 : i32
    %get3A_1038 = arith.index_cast %get3A_1037 : i32 to index
    %get3A_1039 = arith.constant 32 : index
    %get3A_1040 = tpu.vector_load %arg5[%get3A_1038, %get3A_1039] {strides = array<i32>} : memref<16x65xi32, #tpu.memory_space<vmem>>, vector<16xi32>,
    %add3A_1041 = arith.addi %get3A_1036, %get3A_1040 : vector<16xi32>
    %get3A_1042 = arith.constant 2 : i32
    %get3A_1043 = arith.index_cast %get3A_1042 : i32 to index
    %get3A_1044 = arith.constant 32 : index
    %get3A_1045 = tpu.vector_load %arg5[%get3A_1043, %get3A_1044] {strides = array<i32>} : memref<16x65xi32, #tpu.memory_space<vmem>>, vector<16xi32>,
    %add3A_1046 = arith.addi %add3A_1041, %get3A_1045 : vector<16xi32>
    %get3A_1047 = arith.constant 3 : i32
    %get3A_1048 = arith.index_cast %get3A_1047 : i32 to index
    %get3A_1049 = arith.constant 32 : index
    %get3A_1050 = tpu.vector_load %arg5[%get3A_1048, %get3A_1049] {strides = array<i32>} : memref<16x65xi32, #tpu.memory_space<vmem>>, vector<16xi32>,
    %add3A_1051 = arith.addi %add3A_1046, %get3A_1050 : vector<16xi32>
    %get3A_1052 = arith.constant 4 : i32
    %get3A_1053 = arith.index_cast %get3A_1052 : i32 to index
    %get3A_1054 = arith.constant 32 : index
    %get3A_1055 = tpu.vector_load %arg5[%get3A_1053, %get3A_1054] {strides = array<i32>} : memref<16x65xi32, #tpu.memory_space<vmem>>, vector<16xi32>,
    %add3A_1056 = arith.addi %add3A_1051, %get3A_1055 : vector<16xi32>
    %get3A_1057 = arith.constant 5 : i32
    %get3A_1058 = arith.index_cast %get3A_1057 : i32 to index
    %get3A_1059 = arith.constant 32 : index
    %get3A_1060 = tpu.vector_load %arg5[%get3A_1058, %get3A_1059] {strides = array<i32>} : memref<16x65xi32, #tpu.memory_space<vmem>>, vector<16xi32>,
    %add3A_1061 = arith.addi %add3A_1056, %get3A_1060 : vector<16xi32>
    %get3A_1062 = arith.constant 6 : i32
    %get3A_1063 = arith.index_cast %get3A_1062 : i32 to index
    %get3A_1064 = arith.constant 32 : index
    %get3A_1065 = tpu.vector_load %arg5[%get3A_1063, %get3A_1064] {strides = array<i32>} : memref<16x65xi32, #tpu.memory_space<vmem>>, vector<16xi32>,
    %add3A_1066 = arith.addi %add3A_1061, %get3A_1065 : vector<16xi32>
    %get3A_1067 = arith.constant 7 : i32
    %get3A_1068 = arith.index_cast %get3A_1067 : i32 to index
    %get3A_1069 = arith.constant 32 : index
    %get3A_1070 = tpu.vector_load %arg5[%get3A_1068, %get3A_1069] {strides = array<i32>} : memref<16x65xi32, #tpu.memory_space<vmem>>, vector<16xi32>,
    %add3A_1071 = arith.addi %add3A_1066, %get3A_1070 : vector<16xi32>
    %get3A_1072 = arith.constant 8 : i32
    %get3A_1073 = arith.index_cast %get3A_1072 : i32 to index
    %get3A_1074 = arith.constant 32 : index
    %get3A_1075 = tpu.vector_load %arg5[%get3A_1073, %get3A_1074] {strides = array<i32>} : memref<16x65xi32, #tpu.memory_space<vmem>>, vector<16xi32>,
    %add3A_1076 = arith.addi %add3A_1071, %get3A_1075 : vector<16xi32>
    %get3A_1077 = arith.constant 9 : i32
    %get3A_1078 = arith.index_cast %get3A_1077 : i32 to index
    %get3A_1079 = arith.constant 32 : index
    %get3A_1080 = tpu.vector_load %arg5[%get3A_1078, %get3A_1079] {strides = array<i32>} : memref<16x65xi32, #tpu.memory_space<vmem>>, vector<16xi32>,
    %add3A_1081 = arith.addi %add3A_1076, %get3A_1080 : vector<16xi32>
    %get3A_1082 = arith.constant 10 : i32
    %get3A_1083 = arith.index_cast %get3A_1082 : i32 to index
    %get3A_1084 = arith.constant 32 : index
    %get3A_1085 = tpu.vector_load %arg5[%get3A_1083, %get3A_1084] {strides = array<i32>} : memref<16x65xi32, #tpu.memory_space<vmem>>, vector<16xi32>,
    %add3A_1086 = arith.addi %add3A_1081, %get3A_1085 : vector<16xi32>
    %get3A_1087 = arith.constant 11 : i32
    %get3A_1088 = arith.index_cast %get3A_1087 : i32 to index
    %get3A_1089 = arith.constant 32 : index
    %get3A_1090 = tpu.vector_load %arg5[%get3A_1088, %get3A_1089] {strides = array<i32>} : memref<16x65xi32, #tpu.memory_space<vmem>>, vector<16xi32>,
    %add3A_1091 = arith.addi %add3A_1086, %get3A_1090 : vector<16xi32>
    %get3A_1092 = arith.constant 12 : i32
    %get3A_1093 = arith.index_cast %get3A_1092 : i32 to index
    %get3A_1094 = arith.constant 32 : index
    %get3A_1095 = tpu.vector_load %arg5[%get3A_1093, %get3A_1094] {strides = array<i32>} : memref<16x65xi32, #tpu.memory_space<vmem>>, vector<16xi32>,
    %add3A_1096 = arith.addi %add3A_1091, %get3A_1095 : vector<16xi32>
    %get3A_1097 = arith.constant 13 : i32
    %get3A_1098 = arith.index_cast %get3A_1097 : i32 to index
    %get3A_1099 = arith.constant 32 : index
    %get3A_1100 = tpu.vector_load %arg5[%get3A_1098, %get3A_1099] {strides = array<i32>} : memref<16x65xi32, #tpu.memory_space<vmem>>, vector<16xi32>,
    %add3A_1101 = arith.addi %add3A_1096, %get3A_1100 : vector<16xi32>
    %get3A_1102 = arith.constant 14 : i32
    %get3A_1103 = arith.index_cast %get3A_1102 : i32 to index
    %get3A_1104 = arith.constant 32 : index
    %get3A_1105 = tpu.vector_load %arg5[%get3A_1103, %get3A_1104] {strides = array<i32>} : memref<16x65xi32, #tpu.memory_space<vmem>>, vector<16xi32>,
    %add3A_1106 = arith.addi %add3A_1101, %get3A_1105 : vector<16xi32>
    %get3A_1107 = arith.constant 15 : i32
    %get3A_1108 = arith.index_cast %get3A_1107 : i32 to index
    %get3A_1109 = arith.constant 32 : index
    %get3A_1110 = tpu.vector_load %arg5[%get3A_1108, %get3A_1109] {strides = array<i32>} : memref<16x65xi32, #tpu.memory_space<vmem>>, vector<16xi32>,
    %add3A_1111 = arith.addi %add3A_1106, %get3A_1110 : vector<16xi32>
    %swap3A_1112 = arith.constant 1 : i32
    %swap3A_1113 = arith.index_cast %swap3A_1112 : i32 to index
    %swap3A_1114 = arith.constant 32 : index
    %swap3A_1115 = tpu.vector_load %arg6[%swap3A_1113, %swap3A_1114] {strides = array<i32>} : memref<4x80xi32, #tpu.memory_space<vmem>>, vector<16xi32>,
    tpu.vector_store %arg6[%swap3A_1113, %swap3A_1114], %add3A_1111 {strides = array<i32>} : memref<4x80xi32, #tpu.memory_space<vmem>>, vector<16xi32>,
    %get3A_1116 = arith.constant 0 : i32
    %get3A_1117 = arith.index_cast %get3A_1116 : i32 to index
    %get3A_1118 = arith.constant 48 : index
    %get3A_1119 = tpu.vector_load %arg5[%get3A_1117, %get3A_1118] {strides = array<i32>} : memref<16x65xi32, #tpu.memory_space<vmem>>, vector<16xi32>,
    %get3A_1120 = arith.constant 1 : i32
    %get3A_1121 = arith.index_cast %get3A_1120 : i32 to index
    %get3A_1122 = arith.constant 48 : index
    %get3A_1123 = tpu.vector_load %arg5[%get3A_1121, %get3A_1122] {strides = array<i32>} : memref<16x65xi32, #tpu.memory_space<vmem>>, vector<16xi32>,
    %add3A_1124 = arith.addi %get3A_1119, %get3A_1123 : vector<16xi32>
    %get3A_1125 = arith.constant 2 : i32
    %get3A_1126 = arith.index_cast %get3A_1125 : i32 to index
    %get3A_1127 = arith.constant 48 : index
    %get3A_1128 = tpu.vector_load %arg5[%get3A_1126, %get3A_1127] {strides = array<i32>} : memref<16x65xi32, #tpu.memory_space<vmem>>, vector<16xi32>,
    %add3A_1129 = arith.addi %add3A_1124, %get3A_1128 : vector<16xi32>
    %get3A_1130 = arith.constant 3 : i32
    %get3A_1131 = arith.index_cast %get3A_1130 : i32 to index
    %get3A_1132 = arith.constant 48 : index
    %get3A_1133 = tpu.vector_load %arg5[%get3A_1131, %get3A_1132] {strides = array<i32>} : memref<16x65xi32, #tpu.memory_space<vmem>>, vector<16xi32>,
    %add3A_1134 = arith.addi %add3A_1129, %get3A_1133 : vector<16xi32>
    %get3A_1135 = arith.constant 4 : i32
    %get3A_1136 = arith.index_cast %get3A_1135 : i32 to index
    %get3A_1137 = arith.constant 48 : index
    %get3A_1138 = tpu.vector_load %arg5[%get3A_1136, %get3A_1137] {strides = array<i32>} : memref<16x65xi32, #tpu.memory_space<vmem>>, vector<16xi32>,
    %add3A_1139 = arith.addi %add3A_1134, %get3A_1138 : vector<16xi32>
    %get3A_1140 = arith.constant 5 : i32
    %get3A_1141 = arith.index_cast %get3A_1140 : i32 to index
    %get3A_1142 = arith.constant 48 : index
    %get3A_1143 = tpu.vector_load %arg5[%get3A_1141, %get3A_1142] {strides = array<i32>} : memref<16x65xi32, #tpu.memory_space<vmem>>, vector<16xi32>,
    %add3A_1144 = arith.addi %add3A_1139, %get3A_1143 : vector<16xi32>
    %get3A_1145 = arith.constant 6 : i32
    %get3A_1146 = arith.index_cast %get3A_1145 : i32 to index
    %get3A_1147 = arith.constant 48 : index
    %get3A_1148 = tpu.vector_load %arg5[%get3A_1146, %get3A_1147] {strides = array<i32>} : memref<16x65xi32, #tpu.memory_space<vmem>>, vector<16xi32>,
    %add3A_1149 = arith.addi %add3A_1144, %get3A_1148 : vector<16xi32>
    %get3A_1150 = arith.constant 7 : i32
    %get3A_1151 = arith.index_cast %get3A_1150 : i32 to index
    %get3A_1152 = arith.constant 48 : index
    %get3A_1153 = tpu.vector_load %arg5[%get3A_1151, %get3A_1152] {strides = array<i32>} : memref<16x65xi32, #tpu.memory_space<vmem>>, vector<16xi32>,
    %add3A_1154 = arith.addi %add3A_1149, %get3A_1153 : vector<16xi32>
    %get3A_1155 = arith.constant 8 : i32
    %get3A_1156 = arith.index_cast %get3A_1155 : i32 to index
    %get3A_1157 = arith.constant 48 : index
    %get3A_1158 = tpu.vector_load %arg5[%get3A_1156, %get3A_1157] {strides = array<i32>} : memref<16x65xi32, #tpu.memory_space<vmem>>, vector<16xi32>,
    %add3A_1159 = arith.addi %add3A_1154, %get3A_1158 : vector<16xi32>
    %get3A_1160 = arith.constant 9 : i32
    %get3A_1161 = arith.index_cast %get3A_1160 : i32 to index
    %get3A_1162 = arith.constant 48 : index
    %get3A_1163 = tpu.vector_load %arg5[%get3A_1161, %get3A_1162] {strides = array<i32>} : memref<16x65xi32, #tpu.memory_space<vmem>>, vector<16xi32>,
    %add3A_1164 = arith.addi %add3A_1159, %get3A_1163 : vector<16xi32>
    %get3A_1165 = arith.constant 10 : i32
    %get3A_1166 = arith.index_cast %get3A_1165 : i32 to index
    %get3A_1167 = arith.constant 48 : index
    %get3A_1168 = tpu.vector_load %arg5[%get3A_1166, %get3A_1167] {strides = array<i32>} : memref<16x65xi32, #tpu.memory_space<vmem>>, vector<16xi32>,
    %add3A_1169 = arith.addi %add3A_1164, %get3A_1168 : vector<16xi32>
    %get3A_1170 = arith.constant 11 : i32
    %get3A_1171 = arith.index_cast %get3A_1170 : i32 to index
    %get3A_1172 = arith.constant 48 : index
    %get3A_1173 = tpu.vector_load %arg5[%get3A_1171, %get3A_1172] {strides = array<i32>} : memref<16x65xi32, #tpu.memory_space<vmem>>, vector<16xi32>,
    %add3A_1174 = arith.addi %add3A_1169, %get3A_1173 : vector<16xi32>
    %get3A_1175 = arith.constant 12 : i32
    %get3A_1176 = arith.index_cast %get3A_1175 : i32 to index
    %get3A_1177 = arith.constant 48 : index
    %get3A_1178 = tpu.vector_load %arg5[%get3A_1176, %get3A_1177] {strides = array<i32>} : memref<16x65xi32, #tpu.memory_space<vmem>>, vector<16xi32>,
    %add3A_1179 = arith.addi %add3A_1174, %get3A_1178 : vector<16xi32>
    %get3A_1180 = arith.constant 13 : i32
    %get3A_1181 = arith.index_cast %get3A_1180 : i32 to index
    %get3A_1182 = arith.constant 48 : index
    %get3A_1183 = tpu.vector_load %arg5[%get3A_1181, %get3A_1182] {strides = array<i32>} : memref<16x65xi32, #tpu.memory_space<vmem>>, vector<16xi32>,
    %add3A_1184 = arith.addi %add3A_1179, %get3A_1183 : vector<16xi32>
    %get3A_1185 = arith.constant 14 : i32
    %get3A_1186 = arith.index_cast %get3A_1185 : i32 to index
    %get3A_1187 = arith.constant 48 : index
    %get3A_1188 = tpu.vector_load %arg5[%get3A_1186, %get3A_1187] {strides = array<i32>} : memref<16x65xi32, #tpu.memory_space<vmem>>, vector<16xi32>,
    %add3A_1189 = arith.addi %add3A_1184, %get3A_1188 : vector<16xi32>
    %get3A_1190 = arith.constant 15 : i32
    %get3A_1191 = arith.index_cast %get3A_1190 : i32 to index
    %get3A_1192 = arith.constant 48 : index
    %get3A_1193 = tpu.vector_load %arg5[%get3A_1191, %get3A_1192] {strides = array<i32>} : memref<16x65xi32, #tpu.memory_space<vmem>>, vector<16xi32>,
    %add3A_1194 = arith.addi %add3A_1189, %get3A_1193 : vector<16xi32>
    %swap3A_1195 = arith.constant 1 : i32
    %swap3A_1196 = arith.index_cast %swap3A_1195 : i32 to index
    %swap3A_1197 = arith.constant 48 : index
    %swap3A_1198 = tpu.vector_load %arg6[%swap3A_1196, %swap3A_1197] {strides = array<i32>} : memref<4x80xi32, #tpu.memory_space<vmem>>, vector<16xi32>,
    tpu.vector_store %arg6[%swap3A_1196, %swap3A_1197], %add3A_1194 {strides = array<i32>} : memref<4x80xi32, #tpu.memory_space<vmem>>, vector<16xi32>,
    %get3A_1199 = arith.constant 1 : i32
    %get3A_1200 = arith.index_cast %get3A_1199 : i32 to index
    %get3A_1201 = arith.constant 2032 : index
    %get3A_1202 = tpu.vector_load %arg4[%get3A_1200, %get3A_1201] {strides = array<i32>} : memref<4x2048xi32, #tpu.memory_space<vmem>>, vector<16xi32>,
    %swap3A_1203 = arith.constant 1 : i32
    %swap3A_1204 = arith.index_cast %swap3A_1203 : i32 to index
    %swap3A_1205 = arith.constant 64 : index
    %swap3A_1206 = tpu.vector_load %arg6[%swap3A_1204, %swap3A_1205] {strides = array<i32>} : memref<4x80xi32, #tpu.memory_space<vmem>>, vector<16xi32>,
    tpu.vector_store %arg6[%swap3A_1204, %swap3A_1205], %get3A_1202 {strides = array<i32>} : memref<4x80xi32, #tpu.memory_space<vmem>>, vector<16xi32>,
    %swap3A_1207 = arith.constant 0 : i32
    %swap3A_1208 = arith.index_cast %swap3A_1207 : i32 to index
    %swap3A_1209 = arith.constant 0 : index
    %swap3A_1210 = tpu.vector_load %arg5[%swap3A_1208, %swap3A_1209] {strides = array<i32>} : memref<16x65xi32, #tpu.memory_space<vmem>>, vector<16xi32>,
    tpu.vector_store %arg5[%swap3A_1208, %swap3A_1209], %broadcast_in_dim3A_5 {strides = array<i32>} : memref<16x65xi32, #tpu.memory_space<vmem>>, vector<16xi32>,
    %swap3A_1211 = arith.constant 0 : i32
    %swap3A_1212 = arith.index_cast %swap3A_1211 : i32 to index
    %swap3A_1213 = arith.constant 16 : index
    %swap3A_1214 = tpu.vector_load %arg5[%swap3A_1212, %swap3A_1213] {strides = array<i32>} : memref<16x65xi32, #tpu.memory_space<vmem>>, vector<16xi32>,
    tpu.vector_store %arg5[%swap3A_1212, %swap3A_1213], %broadcast_in_dim3A_5 {strides = array<i32>} : memref<16x65xi32, #tpu.memory_space<vmem>>, vector<16xi32>,
    %swap3A_1215 = arith.constant 0 : i32
    %swap3A_1216 = arith.index_cast %swap3A_1215 : i32 to index
    %swap3A_1217 = arith.constant 32 : index
    %swap3A_1218 = tpu.vector_load %arg5[%swap3A_1216, %swap3A_1217] {strides = array<i32>} : memref<16x65xi32, #tpu.memory_space<vmem>>, vector<16xi32>,
    tpu.vector_store %arg5[%swap3A_1216, %swap3A_1217], %broadcast_in_dim3A_5 {strides = array<i32>} : memref<16x65xi32, #tpu.memory_space<vmem>>, vector<16xi32>,
    %swap3A_1219 = arith.constant 0 : i32
    %swap3A_1220 = arith.index_cast %swap3A_1219 : i32 to index
    %swap3A_1221 = arith.constant 48 : index
    %swap3A_1222 = tpu.vector_load %arg5[%swap3A_1220, %swap3A_1221] {strides = array<i32>} : memref<16x65xi32, #tpu.memory_space<vmem>>, vector<16xi32>,
    tpu.vector_store %arg5[%swap3A_1220, %swap3A_1221], %broadcast_in_dim3A_5 {strides = array<i32>} : memref<16x65xi32, #tpu.memory_space<vmem>>, vector<16xi32>,
    %swap3A_1223 = arith.constant 1 : i32
    %swap3A_1224 = arith.index_cast %swap3A_1223 : i32 to index
    %swap3A_1225 = arith.constant 0 : index
    %swap3A_1226 = tpu.vector_load %arg5[%swap3A_1224, %swap3A_1225] {strides = array<i32>} : memref<16x65xi32, #tpu.memory_space<vmem>>, vector<16xi32>,
    tpu.vector_store %arg5[%swap3A_1224, %swap3A_1225], %broadcast_in_dim3A_5 {strides = array<i32>} : memref<16x65xi32, #tpu.memory_space<vmem>>, vector<16xi32>,
    %swap3A_1227 = arith.constant 1 : i32
    %swap3A_1228 = arith.index_cast %swap3A_1227 : i32 to index
    %swap3A_1229 = arith.constant 16 : index
    %swap3A_1230 = tpu.vector_load %arg5[%swap3A_1228, %swap3A_1229] {strides = array<i32>} : memref<16x65xi32, #tpu.memory_space<vmem>>, vector<16xi32>,
    tpu.vector_store %arg5[%swap3A_1228, %swap3A_1229], %broadcast_in_dim3A_5 {strides = array<i32>} : memref<16x65xi32, #tpu.memory_space<vmem>>, vector<16xi32>,
    %swap3A_1231 = arith.constant 1 : i32
    %swap3A_1232 = arith.index_cast %swap3A_1231 : i32 to index
    %swap3A_1233 = arith.constant 32 : index
    %swap3A_1234 = tpu.vector_load %arg5[%swap3A_1232, %swap3A_1233] {strides = array<i32>} : memref<16x65xi32, #tpu.memory_space<vmem>>, vector<16xi32>,
    tpu.vector_store %arg5[%swap3A_1232, %swap3A_1233], %broadcast_in_dim3A_5 {strides = array<i32>} : memref<16x65xi32, #tpu.memory_space<vmem>>, vector<16xi32>,
    %swap3A_1235 = arith.constant 1 : i32
    %swap3A_1236 = arith.index_cast %swap3A_1235 : i32 to index
    %swap3A_1237 = arith.constant 48 : index
    %swap3A_1238 = tpu.vector_load %arg5[%swap3A_1236, %swap3A_1237] {strides = array<i32>} : memref<16x65xi32, #tpu.memory_space<vmem>>, vector<16xi32>,
    tpu.vector_store %arg5[%swap3A_1236, %swap3A_1237], %broadcast_in_dim3A_5 {strides = array<i32>} : memref<16x65xi32, #tpu.memory_space<vmem>>, vector<16xi32>,
    %swap3A_1239 = arith.constant 2 : i32
    %swap3A_1240 = arith.index_cast %swap3A_1239 : i32 to index
    %swap3A_1241 = arith.constant 0 : index
    %swap3A_1242 = tpu.vector_load %arg5[%swap3A_1240, %swap3A_1241] {strides = array<i32>} : memref<16x65xi32, #tpu.memory_space<vmem>>, vector<16xi32>,
    tpu.vector_store %arg5[%swap3A_1240, %swap3A_1241], %broadcast_in_dim3A_5 {strides = array<i32>} : memref<16x65xi32, #tpu.memory_space<vmem>>, vector<16xi32>,
    %swap3A_1243 = arith.constant 2 : i32
    %swap3A_1244 = arith.index_cast %swap3A_1243 : i32 to index
    %swap3A_1245 = arith.constant 16 : index
    %swap3A_1246 = tpu.vector_load %arg5[%swap3A_1244, %swap3A_1245] {strides = array<i32>} : memref<16x65xi32, #tpu.memory_space<vmem>>, vector<16xi32>,
    tpu.vector_store %arg5[%swap3A_1244, %swap3A_1245], %broadcast_in_dim3A_5 {strides = array<i32>} : memref<16x65xi32, #tpu.memory_space<vmem>>, vector<16xi32>,
    %swap3A_1247 = arith.constant 2 : i32
    %swap3A_1248 = arith.index_cast %swap3A_1247 : i32 to index
    %swap3A_1249 = arith.constant 32 : index
    %swap3A_1250 = tpu.vector_load %arg5[%swap3A_1248, %swap3A_1249] {strides = array<i32>} : memref<16x65xi32, #tpu.memory_space<vmem>>, vector<16xi32>,
    tpu.vector_store %arg5[%swap3A_1248, %swap3A_1249], %broadcast_in_dim3A_5 {strides = array<i32>} : memref<16x65xi32, #tpu.memory_space<vmem>>, vector<16xi32>,
    %swap3A_1251 = arith.constant 2 : i32
    %swap3A_1252 = arith.index_cast %swap3A_1251 : i32 to index
    %swap3A_1253 = arith.constant 48 : index
    %swap3A_1254 = tpu.vector_load %arg5[%swap3A_1252, %swap3A_1253] {strides = array<i32>} : memref<16x65xi32, #tpu.memory_space<vmem>>, vector<16xi32>,
    tpu.vector_store %arg5[%swap3A_1252, %swap3A_1253], %broadcast_in_dim3A_5 {strides = array<i32>} : memref<16x65xi32, #tpu.memory_space<vmem>>, vector<16xi32>,
    %swap3A_1255 = arith.constant 3 : i32
    %swap3A_1256 = arith.index_cast %swap3A_1255 : i32 to index
    %swap3A_1257 = arith.constant 0 : index
    %swap3A_1258 = tpu.vector_load %arg5[%swap3A_1256, %swap3A_1257] {strides = array<i32>} : memref<16x65xi32, #tpu.memory_space<vmem>>, vector<16xi32>,
    tpu.vector_store %arg5[%swap3A_1256, %swap3A_1257], %broadcast_in_dim3A_5 {strides = array<i32>} : memref<16x65xi32, #tpu.memory_space<vmem>>, vector<16xi32>,
    %swap3A_1259 = arith.constant 3 : i32
    %swap3A_1260 = arith.index_cast %swap3A_1259 : i32 to index
    %swap3A_1261 = arith.constant 16 : index
    %swap3A_1262 = tpu.vector_load %arg5[%swap3A_1260, %swap3A_1261] {strides = array<i32>} : memref<16x65xi32, #tpu.memory_space<vmem>>, vector<16xi32>,
    tpu.vector_store %arg5[%swap3A_1260, %swap3A_1261], %broadcast_in_dim3A_5 {strides = array<i32>} : memref<16x65xi32, #tpu.memory_space<vmem>>, vector<16xi32>,
    %swap3A_1263 = arith.constant 3 : i32
    %swap3A_1264 = arith.index_cast %swap3A_1263 : i32 to index
    %swap3A_1265 = arith.constant 32 : index
    %swap3A_1266 = tpu.vector_load %arg5[%swap3A_1264, %swap3A_1265] {strides = array<i32>} : memref<16x65xi32, #tpu.memory_space<vmem>>, vector<16xi32>,
    tpu.vector_store %arg5[%swap3A_1264, %swap3A_1265], %broadcast_in_dim3A_5 {strides = array<i32>} : memref<16x65xi32, #tpu.memory_space<vmem>>, vector<16xi32>,
    %swap3A_1267 = arith.constant 3 : i32
    %swap3A_1268 = arith.index_cast %swap3A_1267 : i32 to index
    %swap3A_1269 = arith.constant 48 : index
    %swap3A_1270 = tpu.vector_load %arg5[%swap3A_1268, %swap3A_1269] {strides = array<i32>} : memref<16x65xi32, #tpu.memory_space<vmem>>, vector<16xi32>,
    tpu.vector_store %arg5[%swap3A_1268, %swap3A_1269], %broadcast_in_dim3A_5 {strides = array<i32>} : memref<16x65xi32, #tpu.memory_space<vmem>>, vector<16xi32>,
    %swap3A_1271 = arith.constant 4 : i32
    %swap3A_1272 = arith.index_cast %swap3A_1271 : i32 to index
    %swap3A_1273 = arith.constant 0 : index
    %swap3A_1274 = tpu.vector_load %arg5[%swap3A_1272, %swap3A_1273] {strides = array<i32>} : memref<16x65xi32, #tpu.memory_space<vmem>>, vector<16xi32>,
    tpu.vector_store %arg5[%swap3A_1272, %swap3A_1273], %broadcast_in_dim3A_5 {strides = array<i32>} : memref<16x65xi32, #tpu.memory_space<vmem>>, vector<16xi32>,
    %swap3A_1275 = arith.constant 4 : i32
    %swap3A_1276 = arith.index_cast %swap3A_1275 : i32 to index
    %swap3A_1277 = arith.constant 16 : index
    %swap3A_1278 = tpu.vector_load %arg5[%swap3A_1276, %swap3A_1277] {strides = array<i32>} : memref<16x65xi32, #tpu.memory_space<vmem>>, vector<16xi32>,
    tpu.vector_store %arg5[%swap3A_1276, %swap3A_1277], %broadcast_in_dim3A_5 {strides = array<i32>} : memref<16x65xi32, #tpu.memory_space<vmem>>, vector<16xi32>,
    %swap3A_1279 = arith.constant 4 : i32
    %swap3A_1280 = arith.index_cast %swap3A_1279 : i32 to index
    %swap3A_1281 = arith.constant 32 : index
    %swap3A_1282 = tpu.vector_load %arg5[%swap3A_1280, %swap3A_1281] {strides = array<i32>} : memref<16x65xi32, #tpu.memory_space<vmem>>, vector<16xi32>,
    tpu.vector_store %arg5[%swap3A_1280, %swap3A_1281], %broadcast_in_dim3A_5 {strides = array<i32>} : memref<16x65xi32, #tpu.memory_space<vmem>>, vector<16xi32>,
    %swap3A_1283 = arith.constant 4 : i32
    %swap3A_1284 = arith.index_cast %swap3A_1283 : i32 to index
    %swap3A_1285 = arith.constant 48 : index
    %swap3A_1286 = tpu.vector_load %arg5[%swap3A_1284, %swap3A_1285] {strides = array<i32>} : memref<16x65xi32, #tpu.memory_space<vmem>>, vector<16xi32>,
    tpu.vector_store %arg5[%swap3A_1284, %swap3A_1285], %broadcast_in_dim3A_5 {strides = array<i32>} : memref<16x65xi32, #tpu.memory_space<vmem>>, vector<16xi32>,
    %swap3A_1287 = arith.constant 5 : i32
    %swap3A_1288 = arith.index_cast %swap3A_1287 : i32 to index
    %swap3A_1289 = arith.constant 0 : index
    %swap3A_1290 = tpu.vector_load %arg5[%swap3A_1288, %swap3A_1289] {strides = array<i32>} : memref<16x65xi32, #tpu.memory_space<vmem>>, vector<16xi32>,
    tpu.vector_store %arg5[%swap3A_1288, %swap3A_1289], %broadcast_in_dim3A_5 {strides = array<i32>} : memref<16x65xi32, #tpu.memory_space<vmem>>, vector<16xi32>,
    %swap3A_1291 = arith.constant 5 : i32
    %swap3A_1292 = arith.index_cast %swap3A_1291 : i32 to index
    %swap3A_1293 = arith.constant 16 : index
    %swap3A_1294 = tpu.vector_load %arg5[%swap3A_1292, %swap3A_1293] {strides = array<i32>} : memref<16x65xi32, #tpu.memory_space<vmem>>, vector<16xi32>,
    tpu.vector_store %arg5[%swap3A_1292, %swap3A_1293], %broadcast_in_dim3A_5 {strides = array<i32>} : memref<16x65xi32, #tpu.memory_space<vmem>>, vector<16xi32>,
    %swap3A_1295 = arith.constant 5 : i32
    %swap3A_1296 = arith.index_cast %swap3A_1295 : i32 to index
    %swap3A_1297 = arith.constant 32 : index
    %swap3A_1298 = tpu.vector_load %arg5[%swap3A_1296, %swap3A_1297] {strides = array<i32>} : memref<16x65xi32, #tpu.memory_space<vmem>>, vector<16xi32>,
    tpu.vector_store %arg5[%swap3A_1296, %swap3A_1297], %broadcast_in_dim3A_5 {strides = array<i32>} : memref<16x65xi32, #tpu.memory_space<vmem>>, vector<16xi32>,
    %swap3A_1299 = arith.constant 5 : i32
    %swap3A_1300 = arith.index_cast %swap3A_1299 : i32 to index
    %swap3A_1301 = arith.constant 48 : index
    %swap3A_1302 = tpu.vector_load %arg5[%swap3A_1300, %swap3A_1301] {strides = array<i32>} : memref<16x65xi32, #tpu.memory_space<vmem>>, vector<16xi32>,
    tpu.vector_store %arg5[%swap3A_1300, %swap3A_1301], %broadcast_in_dim3A_5 {strides = array<i32>} : memref<16x65xi32, #tpu.memory_space<vmem>>, vector<16xi32>,
    %swap3A_1303 = arith.constant 6 : i32
    %swap3A_1304 = arith.index_cast %swap3A_1303 : i32 to index
    %swap3A_1305 = arith.constant 0 : index
    %swap3A_1306 = tpu.vector_load %arg5[%swap3A_1304, %swap3A_1305] {strides = array<i32>} : memref<16x65xi32, #tpu.memory_space<vmem>>, vector<16xi32>,
    tpu.vector_store %arg5[%swap3A_1304, %swap3A_1305], %broadcast_in_dim3A_5 {strides = array<i32>} : memref<16x65xi32, #tpu.memory_space<vmem>>, vector<16xi32>,
    %swap3A_1307 = arith.constant 6 : i32
    %swap3A_1308 = arith.index_cast %swap3A_1307 : i32 to index
    %swap3A_1309 = arith.constant 16 : index
    %swap3A_1310 = tpu.vector_load %arg5[%swap3A_1308, %swap3A_1309] {strides = array<i32>} : memref<16x65xi32, #tpu.memory_space<vmem>>, vector<16xi32>,
    tpu.vector_store %arg5[%swap3A_1308, %swap3A_1309], %broadcast_in_dim3A_5 {strides = array<i32>} : memref<16x65xi32, #tpu.memory_space<vmem>>, vector<16xi32>,
    %swap3A_1311 = arith.constant 6 : i32
    %swap3A_1312 = arith.index_cast %swap3A_1311 : i32 to index
    %swap3A_1313 = arith.constant 32 : index
    %swap3A_1314 = tpu.vector_load %arg5[%swap3A_1312, %swap3A_1313] {strides = array<i32>} : memref<16x65xi32, #tpu.memory_space<vmem>>, vector<16xi32>,
    tpu.vector_store %arg5[%swap3A_1312, %swap3A_1313], %broadcast_in_dim3A_5 {strides = array<i32>} : memref<16x65xi32, #tpu.memory_space<vmem>>, vector<16xi32>,
    %swap3A_1315 = arith.constant 6 : i32
    %swap3A_1316 = arith.index_cast %swap3A_1315 : i32 to index
    %swap3A_1317 = arith.constant 48 : index
    %swap3A_1318 = tpu.vector_load %arg5[%swap3A_1316, %swap3A_1317] {strides = array<i32>} : memref<16x65xi32, #tpu.memory_space<vmem>>, vector<16xi32>,
    tpu.vector_store %arg5[%swap3A_1316, %swap3A_1317], %broadcast_in_dim3A_5 {strides = array<i32>} : memref<16x65xi32, #tpu.memory_space<vmem>>, vector<16xi32>,
    %swap3A_1319 = arith.constant 7 : i32
    %swap3A_1320 = arith.index_cast %swap3A_1319 : i32 to index
    %swap3A_1321 = arith.constant 0 : index
    %swap3A_1322 = tpu.vector_load %arg5[%swap3A_1320, %swap3A_1321] {strides = array<i32>} : memref<16x65xi32, #tpu.memory_space<vmem>>, vector<16xi32>,
    tpu.vector_store %arg5[%swap3A_1320, %swap3A_1321], %broadcast_in_dim3A_5 {strides = array<i32>} : memref<16x65xi32, #tpu.memory_space<vmem>>, vector<16xi32>,
    %swap3A_1323 = arith.constant 7 : i32
    %swap3A_1324 = arith.index_cast %swap3A_1323 : i32 to index
    %swap3A_1325 = arith.constant 16 : index
    %swap3A_1326 = tpu.vector_load %arg5[%swap3A_1324, %swap3A_1325] {strides = array<i32>} : memref<16x65xi32, #tpu.memory_space<vmem>>, vector<16xi32>,
    tpu.vector_store %arg5[%swap3A_1324, %swap3A_1325], %broadcast_in_dim3A_5 {strides = array<i32>} : memref<16x65xi32, #tpu.memory_space<vmem>>, vector<16xi32>,
    %swap3A_1327 = arith.constant 7 : i32
    %swap3A_1328 = arith.index_cast %swap3A_1327 : i32 to index
    %swap3A_1329 = arith.constant 32 : index
    %swap3A_1330 = tpu.vector_load %arg5[%swap3A_1328, %swap3A_1329] {strides = array<i32>} : memref<16x65xi32, #tpu.memory_space<vmem>>, vector<16xi32>,
    tpu.vector_store %arg5[%swap3A_1328, %swap3A_1329], %broadcast_in_dim3A_5 {strides = array<i32>} : memref<16x65xi32, #tpu.memory_space<vmem>>, vector<16xi32>,
    %swap3A_1331 = arith.constant 7 : i32
    %swap3A_1332 = arith.index_cast %swap3A_1331 : i32 to index
    %swap3A_1333 = arith.constant 48 : index
    %swap3A_1334 = tpu.vector_load %arg5[%swap3A_1332, %swap3A_1333] {strides = array<i32>} : memref<16x65xi32, #tpu.memory_space<vmem>>, vector<16xi32>,
    tpu.vector_store %arg5[%swap3A_1332, %swap3A_1333], %broadcast_in_dim3A_5 {strides = array<i32>} : memref<16x65xi32, #tpu.memory_space<vmem>>, vector<16xi32>,
    %swap3A_1335 = arith.constant 8 : i32
    %swap3A_1336 = arith.index_cast %swap3A_1335 : i32 to index
    %swap3A_1337 = arith.constant 0 : index
    %swap3A_1338 = tpu.vector_load %arg5[%swap3A_1336, %swap3A_1337] {strides = array<i32>} : memref<16x65xi32, #tpu.memory_space<vmem>>, vector<16xi32>,
    tpu.vector_store %arg5[%swap3A_1336, %swap3A_1337], %broadcast_in_dim3A_5 {strides = array<i32>} : memref<16x65xi32, #tpu.memory_space<vmem>>, vector<16xi32>,
    %swap3A_1339 = arith.constant 8 : i32
    %swap3A_1340 = arith.index_cast %swap3A_1339 : i32 to index
    %swap3A_1341 = arith.constant 16 : index
    %swap3A_1342 = tpu.vector_load %arg5[%swap3A_1340, %swap3A_1341] {strides = array<i32>} : memref<16x65xi32, #tpu.memory_space<vmem>>, vector<16xi32>,
    tpu.vector_store %arg5[%swap3A_1340, %swap3A_1341], %broadcast_in_dim3A_5 {strides = array<i32>} : memref<16x65xi32, #tpu.memory_space<vmem>>, vector<16xi32>,
    %swap3A_1343 = arith.constant 8 : i32
    %swap3A_1344 = arith.index_cast %swap3A_1343 : i32 to index
    %swap3A_1345 = arith.constant 32 : index
    %swap3A_1346 = tpu.vector_load %arg5[%swap3A_1344, %swap3A_1345] {strides = array<i32>} : memref<16x65xi32, #tpu.memory_space<vmem>>, vector<16xi32>,
    tpu.vector_store %arg5[%swap3A_1344, %swap3A_1345], %broadcast_in_dim3A_5 {strides = array<i32>} : memref<16x65xi32, #tpu.memory_space<vmem>>, vector<16xi32>,
    %swap3A_1347 = arith.constant 8 : i32
    %swap3A_1348 = arith.index_cast %swap3A_1347 : i32 to index
    %swap3A_1349 = arith.constant 48 : index
    %swap3A_1350 = tpu.vector_load %arg5[%swap3A_1348, %swap3A_1349] {strides = array<i32>} : memref<16x65xi32, #tpu.memory_space<vmem>>, vector<16xi32>,
    tpu.vector_store %arg5[%swap3A_1348, %swap3A_1349], %broadcast_in_dim3A_5 {strides = array<i32>} : memref<16x65xi32, #tpu.memory_space<vmem>>, vector<16xi32>,
    %swap3A_1351 = arith.constant 9 : i32
    %swap3A_1352 = arith.index_cast %swap3A_1351 : i32 to index
    %swap3A_1353 = arith.constant 0 : index
    %swap3A_1354 = tpu.vector_load %arg5[%swap3A_1352, %swap3A_1353] {strides = array<i32>} : memref<16x65xi32, #tpu.memory_space<vmem>>, vector<16xi32>,
    tpu.vector_store %arg5[%swap3A_1352, %swap3A_1353], %broadcast_in_dim3A_5 {strides = array<i32>} : memref<16x65xi32, #tpu.memory_space<vmem>>, vector<16xi32>,
    %swap3A_1355 = arith.constant 9 : i32
    %swap3A_1356 = arith.index_cast %swap3A_1355 : i32 to index
    %swap3A_1357 = arith.constant 16 : index
    %swap3A_1358 = tpu.vector_load %arg5[%swap3A_1356, %swap3A_1357] {strides = array<i32>} : memref<16x65xi32, #tpu.memory_space<vmem>>, vector<16xi32>,
    tpu.vector_store %arg5[%swap3A_1356, %swap3A_1357], %broadcast_in_dim3A_5 {strides = array<i32>} : memref<16x65xi32, #tpu.memory_space<vmem>>, vector<16xi32>,
    %swap3A_1359 = arith.constant 9 : i32
    %swap3A_1360 = arith.index_cast %swap3A_1359 : i32 to index
    %swap3A_1361 = arith.constant 32 : index
    %swap3A_1362 = tpu.vector_load %arg5[%swap3A_1360, %swap3A_1361] {strides = array<i32>} : memref<16x65xi32, #tpu.memory_space<vmem>>, vector<16xi32>,
    tpu.vector_store %arg5[%swap3A_1360, %swap3A_1361], %broadcast_in_dim3A_5 {strides = array<i32>} : memref<16x65xi32, #tpu.memory_space<vmem>>, vector<16xi32>,
    %swap3A_1363 = arith.constant 9 : i32
    %swap3A_1364 = arith.index_cast %swap3A_1363 : i32 to index
    %swap3A_1365 = arith.constant 48 : index
    %swap3A_1366 = tpu.vector_load %arg5[%swap3A_1364, %swap3A_1365] {strides = array<i32>} : memref<16x65xi32, #tpu.memory_space<vmem>>, vector<16xi32>,
    tpu.vector_store %arg5[%swap3A_1364, %swap3A_1365], %broadcast_in_dim3A_5 {strides = array<i32>} : memref<16x65xi32, #tpu.memory_space<vmem>>, vector<16xi32>,
    %swap3A_1367 = arith.constant 10 : i32
    %swap3A_1368 = arith.index_cast %swap3A_1367 : i32 to index
    %swap3A_1369 = arith.constant 0 : index
    %swap3A_1370 = tpu.vector_load %arg5[%swap3A_1368, %swap3A_1369] {strides = array<i32>} : memref<16x65xi32, #tpu.memory_space<vmem>>, vector<16xi32>,
    tpu.vector_store %arg5[%swap3A_1368, %swap3A_1369], %broadcast_in_dim3A_5 {strides = array<i32>} : memref<16x65xi32, #tpu.memory_space<vmem>>, vector<16xi32>,
    %swap3A_1371 = arith.constant 10 : i32
    %swap3A_1372 = arith.index_cast %swap3A_1371 : i32 to index
    %swap3A_1373 = arith.constant 16 : index
    %swap3A_1374 = tpu.vector_load %arg5[%swap3A_1372, %swap3A_1373] {strides = array<i32>} : memref<16x65xi32, #tpu.memory_space<vmem>>, vector<16xi32>,
    tpu.vector_store %arg5[%swap3A_1372, %swap3A_1373], %broadcast_in_dim3A_5 {strides = array<i32>} : memref<16x65xi32, #tpu.memory_space<vmem>>, vector<16xi32>,
    %swap3A_1375 = arith.constant 10 : i32
    %swap3A_1376 = arith.index_cast %swap3A_1375 : i32 to index
    %swap3A_1377 = arith.constant 32 : index
    %swap3A_1378 = tpu.vector_load %arg5[%swap3A_1376, %swap3A_1377] {strides = array<i32>} : memref<16x65xi32, #tpu.memory_space<vmem>>, vector<16xi32>,
    tpu.vector_store %arg5[%swap3A_1376, %swap3A_1377], %broadcast_in_dim3A_5 {strides = array<i32>} : memref<16x65xi32, #tpu.memory_space<vmem>>, vector<16xi32>,
    %swap3A_1379 = arith.constant 10 : i32
    %swap3A_1380 = arith.index_cast %swap3A_1379 : i32 to index
    %swap3A_1381 = arith.constant 48 : index
    %swap3A_1382 = tpu.vector_load %arg5[%swap3A_1380, %swap3A_1381] {strides = array<i32>} : memref<16x65xi32, #tpu.memory_space<vmem>>, vector<16xi32>,
    tpu.vector_store %arg5[%swap3A_1380, %swap3A_1381], %broadcast_in_dim3A_5 {strides = array<i32>} : memref<16x65xi32, #tpu.memory_space<vmem>>, vector<16xi32>,
    %swap3A_1383 = arith.constant 11 : i32
    %swap3A_1384 = arith.index_cast %swap3A_1383 : i32 to index
    %swap3A_1385 = arith.constant 0 : index
    %swap3A_1386 = tpu.vector_load %arg5[%swap3A_1384, %swap3A_1385] {strides = array<i32>} : memref<16x65xi32, #tpu.memory_space<vmem>>, vector<16xi32>,
    tpu.vector_store %arg5[%swap3A_1384, %swap3A_1385], %broadcast_in_dim3A_5 {strides = array<i32>} : memref<16x65xi32, #tpu.memory_space<vmem>>, vector<16xi32>,
    %swap3A_1387 = arith.constant 11 : i32
    %swap3A_1388 = arith.index_cast %swap3A_1387 : i32 to index
    %swap3A_1389 = arith.constant 16 : index
    %swap3A_1390 = tpu.vector_load %arg5[%swap3A_1388, %swap3A_1389] {strides = array<i32>} : memref<16x65xi32, #tpu.memory_space<vmem>>, vector<16xi32>,
    tpu.vector_store %arg5[%swap3A_1388, %swap3A_1389], %broadcast_in_dim3A_5 {strides = array<i32>} : memref<16x65xi32, #tpu.memory_space<vmem>>, vector<16xi32>,
    %swap3A_1391 = arith.constant 11 : i32
    %swap3A_1392 = arith.index_cast %swap3A_1391 : i32 to index
    %swap3A_1393 = arith.constant 32 : index
    %swap3A_1394 = tpu.vector_load %arg5[%swap3A_1392, %swap3A_1393] {strides = array<i32>} : memref<16x65xi32, #tpu.memory_space<vmem>>, vector<16xi32>,
    tpu.vector_store %arg5[%swap3A_1392, %swap3A_1393], %broadcast_in_dim3A_5 {strides = array<i32>} : memref<16x65xi32, #tpu.memory_space<vmem>>, vector<16xi32>,
    %swap3A_1395 = arith.constant 11 : i32
    %swap3A_1396 = arith.index_cast %swap3A_1395 : i32 to index
    %swap3A_1397 = arith.constant 48 : index
    %swap3A_1398 = tpu.vector_load %arg5[%swap3A_1396, %swap3A_1397] {strides = array<i32>} : memref<16x65xi32, #tpu.memory_space<vmem>>, vector<16xi32>,
    tpu.vector_store %arg5[%swap3A_1396, %swap3A_1397], %broadcast_in_dim3A_5 {strides = array<i32>} : memref<16x65xi32, #tpu.memory_space<vmem>>, vector<16xi32>,
    %swap3A_1399 = arith.constant 12 : i32
    %swap3A_1400 = arith.index_cast %swap3A_1399 : i32 to index
    %swap3A_1401 = arith.constant 0 : index
    %swap3A_1402 = tpu.vector_load %arg5[%swap3A_1400, %swap3A_1401] {strides = array<i32>} : memref<16x65xi32, #tpu.memory_space<vmem>>, vector<16xi32>,
    tpu.vector_store %arg5[%swap3A_1400, %swap3A_1401], %broadcast_in_dim3A_5 {strides = array<i32>} : memref<16x65xi32, #tpu.memory_space<vmem>>, vector<16xi32>,
    %swap3A_1403 = arith.constant 12 : i32
    %swap3A_1404 = arith.index_cast %swap3A_1403 : i32 to index
    %swap3A_1405 = arith.constant 16 : index
    %swap3A_1406 = tpu.vector_load %arg5[%swap3A_1404, %swap3A_1405] {strides = array<i32>} : memref<16x65xi32, #tpu.memory_space<vmem>>, vector<16xi32>,
    tpu.vector_store %arg5[%swap3A_1404, %swap3A_1405], %broadcast_in_dim3A_5 {strides = array<i32>} : memref<16x65xi32, #tpu.memory_space<vmem>>, vector<16xi32>,
    %swap3A_1407 = arith.constant 12 : i32
    %swap3A_1408 = arith.index_cast %swap3A_1407 : i32 to index
    %swap3A_1409 = arith.constant 32 : index
    %swap3A_1410 = tpu.vector_load %arg5[%swap3A_1408, %swap3A_1409] {strides = array<i32>} : memref<16x65xi32, #tpu.memory_space<vmem>>, vector<16xi32>,
    tpu.vector_store %arg5[%swap3A_1408, %swap3A_1409], %broadcast_in_dim3A_5 {strides = array<i32>} : memref<16x65xi32, #tpu.memory_space<vmem>>, vector<16xi32>,
    %swap3A_1411 = arith.constant 12 : i32
    %swap3A_1412 = arith.index_cast %swap3A_1411 : i32 to index
    %swap3A_1413 = arith.constant 48 : index
    %swap3A_1414 = tpu.vector_load %arg5[%swap3A_1412, %swap3A_1413] {strides = array<i32>} : memref<16x65xi32, #tpu.memory_space<vmem>>, vector<16xi32>,
    tpu.vector_store %arg5[%swap3A_1412, %swap3A_1413], %broadcast_in_dim3A_5 {strides = array<i32>} : memref<16x65xi32, #tpu.memory_space<vmem>>, vector<16xi32>,
    %swap3A_1415 = arith.constant 13 : i32
    %swap3A_1416 = arith.index_cast %swap3A_1415 : i32 to index
    %swap3A_1417 = arith.constant 0 : index
    %swap3A_1418 = tpu.vector_load %arg5[%swap3A_1416, %swap3A_1417] {strides = array<i32>} : memref<16x65xi32, #tpu.memory_space<vmem>>, vector<16xi32>,
    tpu.vector_store %arg5[%swap3A_1416, %swap3A_1417], %broadcast_in_dim3A_5 {strides = array<i32>} : memref<16x65xi32, #tpu.memory_space<vmem>>, vector<16xi32>,
    %swap3A_1419 = arith.constant 13 : i32
    %swap3A_1420 = arith.index_cast %swap3A_1419 : i32 to index
    %swap3A_1421 = arith.constant 16 : index
    %swap3A_1422 = tpu.vector_load %arg5[%swap3A_1420, %swap3A_1421] {strides = array<i32>} : memref<16x65xi32, #tpu.memory_space<vmem>>, vector<16xi32>,
    tpu.vector_store %arg5[%swap3A_1420, %swap3A_1421], %broadcast_in_dim3A_5 {strides = array<i32>} : memref<16x65xi32, #tpu.memory_space<vmem>>, vector<16xi32>,
    %swap3A_1423 = arith.constant 13 : i32
    %swap3A_1424 = arith.index_cast %swap3A_1423 : i32 to index
    %swap3A_1425 = arith.constant 32 : index
    %swap3A_1426 = tpu.vector_load %arg5[%swap3A_1424, %swap3A_1425] {strides = array<i32>} : memref<16x65xi32, #tpu.memory_space<vmem>>, vector<16xi32>,
    tpu.vector_store %arg5[%swap3A_1424, %swap3A_1425], %broadcast_in_dim3A_5 {strides = array<i32>} : memref<16x65xi32, #tpu.memory_space<vmem>>, vector<16xi32>,
    %swap3A_1427 = arith.constant 13 : i32
    %swap3A_1428 = arith.index_cast %swap3A_1427 : i32 to index
    %swap3A_1429 = arith.constant 48 : index
    %swap3A_1430 = tpu.vector_load %arg5[%swap3A_1428, %swap3A_1429] {strides = array<i32>} : memref<16x65xi32, #tpu.memory_space<vmem>>, vector<16xi32>,
    tpu.vector_store %arg5[%swap3A_1428, %swap3A_1429], %broadcast_in_dim3A_5 {strides = array<i32>} : memref<16x65xi32, #tpu.memory_space<vmem>>, vector<16xi32>,
    %swap3A_1431 = arith.constant 14 : i32
    %swap3A_1432 = arith.index_cast %swap3A_1431 : i32 to index
    %swap3A_1433 = arith.constant 0 : index
    %swap3A_1434 = tpu.vector_load %arg5[%swap3A_1432, %swap3A_1433] {strides = array<i32>} : memref<16x65xi32, #tpu.memory_space<vmem>>, vector<16xi32>,
    tpu.vector_store %arg5[%swap3A_1432, %swap3A_1433], %broadcast_in_dim3A_5 {strides = array<i32>} : memref<16x65xi32, #tpu.memory_space<vmem>>, vector<16xi32>,
    %swap3A_1435 = arith.constant 14 : i32
    %swap3A_1436 = arith.index_cast %swap3A_1435 : i32 to index
    %swap3A_1437 = arith.constant 16 : index
    %swap3A_1438 = tpu.vector_load %arg5[%swap3A_1436, %swap3A_1437] {strides = array<i32>} : memref<16x65xi32, #tpu.memory_space<vmem>>, vector<16xi32>,
    tpu.vector_store %arg5[%swap3A_1436, %swap3A_1437], %broadcast_in_dim3A_5 {strides = array<i32>} : memref<16x65xi32, #tpu.memory_space<vmem>>, vector<16xi32>,
    %swap3A_1439 = arith.constant 14 : i32
    %swap3A_1440 = arith.index_cast %swap3A_1439 : i32 to index
    %swap3A_1441 = arith.constant 32 : index
    %swap3A_1442 = tpu.vector_load %arg5[%swap3A_1440, %swap3A_1441] {strides = array<i32>} : memref<16x65xi32, #tpu.memory_space<vmem>>, vector<16xi32>,
    tpu.vector_store %arg5[%swap3A_1440, %swap3A_1441], %broadcast_in_dim3A_5 {strides = array<i32>} : memref<16x65xi32, #tpu.memory_space<vmem>>, vector<16xi32>,
    %swap3A_1443 = arith.constant 14 : i32
    %swap3A_1444 = arith.index_cast %swap3A_1443 : i32 to index
    %swap3A_1445 = arith.constant 48 : index
    %swap3A_1446 = tpu.vector_load %arg5[%swap3A_1444, %swap3A_1445] {strides = array<i32>} : memref<16x65xi32, #tpu.memory_space<vmem>>, vector<16xi32>,
    tpu.vector_store %arg5[%swap3A_1444, %swap3A_1445], %broadcast_in_dim3A_5 {strides = array<i32>} : memref<16x65xi32, #tpu.memory_space<vmem>>, vector<16xi32>,
    %swap3A_1447 = arith.constant 15 : i32
    %swap3A_1448 = arith.index_cast %swap3A_1447 : i32 to index
    %swap3A_1449 = arith.constant 0 : index
    %swap3A_1450 = tpu.vector_load %arg5[%swap3A_1448, %swap3A_1449] {strides = array<i32>} : memref<16x65xi32, #tpu.memory_space<vmem>>, vector<16xi32>,
    tpu.vector_store %arg5[%swap3A_1448, %swap3A_1449], %broadcast_in_dim3A_5 {strides = array<i32>} : memref<16x65xi32, #tpu.memory_space<vmem>>, vector<16xi32>,
    %swap3A_1451 = arith.constant 15 : i32
    %swap3A_1452 = arith.index_cast %swap3A_1451 : i32 to index
    %swap3A_1453 = arith.constant 16 : index
    %swap3A_1454 = tpu.vector_load %arg5[%swap3A_1452, %swap3A_1453] {strides = array<i32>} : memref<16x65xi32, #tpu.memory_space<vmem>>, vector<16xi32>,
    tpu.vector_store %arg5[%swap3A_1452, %swap3A_1453], %broadcast_in_dim3A_5 {strides = array<i32>} : memref<16x65xi32, #tpu.memory_space<vmem>>, vector<16xi32>,
    %swap3A_1455 = arith.constant 15 : i32
    %swap3A_1456 = arith.index_cast %swap3A_1455 : i32 to index
    %swap3A_1457 = arith.constant 32 : index
    %swap3A_1458 = tpu.vector_load %arg5[%swap3A_1456, %swap3A_1457] {strides = array<i32>} : memref<16x65xi32, #tpu.memory_space<vmem>>, vector<16xi32>,
    tpu.vector_store %arg5[%swap3A_1456, %swap3A_1457], %broadcast_in_dim3A_5 {strides = array<i32>} : memref<16x65xi32, #tpu.memory_space<vmem>>, vector<16xi32>,
    %swap3A_1459 = arith.constant 15 : i32
    %swap3A_1460 = arith.index_cast %swap3A_1459 : i32 to index
    %swap3A_1461 = arith.constant 48 : index
    %swap3A_1462 = tpu.vector_load %arg5[%swap3A_1460, %swap3A_1461] {strides = array<i32>} : memref<16x65xi32, #tpu.memory_space<vmem>>, vector<16xi32>,
    tpu.vector_store %arg5[%swap3A_1460, %swap3A_1461], %broadcast_in_dim3A_5 {strides = array<i32>} : memref<16x65xi32, #tpu.memory_space<vmem>>, vector<16xi32>,
    %scan3A_1463 = arith.constant 0 : i32
    %scan3A_1464 = arith.constant 0 : i32
    %scan3A_1465 = arith.constant 16 : i32
    %scan3A_1466 = arith.addi %scan3A_1464, %scan3A_1465 : i32
    %scan3A_1467 = arith.constant 1 : i32
    scf.for %scan3A_2411 = %scan3A_1464 to %scan3A_1466 step %scan3A_1467  : i32 {
      %mul3A_2412 = arith.constant 128 : i32
      %mul3A_2413 = arith.muli %scan3A_2411, %mul3A_2412 : i32
      %add3A_2414 = arith.constant 0 : i32
      %add3A_2415 = arith.addi %mul3A_2413, %add3A_2414 : i32
      %get3A_2416 = arith.constant 2 : i32
      %get3A_2417 = arith.index_cast %get3A_2416 : i32 to index
      %get3A_2418 = arith.index_cast %add3A_2415 : i32 to index
      %get3A_2419 = tpu.vector_load %arg4[%get3A_2417, %get3A_2418] {strides = array<i32>} : memref<4x2048xi32, #tpu.memory_space<vmem>>, vector<16xi32>,
      %add3A_2420 = arith.constant 16 : i32
      %add3A_2421 = arith.addi %mul3A_2413, %add3A_2420 : i32
      %get3A_2422 = arith.constant 2 : i32
      %get3A_2423 = arith.index_cast %get3A_2422 : i32 to index
      %get3A_2424 = arith.index_cast %add3A_2421 : i32 to index
      %get3A_2425 = tpu.vector_load %arg4[%get3A_2423, %get3A_2424] {strides = array<i32>} : memref<4x2048xi32, #tpu.memory_space<vmem>>, vector<16xi32>,
      %add3A_2426 = arith.constant 32 : i32
      %add3A_2427 = arith.addi %mul3A_2413, %add3A_2426 : i32
      %get3A_2428 = arith.constant 2 : i32
      %get3A_2429 = arith.index_cast %get3A_2428 : i32 to index
      %get3A_2430 = arith.index_cast %add3A_2427 : i32 to index
      %get3A_2431 = tpu.vector_load %arg4[%get3A_2429, %get3A_2430] {strides = array<i32>} : memref<4x2048xi32, #tpu.memory_space<vmem>>, vector<16xi32>,
      %add3A_2432 = arith.constant 48 : i32
      %add3A_2433 = arith.addi %mul3A_2413, %add3A_2432 : i32
      %get3A_2434 = arith.constant 2 : i32
      %get3A_2435 = arith.index_cast %get3A_2434 : i32 to index
      %get3A_2436 = arith.index_cast %add3A_2433 : i32 to index
      %get3A_2437 = tpu.vector_load %arg4[%get3A_2435, %get3A_2436] {strides = array<i32>} : memref<4x2048xi32, #tpu.memory_space<vmem>>, vector<16xi32>,
      %add3A_2438 = arith.constant 64 : i32
      %add3A_2439 = arith.addi %mul3A_2413, %add3A_2438 : i32
      %get3A_2440 = arith.constant 2 : i32
      %get3A_2441 = arith.index_cast %get3A_2440 : i32 to index
      %get3A_2442 = arith.index_cast %add3A_2439 : i32 to index
      %get3A_2443 = tpu.vector_load %arg4[%get3A_2441, %get3A_2442] {strides = array<i32>} : memref<4x2048xi32, #tpu.memory_space<vmem>>, vector<16xi32>,
      %add3A_2444 = arith.constant 80 : i32
      %add3A_2445 = arith.addi %mul3A_2413, %add3A_2444 : i32
      %get3A_2446 = arith.constant 2 : i32
      %get3A_2447 = arith.index_cast %get3A_2446 : i32 to index
      %get3A_2448 = arith.index_cast %add3A_2445 : i32 to index
      %get3A_2449 = tpu.vector_load %arg4[%get3A_2447, %get3A_2448] {strides = array<i32>} : memref<4x2048xi32, #tpu.memory_space<vmem>>, vector<16xi32>,
      %add3A_2450 = arith.constant 96 : i32
      %add3A_2451 = arith.addi %mul3A_2413, %add3A_2450 : i32
      %get3A_2452 = arith.constant 2 : i32
      %get3A_2453 = arith.index_cast %get3A_2452 : i32 to index
      %get3A_2454 = arith.index_cast %add3A_2451 : i32 to index
      %get3A_2455 = tpu.vector_load %arg4[%get3A_2453, %get3A_2454] {strides = array<i32>} : memref<4x2048xi32, #tpu.memory_space<vmem>>, vector<16xi32>,
      %add3A_2456 = arith.constant 112 : i32
      %add3A_2457 = arith.addi %mul3A_2413, %add3A_2456 : i32
      %get3A_2458 = arith.constant 2 : i32
      %get3A_2459 = arith.index_cast %get3A_2458 : i32 to index
      %get3A_2460 = arith.index_cast %add3A_2457 : i32 to index
      %get3A_2461 = tpu.vector_load %arg4[%get3A_2459, %get3A_2460] {strides = array<i32>} : memref<4x2048xi32, #tpu.memory_space<vmem>>, vector<16xi32>,
      tpu.vector_store_idx %arg5[%iota3A, %get3A_2419], %broadcast_in_dim3A_3 {add = true} : memref<16x65xi32, #tpu.memory_space<vmem>>[vector<16xi32>, vector<16xi32>], vector<16xi32>,
      tpu.vector_store_idx %arg5[%iota3A, %get3A_2425], %broadcast_in_dim3A_3 {add = true} : memref<16x65xi32, #tpu.memory_space<vmem>>[vector<16xi32>, vector<16xi32>], vector<16xi32>,
      tpu.vector_store_idx %arg5[%iota3A, %get3A_2431], %broadcast_in_dim3A_3 {add = true} : memref<16x65xi32, #tpu.memory_space<vmem>>[vector<16xi32>, vector<16xi32>], vector<16xi32>,
      tpu.vector_store_idx %arg5[%iota3A, %get3A_2437], %broadcast_in_dim3A_3 {add = true} : memref<16x65xi32, #tpu.memory_space<vmem>>[vector<16xi32>, vector<16xi32>], vector<16xi32>,
      tpu.vector_store_idx %arg5[%iota3A, %get3A_2443], %broadcast_in_dim3A_3 {add = true} : memref<16x65xi32, #tpu.memory_space<vmem>>[vector<16xi32>, vector<16xi32>], vector<16xi32>,
      tpu.vector_store_idx %arg5[%iota3A, %get3A_2449], %broadcast_in_dim3A_3 {add = true} : memref<16x65xi32, #tpu.memory_space<vmem>>[vector<16xi32>, vector<16xi32>], vector<16xi32>,
      tpu.vector_store_idx %arg5[%iota3A, %get3A_2455], %broadcast_in_dim3A_3 {add = true} : memref<16x65xi32, #tpu.memory_space<vmem>>[vector<16xi32>, vector<16xi32>], vector<16xi32>,
      tpu.vector_store_idx %arg5[%iota3A, %get3A_2461], %broadcast_in_dim3A_3 {add = true} : memref<16x65xi32, #tpu.memory_space<vmem>>[vector<16xi32>, vector<16xi32>], vector<16xi32>,
    }
    %scan3A_1468 = arith.constant 16 : i32
    %get3A_1469 = arith.constant 0 : i32
    %get3A_1470 = arith.index_cast %get3A_1469 : i32 to index
    %get3A_1471 = arith.constant 0 : index
    %get3A_1472 = tpu.vector_load %arg5[%get3A_1470, %get3A_1471] {strides = array<i32>} : memref<16x65xi32, #tpu.memory_space<vmem>>, vector<16xi32>,
    %get3A_1473 = arith.constant 1 : i32
    %get3A_1474 = arith.index_cast %get3A_1473 : i32 to index
    %get3A_1475 = arith.constant 0 : index
    %get3A_1476 = tpu.vector_load %arg5[%get3A_1474, %get3A_1475] {strides = array<i32>} : memref<16x65xi32, #tpu.memory_space<vmem>>, vector<16xi32>,
    %add3A_1477 = arith.addi %get3A_1472, %get3A_1476 : vector<16xi32>
    %get3A_1478 = arith.constant 2 : i32
    %get3A_1479 = arith.index_cast %get3A_1478 : i32 to index
    %get3A_1480 = arith.constant 0 : index
    %get3A_1481 = tpu.vector_load %arg5[%get3A_1479, %get3A_1480] {strides = array<i32>} : memref<16x65xi32, #tpu.memory_space<vmem>>, vector<16xi32>,
    %add3A_1482 = arith.addi %add3A_1477, %get3A_1481 : vector<16xi32>
    %get3A_1483 = arith.constant 3 : i32
    %get3A_1484 = arith.index_cast %get3A_1483 : i32 to index
    %get3A_1485 = arith.constant 0 : index
    %get3A_1486 = tpu.vector_load %arg5[%get3A_1484, %get3A_1485] {strides = array<i32>} : memref<16x65xi32, #tpu.memory_space<vmem>>, vector<16xi32>,
    %add3A_1487 = arith.addi %add3A_1482, %get3A_1486 : vector<16xi32>
    %get3A_1488 = arith.constant 4 : i32
    %get3A_1489 = arith.index_cast %get3A_1488 : i32 to index
    %get3A_1490 = arith.constant 0 : index
    %get3A_1491 = tpu.vector_load %arg5[%get3A_1489, %get3A_1490] {strides = array<i32>} : memref<16x65xi32, #tpu.memory_space<vmem>>, vector<16xi32>,
    %add3A_1492 = arith.addi %add3A_1487, %get3A_1491 : vector<16xi32>
    %get3A_1493 = arith.constant 5 : i32
    %get3A_1494 = arith.index_cast %get3A_1493 : i32 to index
    %get3A_1495 = arith.constant 0 : index
    %get3A_1496 = tpu.vector_load %arg5[%get3A_1494, %get3A_1495] {strides = array<i32>} : memref<16x65xi32, #tpu.memory_space<vmem>>, vector<16xi32>,
    %add3A_1497 = arith.addi %add3A_1492, %get3A_1496 : vector<16xi32>
    %get3A_1498 = arith.constant 6 : i32
    %get3A_1499 = arith.index_cast %get3A_1498 : i32 to index
    %get3A_1500 = arith.constant 0 : index
    %get3A_1501 = tpu.vector_load %arg5[%get3A_1499, %get3A_1500] {strides = array<i32>} : memref<16x65xi32, #tpu.memory_space<vmem>>, vector<16xi32>,
    %add3A_1502 = arith.addi %add3A_1497, %get3A_1501 : vector<16xi32>
    %get3A_1503 = arith.constant 7 : i32
    %get3A_1504 = arith.index_cast %get3A_1503 : i32 to index
    %get3A_1505 = arith.constant 0 : index
    %get3A_1506 = tpu.vector_load %arg5[%get3A_1504, %get3A_1505] {strides = array<i32>} : memref<16x65xi32, #tpu.memory_space<vmem>>, vector<16xi32>,
    %add3A_1507 = arith.addi %add3A_1502, %get3A_1506 : vector<16xi32>
    %get3A_1508 = arith.constant 8 : i32
    %get3A_1509 = arith.index_cast %get3A_1508 : i32 to index
    %get3A_1510 = arith.constant 0 : index
    %get3A_1511 = tpu.vector_load %arg5[%get3A_1509, %get3A_1510] {strides = array<i32>} : memref<16x65xi32, #tpu.memory_space<vmem>>, vector<16xi32>,
    %add3A_1512 = arith.addi %add3A_1507, %get3A_1511 : vector<16xi32>
    %get3A_1513 = arith.constant 9 : i32
    %get3A_1514 = arith.index_cast %get3A_1513 : i32 to index
    %get3A_1515 = arith.constant 0 : index
    %get3A_1516 = tpu.vector_load %arg5[%get3A_1514, %get3A_1515] {strides = array<i32>} : memref<16x65xi32, #tpu.memory_space<vmem>>, vector<16xi32>,
    %add3A_1517 = arith.addi %add3A_1512, %get3A_1516 : vector<16xi32>
    %get3A_1518 = arith.constant 10 : i32
    %get3A_1519 = arith.index_cast %get3A_1518 : i32 to index
    %get3A_1520 = arith.constant 0 : index
    %get3A_1521 = tpu.vector_load %arg5[%get3A_1519, %get3A_1520] {strides = array<i32>} : memref<16x65xi32, #tpu.memory_space<vmem>>, vector<16xi32>,
    %add3A_1522 = arith.addi %add3A_1517, %get3A_1521 : vector<16xi32>
    %get3A_1523 = arith.constant 11 : i32
    %get3A_1524 = arith.index_cast %get3A_1523 : i32 to index
    %get3A_1525 = arith.constant 0 : index
    %get3A_1526 = tpu.vector_load %arg5[%get3A_1524, %get3A_1525] {strides = array<i32>} : memref<16x65xi32, #tpu.memory_space<vmem>>, vector<16xi32>,
    %add3A_1527 = arith.addi %add3A_1522, %get3A_1526 : vector<16xi32>
    %get3A_1528 = arith.constant 12 : i32
    %get3A_1529 = arith.index_cast %get3A_1528 : i32 to index
    %get3A_1530 = arith.constant 0 : index
    %get3A_1531 = tpu.vector_load %arg5[%get3A_1529, %get3A_1530] {strides = array<i32>} : memref<16x65xi32, #tpu.memory_space<vmem>>, vector<16xi32>,
    %add3A_1532 = arith.addi %add3A_1527, %get3A_1531 : vector<16xi32>
    %get3A_1533 = arith.constant 13 : i32
    %get3A_1534 = arith.index_cast %get3A_1533 : i32 to index
    %get3A_1535 = arith.constant 0 : index
    %get3A_1536 = tpu.vector_load %arg5[%get3A_1534, %get3A_1535] {strides = array<i32>} : memref<16x65xi32, #tpu.memory_space<vmem>>, vector<16xi32>,
    %add3A_1537 = arith.addi %add3A_1532, %get3A_1536 : vector<16xi32>
    %get3A_1538 = arith.constant 14 : i32
    %get3A_1539 = arith.index_cast %get3A_1538 : i32 to index
    %get3A_1540 = arith.constant 0 : index
    %get3A_1541 = tpu.vector_load %arg5[%get3A_1539, %get3A_1540] {strides = array<i32>} : memref<16x65xi32, #tpu.memory_space<vmem>>, vector<16xi32>,
    %add3A_1542 = arith.addi %add3A_1537, %get3A_1541 : vector<16xi32>
    %get3A_1543 = arith.constant 15 : i32
    %get3A_1544 = arith.index_cast %get3A_1543 : i32 to index
    %get3A_1545 = arith.constant 0 : index
    %get3A_1546 = tpu.vector_load %arg5[%get3A_1544, %get3A_1545] {strides = array<i32>} : memref<16x65xi32, #tpu.memory_space<vmem>>, vector<16xi32>,
    %add3A_1547 = arith.addi %add3A_1542, %get3A_1546 : vector<16xi32>
    %swap3A_1548 = arith.constant 2 : i32
    %swap3A_1549 = arith.index_cast %swap3A_1548 : i32 to index
    %swap3A_1550 = arith.constant 0 : index
    %swap3A_1551 = tpu.vector_load %arg6[%swap3A_1549, %swap3A_1550] {strides = array<i32>} : memref<4x80xi32, #tpu.memory_space<vmem>>, vector<16xi32>,
    tpu.vector_store %arg6[%swap3A_1549, %swap3A_1550], %add3A_1547 {strides = array<i32>} : memref<4x80xi32, #tpu.memory_space<vmem>>, vector<16xi32>,
    %get3A_1552 = arith.constant 0 : i32
    %get3A_1553 = arith.index_cast %get3A_1552 : i32 to index
    %get3A_1554 = arith.constant 16 : index
    %get3A_1555 = tpu.vector_load %arg5[%get3A_1553, %get3A_1554] {strides = array<i32>} : memref<16x65xi32, #tpu.memory_space<vmem>>, vector<16xi32>,
    %get3A_1556 = arith.constant 1 : i32
    %get3A_1557 = arith.index_cast %get3A_1556 : i32 to index
    %get3A_1558 = arith.constant 16 : index
    %get3A_1559 = tpu.vector_load %arg5[%get3A_1557, %get3A_1558] {strides = array<i32>} : memref<16x65xi32, #tpu.memory_space<vmem>>, vector<16xi32>,
    %add3A_1560 = arith.addi %get3A_1555, %get3A_1559 : vector<16xi32>
    %get3A_1561 = arith.constant 2 : i32
    %get3A_1562 = arith.index_cast %get3A_1561 : i32 to index
    %get3A_1563 = arith.constant 16 : index
    %get3A_1564 = tpu.vector_load %arg5[%get3A_1562, %get3A_1563] {strides = array<i32>} : memref<16x65xi32, #tpu.memory_space<vmem>>, vector<16xi32>,
    %add3A_1565 = arith.addi %add3A_1560, %get3A_1564 : vector<16xi32>
    %get3A_1566 = arith.constant 3 : i32
    %get3A_1567 = arith.index_cast %get3A_1566 : i32 to index
    %get3A_1568 = arith.constant 16 : index
    %get3A_1569 = tpu.vector_load %arg5[%get3A_1567, %get3A_1568] {strides = array<i32>} : memref<16x65xi32, #tpu.memory_space<vmem>>, vector<16xi32>,
    %add3A_1570 = arith.addi %add3A_1565, %get3A_1569 : vector<16xi32>
    %get3A_1571 = arith.constant 4 : i32
    %get3A_1572 = arith.index_cast %get3A_1571 : i32 to index
    %get3A_1573 = arith.constant 16 : index
    %get3A_1574 = tpu.vector_load %arg5[%get3A_1572, %get3A_1573] {strides = array<i32>} : memref<16x65xi32, #tpu.memory_space<vmem>>, vector<16xi32>,
    %add3A_1575 = arith.addi %add3A_1570, %get3A_1574 : vector<16xi32>
    %get3A_1576 = arith.constant 5 : i32
    %get3A_1577 = arith.index_cast %get3A_1576 : i32 to index
    %get3A_1578 = arith.constant 16 : index
    %get3A_1579 = tpu.vector_load %arg5[%get3A_1577, %get3A_1578] {strides = array<i32>} : memref<16x65xi32, #tpu.memory_space<vmem>>, vector<16xi32>,
    %add3A_1580 = arith.addi %add3A_1575, %get3A_1579 : vector<16xi32>
    %get3A_1581 = arith.constant 6 : i32
    %get3A_1582 = arith.index_cast %get3A_1581 : i32 to index
    %get3A_1583 = arith.constant 16 : index
    %get3A_1584 = tpu.vector_load %arg5[%get3A_1582, %get3A_1583] {strides = array<i32>} : memref<16x65xi32, #tpu.memory_space<vmem>>, vector<16xi32>,
    %add3A_1585 = arith.addi %add3A_1580, %get3A_1584 : vector<16xi32>
    %get3A_1586 = arith.constant 7 : i32
    %get3A_1587 = arith.index_cast %get3A_1586 : i32 to index
    %get3A_1588 = arith.constant 16 : index
    %get3A_1589 = tpu.vector_load %arg5[%get3A_1587, %get3A_1588] {strides = array<i32>} : memref<16x65xi32, #tpu.memory_space<vmem>>, vector<16xi32>,
    %add3A_1590 = arith.addi %add3A_1585, %get3A_1589 : vector<16xi32>
    %get3A_1591 = arith.constant 8 : i32
    %get3A_1592 = arith.index_cast %get3A_1591 : i32 to index
    %get3A_1593 = arith.constant 16 : index
    %get3A_1594 = tpu.vector_load %arg5[%get3A_1592, %get3A_1593] {strides = array<i32>} : memref<16x65xi32, #tpu.memory_space<vmem>>, vector<16xi32>,
    %add3A_1595 = arith.addi %add3A_1590, %get3A_1594 : vector<16xi32>
    %get3A_1596 = arith.constant 9 : i32
    %get3A_1597 = arith.index_cast %get3A_1596 : i32 to index
    %get3A_1598 = arith.constant 16 : index
    %get3A_1599 = tpu.vector_load %arg5[%get3A_1597, %get3A_1598] {strides = array<i32>} : memref<16x65xi32, #tpu.memory_space<vmem>>, vector<16xi32>,
    %add3A_1600 = arith.addi %add3A_1595, %get3A_1599 : vector<16xi32>
    %get3A_1601 = arith.constant 10 : i32
    %get3A_1602 = arith.index_cast %get3A_1601 : i32 to index
    %get3A_1603 = arith.constant 16 : index
    %get3A_1604 = tpu.vector_load %arg5[%get3A_1602, %get3A_1603] {strides = array<i32>} : memref<16x65xi32, #tpu.memory_space<vmem>>, vector<16xi32>,
    %add3A_1605 = arith.addi %add3A_1600, %get3A_1604 : vector<16xi32>
    %get3A_1606 = arith.constant 11 : i32
    %get3A_1607 = arith.index_cast %get3A_1606 : i32 to index
    %get3A_1608 = arith.constant 16 : index
    %get3A_1609 = tpu.vector_load %arg5[%get3A_1607, %get3A_1608] {strides = array<i32>} : memref<16x65xi32, #tpu.memory_space<vmem>>, vector<16xi32>,
    %add3A_1610 = arith.addi %add3A_1605, %get3A_1609 : vector<16xi32>
    %get3A_1611 = arith.constant 12 : i32
    %get3A_1612 = arith.index_cast %get3A_1611 : i32 to index
    %get3A_1613 = arith.constant 16 : index
    %get3A_1614 = tpu.vector_load %arg5[%get3A_1612, %get3A_1613] {strides = array<i32>} : memref<16x65xi32, #tpu.memory_space<vmem>>, vector<16xi32>,
    %add3A_1615 = arith.addi %add3A_1610, %get3A_1614 : vector<16xi32>
    %get3A_1616 = arith.constant 13 : i32
    %get3A_1617 = arith.index_cast %get3A_1616 : i32 to index
    %get3A_1618 = arith.constant 16 : index
    %get3A_1619 = tpu.vector_load %arg5[%get3A_1617, %get3A_1618] {strides = array<i32>} : memref<16x65xi32, #tpu.memory_space<vmem>>, vector<16xi32>,
    %add3A_1620 = arith.addi %add3A_1615, %get3A_1619 : vector<16xi32>
    %get3A_1621 = arith.constant 14 : i32
    %get3A_1622 = arith.index_cast %get3A_1621 : i32 to index
    %get3A_1623 = arith.constant 16 : index
    %get3A_1624 = tpu.vector_load %arg5[%get3A_1622, %get3A_1623] {strides = array<i32>} : memref<16x65xi32, #tpu.memory_space<vmem>>, vector<16xi32>,
    %add3A_1625 = arith.addi %add3A_1620, %get3A_1624 : vector<16xi32>
    %get3A_1626 = arith.constant 15 : i32
    %get3A_1627 = arith.index_cast %get3A_1626 : i32 to index
    %get3A_1628 = arith.constant 16 : index
    %get3A_1629 = tpu.vector_load %arg5[%get3A_1627, %get3A_1628] {strides = array<i32>} : memref<16x65xi32, #tpu.memory_space<vmem>>, vector<16xi32>,
    %add3A_1630 = arith.addi %add3A_1625, %get3A_1629 : vector<16xi32>
    %swap3A_1631 = arith.constant 2 : i32
    %swap3A_1632 = arith.index_cast %swap3A_1631 : i32 to index
    %swap3A_1633 = arith.constant 16 : index
    %swap3A_1634 = tpu.vector_load %arg6[%swap3A_1632, %swap3A_1633] {strides = array<i32>} : memref<4x80xi32, #tpu.memory_space<vmem>>, vector<16xi32>,
    tpu.vector_store %arg6[%swap3A_1632, %swap3A_1633], %add3A_1630 {strides = array<i32>} : memref<4x80xi32, #tpu.memory_space<vmem>>, vector<16xi32>,
    %get3A_1635 = arith.constant 0 : i32
    %get3A_1636 = arith.index_cast %get3A_1635 : i32 to index
    %get3A_1637 = arith.constant 32 : index
    %get3A_1638 = tpu.vector_load %arg5[%get3A_1636, %get3A_1637] {strides = array<i32>} : memref<16x65xi32, #tpu.memory_space<vmem>>, vector<16xi32>,
    %get3A_1639 = arith.constant 1 : i32
    %get3A_1640 = arith.index_cast %get3A_1639 : i32 to index
    %get3A_1641 = arith.constant 32 : index
    %get3A_1642 = tpu.vector_load %arg5[%get3A_1640, %get3A_1641] {strides = array<i32>} : memref<16x65xi32, #tpu.memory_space<vmem>>, vector<16xi32>,
    %add3A_1643 = arith.addi %get3A_1638, %get3A_1642 : vector<16xi32>
    %get3A_1644 = arith.constant 2 : i32
    %get3A_1645 = arith.index_cast %get3A_1644 : i32 to index
    %get3A_1646 = arith.constant 32 : index
    %get3A_1647 = tpu.vector_load %arg5[%get3A_1645, %get3A_1646] {strides = array<i32>} : memref<16x65xi32, #tpu.memory_space<vmem>>, vector<16xi32>,
    %add3A_1648 = arith.addi %add3A_1643, %get3A_1647 : vector<16xi32>
    %get3A_1649 = arith.constant 3 : i32
    %get3A_1650 = arith.index_cast %get3A_1649 : i32 to index
    %get3A_1651 = arith.constant 32 : index
    %get3A_1652 = tpu.vector_load %arg5[%get3A_1650, %get3A_1651] {strides = array<i32>} : memref<16x65xi32, #tpu.memory_space<vmem>>, vector<16xi32>,
    %add3A_1653 = arith.addi %add3A_1648, %get3A_1652 : vector<16xi32>
    %get3A_1654 = arith.constant 4 : i32
    %get3A_1655 = arith.index_cast %get3A_1654 : i32 to index
    %get3A_1656 = arith.constant 32 : index
    %get3A_1657 = tpu.vector_load %arg5[%get3A_1655, %get3A_1656] {strides = array<i32>} : memref<16x65xi32, #tpu.memory_space<vmem>>, vector<16xi32>,
    %add3A_1658 = arith.addi %add3A_1653, %get3A_1657 : vector<16xi32>
    %get3A_1659 = arith.constant 5 : i32
    %get3A_1660 = arith.index_cast %get3A_1659 : i32 to index
    %get3A_1661 = arith.constant 32 : index
    %get3A_1662 = tpu.vector_load %arg5[%get3A_1660, %get3A_1661] {strides = array<i32>} : memref<16x65xi32, #tpu.memory_space<vmem>>, vector<16xi32>,
    %add3A_1663 = arith.addi %add3A_1658, %get3A_1662 : vector<16xi32>
    %get3A_1664 = arith.constant 6 : i32
    %get3A_1665 = arith.index_cast %get3A_1664 : i32 to index
    %get3A_1666 = arith.constant 32 : index
    %get3A_1667 = tpu.vector_load %arg5[%get3A_1665, %get3A_1666] {strides = array<i32>} : memref<16x65xi32, #tpu.memory_space<vmem>>, vector<16xi32>,
    %add3A_1668 = arith.addi %add3A_1663, %get3A_1667 : vector<16xi32>
    %get3A_1669 = arith.constant 7 : i32
    %get3A_1670 = arith.index_cast %get3A_1669 : i32 to index
    %get3A_1671 = arith.constant 32 : index
    %get3A_1672 = tpu.vector_load %arg5[%get3A_1670, %get3A_1671] {strides = array<i32>} : memref<16x65xi32, #tpu.memory_space<vmem>>, vector<16xi32>,
    %add3A_1673 = arith.addi %add3A_1668, %get3A_1672 : vector<16xi32>
    %get3A_1674 = arith.constant 8 : i32
    %get3A_1675 = arith.index_cast %get3A_1674 : i32 to index
    %get3A_1676 = arith.constant 32 : index
    %get3A_1677 = tpu.vector_load %arg5[%get3A_1675, %get3A_1676] {strides = array<i32>} : memref<16x65xi32, #tpu.memory_space<vmem>>, vector<16xi32>,
    %add3A_1678 = arith.addi %add3A_1673, %get3A_1677 : vector<16xi32>
    %get3A_1679 = arith.constant 9 : i32
    %get3A_1680 = arith.index_cast %get3A_1679 : i32 to index
    %get3A_1681 = arith.constant 32 : index
    %get3A_1682 = tpu.vector_load %arg5[%get3A_1680, %get3A_1681] {strides = array<i32>} : memref<16x65xi32, #tpu.memory_space<vmem>>, vector<16xi32>,
    %add3A_1683 = arith.addi %add3A_1678, %get3A_1682 : vector<16xi32>
    %get3A_1684 = arith.constant 10 : i32
    %get3A_1685 = arith.index_cast %get3A_1684 : i32 to index
    %get3A_1686 = arith.constant 32 : index
    %get3A_1687 = tpu.vector_load %arg5[%get3A_1685, %get3A_1686] {strides = array<i32>} : memref<16x65xi32, #tpu.memory_space<vmem>>, vector<16xi32>,
    %add3A_1688 = arith.addi %add3A_1683, %get3A_1687 : vector<16xi32>
    %get3A_1689 = arith.constant 11 : i32
    %get3A_1690 = arith.index_cast %get3A_1689 : i32 to index
    %get3A_1691 = arith.constant 32 : index
    %get3A_1692 = tpu.vector_load %arg5[%get3A_1690, %get3A_1691] {strides = array<i32>} : memref<16x65xi32, #tpu.memory_space<vmem>>, vector<16xi32>,
    %add3A_1693 = arith.addi %add3A_1688, %get3A_1692 : vector<16xi32>
    %get3A_1694 = arith.constant 12 : i32
    %get3A_1695 = arith.index_cast %get3A_1694 : i32 to index
    %get3A_1696 = arith.constant 32 : index
    %get3A_1697 = tpu.vector_load %arg5[%get3A_1695, %get3A_1696] {strides = array<i32>} : memref<16x65xi32, #tpu.memory_space<vmem>>, vector<16xi32>,
    %add3A_1698 = arith.addi %add3A_1693, %get3A_1697 : vector<16xi32>
    %get3A_1699 = arith.constant 13 : i32
    %get3A_1700 = arith.index_cast %get3A_1699 : i32 to index
    %get3A_1701 = arith.constant 32 : index
    %get3A_1702 = tpu.vector_load %arg5[%get3A_1700, %get3A_1701] {strides = array<i32>} : memref<16x65xi32, #tpu.memory_space<vmem>>, vector<16xi32>,
    %add3A_1703 = arith.addi %add3A_1698, %get3A_1702 : vector<16xi32>
    %get3A_1704 = arith.constant 14 : i32
    %get3A_1705 = arith.index_cast %get3A_1704 : i32 to index
    %get3A_1706 = arith.constant 32 : index
    %get3A_1707 = tpu.vector_load %arg5[%get3A_1705, %get3A_1706] {strides = array<i32>} : memref<16x65xi32, #tpu.memory_space<vmem>>, vector<16xi32>,
    %add3A_1708 = arith.addi %add3A_1703, %get3A_1707 : vector<16xi32>
    %get3A_1709 = arith.constant 15 : i32
    %get3A_1710 = arith.index_cast %get3A_1709 : i32 to index
    %get3A_1711 = arith.constant 32 : index
    %get3A_1712 = tpu.vector_load %arg5[%get3A_1710, %get3A_1711] {strides = array<i32>} : memref<16x65xi32, #tpu.memory_space<vmem>>, vector<16xi32>,
    %add3A_1713 = arith.addi %add3A_1708, %get3A_1712 : vector<16xi32>
    %swap3A_1714 = arith.constant 2 : i32
    %swap3A_1715 = arith.index_cast %swap3A_1714 : i32 to index
    %swap3A_1716 = arith.constant 32 : index
    %swap3A_1717 = tpu.vector_load %arg6[%swap3A_1715, %swap3A_1716] {strides = array<i32>} : memref<4x80xi32, #tpu.memory_space<vmem>>, vector<16xi32>,
    tpu.vector_store %arg6[%swap3A_1715, %swap3A_1716], %add3A_1713 {strides = array<i32>} : memref<4x80xi32, #tpu.memory_space<vmem>>, vector<16xi32>,
    %get3A_1718 = arith.constant 0 : i32
    %get3A_1719 = arith.index_cast %get3A_1718 : i32 to index
    %get3A_1720 = arith.constant 48 : index
    %get3A_1721 = tpu.vector_load %arg5[%get3A_1719, %get3A_1720] {strides = array<i32>} : memref<16x65xi32, #tpu.memory_space<vmem>>, vector<16xi32>,
    %get3A_1722 = arith.constant 1 : i32
    %get3A_1723 = arith.index_cast %get3A_1722 : i32 to index
    %get3A_1724 = arith.constant 48 : index
    %get3A_1725 = tpu.vector_load %arg5[%get3A_1723, %get3A_1724] {strides = array<i32>} : memref<16x65xi32, #tpu.memory_space<vmem>>, vector<16xi32>,
    %add3A_1726 = arith.addi %get3A_1721, %get3A_1725 : vector<16xi32>
    %get3A_1727 = arith.constant 2 : i32
    %get3A_1728 = arith.index_cast %get3A_1727 : i32 to index
    %get3A_1729 = arith.constant 48 : index
    %get3A_1730 = tpu.vector_load %arg5[%get3A_1728, %get3A_1729] {strides = array<i32>} : memref<16x65xi32, #tpu.memory_space<vmem>>, vector<16xi32>,
    %add3A_1731 = arith.addi %add3A_1726, %get3A_1730 : vector<16xi32>
    %get3A_1732 = arith.constant 3 : i32
    %get3A_1733 = arith.index_cast %get3A_1732 : i32 to index
    %get3A_1734 = arith.constant 48 : index
    %get3A_1735 = tpu.vector_load %arg5[%get3A_1733, %get3A_1734] {strides = array<i32>} : memref<16x65xi32, #tpu.memory_space<vmem>>, vector<16xi32>,
    %add3A_1736 = arith.addi %add3A_1731, %get3A_1735 : vector<16xi32>
    %get3A_1737 = arith.constant 4 : i32
    %get3A_1738 = arith.index_cast %get3A_1737 : i32 to index
    %get3A_1739 = arith.constant 48 : index
    %get3A_1740 = tpu.vector_load %arg5[%get3A_1738, %get3A_1739] {strides = array<i32>} : memref<16x65xi32, #tpu.memory_space<vmem>>, vector<16xi32>,
    %add3A_1741 = arith.addi %add3A_1736, %get3A_1740 : vector<16xi32>
    %get3A_1742 = arith.constant 5 : i32
    %get3A_1743 = arith.index_cast %get3A_1742 : i32 to index
    %get3A_1744 = arith.constant 48 : index
    %get3A_1745 = tpu.vector_load %arg5[%get3A_1743, %get3A_1744] {strides = array<i32>} : memref<16x65xi32, #tpu.memory_space<vmem>>, vector<16xi32>,
    %add3A_1746 = arith.addi %add3A_1741, %get3A_1745 : vector<16xi32>
    %get3A_1747 = arith.constant 6 : i32
    %get3A_1748 = arith.index_cast %get3A_1747 : i32 to index
    %get3A_1749 = arith.constant 48 : index
    %get3A_1750 = tpu.vector_load %arg5[%get3A_1748, %get3A_1749] {strides = array<i32>} : memref<16x65xi32, #tpu.memory_space<vmem>>, vector<16xi32>,
    %add3A_1751 = arith.addi %add3A_1746, %get3A_1750 : vector<16xi32>
    %get3A_1752 = arith.constant 7 : i32
    %get3A_1753 = arith.index_cast %get3A_1752 : i32 to index
    %get3A_1754 = arith.constant 48 : index
    %get3A_1755 = tpu.vector_load %arg5[%get3A_1753, %get3A_1754] {strides = array<i32>} : memref<16x65xi32, #tpu.memory_space<vmem>>, vector<16xi32>,
    %add3A_1756 = arith.addi %add3A_1751, %get3A_1755 : vector<16xi32>
    %get3A_1757 = arith.constant 8 : i32
    %get3A_1758 = arith.index_cast %get3A_1757 : i32 to index
    %get3A_1759 = arith.constant 48 : index
    %get3A_1760 = tpu.vector_load %arg5[%get3A_1758, %get3A_1759] {strides = array<i32>} : memref<16x65xi32, #tpu.memory_space<vmem>>, vector<16xi32>,
    %add3A_1761 = arith.addi %add3A_1756, %get3A_1760 : vector<16xi32>
    %get3A_1762 = arith.constant 9 : i32
    %get3A_1763 = arith.index_cast %get3A_1762 : i32 to index
    %get3A_1764 = arith.constant 48 : index
    %get3A_1765 = tpu.vector_load %arg5[%get3A_1763, %get3A_1764] {strides = array<i32>} : memref<16x65xi32, #tpu.memory_space<vmem>>, vector<16xi32>,
    %add3A_1766 = arith.addi %add3A_1761, %get3A_1765 : vector<16xi32>
    %get3A_1767 = arith.constant 10 : i32
    %get3A_1768 = arith.index_cast %get3A_1767 : i32 to index
    %get3A_1769 = arith.constant 48 : index
    %get3A_1770 = tpu.vector_load %arg5[%get3A_1768, %get3A_1769] {strides = array<i32>} : memref<16x65xi32, #tpu.memory_space<vmem>>, vector<16xi32>,
    %add3A_1771 = arith.addi %add3A_1766, %get3A_1770 : vector<16xi32>
    %get3A_1772 = arith.constant 11 : i32
    %get3A_1773 = arith.index_cast %get3A_1772 : i32 to index
    %get3A_1774 = arith.constant 48 : index
    %get3A_1775 = tpu.vector_load %arg5[%get3A_1773, %get3A_1774] {strides = array<i32>} : memref<16x65xi32, #tpu.memory_space<vmem>>, vector<16xi32>,
    %add3A_1776 = arith.addi %add3A_1771, %get3A_1775 : vector<16xi32>
    %get3A_1777 = arith.constant 12 : i32
    %get3A_1778 = arith.index_cast %get3A_1777 : i32 to index
    %get3A_1779 = arith.constant 48 : index
    %get3A_1780 = tpu.vector_load %arg5[%get3A_1778, %get3A_1779] {strides = array<i32>} : memref<16x65xi32, #tpu.memory_space<vmem>>, vector<16xi32>,
    %add3A_1781 = arith.addi %add3A_1776, %get3A_1780 : vector<16xi32>
    %get3A_1782 = arith.constant 13 : i32
    %get3A_1783 = arith.index_cast %get3A_1782 : i32 to index
    %get3A_1784 = arith.constant 48 : index
    %get3A_1785 = tpu.vector_load %arg5[%get3A_1783, %get3A_1784] {strides = array<i32>} : memref<16x65xi32, #tpu.memory_space<vmem>>, vector<16xi32>,
    %add3A_1786 = arith.addi %add3A_1781, %get3A_1785 : vector<16xi32>
    %get3A_1787 = arith.constant 14 : i32
    %get3A_1788 = arith.index_cast %get3A_1787 : i32 to index
    %get3A_1789 = arith.constant 48 : index
    %get3A_1790 = tpu.vector_load %arg5[%get3A_1788, %get3A_1789] {strides = array<i32>} : memref<16x65xi32, #tpu.memory_space<vmem>>, vector<16xi32>,
    %add3A_1791 = arith.addi %add3A_1786, %get3A_1790 : vector<16xi32>
    %get3A_1792 = arith.constant 15 : i32
    %get3A_1793 = arith.index_cast %get3A_1792 : i32 to index
    %get3A_1794 = arith.constant 48 : index
    %get3A_1795 = tpu.vector_load %arg5[%get3A_1793, %get3A_1794] {strides = array<i32>} : memref<16x65xi32, #tpu.memory_space<vmem>>, vector<16xi32>,
    %add3A_1796 = arith.addi %add3A_1791, %get3A_1795 : vector<16xi32>
    %swap3A_1797 = arith.constant 2 : i32
    %swap3A_1798 = arith.index_cast %swap3A_1797 : i32 to index
    %swap3A_1799 = arith.constant 48 : index
    %swap3A_1800 = tpu.vector_load %arg6[%swap3A_1798, %swap3A_1799] {strides = array<i32>} : memref<4x80xi32, #tpu.memory_space<vmem>>, vector<16xi32>,
    tpu.vector_store %arg6[%swap3A_1798, %swap3A_1799], %add3A_1796 {strides = array<i32>} : memref<4x80xi32, #tpu.memory_space<vmem>>, vector<16xi32>,
    %get3A_1801 = arith.constant 2 : i32
    %get3A_1802 = arith.index_cast %get3A_1801 : i32 to index
    %get3A_1803 = arith.constant 2032 : index
    %get3A_1804 = tpu.vector_load %arg4[%get3A_1802, %get3A_1803] {strides = array<i32>} : memref<4x2048xi32, #tpu.memory_space<vmem>>, vector<16xi32>,
    %swap3A_1805 = arith.constant 2 : i32
    %swap3A_1806 = arith.index_cast %swap3A_1805 : i32 to index
    %swap3A_1807 = arith.constant 64 : index
    %swap3A_1808 = tpu.vector_load %arg6[%swap3A_1806, %swap3A_1807] {strides = array<i32>} : memref<4x80xi32, #tpu.memory_space<vmem>>, vector<16xi32>,
    tpu.vector_store %arg6[%swap3A_1806, %swap3A_1807], %get3A_1804 {strides = array<i32>} : memref<4x80xi32, #tpu.memory_space<vmem>>, vector<16xi32>,
    %swap3A_1809 = arith.constant 0 : i32
    %swap3A_1810 = arith.index_cast %swap3A_1809 : i32 to index
    %swap3A_1811 = arith.constant 0 : index
    %swap3A_1812 = tpu.vector_load %arg5[%swap3A_1810, %swap3A_1811] {strides = array<i32>} : memref<16x65xi32, #tpu.memory_space<vmem>>, vector<16xi32>,
    tpu.vector_store %arg5[%swap3A_1810, %swap3A_1811], %broadcast_in_dim3A_5 {strides = array<i32>} : memref<16x65xi32, #tpu.memory_space<vmem>>, vector<16xi32>,
    %swap3A_1813 = arith.constant 0 : i32
    %swap3A_1814 = arith.index_cast %swap3A_1813 : i32 to index
    %swap3A_1815 = arith.constant 16 : index
    %swap3A_1816 = tpu.vector_load %arg5[%swap3A_1814, %swap3A_1815] {strides = array<i32>} : memref<16x65xi32, #tpu.memory_space<vmem>>, vector<16xi32>,
    tpu.vector_store %arg5[%swap3A_1814, %swap3A_1815], %broadcast_in_dim3A_5 {strides = array<i32>} : memref<16x65xi32, #tpu.memory_space<vmem>>, vector<16xi32>,
    %swap3A_1817 = arith.constant 0 : i32
    %swap3A_1818 = arith.index_cast %swap3A_1817 : i32 to index
    %swap3A_1819 = arith.constant 32 : index
    %swap3A_1820 = tpu.vector_load %arg5[%swap3A_1818, %swap3A_1819] {strides = array<i32>} : memref<16x65xi32, #tpu.memory_space<vmem>>, vector<16xi32>,
    tpu.vector_store %arg5[%swap3A_1818, %swap3A_1819], %broadcast_in_dim3A_5 {strides = array<i32>} : memref<16x65xi32, #tpu.memory_space<vmem>>, vector<16xi32>,
    %swap3A_1821 = arith.constant 0 : i32
    %swap3A_1822 = arith.index_cast %swap3A_1821 : i32 to index
    %swap3A_1823 = arith.constant 48 : index
    %swap3A_1824 = tpu.vector_load %arg5[%swap3A_1822, %swap3A_1823] {strides = array<i32>} : memref<16x65xi32, #tpu.memory_space<vmem>>, vector<16xi32>,
    tpu.vector_store %arg5[%swap3A_1822, %swap3A_1823], %broadcast_in_dim3A_5 {strides = array<i32>} : memref<16x65xi32, #tpu.memory_space<vmem>>, vector<16xi32>,
    %swap3A_1825 = arith.constant 1 : i32
    %swap3A_1826 = arith.index_cast %swap3A_1825 : i32 to index
    %swap3A_1827 = arith.constant 0 : index
    %swap3A_1828 = tpu.vector_load %arg5[%swap3A_1826, %swap3A_1827] {strides = array<i32>} : memref<16x65xi32, #tpu.memory_space<vmem>>, vector<16xi32>,
    tpu.vector_store %arg5[%swap3A_1826, %swap3A_1827], %broadcast_in_dim3A_5 {strides = array<i32>} : memref<16x65xi32, #tpu.memory_space<vmem>>, vector<16xi32>,
    %swap3A_1829 = arith.constant 1 : i32
    %swap3A_1830 = arith.index_cast %swap3A_1829 : i32 to index
    %swap3A_1831 = arith.constant 16 : index
    %swap3A_1832 = tpu.vector_load %arg5[%swap3A_1830, %swap3A_1831] {strides = array<i32>} : memref<16x65xi32, #tpu.memory_space<vmem>>, vector<16xi32>,
    tpu.vector_store %arg5[%swap3A_1830, %swap3A_1831], %broadcast_in_dim3A_5 {strides = array<i32>} : memref<16x65xi32, #tpu.memory_space<vmem>>, vector<16xi32>,
    %swap3A_1833 = arith.constant 1 : i32
    %swap3A_1834 = arith.index_cast %swap3A_1833 : i32 to index
    %swap3A_1835 = arith.constant 32 : index
    %swap3A_1836 = tpu.vector_load %arg5[%swap3A_1834, %swap3A_1835] {strides = array<i32>} : memref<16x65xi32, #tpu.memory_space<vmem>>, vector<16xi32>,
    tpu.vector_store %arg5[%swap3A_1834, %swap3A_1835], %broadcast_in_dim3A_5 {strides = array<i32>} : memref<16x65xi32, #tpu.memory_space<vmem>>, vector<16xi32>,
    %swap3A_1837 = arith.constant 1 : i32
    %swap3A_1838 = arith.index_cast %swap3A_1837 : i32 to index
    %swap3A_1839 = arith.constant 48 : index
    %swap3A_1840 = tpu.vector_load %arg5[%swap3A_1838, %swap3A_1839] {strides = array<i32>} : memref<16x65xi32, #tpu.memory_space<vmem>>, vector<16xi32>,
    tpu.vector_store %arg5[%swap3A_1838, %swap3A_1839], %broadcast_in_dim3A_5 {strides = array<i32>} : memref<16x65xi32, #tpu.memory_space<vmem>>, vector<16xi32>,
    %swap3A_1841 = arith.constant 2 : i32
    %swap3A_1842 = arith.index_cast %swap3A_1841 : i32 to index
    %swap3A_1843 = arith.constant 0 : index
    %swap3A_1844 = tpu.vector_load %arg5[%swap3A_1842, %swap3A_1843] {strides = array<i32>} : memref<16x65xi32, #tpu.memory_space<vmem>>, vector<16xi32>,
    tpu.vector_store %arg5[%swap3A_1842, %swap3A_1843], %broadcast_in_dim3A_5 {strides = array<i32>} : memref<16x65xi32, #tpu.memory_space<vmem>>, vector<16xi32>,
    %swap3A_1845 = arith.constant 2 : i32
    %swap3A_1846 = arith.index_cast %swap3A_1845 : i32 to index
    %swap3A_1847 = arith.constant 16 : index
    %swap3A_1848 = tpu.vector_load %arg5[%swap3A_1846, %swap3A_1847] {strides = array<i32>} : memref<16x65xi32, #tpu.memory_space<vmem>>, vector<16xi32>,
    tpu.vector_store %arg5[%swap3A_1846, %swap3A_1847], %broadcast_in_dim3A_5 {strides = array<i32>} : memref<16x65xi32, #tpu.memory_space<vmem>>, vector<16xi32>,
    %swap3A_1849 = arith.constant 2 : i32
    %swap3A_1850 = arith.index_cast %swap3A_1849 : i32 to index
    %swap3A_1851 = arith.constant 32 : index
    %swap3A_1852 = tpu.vector_load %arg5[%swap3A_1850, %swap3A_1851] {strides = array<i32>} : memref<16x65xi32, #tpu.memory_space<vmem>>, vector<16xi32>,
    tpu.vector_store %arg5[%swap3A_1850, %swap3A_1851], %broadcast_in_dim3A_5 {strides = array<i32>} : memref<16x65xi32, #tpu.memory_space<vmem>>, vector<16xi32>,
    %swap3A_1853 = arith.constant 2 : i32
    %swap3A_1854 = arith.index_cast %swap3A_1853 : i32 to index
    %swap3A_1855 = arith.constant 48 : index
    %swap3A_1856 = tpu.vector_load %arg5[%swap3A_1854, %swap3A_1855] {strides = array<i32>} : memref<16x65xi32, #tpu.memory_space<vmem>>, vector<16xi32>,
    tpu.vector_store %arg5[%swap3A_1854, %swap3A_1855], %broadcast_in_dim3A_5 {strides = array<i32>} : memref<16x65xi32, #tpu.memory_space<vmem>>, vector<16xi32>,
    %swap3A_1857 = arith.constant 3 : i32
    %swap3A_1858 = arith.index_cast %swap3A_1857 : i32 to index
    %swap3A_1859 = arith.constant 0 : index
    %swap3A_1860 = tpu.vector_load %arg5[%swap3A_1858, %swap3A_1859] {strides = array<i32>} : memref<16x65xi32, #tpu.memory_space<vmem>>, vector<16xi32>,
    tpu.vector_store %arg5[%swap3A_1858, %swap3A_1859], %broadcast_in_dim3A_5 {strides = array<i32>} : memref<16x65xi32, #tpu.memory_space<vmem>>, vector<16xi32>,
    %swap3A_1861 = arith.constant 3 : i32
    %swap3A_1862 = arith.index_cast %swap3A_1861 : i32 to index
    %swap3A_1863 = arith.constant 16 : index
    %swap3A_1864 = tpu.vector_load %arg5[%swap3A_1862, %swap3A_1863] {strides = array<i32>} : memref<16x65xi32, #tpu.memory_space<vmem>>, vector<16xi32>,
    tpu.vector_store %arg5[%swap3A_1862, %swap3A_1863], %broadcast_in_dim3A_5 {strides = array<i32>} : memref<16x65xi32, #tpu.memory_space<vmem>>, vector<16xi32>,
    %swap3A_1865 = arith.constant 3 : i32
    %swap3A_1866 = arith.index_cast %swap3A_1865 : i32 to index
    %swap3A_1867 = arith.constant 32 : index
    %swap3A_1868 = tpu.vector_load %arg5[%swap3A_1866, %swap3A_1867] {strides = array<i32>} : memref<16x65xi32, #tpu.memory_space<vmem>>, vector<16xi32>,
    tpu.vector_store %arg5[%swap3A_1866, %swap3A_1867], %broadcast_in_dim3A_5 {strides = array<i32>} : memref<16x65xi32, #tpu.memory_space<vmem>>, vector<16xi32>,
    %swap3A_1869 = arith.constant 3 : i32
    %swap3A_1870 = arith.index_cast %swap3A_1869 : i32 to index
    %swap3A_1871 = arith.constant 48 : index
    %swap3A_1872 = tpu.vector_load %arg5[%swap3A_1870, %swap3A_1871] {strides = array<i32>} : memref<16x65xi32, #tpu.memory_space<vmem>>, vector<16xi32>,
    tpu.vector_store %arg5[%swap3A_1870, %swap3A_1871], %broadcast_in_dim3A_5 {strides = array<i32>} : memref<16x65xi32, #tpu.memory_space<vmem>>, vector<16xi32>,
    %swap3A_1873 = arith.constant 4 : i32
    %swap3A_1874 = arith.index_cast %swap3A_1873 : i32 to index
    %swap3A_1875 = arith.constant 0 : index
    %swap3A_1876 = tpu.vector_load %arg5[%swap3A_1874, %swap3A_1875] {strides = array<i32>} : memref<16x65xi32, #tpu.memory_space<vmem>>, vector<16xi32>,
    tpu.vector_store %arg5[%swap3A_1874, %swap3A_1875], %broadcast_in_dim3A_5 {strides = array<i32>} : memref<16x65xi32, #tpu.memory_space<vmem>>, vector<16xi32>,
    %swap3A_1877 = arith.constant 4 : i32
    %swap3A_1878 = arith.index_cast %swap3A_1877 : i32 to index
    %swap3A_1879 = arith.constant 16 : index
    %swap3A_1880 = tpu.vector_load %arg5[%swap3A_1878, %swap3A_1879] {strides = array<i32>} : memref<16x65xi32, #tpu.memory_space<vmem>>, vector<16xi32>,
    tpu.vector_store %arg5[%swap3A_1878, %swap3A_1879], %broadcast_in_dim3A_5 {strides = array<i32>} : memref<16x65xi32, #tpu.memory_space<vmem>>, vector<16xi32>,
    %swap3A_1881 = arith.constant 4 : i32
    %swap3A_1882 = arith.index_cast %swap3A_1881 : i32 to index
    %swap3A_1883 = arith.constant 32 : index
    %swap3A_1884 = tpu.vector_load %arg5[%swap3A_1882, %swap3A_1883] {strides = array<i32>} : memref<16x65xi32, #tpu.memory_space<vmem>>, vector<16xi32>,
    tpu.vector_store %arg5[%swap3A_1882, %swap3A_1883], %broadcast_in_dim3A_5 {strides = array<i32>} : memref<16x65xi32, #tpu.memory_space<vmem>>, vector<16xi32>,
    %swap3A_1885 = arith.constant 4 : i32
    %swap3A_1886 = arith.index_cast %swap3A_1885 : i32 to index
    %swap3A_1887 = arith.constant 48 : index
    %swap3A_1888 = tpu.vector_load %arg5[%swap3A_1886, %swap3A_1887] {strides = array<i32>} : memref<16x65xi32, #tpu.memory_space<vmem>>, vector<16xi32>,
    tpu.vector_store %arg5[%swap3A_1886, %swap3A_1887], %broadcast_in_dim3A_5 {strides = array<i32>} : memref<16x65xi32, #tpu.memory_space<vmem>>, vector<16xi32>,
    %swap3A_1889 = arith.constant 5 : i32
    %swap3A_1890 = arith.index_cast %swap3A_1889 : i32 to index
    %swap3A_1891 = arith.constant 0 : index
    %swap3A_1892 = tpu.vector_load %arg5[%swap3A_1890, %swap3A_1891] {strides = array<i32>} : memref<16x65xi32, #tpu.memory_space<vmem>>, vector<16xi32>,
    tpu.vector_store %arg5[%swap3A_1890, %swap3A_1891], %broadcast_in_dim3A_5 {strides = array<i32>} : memref<16x65xi32, #tpu.memory_space<vmem>>, vector<16xi32>,
    %swap3A_1893 = arith.constant 5 : i32
    %swap3A_1894 = arith.index_cast %swap3A_1893 : i32 to index
    %swap3A_1895 = arith.constant 16 : index
    %swap3A_1896 = tpu.vector_load %arg5[%swap3A_1894, %swap3A_1895] {strides = array<i32>} : memref<16x65xi32, #tpu.memory_space<vmem>>, vector<16xi32>,
    tpu.vector_store %arg5[%swap3A_1894, %swap3A_1895], %broadcast_in_dim3A_5 {strides = array<i32>} : memref<16x65xi32, #tpu.memory_space<vmem>>, vector<16xi32>,
    %swap3A_1897 = arith.constant 5 : i32
    %swap3A_1898 = arith.index_cast %swap3A_1897 : i32 to index
    %swap3A_1899 = arith.constant 32 : index
    %swap3A_1900 = tpu.vector_load %arg5[%swap3A_1898, %swap3A_1899] {strides = array<i32>} : memref<16x65xi32, #tpu.memory_space<vmem>>, vector<16xi32>,
    tpu.vector_store %arg5[%swap3A_1898, %swap3A_1899], %broadcast_in_dim3A_5 {strides = array<i32>} : memref<16x65xi32, #tpu.memory_space<vmem>>, vector<16xi32>,
    %swap3A_1901 = arith.constant 5 : i32
    %swap3A_1902 = arith.index_cast %swap3A_1901 : i32 to index
    %swap3A_1903 = arith.constant 48 : index
    %swap3A_1904 = tpu.vector_load %arg5[%swap3A_1902, %swap3A_1903] {strides = array<i32>} : memref<16x65xi32, #tpu.memory_space<vmem>>, vector<16xi32>,
    tpu.vector_store %arg5[%swap3A_1902, %swap3A_1903], %broadcast_in_dim3A_5 {strides = array<i32>} : memref<16x65xi32, #tpu.memory_space<vmem>>, vector<16xi32>,
    %swap3A_1905 = arith.constant 6 : i32
    %swap3A_1906 = arith.index_cast %swap3A_1905 : i32 to index
    %swap3A_1907 = arith.constant 0 : index
    %swap3A_1908 = tpu.vector_load %arg5[%swap3A_1906, %swap3A_1907] {strides = array<i32>} : memref<16x65xi32, #tpu.memory_space<vmem>>, vector<16xi32>,
    tpu.vector_store %arg5[%swap3A_1906, %swap3A_1907], %broadcast_in_dim3A_5 {strides = array<i32>} : memref<16x65xi32, #tpu.memory_space<vmem>>, vector<16xi32>,
    %swap3A_1909 = arith.constant 6 : i32
    %swap3A_1910 = arith.index_cast %swap3A_1909 : i32 to index
    %swap3A_1911 = arith.constant 16 : index
    %swap3A_1912 = tpu.vector_load %arg5[%swap3A_1910, %swap3A_1911] {strides = array<i32>} : memref<16x65xi32, #tpu.memory_space<vmem>>, vector<16xi32>,
    tpu.vector_store %arg5[%swap3A_1910, %swap3A_1911], %broadcast_in_dim3A_5 {strides = array<i32>} : memref<16x65xi32, #tpu.memory_space<vmem>>, vector<16xi32>,
    %swap3A_1913 = arith.constant 6 : i32
    %swap3A_1914 = arith.index_cast %swap3A_1913 : i32 to index
    %swap3A_1915 = arith.constant 32 : index
    %swap3A_1916 = tpu.vector_load %arg5[%swap3A_1914, %swap3A_1915] {strides = array<i32>} : memref<16x65xi32, #tpu.memory_space<vmem>>, vector<16xi32>,
    tpu.vector_store %arg5[%swap3A_1914, %swap3A_1915], %broadcast_in_dim3A_5 {strides = array<i32>} : memref<16x65xi32, #tpu.memory_space<vmem>>, vector<16xi32>,
    %swap3A_1917 = arith.constant 6 : i32
    %swap3A_1918 = arith.index_cast %swap3A_1917 : i32 to index
    %swap3A_1919 = arith.constant 48 : index
    %swap3A_1920 = tpu.vector_load %arg5[%swap3A_1918, %swap3A_1919] {strides = array<i32>} : memref<16x65xi32, #tpu.memory_space<vmem>>, vector<16xi32>,
    tpu.vector_store %arg5[%swap3A_1918, %swap3A_1919], %broadcast_in_dim3A_5 {strides = array<i32>} : memref<16x65xi32, #tpu.memory_space<vmem>>, vector<16xi32>,
    %swap3A_1921 = arith.constant 7 : i32
    %swap3A_1922 = arith.index_cast %swap3A_1921 : i32 to index
    %swap3A_1923 = arith.constant 0 : index
    %swap3A_1924 = tpu.vector_load %arg5[%swap3A_1922, %swap3A_1923] {strides = array<i32>} : memref<16x65xi32, #tpu.memory_space<vmem>>, vector<16xi32>,
    tpu.vector_store %arg5[%swap3A_1922, %swap3A_1923], %broadcast_in_dim3A_5 {strides = array<i32>} : memref<16x65xi32, #tpu.memory_space<vmem>>, vector<16xi32>,
    %swap3A_1925 = arith.constant 7 : i32
    %swap3A_1926 = arith.index_cast %swap3A_1925 : i32 to index
    %swap3A_1927 = arith.constant 16 : index
    %swap3A_1928 = tpu.vector_load %arg5[%swap3A_1926, %swap3A_1927] {strides = array<i32>} : memref<16x65xi32, #tpu.memory_space<vmem>>, vector<16xi32>,
    tpu.vector_store %arg5[%swap3A_1926, %swap3A_1927], %broadcast_in_dim3A_5 {strides = array<i32>} : memref<16x65xi32, #tpu.memory_space<vmem>>, vector<16xi32>,
    %swap3A_1929 = arith.constant 7 : i32
    %swap3A_1930 = arith.index_cast %swap3A_1929 : i32 to index
    %swap3A_1931 = arith.constant 32 : index
    %swap3A_1932 = tpu.vector_load %arg5[%swap3A_1930, %swap3A_1931] {strides = array<i32>} : memref<16x65xi32, #tpu.memory_space<vmem>>, vector<16xi32>,
    tpu.vector_store %arg5[%swap3A_1930, %swap3A_1931], %broadcast_in_dim3A_5 {strides = array<i32>} : memref<16x65xi32, #tpu.memory_space<vmem>>, vector<16xi32>,
    %swap3A_1933 = arith.constant 7 : i32
    %swap3A_1934 = arith.index_cast %swap3A_1933 : i32 to index
    %swap3A_1935 = arith.constant 48 : index
    %swap3A_1936 = tpu.vector_load %arg5[%swap3A_1934, %swap3A_1935] {strides = array<i32>} : memref<16x65xi32, #tpu.memory_space<vmem>>, vector<16xi32>,
    tpu.vector_store %arg5[%swap3A_1934, %swap3A_1935], %broadcast_in_dim3A_5 {strides = array<i32>} : memref<16x65xi32, #tpu.memory_space<vmem>>, vector<16xi32>,
    %swap3A_1937 = arith.constant 8 : i32
    %swap3A_1938 = arith.index_cast %swap3A_1937 : i32 to index
    %swap3A_1939 = arith.constant 0 : index
    %swap3A_1940 = tpu.vector_load %arg5[%swap3A_1938, %swap3A_1939] {strides = array<i32>} : memref<16x65xi32, #tpu.memory_space<vmem>>, vector<16xi32>,
    tpu.vector_store %arg5[%swap3A_1938, %swap3A_1939], %broadcast_in_dim3A_5 {strides = array<i32>} : memref<16x65xi32, #tpu.memory_space<vmem>>, vector<16xi32>,
    %swap3A_1941 = arith.constant 8 : i32
    %swap3A_1942 = arith.index_cast %swap3A_1941 : i32 to index
    %swap3A_1943 = arith.constant 16 : index
    %swap3A_1944 = tpu.vector_load %arg5[%swap3A_1942, %swap3A_1943] {strides = array<i32>} : memref<16x65xi32, #tpu.memory_space<vmem>>, vector<16xi32>,
    tpu.vector_store %arg5[%swap3A_1942, %swap3A_1943], %broadcast_in_dim3A_5 {strides = array<i32>} : memref<16x65xi32, #tpu.memory_space<vmem>>, vector<16xi32>,
    %swap3A_1945 = arith.constant 8 : i32
    %swap3A_1946 = arith.index_cast %swap3A_1945 : i32 to index
    %swap3A_1947 = arith.constant 32 : index
    %swap3A_1948 = tpu.vector_load %arg5[%swap3A_1946, %swap3A_1947] {strides = array<i32>} : memref<16x65xi32, #tpu.memory_space<vmem>>, vector<16xi32>,
    tpu.vector_store %arg5[%swap3A_1946, %swap3A_1947], %broadcast_in_dim3A_5 {strides = array<i32>} : memref<16x65xi32, #tpu.memory_space<vmem>>, vector<16xi32>,
    %swap3A_1949 = arith.constant 8 : i32
    %swap3A_1950 = arith.index_cast %swap3A_1949 : i32 to index
    %swap3A_1951 = arith.constant 48 : index
    %swap3A_1952 = tpu.vector_load %arg5[%swap3A_1950, %swap3A_1951] {strides = array<i32>} : memref<16x65xi32, #tpu.memory_space<vmem>>, vector<16xi32>,
    tpu.vector_store %arg5[%swap3A_1950, %swap3A_1951], %broadcast_in_dim3A_5 {strides = array<i32>} : memref<16x65xi32, #tpu.memory_space<vmem>>, vector<16xi32>,
    %swap3A_1953 = arith.constant 9 : i32
    %swap3A_1954 = arith.index_cast %swap3A_1953 : i32 to index
    %swap3A_1955 = arith.constant 0 : index
    %swap3A_1956 = tpu.vector_load %arg5[%swap3A_1954, %swap3A_1955] {strides = array<i32>} : memref<16x65xi32, #tpu.memory_space<vmem>>, vector<16xi32>,
    tpu.vector_store %arg5[%swap3A_1954, %swap3A_1955], %broadcast_in_dim3A_5 {strides = array<i32>} : memref<16x65xi32, #tpu.memory_space<vmem>>, vector<16xi32>,
    %swap3A_1957 = arith.constant 9 : i32
    %swap3A_1958 = arith.index_cast %swap3A_1957 : i32 to index
    %swap3A_1959 = arith.constant 16 : index
    %swap3A_1960 = tpu.vector_load %arg5[%swap3A_1958, %swap3A_1959] {strides = array<i32>} : memref<16x65xi32, #tpu.memory_space<vmem>>, vector<16xi32>,
    tpu.vector_store %arg5[%swap3A_1958, %swap3A_1959], %broadcast_in_dim3A_5 {strides = array<i32>} : memref<16x65xi32, #tpu.memory_space<vmem>>, vector<16xi32>,
    %swap3A_1961 = arith.constant 9 : i32
    %swap3A_1962 = arith.index_cast %swap3A_1961 : i32 to index
    %swap3A_1963 = arith.constant 32 : index
    %swap3A_1964 = tpu.vector_load %arg5[%swap3A_1962, %swap3A_1963] {strides = array<i32>} : memref<16x65xi32, #tpu.memory_space<vmem>>, vector<16xi32>,
    tpu.vector_store %arg5[%swap3A_1962, %swap3A_1963], %broadcast_in_dim3A_5 {strides = array<i32>} : memref<16x65xi32, #tpu.memory_space<vmem>>, vector<16xi32>,
    %swap3A_1965 = arith.constant 9 : i32
    %swap3A_1966 = arith.index_cast %swap3A_1965 : i32 to index
    %swap3A_1967 = arith.constant 48 : index
    %swap3A_1968 = tpu.vector_load %arg5[%swap3A_1966, %swap3A_1967] {strides = array<i32>} : memref<16x65xi32, #tpu.memory_space<vmem>>, vector<16xi32>,
    tpu.vector_store %arg5[%swap3A_1966, %swap3A_1967], %broadcast_in_dim3A_5 {strides = array<i32>} : memref<16x65xi32, #tpu.memory_space<vmem>>, vector<16xi32>,
    %swap3A_1969 = arith.constant 10 : i32
    %swap3A_1970 = arith.index_cast %swap3A_1969 : i32 to index
    %swap3A_1971 = arith.constant 0 : index
    %swap3A_1972 = tpu.vector_load %arg5[%swap3A_1970, %swap3A_1971] {strides = array<i32>} : memref<16x65xi32, #tpu.memory_space<vmem>>, vector<16xi32>,
    tpu.vector_store %arg5[%swap3A_1970, %swap3A_1971], %broadcast_in_dim3A_5 {strides = array<i32>} : memref<16x65xi32, #tpu.memory_space<vmem>>, vector<16xi32>,
    %swap3A_1973 = arith.constant 10 : i32
    %swap3A_1974 = arith.index_cast %swap3A_1973 : i32 to index
    %swap3A_1975 = arith.constant 16 : index
    %swap3A_1976 = tpu.vector_load %arg5[%swap3A_1974, %swap3A_1975] {strides = array<i32>} : memref<16x65xi32, #tpu.memory_space<vmem>>, vector<16xi32>,
    tpu.vector_store %arg5[%swap3A_1974, %swap3A_1975], %broadcast_in_dim3A_5 {strides = array<i32>} : memref<16x65xi32, #tpu.memory_space<vmem>>, vector<16xi32>,
    %swap3A_1977 = arith.constant 10 : i32
    %swap3A_1978 = arith.index_cast %swap3A_1977 : i32 to index
    %swap3A_1979 = arith.constant 32 : index
    %swap3A_1980 = tpu.vector_load %arg5[%swap3A_1978, %swap3A_1979] {strides = array<i32>} : memref<16x65xi32, #tpu.memory_space<vmem>>, vector<16xi32>,
    tpu.vector_store %arg5[%swap3A_1978, %swap3A_1979], %broadcast_in_dim3A_5 {strides = array<i32>} : memref<16x65xi32, #tpu.memory_space<vmem>>, vector<16xi32>,
    %swap3A_1981 = arith.constant 10 : i32
    %swap3A_1982 = arith.index_cast %swap3A_1981 : i32 to index
    %swap3A_1983 = arith.constant 48 : index
    %swap3A_1984 = tpu.vector_load %arg5[%swap3A_1982, %swap3A_1983] {strides = array<i32>} : memref<16x65xi32, #tpu.memory_space<vmem>>, vector<16xi32>,
    tpu.vector_store %arg5[%swap3A_1982, %swap3A_1983], %broadcast_in_dim3A_5 {strides = array<i32>} : memref<16x65xi32, #tpu.memory_space<vmem>>, vector<16xi32>,
    %swap3A_1985 = arith.constant 11 : i32
    %swap3A_1986 = arith.index_cast %swap3A_1985 : i32 to index
    %swap3A_1987 = arith.constant 0 : index
    %swap3A_1988 = tpu.vector_load %arg5[%swap3A_1986, %swap3A_1987] {strides = array<i32>} : memref<16x65xi32, #tpu.memory_space<vmem>>, vector<16xi32>,
    tpu.vector_store %arg5[%swap3A_1986, %swap3A_1987], %broadcast_in_dim3A_5 {strides = array<i32>} : memref<16x65xi32, #tpu.memory_space<vmem>>, vector<16xi32>,
    %swap3A_1989 = arith.constant 11 : i32
    %swap3A_1990 = arith.index_cast %swap3A_1989 : i32 to index
    %swap3A_1991 = arith.constant 16 : index
    %swap3A_1992 = tpu.vector_load %arg5[%swap3A_1990, %swap3A_1991] {strides = array<i32>} : memref<16x65xi32, #tpu.memory_space<vmem>>, vector<16xi32>,
    tpu.vector_store %arg5[%swap3A_1990, %swap3A_1991], %broadcast_in_dim3A_5 {strides = array<i32>} : memref<16x65xi32, #tpu.memory_space<vmem>>, vector<16xi32>,
    %swap3A_1993 = arith.constant 11 : i32
    %swap3A_1994 = arith.index_cast %swap3A_1993 : i32 to index
    %swap3A_1995 = arith.constant 32 : index
    %swap3A_1996 = tpu.vector_load %arg5[%swap3A_1994, %swap3A_1995] {strides = array<i32>} : memref<16x65xi32, #tpu.memory_space<vmem>>, vector<16xi32>,
    tpu.vector_store %arg5[%swap3A_1994, %swap3A_1995], %broadcast_in_dim3A_5 {strides = array<i32>} : memref<16x65xi32, #tpu.memory_space<vmem>>, vector<16xi32>,
    %swap3A_1997 = arith.constant 11 : i32
    %swap3A_1998 = arith.index_cast %swap3A_1997 : i32 to index
    %swap3A_1999 = arith.constant 48 : index
    %swap3A_2000 = tpu.vector_load %arg5[%swap3A_1998, %swap3A_1999] {strides = array<i32>} : memref<16x65xi32, #tpu.memory_space<vmem>>, vector<16xi32>,
    tpu.vector_store %arg5[%swap3A_1998, %swap3A_1999], %broadcast_in_dim3A_5 {strides = array<i32>} : memref<16x65xi32, #tpu.memory_space<vmem>>, vector<16xi32>,
    %swap3A_2001 = arith.constant 12 : i32
    %swap3A_2002 = arith.index_cast %swap3A_2001 : i32 to index
    %swap3A_2003 = arith.constant 0 : index
    %swap3A_2004 = tpu.vector_load %arg5[%swap3A_2002, %swap3A_2003] {strides = array<i32>} : memref<16x65xi32, #tpu.memory_space<vmem>>, vector<16xi32>,
    tpu.vector_store %arg5[%swap3A_2002, %swap3A_2003], %broadcast_in_dim3A_5 {strides = array<i32>} : memref<16x65xi32, #tpu.memory_space<vmem>>, vector<16xi32>,
    %swap3A_2005 = arith.constant 12 : i32
    %swap3A_2006 = arith.index_cast %swap3A_2005 : i32 to index
    %swap3A_2007 = arith.constant 16 : index
    %swap3A_2008 = tpu.vector_load %arg5[%swap3A_2006, %swap3A_2007] {strides = array<i32>} : memref<16x65xi32, #tpu.memory_space<vmem>>, vector<16xi32>,
    tpu.vector_store %arg5[%swap3A_2006, %swap3A_2007], %broadcast_in_dim3A_5 {strides = array<i32>} : memref<16x65xi32, #tpu.memory_space<vmem>>, vector<16xi32>,
    %swap3A_2009 = arith.constant 12 : i32
    %swap3A_2010 = arith.index_cast %swap3A_2009 : i32 to index
    %swap3A_2011 = arith.constant 32 : index
    %swap3A_2012 = tpu.vector_load %arg5[%swap3A_2010, %swap3A_2011] {strides = array<i32>} : memref<16x65xi32, #tpu.memory_space<vmem>>, vector<16xi32>,
    tpu.vector_store %arg5[%swap3A_2010, %swap3A_2011], %broadcast_in_dim3A_5 {strides = array<i32>} : memref<16x65xi32, #tpu.memory_space<vmem>>, vector<16xi32>,
    %swap3A_2013 = arith.constant 12 : i32
    %swap3A_2014 = arith.index_cast %swap3A_2013 : i32 to index
    %swap3A_2015 = arith.constant 48 : index
    %swap3A_2016 = tpu.vector_load %arg5[%swap3A_2014, %swap3A_2015] {strides = array<i32>} : memref<16x65xi32, #tpu.memory_space<vmem>>, vector<16xi32>,
    tpu.vector_store %arg5[%swap3A_2014, %swap3A_2015], %broadcast_in_dim3A_5 {strides = array<i32>} : memref<16x65xi32, #tpu.memory_space<vmem>>, vector<16xi32>,
    %swap3A_2017 = arith.constant 13 : i32
    %swap3A_2018 = arith.index_cast %swap3A_2017 : i32 to index
    %swap3A_2019 = arith.constant 0 : index
    %swap3A_2020 = tpu.vector_load %arg5[%swap3A_2018, %swap3A_2019] {strides = array<i32>} : memref<16x65xi32, #tpu.memory_space<vmem>>, vector<16xi32>,
    tpu.vector_store %arg5[%swap3A_2018, %swap3A_2019], %broadcast_in_dim3A_5 {strides = array<i32>} : memref<16x65xi32, #tpu.memory_space<vmem>>, vector<16xi32>,
    %swap3A_2021 = arith.constant 13 : i32
    %swap3A_2022 = arith.index_cast %swap3A_2021 : i32 to index
    %swap3A_2023 = arith.constant 16 : index
    %swap3A_2024 = tpu.vector_load %arg5[%swap3A_2022, %swap3A_2023] {strides = array<i32>} : memref<16x65xi32, #tpu.memory_space<vmem>>, vector<16xi32>,
    tpu.vector_store %arg5[%swap3A_2022, %swap3A_2023], %broadcast_in_dim3A_5 {strides = array<i32>} : memref<16x65xi32, #tpu.memory_space<vmem>>, vector<16xi32>,
    %swap3A_2025 = arith.constant 13 : i32
    %swap3A_2026 = arith.index_cast %swap3A_2025 : i32 to index
    %swap3A_2027 = arith.constant 32 : index
    %swap3A_2028 = tpu.vector_load %arg5[%swap3A_2026, %swap3A_2027] {strides = array<i32>} : memref<16x65xi32, #tpu.memory_space<vmem>>, vector<16xi32>,
    tpu.vector_store %arg5[%swap3A_2026, %swap3A_2027], %broadcast_in_dim3A_5 {strides = array<i32>} : memref<16x65xi32, #tpu.memory_space<vmem>>, vector<16xi32>,
    %swap3A_2029 = arith.constant 13 : i32
    %swap3A_2030 = arith.index_cast %swap3A_2029 : i32 to index
    %swap3A_2031 = arith.constant 48 : index
    %swap3A_2032 = tpu.vector_load %arg5[%swap3A_2030, %swap3A_2031] {strides = array<i32>} : memref<16x65xi32, #tpu.memory_space<vmem>>, vector<16xi32>,
    tpu.vector_store %arg5[%swap3A_2030, %swap3A_2031], %broadcast_in_dim3A_5 {strides = array<i32>} : memref<16x65xi32, #tpu.memory_space<vmem>>, vector<16xi32>,
    %swap3A_2033 = arith.constant 14 : i32
    %swap3A_2034 = arith.index_cast %swap3A_2033 : i32 to index
    %swap3A_2035 = arith.constant 0 : index
    %swap3A_2036 = tpu.vector_load %arg5[%swap3A_2034, %swap3A_2035] {strides = array<i32>} : memref<16x65xi32, #tpu.memory_space<vmem>>, vector<16xi32>,
    tpu.vector_store %arg5[%swap3A_2034, %swap3A_2035], %broadcast_in_dim3A_5 {strides = array<i32>} : memref<16x65xi32, #tpu.memory_space<vmem>>, vector<16xi32>,
    %swap3A_2037 = arith.constant 14 : i32
    %swap3A_2038 = arith.index_cast %swap3A_2037 : i32 to index
    %swap3A_2039 = arith.constant 16 : index
    %swap3A_2040 = tpu.vector_load %arg5[%swap3A_2038, %swap3A_2039] {strides = array<i32>} : memref<16x65xi32, #tpu.memory_space<vmem>>, vector<16xi32>,
    tpu.vector_store %arg5[%swap3A_2038, %swap3A_2039], %broadcast_in_dim3A_5 {strides = array<i32>} : memref<16x65xi32, #tpu.memory_space<vmem>>, vector<16xi32>,
    %swap3A_2041 = arith.constant 14 : i32
    %swap3A_2042 = arith.index_cast %swap3A_2041 : i32 to index
    %swap3A_2043 = arith.constant 32 : index
    %swap3A_2044 = tpu.vector_load %arg5[%swap3A_2042, %swap3A_2043] {strides = array<i32>} : memref<16x65xi32, #tpu.memory_space<vmem>>, vector<16xi32>,
    tpu.vector_store %arg5[%swap3A_2042, %swap3A_2043], %broadcast_in_dim3A_5 {strides = array<i32>} : memref<16x65xi32, #tpu.memory_space<vmem>>, vector<16xi32>,
    %swap3A_2045 = arith.constant 14 : i32
    %swap3A_2046 = arith.index_cast %swap3A_2045 : i32 to index
    %swap3A_2047 = arith.constant 48 : index
    %swap3A_2048 = tpu.vector_load %arg5[%swap3A_2046, %swap3A_2047] {strides = array<i32>} : memref<16x65xi32, #tpu.memory_space<vmem>>, vector<16xi32>,
    tpu.vector_store %arg5[%swap3A_2046, %swap3A_2047], %broadcast_in_dim3A_5 {strides = array<i32>} : memref<16x65xi32, #tpu.memory_space<vmem>>, vector<16xi32>,
    %swap3A_2049 = arith.constant 15 : i32
    %swap3A_2050 = arith.index_cast %swap3A_2049 : i32 to index
    %swap3A_2051 = arith.constant 0 : index
    %swap3A_2052 = tpu.vector_load %arg5[%swap3A_2050, %swap3A_2051] {strides = array<i32>} : memref<16x65xi32, #tpu.memory_space<vmem>>, vector<16xi32>,
    tpu.vector_store %arg5[%swap3A_2050, %swap3A_2051], %broadcast_in_dim3A_5 {strides = array<i32>} : memref<16x65xi32, #tpu.memory_space<vmem>>, vector<16xi32>,
    %swap3A_2053 = arith.constant 15 : i32
    %swap3A_2054 = arith.index_cast %swap3A_2053 : i32 to index
    %swap3A_2055 = arith.constant 16 : index
    %swap3A_2056 = tpu.vector_load %arg5[%swap3A_2054, %swap3A_2055] {strides = array<i32>} : memref<16x65xi32, #tpu.memory_space<vmem>>, vector<16xi32>,
    tpu.vector_store %arg5[%swap3A_2054, %swap3A_2055], %broadcast_in_dim3A_5 {strides = array<i32>} : memref<16x65xi32, #tpu.memory_space<vmem>>, vector<16xi32>,
    %swap3A_2057 = arith.constant 15 : i32
    %swap3A_2058 = arith.index_cast %swap3A_2057 : i32 to index
    %swap3A_2059 = arith.constant 32 : index
    %swap3A_2060 = tpu.vector_load %arg5[%swap3A_2058, %swap3A_2059] {strides = array<i32>} : memref<16x65xi32, #tpu.memory_space<vmem>>, vector<16xi32>,
    tpu.vector_store %arg5[%swap3A_2058, %swap3A_2059], %broadcast_in_dim3A_5 {strides = array<i32>} : memref<16x65xi32, #tpu.memory_space<vmem>>, vector<16xi32>,
    %swap3A_2061 = arith.constant 15 : i32
    %swap3A_2062 = arith.index_cast %swap3A_2061 : i32 to index
    %swap3A_2063 = arith.constant 48 : index
    %swap3A_2064 = tpu.vector_load %arg5[%swap3A_2062, %swap3A_2063] {strides = array<i32>} : memref<16x65xi32, #tpu.memory_space<vmem>>, vector<16xi32>,
    tpu.vector_store %arg5[%swap3A_2062, %swap3A_2063], %broadcast_in_dim3A_5 {strides = array<i32>} : memref<16x65xi32, #tpu.memory_space<vmem>>, vector<16xi32>,
    %scan3A_2065 = arith.constant 0 : i32
    %scan3A_2066 = arith.constant 0 : i32
    %scan3A_2067 = arith.constant 16 : i32
    %scan3A_2068 = arith.addi %scan3A_2066, %scan3A_2067 : i32
    %scan3A_2069 = arith.constant 1 : i32
    scf.for %scan3A_2411 = %scan3A_2066 to %scan3A_2068 step %scan3A_2069  : i32 {
      %mul3A_2412 = arith.constant 128 : i32
      %mul3A_2413 = arith.muli %scan3A_2411, %mul3A_2412 : i32
      %add3A_2414 = arith.constant 0 : i32
      %add3A_2415 = arith.addi %mul3A_2413, %add3A_2414 : i32
      %get3A_2416 = arith.constant 3 : i32
      %get3A_2417 = arith.index_cast %get3A_2416 : i32 to index
      %get3A_2418 = arith.index_cast %add3A_2415 : i32 to index
      %get3A_2419 = tpu.vector_load %arg4[%get3A_2417, %get3A_2418] {strides = array<i32>} : memref<4x2048xi32, #tpu.memory_space<vmem>>, vector<16xi32>,
      %add3A_2420 = arith.constant 16 : i32
      %add3A_2421 = arith.addi %mul3A_2413, %add3A_2420 : i32
      %get3A_2422 = arith.constant 3 : i32
      %get3A_2423 = arith.index_cast %get3A_2422 : i32 to index
      %get3A_2424 = arith.index_cast %add3A_2421 : i32 to index
      %get3A_2425 = tpu.vector_load %arg4[%get3A_2423, %get3A_2424] {strides = array<i32>} : memref<4x2048xi32, #tpu.memory_space<vmem>>, vector<16xi32>,
      %add3A_2426 = arith.constant 32 : i32
      %add3A_2427 = arith.addi %mul3A_2413, %add3A_2426 : i32
      %get3A_2428 = arith.constant 3 : i32
      %get3A_2429 = arith.index_cast %get3A_2428 : i32 to index
      %get3A_2430 = arith.index_cast %add3A_2427 : i32 to index
      %get3A_2431 = tpu.vector_load %arg4[%get3A_2429, %get3A_2430] {strides = array<i32>} : memref<4x2048xi32, #tpu.memory_space<vmem>>, vector<16xi32>,
      %add3A_2432 = arith.constant 48 : i32
      %add3A_2433 = arith.addi %mul3A_2413, %add3A_2432 : i32
      %get3A_2434 = arith.constant 3 : i32
      %get3A_2435 = arith.index_cast %get3A_2434 : i32 to index
      %get3A_2436 = arith.index_cast %add3A_2433 : i32 to index
      %get3A_2437 = tpu.vector_load %arg4[%get3A_2435, %get3A_2436] {strides = array<i32>} : memref<4x2048xi32, #tpu.memory_space<vmem>>, vector<16xi32>,
      %add3A_2438 = arith.constant 64 : i32
      %add3A_2439 = arith.addi %mul3A_2413, %add3A_2438 : i32
      %get3A_2440 = arith.constant 3 : i32
      %get3A_2441 = arith.index_cast %get3A_2440 : i32 to index
      %get3A_2442 = arith.index_cast %add3A_2439 : i32 to index
      %get3A_2443 = tpu.vector_load %arg4[%get3A_2441, %get3A_2442] {strides = array<i32>} : memref<4x2048xi32, #tpu.memory_space<vmem>>, vector<16xi32>,
      %add3A_2444 = arith.constant 80 : i32
      %add3A_2445 = arith.addi %mul3A_2413, %add3A_2444 : i32
      %get3A_2446 = arith.constant 3 : i32
      %get3A_2447 = arith.index_cast %get3A_2446 : i32 to index
      %get3A_2448 = arith.index_cast %add3A_2445 : i32 to index
      %get3A_2449 = tpu.vector_load %arg4[%get3A_2447, %get3A_2448] {strides = array<i32>} : memref<4x2048xi32, #tpu.memory_space<vmem>>, vector<16xi32>,
      %add3A_2450 = arith.constant 96 : i32
      %add3A_2451 = arith.addi %mul3A_2413, %add3A_2450 : i32
      %get3A_2452 = arith.constant 3 : i32
      %get3A_2453 = arith.index_cast %get3A_2452 : i32 to index
      %get3A_2454 = arith.index_cast %add3A_2451 : i32 to index
      %get3A_2455 = tpu.vector_load %arg4[%get3A_2453, %get3A_2454] {strides = array<i32>} : memref<4x2048xi32, #tpu.memory_space<vmem>>, vector<16xi32>,
      %add3A_2456 = arith.constant 112 : i32
      %add3A_2457 = arith.addi %mul3A_2413, %add3A_2456 : i32
      %get3A_2458 = arith.constant 3 : i32
      %get3A_2459 = arith.index_cast %get3A_2458 : i32 to index
      %get3A_2460 = arith.index_cast %add3A_2457 : i32 to index
      %get3A_2461 = tpu.vector_load %arg4[%get3A_2459, %get3A_2460] {strides = array<i32>} : memref<4x2048xi32, #tpu.memory_space<vmem>>, vector<16xi32>,
      tpu.vector_store_idx %arg5[%iota3A, %get3A_2419], %broadcast_in_dim3A_3 {add = true} : memref<16x65xi32, #tpu.memory_space<vmem>>[vector<16xi32>, vector<16xi32>], vector<16xi32>,
      tpu.vector_store_idx %arg5[%iota3A, %get3A_2425], %broadcast_in_dim3A_3 {add = true} : memref<16x65xi32, #tpu.memory_space<vmem>>[vector<16xi32>, vector<16xi32>], vector<16xi32>,
      tpu.vector_store_idx %arg5[%iota3A, %get3A_2431], %broadcast_in_dim3A_3 {add = true} : memref<16x65xi32, #tpu.memory_space<vmem>>[vector<16xi32>, vector<16xi32>], vector<16xi32>,
      tpu.vector_store_idx %arg5[%iota3A, %get3A_2437], %broadcast_in_dim3A_3 {add = true} : memref<16x65xi32, #tpu.memory_space<vmem>>[vector<16xi32>, vector<16xi32>], vector<16xi32>,
      tpu.vector_store_idx %arg5[%iota3A, %get3A_2443], %broadcast_in_dim3A_3 {add = true} : memref<16x65xi32, #tpu.memory_space<vmem>>[vector<16xi32>, vector<16xi32>], vector<16xi32>,
      tpu.vector_store_idx %arg5[%iota3A, %get3A_2449], %broadcast_in_dim3A_3 {add = true} : memref<16x65xi32, #tpu.memory_space<vmem>>[vector<16xi32>, vector<16xi32>], vector<16xi32>,
      tpu.vector_store_idx %arg5[%iota3A, %get3A_2455], %broadcast_in_dim3A_3 {add = true} : memref<16x65xi32, #tpu.memory_space<vmem>>[vector<16xi32>, vector<16xi32>], vector<16xi32>,
      tpu.vector_store_idx %arg5[%iota3A, %get3A_2461], %broadcast_in_dim3A_3 {add = true} : memref<16x65xi32, #tpu.memory_space<vmem>>[vector<16xi32>, vector<16xi32>], vector<16xi32>,
    }
    %scan3A_2070 = arith.constant 16 : i32
    %get3A_2071 = arith.constant 0 : i32
    %get3A_2072 = arith.index_cast %get3A_2071 : i32 to index
    %get3A_2073 = arith.constant 0 : index
    %get3A_2074 = tpu.vector_load %arg5[%get3A_2072, %get3A_2073] {strides = array<i32>} : memref<16x65xi32, #tpu.memory_space<vmem>>, vector<16xi32>,
    %get3A_2075 = arith.constant 1 : i32
    %get3A_2076 = arith.index_cast %get3A_2075 : i32 to index
    %get3A_2077 = arith.constant 0 : index
    %get3A_2078 = tpu.vector_load %arg5[%get3A_2076, %get3A_2077] {strides = array<i32>} : memref<16x65xi32, #tpu.memory_space<vmem>>, vector<16xi32>,
    %add3A_2079 = arith.addi %get3A_2074, %get3A_2078 : vector<16xi32>
    %get3A_2080 = arith.constant 2 : i32
    %get3A_2081 = arith.index_cast %get3A_2080 : i32 to index
    %get3A_2082 = arith.constant 0 : index
    %get3A_2083 = tpu.vector_load %arg5[%get3A_2081, %get3A_2082] {strides = array<i32>} : memref<16x65xi32, #tpu.memory_space<vmem>>, vector<16xi32>,
    %add3A_2084 = arith.addi %add3A_2079, %get3A_2083 : vector<16xi32>
    %get3A_2085 = arith.constant 3 : i32
    %get3A_2086 = arith.index_cast %get3A_2085 : i32 to index
    %get3A_2087 = arith.constant 0 : index
    %get3A_2088 = tpu.vector_load %arg5[%get3A_2086, %get3A_2087] {strides = array<i32>} : memref<16x65xi32, #tpu.memory_space<vmem>>, vector<16xi32>,
    %add3A_2089 = arith.addi %add3A_2084, %get3A_2088 : vector<16xi32>
    %get3A_2090 = arith.constant 4 : i32
    %get3A_2091 = arith.index_cast %get3A_2090 : i32 to index
    %get3A_2092 = arith.constant 0 : index
    %get3A_2093 = tpu.vector_load %arg5[%get3A_2091, %get3A_2092] {strides = array<i32>} : memref<16x65xi32, #tpu.memory_space<vmem>>, vector<16xi32>,
    %add3A_2094 = arith.addi %add3A_2089, %get3A_2093 : vector<16xi32>
    %get3A_2095 = arith.constant 5 : i32
    %get3A_2096 = arith.index_cast %get3A_2095 : i32 to index
    %get3A_2097 = arith.constant 0 : index
    %get3A_2098 = tpu.vector_load %arg5[%get3A_2096, %get3A_2097] {strides = array<i32>} : memref<16x65xi32, #tpu.memory_space<vmem>>, vector<16xi32>,
    %add3A_2099 = arith.addi %add3A_2094, %get3A_2098 : vector<16xi32>
    %get3A_2100 = arith.constant 6 : i32
    %get3A_2101 = arith.index_cast %get3A_2100 : i32 to index
    %get3A_2102 = arith.constant 0 : index
    %get3A_2103 = tpu.vector_load %arg5[%get3A_2101, %get3A_2102] {strides = array<i32>} : memref<16x65xi32, #tpu.memory_space<vmem>>, vector<16xi32>,
    %add3A_2104 = arith.addi %add3A_2099, %get3A_2103 : vector<16xi32>
    %get3A_2105 = arith.constant 7 : i32
    %get3A_2106 = arith.index_cast %get3A_2105 : i32 to index
    %get3A_2107 = arith.constant 0 : index
    %get3A_2108 = tpu.vector_load %arg5[%get3A_2106, %get3A_2107] {strides = array<i32>} : memref<16x65xi32, #tpu.memory_space<vmem>>, vector<16xi32>,
    %add3A_2109 = arith.addi %add3A_2104, %get3A_2108 : vector<16xi32>
    %get3A_2110 = arith.constant 8 : i32
    %get3A_2111 = arith.index_cast %get3A_2110 : i32 to index
    %get3A_2112 = arith.constant 0 : index
    %get3A_2113 = tpu.vector_load %arg5[%get3A_2111, %get3A_2112] {strides = array<i32>} : memref<16x65xi32, #tpu.memory_space<vmem>>, vector<16xi32>,
    %add3A_2114 = arith.addi %add3A_2109, %get3A_2113 : vector<16xi32>
    %get3A_2115 = arith.constant 9 : i32
    %get3A_2116 = arith.index_cast %get3A_2115 : i32 to index
    %get3A_2117 = arith.constant 0 : index
    %get3A_2118 = tpu.vector_load %arg5[%get3A_2116, %get3A_2117] {strides = array<i32>} : memref<16x65xi32, #tpu.memory_space<vmem>>, vector<16xi32>,
    %add3A_2119 = arith.addi %add3A_2114, %get3A_2118 : vector<16xi32>
    %get3A_2120 = arith.constant 10 : i32
    %get3A_2121 = arith.index_cast %get3A_2120 : i32 to index
    %get3A_2122 = arith.constant 0 : index
    %get3A_2123 = tpu.vector_load %arg5[%get3A_2121, %get3A_2122] {strides = array<i32>} : memref<16x65xi32, #tpu.memory_space<vmem>>, vector<16xi32>,
    %add3A_2124 = arith.addi %add3A_2119, %get3A_2123 : vector<16xi32>
    %get3A_2125 = arith.constant 11 : i32
    %get3A_2126 = arith.index_cast %get3A_2125 : i32 to index
    %get3A_2127 = arith.constant 0 : index
    %get3A_2128 = tpu.vector_load %arg5[%get3A_2126, %get3A_2127] {strides = array<i32>} : memref<16x65xi32, #tpu.memory_space<vmem>>, vector<16xi32>,
    %add3A_2129 = arith.addi %add3A_2124, %get3A_2128 : vector<16xi32>
    %get3A_2130 = arith.constant 12 : i32
    %get3A_2131 = arith.index_cast %get3A_2130 : i32 to index
    %get3A_2132 = arith.constant 0 : index
    %get3A_2133 = tpu.vector_load %arg5[%get3A_2131, %get3A_2132] {strides = array<i32>} : memref<16x65xi32, #tpu.memory_space<vmem>>, vector<16xi32>,
    %add3A_2134 = arith.addi %add3A_2129, %get3A_2133 : vector<16xi32>
    %get3A_2135 = arith.constant 13 : i32
    %get3A_2136 = arith.index_cast %get3A_2135 : i32 to index
    %get3A_2137 = arith.constant 0 : index
    %get3A_2138 = tpu.vector_load %arg5[%get3A_2136, %get3A_2137] {strides = array<i32>} : memref<16x65xi32, #tpu.memory_space<vmem>>, vector<16xi32>,
    %add3A_2139 = arith.addi %add3A_2134, %get3A_2138 : vector<16xi32>
    %get3A_2140 = arith.constant 14 : i32
    %get3A_2141 = arith.index_cast %get3A_2140 : i32 to index
    %get3A_2142 = arith.constant 0 : index
    %get3A_2143 = tpu.vector_load %arg5[%get3A_2141, %get3A_2142] {strides = array<i32>} : memref<16x65xi32, #tpu.memory_space<vmem>>, vector<16xi32>,
    %add3A_2144 = arith.addi %add3A_2139, %get3A_2143 : vector<16xi32>
    %get3A_2145 = arith.constant 15 : i32
    %get3A_2146 = arith.index_cast %get3A_2145 : i32 to index
    %get3A_2147 = arith.constant 0 : index
    %get3A_2148 = tpu.vector_load %arg5[%get3A_2146, %get3A_2147] {strides = array<i32>} : memref<16x65xi32, #tpu.memory_space<vmem>>, vector<16xi32>,
    %add3A_2149 = arith.addi %add3A_2144, %get3A_2148 : vector<16xi32>
    %swap3A_2150 = arith.constant 3 : i32
    %swap3A_2151 = arith.index_cast %swap3A_2150 : i32 to index
    %swap3A_2152 = arith.constant 0 : index
    %swap3A_2153 = tpu.vector_load %arg6[%swap3A_2151, %swap3A_2152] {strides = array<i32>} : memref<4x80xi32, #tpu.memory_space<vmem>>, vector<16xi32>,
    tpu.vector_store %arg6[%swap3A_2151, %swap3A_2152], %add3A_2149 {strides = array<i32>} : memref<4x80xi32, #tpu.memory_space<vmem>>, vector<16xi32>,
    %get3A_2154 = arith.constant 0 : i32
    %get3A_2155 = arith.index_cast %get3A_2154 : i32 to index
    %get3A_2156 = arith.constant 16 : index
    %get3A_2157 = tpu.vector_load %arg5[%get3A_2155, %get3A_2156] {strides = array<i32>} : memref<16x65xi32, #tpu.memory_space<vmem>>, vector<16xi32>,
    %get3A_2158 = arith.constant 1 : i32
    %get3A_2159 = arith.index_cast %get3A_2158 : i32 to index
    %get3A_2160 = arith.constant 16 : index
    %get3A_2161 = tpu.vector_load %arg5[%get3A_2159, %get3A_2160] {strides = array<i32>} : memref<16x65xi32, #tpu.memory_space<vmem>>, vector<16xi32>,
    %add3A_2162 = arith.addi %get3A_2157, %get3A_2161 : vector<16xi32>
    %get3A_2163 = arith.constant 2 : i32
    %get3A_2164 = arith.index_cast %get3A_2163 : i32 to index
    %get3A_2165 = arith.constant 16 : index
    %get3A_2166 = tpu.vector_load %arg5[%get3A_2164, %get3A_2165] {strides = array<i32>} : memref<16x65xi32, #tpu.memory_space<vmem>>, vector<16xi32>,
    %add3A_2167 = arith.addi %add3A_2162, %get3A_2166 : vector<16xi32>
    %get3A_2168 = arith.constant 3 : i32
    %get3A_2169 = arith.index_cast %get3A_2168 : i32 to index
    %get3A_2170 = arith.constant 16 : index
    %get3A_2171 = tpu.vector_load %arg5[%get3A_2169, %get3A_2170] {strides = array<i32>} : memref<16x65xi32, #tpu.memory_space<vmem>>, vector<16xi32>,
    %add3A_2172 = arith.addi %add3A_2167, %get3A_2171 : vector<16xi32>
    %get3A_2173 = arith.constant 4 : i32
    %get3A_2174 = arith.index_cast %get3A_2173 : i32 to index
    %get3A_2175 = arith.constant 16 : index
    %get3A_2176 = tpu.vector_load %arg5[%get3A_2174, %get3A_2175] {strides = array<i32>} : memref<16x65xi32, #tpu.memory_space<vmem>>, vector<16xi32>,
    %add3A_2177 = arith.addi %add3A_2172, %get3A_2176 : vector<16xi32>
    %get3A_2178 = arith.constant 5 : i32
    %get3A_2179 = arith.index_cast %get3A_2178 : i32 to index
    %get3A_2180 = arith.constant 16 : index
    %get3A_2181 = tpu.vector_load %arg5[%get3A_2179, %get3A_2180] {strides = array<i32>} : memref<16x65xi32, #tpu.memory_space<vmem>>, vector<16xi32>,
    %add3A_2182 = arith.addi %add3A_2177, %get3A_2181 : vector<16xi32>
    %get3A_2183 = arith.constant 6 : i32
    %get3A_2184 = arith.index_cast %get3A_2183 : i32 to index
    %get3A_2185 = arith.constant 16 : index
    %get3A_2186 = tpu.vector_load %arg5[%get3A_2184, %get3A_2185] {strides = array<i32>} : memref<16x65xi32, #tpu.memory_space<vmem>>, vector<16xi32>,
    %add3A_2187 = arith.addi %add3A_2182, %get3A_2186 : vector<16xi32>
    %get3A_2188 = arith.constant 7 : i32
    %get3A_2189 = arith.index_cast %get3A_2188 : i32 to index
    %get3A_2190 = arith.constant 16 : index
    %get3A_2191 = tpu.vector_load %arg5[%get3A_2189, %get3A_2190] {strides = array<i32>} : memref<16x65xi32, #tpu.memory_space<vmem>>, vector<16xi32>,
    %add3A_2192 = arith.addi %add3A_2187, %get3A_2191 : vector<16xi32>
    %get3A_2193 = arith.constant 8 : i32
    %get3A_2194 = arith.index_cast %get3A_2193 : i32 to index
    %get3A_2195 = arith.constant 16 : index
    %get3A_2196 = tpu.vector_load %arg5[%get3A_2194, %get3A_2195] {strides = array<i32>} : memref<16x65xi32, #tpu.memory_space<vmem>>, vector<16xi32>,
    %add3A_2197 = arith.addi %add3A_2192, %get3A_2196 : vector<16xi32>
    %get3A_2198 = arith.constant 9 : i32
    %get3A_2199 = arith.index_cast %get3A_2198 : i32 to index
    %get3A_2200 = arith.constant 16 : index
    %get3A_2201 = tpu.vector_load %arg5[%get3A_2199, %get3A_2200] {strides = array<i32>} : memref<16x65xi32, #tpu.memory_space<vmem>>, vector<16xi32>,
    %add3A_2202 = arith.addi %add3A_2197, %get3A_2201 : vector<16xi32>
    %get3A_2203 = arith.constant 10 : i32
    %get3A_2204 = arith.index_cast %get3A_2203 : i32 to index
    %get3A_2205 = arith.constant 16 : index
    %get3A_2206 = tpu.vector_load %arg5[%get3A_2204, %get3A_2205] {strides = array<i32>} : memref<16x65xi32, #tpu.memory_space<vmem>>, vector<16xi32>,
    %add3A_2207 = arith.addi %add3A_2202, %get3A_2206 : vector<16xi32>
    %get3A_2208 = arith.constant 11 : i32
    %get3A_2209 = arith.index_cast %get3A_2208 : i32 to index
    %get3A_2210 = arith.constant 16 : index
    %get3A_2211 = tpu.vector_load %arg5[%get3A_2209, %get3A_2210] {strides = array<i32>} : memref<16x65xi32, #tpu.memory_space<vmem>>, vector<16xi32>,
    %add3A_2212 = arith.addi %add3A_2207, %get3A_2211 : vector<16xi32>
    %get3A_2213 = arith.constant 12 : i32
    %get3A_2214 = arith.index_cast %get3A_2213 : i32 to index
    %get3A_2215 = arith.constant 16 : index
    %get3A_2216 = tpu.vector_load %arg5[%get3A_2214, %get3A_2215] {strides = array<i32>} : memref<16x65xi32, #tpu.memory_space<vmem>>, vector<16xi32>,
    %add3A_2217 = arith.addi %add3A_2212, %get3A_2216 : vector<16xi32>
    %get3A_2218 = arith.constant 13 : i32
    %get3A_2219 = arith.index_cast %get3A_2218 : i32 to index
    %get3A_2220 = arith.constant 16 : index
    %get3A_2221 = tpu.vector_load %arg5[%get3A_2219, %get3A_2220] {strides = array<i32>} : memref<16x65xi32, #tpu.memory_space<vmem>>, vector<16xi32>,
    %add3A_2222 = arith.addi %add3A_2217, %get3A_2221 : vector<16xi32>
    %get3A_2223 = arith.constant 14 : i32
    %get3A_2224 = arith.index_cast %get3A_2223 : i32 to index
    %get3A_2225 = arith.constant 16 : index
    %get3A_2226 = tpu.vector_load %arg5[%get3A_2224, %get3A_2225] {strides = array<i32>} : memref<16x65xi32, #tpu.memory_space<vmem>>, vector<16xi32>,
    %add3A_2227 = arith.addi %add3A_2222, %get3A_2226 : vector<16xi32>
    %get3A_2228 = arith.constant 15 : i32
    %get3A_2229 = arith.index_cast %get3A_2228 : i32 to index
    %get3A_2230 = arith.constant 16 : index
    %get3A_2231 = tpu.vector_load %arg5[%get3A_2229, %get3A_2230] {strides = array<i32>} : memref<16x65xi32, #tpu.memory_space<vmem>>, vector<16xi32>,
    %add3A_2232 = arith.addi %add3A_2227, %get3A_2231 : vector<16xi32>
    %swap3A_2233 = arith.constant 3 : i32
    %swap3A_2234 = arith.index_cast %swap3A_2233 : i32 to index
    %swap3A_2235 = arith.constant 16 : index
    %swap3A_2236 = tpu.vector_load %arg6[%swap3A_2234, %swap3A_2235] {strides = array<i32>} : memref<4x80xi32, #tpu.memory_space<vmem>>, vector<16xi32>,
    tpu.vector_store %arg6[%swap3A_2234, %swap3A_2235], %add3A_2232 {strides = array<i32>} : memref<4x80xi32, #tpu.memory_space<vmem>>, vector<16xi32>,
    %get3A_2237 = arith.constant 0 : i32
    %get3A_2238 = arith.index_cast %get3A_2237 : i32 to index
    %get3A_2239 = arith.constant 32 : index
    %get3A_2240 = tpu.vector_load %arg5[%get3A_2238, %get3A_2239] {strides = array<i32>} : memref<16x65xi32, #tpu.memory_space<vmem>>, vector<16xi32>,
    %get3A_2241 = arith.constant 1 : i32
    %get3A_2242 = arith.index_cast %get3A_2241 : i32 to index
    %get3A_2243 = arith.constant 32 : index
    %get3A_2244 = tpu.vector_load %arg5[%get3A_2242, %get3A_2243] {strides = array<i32>} : memref<16x65xi32, #tpu.memory_space<vmem>>, vector<16xi32>,
    %add3A_2245 = arith.addi %get3A_2240, %get3A_2244 : vector<16xi32>
    %get3A_2246 = arith.constant 2 : i32
    %get3A_2247 = arith.index_cast %get3A_2246 : i32 to index
    %get3A_2248 = arith.constant 32 : index
    %get3A_2249 = tpu.vector_load %arg5[%get3A_2247, %get3A_2248] {strides = array<i32>} : memref<16x65xi32, #tpu.memory_space<vmem>>, vector<16xi32>,
    %add3A_2250 = arith.addi %add3A_2245, %get3A_2249 : vector<16xi32>
    %get3A_2251 = arith.constant 3 : i32
    %get3A_2252 = arith.index_cast %get3A_2251 : i32 to index
    %get3A_2253 = arith.constant 32 : index
    %get3A_2254 = tpu.vector_load %arg5[%get3A_2252, %get3A_2253] {strides = array<i32>} : memref<16x65xi32, #tpu.memory_space<vmem>>, vector<16xi32>,
    %add3A_2255 = arith.addi %add3A_2250, %get3A_2254 : vector<16xi32>
    %get3A_2256 = arith.constant 4 : i32
    %get3A_2257 = arith.index_cast %get3A_2256 : i32 to index
    %get3A_2258 = arith.constant 32 : index
    %get3A_2259 = tpu.vector_load %arg5[%get3A_2257, %get3A_2258] {strides = array<i32>} : memref<16x65xi32, #tpu.memory_space<vmem>>, vector<16xi32>,
    %add3A_2260 = arith.addi %add3A_2255, %get3A_2259 : vector<16xi32>
    %get3A_2261 = arith.constant 5 : i32
    %get3A_2262 = arith.index_cast %get3A_2261 : i32 to index
    %get3A_2263 = arith.constant 32 : index
    %get3A_2264 = tpu.vector_load %arg5[%get3A_2262, %get3A_2263] {strides = array<i32>} : memref<16x65xi32, #tpu.memory_space<vmem>>, vector<16xi32>,
    %add3A_2265 = arith.addi %add3A_2260, %get3A_2264 : vector<16xi32>
    %get3A_2266 = arith.constant 6 : i32
    %get3A_2267 = arith.index_cast %get3A_2266 : i32 to index
    %get3A_2268 = arith.constant 32 : index
    %get3A_2269 = tpu.vector_load %arg5[%get3A_2267, %get3A_2268] {strides = array<i32>} : memref<16x65xi32, #tpu.memory_space<vmem>>, vector<16xi32>,
    %add3A_2270 = arith.addi %add3A_2265, %get3A_2269 : vector<16xi32>
    %get3A_2271 = arith.constant 7 : i32
    %get3A_2272 = arith.index_cast %get3A_2271 : i32 to index
    %get3A_2273 = arith.constant 32 : index
    %get3A_2274 = tpu.vector_load %arg5[%get3A_2272, %get3A_2273] {strides = array<i32>} : memref<16x65xi32, #tpu.memory_space<vmem>>, vector<16xi32>,
    %add3A_2275 = arith.addi %add3A_2270, %get3A_2274 : vector<16xi32>
    %get3A_2276 = arith.constant 8 : i32
    %get3A_2277 = arith.index_cast %get3A_2276 : i32 to index
    %get3A_2278 = arith.constant 32 : index
    %get3A_2279 = tpu.vector_load %arg5[%get3A_2277, %get3A_2278] {strides = array<i32>} : memref<16x65xi32, #tpu.memory_space<vmem>>, vector<16xi32>,
    %add3A_2280 = arith.addi %add3A_2275, %get3A_2279 : vector<16xi32>
    %get3A_2281 = arith.constant 9 : i32
    %get3A_2282 = arith.index_cast %get3A_2281 : i32 to index
    %get3A_2283 = arith.constant 32 : index
    %get3A_2284 = tpu.vector_load %arg5[%get3A_2282, %get3A_2283] {strides = array<i32>} : memref<16x65xi32, #tpu.memory_space<vmem>>, vector<16xi32>,
    %add3A_2285 = arith.addi %add3A_2280, %get3A_2284 : vector<16xi32>
    %get3A_2286 = arith.constant 10 : i32
    %get3A_2287 = arith.index_cast %get3A_2286 : i32 to index
    %get3A_2288 = arith.constant 32 : index
    %get3A_2289 = tpu.vector_load %arg5[%get3A_2287, %get3A_2288] {strides = array<i32>} : memref<16x65xi32, #tpu.memory_space<vmem>>, vector<16xi32>,
    %add3A_2290 = arith.addi %add3A_2285, %get3A_2289 : vector<16xi32>
    %get3A_2291 = arith.constant 11 : i32
    %get3A_2292 = arith.index_cast %get3A_2291 : i32 to index
    %get3A_2293 = arith.constant 32 : index
    %get3A_2294 = tpu.vector_load %arg5[%get3A_2292, %get3A_2293] {strides = array<i32>} : memref<16x65xi32, #tpu.memory_space<vmem>>, vector<16xi32>,
    %add3A_2295 = arith.addi %add3A_2290, %get3A_2294 : vector<16xi32>
    %get3A_2296 = arith.constant 12 : i32
    %get3A_2297 = arith.index_cast %get3A_2296 : i32 to index
    %get3A_2298 = arith.constant 32 : index
    %get3A_2299 = tpu.vector_load %arg5[%get3A_2297, %get3A_2298] {strides = array<i32>} : memref<16x65xi32, #tpu.memory_space<vmem>>, vector<16xi32>,
    %add3A_2300 = arith.addi %add3A_2295, %get3A_2299 : vector<16xi32>
    %get3A_2301 = arith.constant 13 : i32
    %get3A_2302 = arith.index_cast %get3A_2301 : i32 to index
    %get3A_2303 = arith.constant 32 : index
    %get3A_2304 = tpu.vector_load %arg5[%get3A_2302, %get3A_2303] {strides = array<i32>} : memref<16x65xi32, #tpu.memory_space<vmem>>, vector<16xi32>,
    %add3A_2305 = arith.addi %add3A_2300, %get3A_2304 : vector<16xi32>
    %get3A_2306 = arith.constant 14 : i32
    %get3A_2307 = arith.index_cast %get3A_2306 : i32 to index
    %get3A_2308 = arith.constant 32 : index
    %get3A_2309 = tpu.vector_load %arg5[%get3A_2307, %get3A_2308] {strides = array<i32>} : memref<16x65xi32, #tpu.memory_space<vmem>>, vector<16xi32>,
    %add3A_2310 = arith.addi %add3A_2305, %get3A_2309 : vector<16xi32>
    %get3A_2311 = arith.constant 15 : i32
    %get3A_2312 = arith.index_cast %get3A_2311 : i32 to index
    %get3A_2313 = arith.constant 32 : index
    %get3A_2314 = tpu.vector_load %arg5[%get3A_2312, %get3A_2313] {strides = array<i32>} : memref<16x65xi32, #tpu.memory_space<vmem>>, vector<16xi32>,
    %add3A_2315 = arith.addi %add3A_2310, %get3A_2314 : vector<16xi32>
    %swap3A_2316 = arith.constant 3 : i32
    %swap3A_2317 = arith.index_cast %swap3A_2316 : i32 to index
    %swap3A_2318 = arith.constant 32 : index
    %swap3A_2319 = tpu.vector_load %arg6[%swap3A_2317, %swap3A_2318] {strides = array<i32>} : memref<4x80xi32, #tpu.memory_space<vmem>>, vector<16xi32>,
    tpu.vector_store %arg6[%swap3A_2317, %swap3A_2318], %add3A_2315 {strides = array<i32>} : memref<4x80xi32, #tpu.memory_space<vmem>>, vector<16xi32>,
    %get3A_2320 = arith.constant 0 : i32
    %get3A_2321 = arith.index_cast %get3A_2320 : i32 to index
    %get3A_2322 = arith.constant 48 : index
    %get3A_2323 = tpu.vector_load %arg5[%get3A_2321, %get3A_2322] {strides = array<i32>} : memref<16x65xi32, #tpu.memory_space<vmem>>, vector<16xi32>,
    %get3A_2324 = arith.constant 1 : i32
    %get3A_2325 = arith.index_cast %get3A_2324 : i32 to index
    %get3A_2326 = arith.constant 48 : index
    %get3A_2327 = tpu.vector_load %arg5[%get3A_2325, %get3A_2326] {strides = array<i32>} : memref<16x65xi32, #tpu.memory_space<vmem>>, vector<16xi32>,
    %add3A_2328 = arith.addi %get3A_2323, %get3A_2327 : vector<16xi32>
    %get3A_2329 = arith.constant 2 : i32
    %get3A_2330 = arith.index_cast %get3A_2329 : i32 to index
    %get3A_2331 = arith.constant 48 : index
    %get3A_2332 = tpu.vector_load %arg5[%get3A_2330, %get3A_2331] {strides = array<i32>} : memref<16x65xi32, #tpu.memory_space<vmem>>, vector<16xi32>,
    %add3A_2333 = arith.addi %add3A_2328, %get3A_2332 : vector<16xi32>
    %get3A_2334 = arith.constant 3 : i32
    %get3A_2335 = arith.index_cast %get3A_2334 : i32 to index
    %get3A_2336 = arith.constant 48 : index
    %get3A_2337 = tpu.vector_load %arg5[%get3A_2335, %get3A_2336] {strides = array<i32>} : memref<16x65xi32, #tpu.memory_space<vmem>>, vector<16xi32>,
    %add3A_2338 = arith.addi %add3A_2333, %get3A_2337 : vector<16xi32>
    %get3A_2339 = arith.constant 4 : i32
    %get3A_2340 = arith.index_cast %get3A_2339 : i32 to index
    %get3A_2341 = arith.constant 48 : index
    %get3A_2342 = tpu.vector_load %arg5[%get3A_2340, %get3A_2341] {strides = array<i32>} : memref<16x65xi32, #tpu.memory_space<vmem>>, vector<16xi32>,
    %add3A_2343 = arith.addi %add3A_2338, %get3A_2342 : vector<16xi32>
    %get3A_2344 = arith.constant 5 : i32
    %get3A_2345 = arith.index_cast %get3A_2344 : i32 to index
    %get3A_2346 = arith.constant 48 : index
    %get3A_2347 = tpu.vector_load %arg5[%get3A_2345, %get3A_2346] {strides = array<i32>} : memref<16x65xi32, #tpu.memory_space<vmem>>, vector<16xi32>,
    %add3A_2348 = arith.addi %add3A_2343, %get3A_2347 : vector<16xi32>
    %get3A_2349 = arith.constant 6 : i32
    %get3A_2350 = arith.index_cast %get3A_2349 : i32 to index
    %get3A_2351 = arith.constant 48 : index
    %get3A_2352 = tpu.vector_load %arg5[%get3A_2350, %get3A_2351] {strides = array<i32>} : memref<16x65xi32, #tpu.memory_space<vmem>>, vector<16xi32>,
    %add3A_2353 = arith.addi %add3A_2348, %get3A_2352 : vector<16xi32>
    %get3A_2354 = arith.constant 7 : i32
    %get3A_2355 = arith.index_cast %get3A_2354 : i32 to index
    %get3A_2356 = arith.constant 48 : index
    %get3A_2357 = tpu.vector_load %arg5[%get3A_2355, %get3A_2356] {strides = array<i32>} : memref<16x65xi32, #tpu.memory_space<vmem>>, vector<16xi32>,
    %add3A_2358 = arith.addi %add3A_2353, %get3A_2357 : vector<16xi32>
    %get3A_2359 = arith.constant 8 : i32
    %get3A_2360 = arith.index_cast %get3A_2359 : i32 to index
    %get3A_2361 = arith.constant 48 : index
    %get3A_2362 = tpu.vector_load %arg5[%get3A_2360, %get3A_2361] {strides = array<i32>} : memref<16x65xi32, #tpu.memory_space<vmem>>, vector<16xi32>,
    %add3A_2363 = arith.addi %add3A_2358, %get3A_2362 : vector<16xi32>
    %get3A_2364 = arith.constant 9 : i32
    %get3A_2365 = arith.index_cast %get3A_2364 : i32 to index
    %get3A_2366 = arith.constant 48 : index
    %get3A_2367 = tpu.vector_load %arg5[%get3A_2365, %get3A_2366] {strides = array<i32>} : memref<16x65xi32, #tpu.memory_space<vmem>>, vector<16xi32>,
    %add3A_2368 = arith.addi %add3A_2363, %get3A_2367 : vector<16xi32>
    %get3A_2369 = arith.constant 10 : i32
    %get3A_2370 = arith.index_cast %get3A_2369 : i32 to index
    %get3A_2371 = arith.constant 48 : index
    %get3A_2372 = tpu.vector_load %arg5[%get3A_2370, %get3A_2371] {strides = array<i32>} : memref<16x65xi32, #tpu.memory_space<vmem>>, vector<16xi32>,
    %add3A_2373 = arith.addi %add3A_2368, %get3A_2372 : vector<16xi32>
    %get3A_2374 = arith.constant 11 : i32
    %get3A_2375 = arith.index_cast %get3A_2374 : i32 to index
    %get3A_2376 = arith.constant 48 : index
    %get3A_2377 = tpu.vector_load %arg5[%get3A_2375, %get3A_2376] {strides = array<i32>} : memref<16x65xi32, #tpu.memory_space<vmem>>, vector<16xi32>,
    %add3A_2378 = arith.addi %add3A_2373, %get3A_2377 : vector<16xi32>
    %get3A_2379 = arith.constant 12 : i32
    %get3A_2380 = arith.index_cast %get3A_2379 : i32 to index
    %get3A_2381 = arith.constant 48 : index
    %get3A_2382 = tpu.vector_load %arg5[%get3A_2380, %get3A_2381] {strides = array<i32>} : memref<16x65xi32, #tpu.memory_space<vmem>>, vector<16xi32>,
    %add3A_2383 = arith.addi %add3A_2378, %get3A_2382 : vector<16xi32>
    %get3A_2384 = arith.constant 13 : i32
    %get3A_2385 = arith.index_cast %get3A_2384 : i32 to index
    %get3A_2386 = arith.constant 48 : index
    %get3A_2387 = tpu.vector_load %arg5[%get3A_2385, %get3A_2386] {strides = array<i32>} : memref<16x65xi32, #tpu.memory_space<vmem>>, vector<16xi32>,
    %add3A_2388 = arith.addi %add3A_2383, %get3A_2387 : vector<16xi32>
    %get3A_2389 = arith.constant 14 : i32
    %get3A_2390 = arith.index_cast %get3A_2389 : i32 to index
    %get3A_2391 = arith.constant 48 : index
    %get3A_2392 = tpu.vector_load %arg5[%get3A_2390, %get3A_2391] {strides = array<i32>} : memref<16x65xi32, #tpu.memory_space<vmem>>, vector<16xi32>,
    %add3A_2393 = arith.addi %add3A_2388, %get3A_2392 : vector<16xi32>
    %get3A_2394 = arith.constant 15 : i32
    %get3A_2395 = arith.index_cast %get3A_2394 : i32 to index
    %get3A_2396 = arith.constant 48 : index
    %get3A_2397 = tpu.vector_load %arg5[%get3A_2395, %get3A_2396] {strides = array<i32>} : memref<16x65xi32, #tpu.memory_space<vmem>>, vector<16xi32>,
    %add3A_2398 = arith.addi %add3A_2393, %get3A_2397 : vector<16xi32>
    %swap3A_2399 = arith.constant 3 : i32
    %swap3A_2400 = arith.index_cast %swap3A_2399 : i32 to index
    %swap3A_2401 = arith.constant 48 : index
    %swap3A_2402 = tpu.vector_load %arg6[%swap3A_2400, %swap3A_2401] {strides = array<i32>} : memref<4x80xi32, #tpu.memory_space<vmem>>, vector<16xi32>,
    tpu.vector_store %arg6[%swap3A_2400, %swap3A_2401], %add3A_2398 {strides = array<i32>} : memref<4x80xi32, #tpu.memory_space<vmem>>, vector<16xi32>,
    %get3A_2403 = arith.constant 3 : i32
    %get3A_2404 = arith.index_cast %get3A_2403 : i32 to index
    %get3A_2405 = arith.constant 2032 : index
    %get3A_2406 = tpu.vector_load %arg4[%get3A_2404, %get3A_2405] {strides = array<i32>} : memref<4x2048xi32, #tpu.memory_space<vmem>>, vector<16xi32>,
    %swap3A_2407 = arith.constant 3 : i32
    %swap3A_2408 = arith.index_cast %swap3A_2407 : i32 to index
    %swap3A_2409 = arith.constant 64 : index
    %swap3A_2410 = tpu.vector_load %arg6[%swap3A_2408, %swap3A_2409] {strides = array<i32>} : memref<4x80xi32, #tpu.memory_space<vmem>>, vector<16xi32>,
    tpu.vector_store %arg6[%swap3A_2408, %swap3A_2409], %get3A_2406 {strides = array<i32>} : memref<4x80xi32, #tpu.memory_space<vmem>>, vector<16xi32>,
    "tpu.region"() ({
      %run_scoped3A = tpu.sem_alloc : memref<!tpu.dma_semaphore, #tpu.memory_space<semaphore_mem>>
      %dma_start3A = arith.constant 0 : i32
      %dma_start3A_2411 = tpu.memref_slice %arg3[%mul3A_2, %dma_start3A] : memref<128x80xi32, #tpu.memory_space<hbm>> -> memref<4x80xi32, #tpu.memory_space<hbm>>
      %dma_start3A_2412 = arith.constant 0 : i32
      %dma_start3A_2413 = tpu.memref_slice %arg3[%mul3A_2, %dma_start3A_2412] : memref<128x80xi32, #tpu.memory_space<hbm>> -> memref<4x80xi32, #tpu.memory_space<hbm>>
      tpu.enqueue_dma source(%arg6 : memref<4x80xi32, #tpu.memory_space<vmem>>) target(%dma_start3A_2413 : memref<4x80xi32, #tpu.memory_space<hbm>>) target_semaphore(%run_scoped3A : memref<!tpu.dma_semaphore, #tpu.memory_space<semaphore_mem>>)
      %dma_wait3A = arith.constant 0 : i32
      %dma_wait3A_2414 = tpu.memref_slice %arg3[%mul3A_2, %dma_wait3A] : memref<128x80xi32, #tpu.memory_space<hbm>> -> memref<4x80xi32, #tpu.memory_space<hbm>>
      %dma_wait3A_2415 = arith.constant 0 : i32
      %dma_wait3A_2416 = tpu.memref_slice %arg3[%mul3A_2, %dma_wait3A_2415] : memref<128x80xi32, #tpu.memory_space<hbm>> -> memref<4x80xi32, #tpu.memory_space<hbm>>
      tpu.wait_dma2 semaphore(%run_scoped3A : memref<!tpu.dma_semaphore, #tpu.memory_space<semaphore_mem>>) src(%arg6 : memref<4x80xi32, #tpu.memory_space<vmem>>) dst(%dma_wait3A_2416 : memref<4x80xi32, #tpu.memory_space<hbm>>)
      tpu.yield
    }) : () -> ()
    return
  }
}

module attributes {stable_mosaic.version = 14 : i64} {
  func.func @_tc_body(%arg0: memref<128x80xi32, #tpu.memory_space<vmem>>, %arg1: memref<64x64xf32, #tpu.memory_space<vmem>>, %arg2: memref<64x128xf32, #tpu.memory_space<vmem>>, %arg3: memref<128xf32, #tpu.memory_space<vmem>>, %arg4: memref<128x64xf32, #tpu.memory_space<vmem>>, %arg5: memref<64xf32, #tpu.memory_space<vmem>>, %arg6: memref<64xf32, #tpu.memory_space<vmem>>, %arg7: memref<64xf32, #tpu.memory_space<vmem>>, %arg8: memref<3x64xf32, #tpu.memory_space<vmem>>, %arg9: memref<64x3xf32, #tpu.memory_space<vmem>>, %arg10: memref<3xf32, #tpu.memory_space<vmem>>, %arg11: memref<64x64xf32, #tpu.memory_space<vmem>>, %arg12: memref<64xf32, #tpu.memory_space<vmem>>, %arg13: memref<64x64xf32, #tpu.memory_space<vmem>>, %arg14: memref<64xf32, #tpu.memory_space<vmem>>, %arg15: memref<128x64xf32, #tpu.memory_space<vmem>>, %arg16: memref<128x3xf32, #tpu.memory_space<vmem>>) attributes {dimension_semantics = [], scalar_prefetch = 0 : i64, scratch_operands = 0 : i64, tpu.core_type = #tpu.core_type<tc>} {
    %get3A = arith.constant 0 : index
    %get3A_0 = vector.load %arg3[%get3A] : memref<128xf32, #tpu.memory_space<vmem>>, vector<128xf32>
    %reshape3A = vector.shape_cast %get3A_0 : vector<128xf32> to vector<1x128xf32>
    %get3A_1 = arith.constant 0 : index
    %get3A_2 = vector.load %arg5[%get3A_1] : memref<64xf32, #tpu.memory_space<vmem>>, vector<64xf32>
    %reshape3A_3 = vector.shape_cast %get3A_2 : vector<64xf32> to vector<1x64xf32>
    %get3A_4 = arith.constant 0 : index
    %get3A_5 = vector.load %arg6[%get3A_4] : memref<64xf32, #tpu.memory_space<vmem>>, vector<64xf32>
    %reshape3A_6 = vector.shape_cast %get3A_5 : vector<64xf32> to vector<1x64xf32>
    %get3A_7 = arith.constant 0 : index
    %get3A_8 = vector.load %arg7[%get3A_7] : memref<64xf32, #tpu.memory_space<vmem>>, vector<64xf32>
    %reshape3A_9 = vector.shape_cast %get3A_8 : vector<64xf32> to vector<1x64xf32>
    %get3A_10 = arith.constant 0 : index
    %get3A_11 = vector.load %arg10[%get3A_10] : memref<3xf32, #tpu.memory_space<vmem>>, vector<3xf32>
    %reshape3A_12 = vector.shape_cast %get3A_11 : vector<3xf32> to vector<1x3xf32>
    %get3A_13 = arith.constant 0 : index
    %get3A_14 = vector.load %arg12[%get3A_13] : memref<64xf32, #tpu.memory_space<vmem>>, vector<64xf32>
    %reshape3A_15 = vector.shape_cast %get3A_14 : vector<64xf32> to vector<1x64xf32>
    %get3A_16 = arith.constant 0 : index
    %get3A_17 = vector.load %arg14[%get3A_16] : memref<64xf32, #tpu.memory_space<vmem>>, vector<64xf32>
    %reshape3A_18 = vector.shape_cast %get3A_17 : vector<64xf32> to vector<1x64xf32>
    %get3A_19 = arith.constant 0 : index
    %get3A_20 = arith.constant 0 : index
    %get3A_21 = vector.load %arg1[%get3A_19, %get3A_20] : memref<64x64xf32, #tpu.memory_space<vmem>>, vector<64x64xf32>
    %get3A_22 = arith.constant 0 : index
    %get3A_23 = arith.constant 0 : index
    %get3A_24 = vector.load %arg2[%get3A_22, %get3A_23] : memref<64x128xf32, #tpu.memory_space<vmem>>, vector<64x128xf32>
    %dot_general3A = arith.constant dense<0.000000e+00> : vector<64x128xf32>
    %dot_general3A_25 = tpu.matmul %get3A_21, %get3A_24, %dot_general3A {dimension_numbers = #tpu.dot_dimension_numbers<[1], [0], [0], [1], [0, 0, 1, 1], [], []>, transpose_lhs_hint = false} : vector<64x64xf32>, vector<64x128xf32>, vector<64x128xf32> -> vector<64x128xf32>
    %add3A = vector.broadcast %reshape3A : vector<1x128xf32> to vector<64x128xf32>
    %add3A_26 = arith.addf %dot_general3A_25, %add3A : vector<64x128xf32>
    %max3A = arith.constant 0.000000e+00 : f32
    %max3A_27 = vector.broadcast %max3A : f32 to vector<64x128xf32>
    %max3A_28 = arith.maximumf %add3A_26, %max3A_27 : vector<64x128xf32>
    %get3A_29 = arith.constant 0 : index
    %get3A_30 = arith.constant 0 : index
    %get3A_31 = vector.load %arg4[%get3A_29, %get3A_30] : memref<128x64xf32, #tpu.memory_space<vmem>>, vector<128x64xf32>
    %dot_general3A_32 = arith.constant dense<0.000000e+00> : vector<64x64xf32>
    %dot_general3A_33 = tpu.matmul %max3A_28, %get3A_31, %dot_general3A_32 {dimension_numbers = #tpu.dot_dimension_numbers<[1], [0], [0], [1], [0, 0, 1, 1], [], []>, transpose_lhs_hint = false} : vector<64x128xf32>, vector<128x64xf32>, vector<64x64xf32> -> vector<64x64xf32>
    %add3A_34 = vector.broadcast %reshape3A_3 : vector<1x64xf32> to vector<64x64xf32>
    %add3A_35 = arith.addf %dot_general3A_33, %add3A_34 : vector<64x64xf32>
    %add3A_36 = arith.addf %get3A_21, %add3A_35 : vector<64x64xf32>
    %reduce_sum3A = arith.constant dense<0.000000e+00> : vector<64xf32>
    %reduce_sum3A_37 = vector.multi_reduction <add>, %add3A_36, %reduce_sum3A [1] : vector<64x64xf32> to vector<64xf32>
    %broadcast_in_dim3A = vector.shape_cast %reduce_sum3A_37 : vector<64xf32> to vector<64x1xf32>
    %div3A = arith.constant 6.400000e+01 : f32
    %div3A_38 = vector.broadcast %div3A : f32 to vector<64x1xf32>
    %div3A_39 = arith.divf %broadcast_in_dim3A, %div3A_38 : vector<64x1xf32>
    %sub3A = vector.broadcast %div3A_39 : vector<64x1xf32> to vector<64x64xf32>
    %sub3A_40 = arith.subf %add3A_36, %sub3A : vector<64x64xf32>
    %mul3A = arith.mulf %sub3A_40, %sub3A_40 : vector<64x64xf32>
    %reduce_sum3A_41 = arith.constant dense<0.000000e+00> : vector<64xf32>
    %reduce_sum3A_42 = vector.multi_reduction <add>, %mul3A, %reduce_sum3A_41 [1] : vector<64x64xf32> to vector<64xf32>
    %broadcast_in_dim3A_43 = vector.shape_cast %reduce_sum3A_42 : vector<64xf32> to vector<64x1xf32>
    %div3A_44 = arith.constant 6.400000e+01 : f32
    %div3A_45 = vector.broadcast %div3A_44 : f32 to vector<64x1xf32>
    %div3A_46 = arith.divf %broadcast_in_dim3A_43, %div3A_45 : vector<64x1xf32>
    %add3A_47 = arith.constant 9.99999974E-6 : f32
    %add3A_48 = vector.broadcast %add3A_47 : f32 to vector<64x1xf32>
    %add3A_49 = arith.addf %div3A_46, %add3A_48 : vector<64x1xf32>
    %rsqrt3A = math.rsqrt %add3A_49 : vector<64x1xf32>
    %mul3A_50 = vector.broadcast %rsqrt3A : vector<64x1xf32> to vector<64x64xf32>
    %mul3A_51 = arith.mulf %sub3A_40, %mul3A_50 : vector<64x64xf32>
    %mul3A_52 = vector.broadcast %reshape3A_6 : vector<1x64xf32> to vector<64x64xf32>
    %mul3A_53 = arith.mulf %mul3A_51, %mul3A_52 : vector<64x64xf32>
    %add3A_54 = vector.broadcast %reshape3A_9 : vector<1x64xf32> to vector<64x64xf32>
    %add3A_55 = arith.addf %mul3A_53, %add3A_54 : vector<64x64xf32>
    %get3A_56 = arith.constant 0 : index
    %get3A_57 = arith.constant 0 : index
    %get3A_58 = vector.load %arg0[%get3A_56, %get3A_57] : memref<128x80xi32, #tpu.memory_space<vmem>>, vector<128x80xi32>
    %slice3A = vector.extract_strided_slice %get3A_58 {offsets = [0, 0], sizes = [128, 64], strides = [1, 1]} : vector<128x80xi32> to vector<128x64xi32>
    %slice3A_59 = vector.extract_strided_slice %get3A_58 {offsets = [0, 79], sizes = [128, 1], strides = [1, 1]} : vector<128x80xi32> to vector<128x1xi32>
    %convert_element_type3A = arith.sitofp %slice3A : vector<128x64xi32> to vector<128x64xf32>
    %gt3A = arith.constant 0 : i32
    %gt3A_60 = vector.broadcast %gt3A : i32 to vector<128x64xi32>
    %gt3A_61 = arith.cmpi sgt, %slice3A, %gt3A_60 : vector<128x64xi32>
    %iota3A = tpu.iota {dimensions = array<i32: 1>} : vector<128x64xi32>
    %eq3A = vector.broadcast %slice3A_59 : vector<128x1xi32> to vector<128x64xi32>
    %eq3A_62 = arith.cmpi eq, %eq3A, %iota3A : vector<128x64xi32>
    %convert_element_type3A_63 = arith.extui %eq3A_62 : vector<128x64xi1> to vector<128x64xi32>
    %convert_element_type3A_64 = arith.sitofp %convert_element_type3A_63 : vector<128x64xi32> to vector<128x64xf32>
    %dot_general3A_65 = arith.constant dense<0.000000e+00> : vector<128x64xf32>
    %dot_general3A_66 = tpu.matmul %convert_element_type3A_64, %add3A_55, %dot_general3A_65 {dimension_numbers = #tpu.dot_dimension_numbers<[1], [0], [0], [1], [0, 0, 1, 1], [], []>, transpose_lhs_hint = false} : vector<128x64xf32>, vector<64x64xf32>, vector<128x64xf32> -> vector<128x64xf32>
    %get3A_67 = arith.constant 0 : index
    %get3A_68 = arith.constant 0 : index
    %get3A_69 = vector.load %arg9[%get3A_67, %get3A_68] : memref<64x3xf32, #tpu.memory_space<vmem>>, vector<64x3xf32>
    %dot_general3A_70 = arith.constant dense<0.000000e+00> : vector<128x3xf32>
    %dot_general3A_71 = tpu.matmul %dot_general3A_66, %get3A_69, %dot_general3A_70 {dimension_numbers = #tpu.dot_dimension_numbers<[1], [0], [0], [1], [0, 0, 1, 1], [], []>, transpose_lhs_hint = false} : vector<128x64xf32>, vector<64x3xf32>, vector<128x3xf32> -> vector<128x3xf32>
    %add3A_72 = vector.broadcast %reshape3A_12 : vector<1x3xf32> to vector<128x3xf32>
    %add3A_73 = arith.addf %dot_general3A_71, %add3A_72 : vector<128x3xf32>
    %swap3A = arith.constant 0 : index
    %swap3A_74 = arith.constant 0 : index
    %swap3A_75 = vector.load %arg16[%swap3A, %swap3A_74] : memref<128x3xf32, #tpu.memory_space<vmem>>, vector<128x3xf32>
    tpu.vector_store %arg16[%swap3A, %swap3A_74], %add3A_73 {strides = array<i32>} : memref<128x3xf32, #tpu.memory_space<vmem>>, vector<128x3xf32>,
    %reduce_max3A = arith.constant dense<0xFF800000> : vector<128xf32>
    %reduce_max3A_76 = vector.multi_reduction <maximumf>, %add3A_73, %reduce_max3A [1] : vector<128x3xf32> to vector<128xf32>
    %broadcast_in_dim3A_77 = vector.shape_cast %reduce_max3A_76 : vector<128xf32> to vector<128x1xf32>
    %sub3A_78 = vector.broadcast %broadcast_in_dim3A_77 : vector<128x1xf32> to vector<128x3xf32>
    %sub3A_79 = arith.subf %add3A_73, %sub3A_78 : vector<128x3xf32>
    %exp3A = math.exp %sub3A_79 : vector<128x3xf32>
    %reduce_sum3A_80 = arith.constant dense<0.000000e+00> : vector<128xf32>
    %reduce_sum3A_81 = vector.multi_reduction <add>, %exp3A, %reduce_sum3A_80 [1] : vector<128x3xf32> to vector<128xf32>
    %broadcast_in_dim3A_82 = vector.shape_cast %reduce_sum3A_81 : vector<128xf32> to vector<128x1xf32>
    %div3A_83 = vector.broadcast %broadcast_in_dim3A_82 : vector<128x1xf32> to vector<128x3xf32>
    %div3A_84 = arith.divf %exp3A, %div3A_83 : vector<128x3xf32>
    %get3A_85 = arith.constant 0 : index
    %get3A_86 = arith.constant 0 : index
    %get3A_87 = vector.load %arg11[%get3A_85, %get3A_86] : memref<64x64xf32, #tpu.memory_space<vmem>>, vector<64x64xf32>
    %dot_general3A_88 = arith.constant dense<0.000000e+00> : vector<128x64xf32>
    %dot_general3A_89 = tpu.matmul %dot_general3A_66, %get3A_87, %dot_general3A_88 {dimension_numbers = #tpu.dot_dimension_numbers<[1], [0], [0], [1], [0, 0, 1, 1], [], []>, transpose_lhs_hint = false} : vector<128x64xf32>, vector<64x64xf32>, vector<128x64xf32> -> vector<128x64xf32>
    %add3A_90 = vector.broadcast %reshape3A_15 : vector<1x64xf32> to vector<128x64xf32>
    %add3A_91 = arith.addf %dot_general3A_89, %add3A_90 : vector<128x64xf32>
    %get3A_92 = arith.constant 0 : index
    %get3A_93 = arith.constant 0 : index
    %get3A_94 = vector.load %arg8[%get3A_92, %get3A_93] : memref<3x64xf32, #tpu.memory_space<vmem>>, vector<3x64xf32>
    %dot_general3A_95 = arith.constant dense<0.000000e+00> : vector<3x64xf32>
    %dot_general3A_96 = tpu.matmul %get3A_94, %add3A_55, %dot_general3A_95 {dimension_numbers = #tpu.dot_dimension_numbers<[1], [1], [0], [0], [0, 0, 1, 0], [], []>, transpose_lhs_hint = false} : vector<3x64xf32>, vector<64x64xf32>, vector<3x64xf32> -> vector<3x64xf32>
    %slice3A_97 = vector.extract_strided_slice %dot_general3A_96 {offsets = [0, 0], sizes = [1, 64], strides = [1, 1]} : vector<3x64xf32> to vector<1x64xf32>
    %jit3A = arith.constant -1.000000e+30 : f32
    %broadcast_in_dim3A_98 = vector.shape_cast %slice3A_97 : vector<1x64xf32> to vector<1x64xf32>
    %broadcast_in_dim3A_99 = vector.broadcast %broadcast_in_dim3A_98 : vector<1x64xf32> to vector<128x64xf32>
    %broadcast_in_dim3A_100 = vector.broadcast %jit3A : f32 to vector<128x64xf32>
    %select_n3A = arith.select %gt3A_61, %broadcast_in_dim3A_99, %broadcast_in_dim3A_100 : vector<128x64xi1>, vector<128x64xf32>
    %reduce_max3A_101 = arith.constant dense<0xFF800000> : vector<128xf32>
    %reduce_max3A_102 = vector.multi_reduction <maximumf>, %select_n3A, %reduce_max3A_101 [1] : vector<128x64xf32> to vector<128xf32>
    %broadcast_in_dim3A_103 = vector.shape_cast %reduce_max3A_102 : vector<128xf32> to vector<128x1xf32>
    %eq3A_104 = vector.broadcast %broadcast_in_dim3A_103 : vector<128x1xf32> to vector<128x64xf32>
    %eq3A_105 = arith.cmpf oeq, %select_n3A, %eq3A_104 : vector<128x64xf32>
    %and3A = arith.andi %eq3A_105, %gt3A_61 : vector<128x64xi1>
    %jit3A_106 = arith.constant 64 : i32
    %broadcast_in_dim3A_107 = vector.broadcast %jit3A_106 : i32 to vector<128x64xi32>
    %select_n3A_108 = arith.select %and3A, %iota3A, %broadcast_in_dim3A_107 : vector<128x64xi1>, vector<128x64xi32>
    %reduce_min3A = arith.constant dense<2147483647> : vector<128xi32>
    %reduce_min3A_109 = vector.multi_reduction <minsi>, %select_n3A_108, %reduce_min3A [1] : vector<128x64xi32> to vector<128xi32>
    %broadcast_in_dim3A_110 = vector.shape_cast %reduce_min3A_109 : vector<128xi32> to vector<128x1xi32>
    %eq3A_111 = vector.broadcast %broadcast_in_dim3A_110 : vector<128x1xi32> to vector<128x64xi32>
    %eq3A_112 = arith.cmpi eq, %iota3A, %eq3A_111 : vector<128x64xi32>
    %jit3A_113 = arith.constant 1.000000e+00 : f32
    %jit3A_114 = arith.constant 0.000000e+00 : f32
    %broadcast_in_dim3A_115 = vector.broadcast %jit3A_113 : f32 to vector<128x64xf32>
    %broadcast_in_dim3A_116 = vector.broadcast %jit3A_114 : f32 to vector<128x64xf32>
    %select_n3A_117 = arith.select %eq3A_112, %broadcast_in_dim3A_115, %broadcast_in_dim3A_116 : vector<128x64xi1>, vector<128x64xf32>
    %dot_general3A_118 = arith.constant dense<0.000000e+00> : vector<128x64xf32>
    %dot_general3A_119 = tpu.matmul %select_n3A_117, %add3A_55, %dot_general3A_118 {dimension_numbers = #tpu.dot_dimension_numbers<[1], [0], [0], [1], [0, 0, 1, 1], [], []>, transpose_lhs_hint = false} : vector<128x64xf32>, vector<64x64xf32>, vector<128x64xf32> -> vector<128x64xf32>
    %mul3A_120 = arith.mulf %select_n3A_117, %convert_element_type3A : vector<128x64xf32>
    %reduce_sum3A_121 = arith.constant dense<0.000000e+00> : vector<128xf32>
    %reduce_sum3A_122 = vector.multi_reduction <add>, %mul3A_120, %reduce_sum3A_121 [1] : vector<128x64xf32> to vector<128xf32>
    %broadcast_in_dim3A_123 = vector.shape_cast %reduce_sum3A_122 : vector<128xf32> to vector<128x1xf32>
    %lt3A = vector.broadcast %broadcast_in_dim3A_103 : vector<128x1xf32> to vector<128x64xf32>
    %lt3A_124 = arith.cmpf olt, %select_n3A, %lt3A : vector<128x64xf32>
    %jit3A_125 = arith.constant -1.000000e+30 : f32
    %broadcast_in_dim3A_126 = vector.broadcast %jit3A_125 : f32 to vector<128x64xf32>
    %select_n3A_127 = arith.select %lt3A_124, %select_n3A, %broadcast_in_dim3A_126 : vector<128x64xi1>, vector<128x64xf32>
    %reduce_max3A_128 = arith.constant dense<0xFF800000> : vector<128xf32>
    %reduce_max3A_129 = vector.multi_reduction <maximumf>, %select_n3A_127, %reduce_max3A_128 [1] : vector<128x64xf32> to vector<128xf32>
    %broadcast_in_dim3A_130 = vector.shape_cast %reduce_max3A_129 : vector<128xf32> to vector<128x1xf32>
    %eq3A_131 = vector.broadcast %broadcast_in_dim3A_130 : vector<128x1xf32> to vector<128x64xf32>
    %eq3A_132 = arith.cmpf oeq, %select_n3A_127, %eq3A_131 : vector<128x64xf32>
    %mul3A_133 = arith.constant -1.000000e+30 : f32
    %mul3A_134 = arith.constant 5.000000e-01 : f32
    %mul3A_135 = arith.mulf %mul3A_133, %mul3A_134 : f32
    %gt3A_136 = vector.broadcast %mul3A_135 : f32 to vector<128x64xf32>
    %gt3A_137 = arith.cmpf ogt, %select_n3A_127, %gt3A_136 : vector<128x64xf32>
    %and3A_138 = arith.andi %eq3A_132, %gt3A_137 : vector<128x64xi1>
    %jit3A_139 = arith.constant 64 : i32
    %broadcast_in_dim3A_140 = vector.broadcast %jit3A_139 : i32 to vector<128x64xi32>
    %select_n3A_141 = arith.select %and3A_138, %iota3A, %broadcast_in_dim3A_140 : vector<128x64xi1>, vector<128x64xi32>
    %reduce_min3A_142 = arith.constant dense<2147483647> : vector<128xi32>
    %reduce_min3A_143 = vector.multi_reduction <minsi>, %select_n3A_141, %reduce_min3A_142 [1] : vector<128x64xi32> to vector<128xi32>
    %broadcast_in_dim3A_144 = vector.shape_cast %reduce_min3A_143 : vector<128xi32> to vector<128x1xi32>
    %eq3A_145 = vector.broadcast %broadcast_in_dim3A_144 : vector<128x1xi32> to vector<128x64xi32>
    %eq3A_146 = arith.cmpi eq, %iota3A, %eq3A_145 : vector<128x64xi32>
    %jit3A_147 = arith.constant 1.000000e+00 : f32
    %jit3A_148 = arith.constant 0.000000e+00 : f32
    %broadcast_in_dim3A_149 = vector.broadcast %jit3A_147 : f32 to vector<128x64xf32>
    %broadcast_in_dim3A_150 = vector.broadcast %jit3A_148 : f32 to vector<128x64xf32>
    %select_n3A_151 = arith.select %eq3A_146, %broadcast_in_dim3A_149, %broadcast_in_dim3A_150 : vector<128x64xi1>, vector<128x64xf32>
    %dot_general3A_152 = arith.constant dense<0.000000e+00> : vector<128x64xf32>
    %dot_general3A_153 = tpu.matmul %select_n3A_151, %add3A_55, %dot_general3A_152 {dimension_numbers = #tpu.dot_dimension_numbers<[1], [0], [0], [1], [0, 0, 1, 1], [], []>, transpose_lhs_hint = false} : vector<128x64xf32>, vector<64x64xf32>, vector<128x64xf32> -> vector<128x64xf32>
    %ge3A = arith.constant 2.000000e+00 : f32
    %ge3A_154 = vector.broadcast %ge3A : f32 to vector<128x1xf32>
    %ge3A_155 = arith.cmpf oge, %broadcast_in_dim3A_123, %ge3A_154 : vector<128x1xf32>
    %broadcast_in_dim3A_156 = vector.shape_cast %ge3A_155 : vector<128x1xi1> to vector<128x1xi1>
    %broadcast_in_dim3A_157 = vector.broadcast %broadcast_in_dim3A_156 : vector<128x1xi1> to vector<128x64xi1>
    %select_n3A_158 = arith.select %broadcast_in_dim3A_157, %dot_general3A_119, %dot_general3A_153 : vector<128x64xi1>, vector<128x64xf32>
    %slice3A_159 = vector.extract_strided_slice %div3A_84 {offsets = [0, 0], sizes = [128, 1], strides = [1, 1]} : vector<128x3xf32> to vector<128x1xf32>
    %mul3A_160 = vector.broadcast %slice3A_159 : vector<128x1xf32> to vector<128x64xf32>
    %mul3A_161 = arith.mulf %dot_general3A_119, %mul3A_160 : vector<128x64xf32>
    %mul3A_162 = vector.broadcast %slice3A_159 : vector<128x1xf32> to vector<128x64xf32>
    %mul3A_163 = arith.mulf %select_n3A_158, %mul3A_162 : vector<128x64xf32>
    %mul3A_164 = arith.mulf %mul3A_161, %add3A_91 : vector<128x64xf32>
    %reduce_sum3A_165 = arith.constant dense<0.000000e+00> : vector<128xf32>
    %reduce_sum3A_166 = vector.multi_reduction <add>, %mul3A_164, %reduce_sum3A_165 [1] : vector<128x64xf32> to vector<128xf32>
    %broadcast_in_dim3A_167 = vector.shape_cast %reduce_sum3A_166 : vector<128xf32> to vector<128x1xf32>
    %mul3A_168 = arith.constant 1.250000e-01 : f32
    %mul3A_169 = vector.broadcast %mul3A_168 : f32 to vector<128x1xf32>
    %mul3A_170 = arith.mulf %broadcast_in_dim3A_167, %mul3A_169 : vector<128x1xf32>
    %mul3A_171 = arith.mulf %mul3A_163, %add3A_91 : vector<128x64xf32>
    %reduce_sum3A_172 = arith.constant dense<0.000000e+00> : vector<128xf32>
    %reduce_sum3A_173 = vector.multi_reduction <add>, %mul3A_171, %reduce_sum3A_172 [1] : vector<128x64xf32> to vector<128xf32>
    %broadcast_in_dim3A_174 = vector.shape_cast %reduce_sum3A_173 : vector<128xf32> to vector<128x1xf32>
    %mul3A_175 = arith.constant 1.250000e-01 : f32
    %mul3A_176 = vector.broadcast %mul3A_175 : f32 to vector<128x1xf32>
    %mul3A_177 = arith.mulf %broadcast_in_dim3A_174, %mul3A_176 : vector<128x1xf32>
    %slice3A_178 = vector.extract_strided_slice %dot_general3A_96 {offsets = [1, 0], sizes = [1, 64], strides = [1, 1]} : vector<3x64xf32> to vector<1x64xf32>
    %jit3A_179 = arith.constant -1.000000e+30 : f32
    %broadcast_in_dim3A_180 = vector.shape_cast %slice3A_178 : vector<1x64xf32> to vector<1x64xf32>
    %broadcast_in_dim3A_181 = vector.broadcast %broadcast_in_dim3A_180 : vector<1x64xf32> to vector<128x64xf32>
    %broadcast_in_dim3A_182 = vector.broadcast %jit3A_179 : f32 to vector<128x64xf32>
    %select_n3A_183 = arith.select %gt3A_61, %broadcast_in_dim3A_181, %broadcast_in_dim3A_182 : vector<128x64xi1>, vector<128x64xf32>
    %reduce_max3A_184 = arith.constant dense<0xFF800000> : vector<128xf32>
    %reduce_max3A_185 = vector.multi_reduction <maximumf>, %select_n3A_183, %reduce_max3A_184 [1] : vector<128x64xf32> to vector<128xf32>
    %broadcast_in_dim3A_186 = vector.shape_cast %reduce_max3A_185 : vector<128xf32> to vector<128x1xf32>
    %eq3A_187 = vector.broadcast %broadcast_in_dim3A_186 : vector<128x1xf32> to vector<128x64xf32>
    %eq3A_188 = arith.cmpf oeq, %select_n3A_183, %eq3A_187 : vector<128x64xf32>
    %and3A_189 = arith.andi %eq3A_188, %gt3A_61 : vector<128x64xi1>
    %jit3A_190 = arith.constant 64 : i32
    %broadcast_in_dim3A_191 = vector.broadcast %jit3A_190 : i32 to vector<128x64xi32>
    %select_n3A_192 = arith.select %and3A_189, %iota3A, %broadcast_in_dim3A_191 : vector<128x64xi1>, vector<128x64xi32>
    %reduce_min3A_193 = arith.constant dense<2147483647> : vector<128xi32>
    %reduce_min3A_194 = vector.multi_reduction <minsi>, %select_n3A_192, %reduce_min3A_193 [1] : vector<128x64xi32> to vector<128xi32>
    %broadcast_in_dim3A_195 = vector.shape_cast %reduce_min3A_194 : vector<128xi32> to vector<128x1xi32>
    %eq3A_196 = vector.broadcast %broadcast_in_dim3A_195 : vector<128x1xi32> to vector<128x64xi32>
    %eq3A_197 = arith.cmpi eq, %iota3A, %eq3A_196 : vector<128x64xi32>
    %jit3A_198 = arith.constant 1.000000e+00 : f32
    %jit3A_199 = arith.constant 0.000000e+00 : f32
    %broadcast_in_dim3A_200 = vector.broadcast %jit3A_198 : f32 to vector<128x64xf32>
    %broadcast_in_dim3A_201 = vector.broadcast %jit3A_199 : f32 to vector<128x64xf32>
    %select_n3A_202 = arith.select %eq3A_197, %broadcast_in_dim3A_200, %broadcast_in_dim3A_201 : vector<128x64xi1>, vector<128x64xf32>
    %dot_general3A_203 = arith.constant dense<0.000000e+00> : vector<128x64xf32>
    %dot_general3A_204 = tpu.matmul %select_n3A_202, %add3A_55, %dot_general3A_203 {dimension_numbers = #tpu.dot_dimension_numbers<[1], [0], [0], [1], [0, 0, 1, 1], [], []>, transpose_lhs_hint = false} : vector<128x64xf32>, vector<64x64xf32>, vector<128x64xf32> -> vector<128x64xf32>
    %mul3A_205 = arith.mulf %select_n3A_202, %convert_element_type3A : vector<128x64xf32>
    %reduce_sum3A_206 = arith.constant dense<0.000000e+00> : vector<128xf32>
    %reduce_sum3A_207 = vector.multi_reduction <add>, %mul3A_205, %reduce_sum3A_206 [1] : vector<128x64xf32> to vector<128xf32>
    %broadcast_in_dim3A_208 = vector.shape_cast %reduce_sum3A_207 : vector<128xf32> to vector<128x1xf32>
    %lt3A_209 = vector.broadcast %broadcast_in_dim3A_186 : vector<128x1xf32> to vector<128x64xf32>
    %lt3A_210 = arith.cmpf olt, %select_n3A_183, %lt3A_209 : vector<128x64xf32>
    %jit3A_211 = arith.constant -1.000000e+30 : f32
    %broadcast_in_dim3A_212 = vector.broadcast %jit3A_211 : f32 to vector<128x64xf32>
    %select_n3A_213 = arith.select %lt3A_210, %select_n3A_183, %broadcast_in_dim3A_212 : vector<128x64xi1>, vector<128x64xf32>
    %reduce_max3A_214 = arith.constant dense<0xFF800000> : vector<128xf32>
    %reduce_max3A_215 = vector.multi_reduction <maximumf>, %select_n3A_213, %reduce_max3A_214 [1] : vector<128x64xf32> to vector<128xf32>
    %broadcast_in_dim3A_216 = vector.shape_cast %reduce_max3A_215 : vector<128xf32> to vector<128x1xf32>
    %eq3A_217 = vector.broadcast %broadcast_in_dim3A_216 : vector<128x1xf32> to vector<128x64xf32>
    %eq3A_218 = arith.cmpf oeq, %select_n3A_213, %eq3A_217 : vector<128x64xf32>
    %mul3A_219 = arith.constant -1.000000e+30 : f32
    %mul3A_220 = arith.constant 5.000000e-01 : f32
    %mul3A_221 = arith.mulf %mul3A_219, %mul3A_220 : f32
    %gt3A_222 = vector.broadcast %mul3A_221 : f32 to vector<128x64xf32>
    %gt3A_223 = arith.cmpf ogt, %select_n3A_213, %gt3A_222 : vector<128x64xf32>
    %and3A_224 = arith.andi %eq3A_218, %gt3A_223 : vector<128x64xi1>
    %jit3A_225 = arith.constant 64 : i32
    %broadcast_in_dim3A_226 = vector.broadcast %jit3A_225 : i32 to vector<128x64xi32>
    %select_n3A_227 = arith.select %and3A_224, %iota3A, %broadcast_in_dim3A_226 : vector<128x64xi1>, vector<128x64xi32>
    %reduce_min3A_228 = arith.constant dense<2147483647> : vector<128xi32>
    %reduce_min3A_229 = vector.multi_reduction <minsi>, %select_n3A_227, %reduce_min3A_228 [1] : vector<128x64xi32> to vector<128xi32>
    %broadcast_in_dim3A_230 = vector.shape_cast %reduce_min3A_229 : vector<128xi32> to vector<128x1xi32>
    %eq3A_231 = vector.broadcast %broadcast_in_dim3A_230 : vector<128x1xi32> to vector<128x64xi32>
    %eq3A_232 = arith.cmpi eq, %iota3A, %eq3A_231 : vector<128x64xi32>
    %jit3A_233 = arith.constant 1.000000e+00 : f32
    %jit3A_234 = arith.constant 0.000000e+00 : f32
    %broadcast_in_dim3A_235 = vector.broadcast %jit3A_233 : f32 to vector<128x64xf32>
    %broadcast_in_dim3A_236 = vector.broadcast %jit3A_234 : f32 to vector<128x64xf32>
    %select_n3A_237 = arith.select %eq3A_232, %broadcast_in_dim3A_235, %broadcast_in_dim3A_236 : vector<128x64xi1>, vector<128x64xf32>
    %dot_general3A_238 = arith.constant dense<0.000000e+00> : vector<128x64xf32>
    %dot_general3A_239 = tpu.matmul %select_n3A_237, %add3A_55, %dot_general3A_238 {dimension_numbers = #tpu.dot_dimension_numbers<[1], [0], [0], [1], [0, 0, 1, 1], [], []>, transpose_lhs_hint = false} : vector<128x64xf32>, vector<64x64xf32>, vector<128x64xf32> -> vector<128x64xf32>
    %ge3A_240 = arith.constant 2.000000e+00 : f32
    %ge3A_241 = vector.broadcast %ge3A_240 : f32 to vector<128x1xf32>
    %ge3A_242 = arith.cmpf oge, %broadcast_in_dim3A_208, %ge3A_241 : vector<128x1xf32>
    %broadcast_in_dim3A_243 = vector.shape_cast %ge3A_242 : vector<128x1xi1> to vector<128x1xi1>
    %broadcast_in_dim3A_244 = vector.broadcast %broadcast_in_dim3A_243 : vector<128x1xi1> to vector<128x64xi1>
    %select_n3A_245 = arith.select %broadcast_in_dim3A_244, %dot_general3A_204, %dot_general3A_239 : vector<128x64xi1>, vector<128x64xf32>
    %slice3A_246 = vector.extract_strided_slice %div3A_84 {offsets = [0, 1], sizes = [128, 1], strides = [1, 1]} : vector<128x3xf32> to vector<128x1xf32>
    %mul3A_247 = vector.broadcast %slice3A_246 : vector<128x1xf32> to vector<128x64xf32>
    %mul3A_248 = arith.mulf %dot_general3A_204, %mul3A_247 : vector<128x64xf32>
    %mul3A_249 = vector.broadcast %slice3A_246 : vector<128x1xf32> to vector<128x64xf32>
    %mul3A_250 = arith.mulf %select_n3A_245, %mul3A_249 : vector<128x64xf32>
    %mul3A_251 = arith.mulf %mul3A_248, %add3A_91 : vector<128x64xf32>
    %reduce_sum3A_252 = arith.constant dense<0.000000e+00> : vector<128xf32>
    %reduce_sum3A_253 = vector.multi_reduction <add>, %mul3A_251, %reduce_sum3A_252 [1] : vector<128x64xf32> to vector<128xf32>
    %broadcast_in_dim3A_254 = vector.shape_cast %reduce_sum3A_253 : vector<128xf32> to vector<128x1xf32>
    %mul3A_255 = arith.constant 1.250000e-01 : f32
    %mul3A_256 = vector.broadcast %mul3A_255 : f32 to vector<128x1xf32>
    %mul3A_257 = arith.mulf %broadcast_in_dim3A_254, %mul3A_256 : vector<128x1xf32>
    %mul3A_258 = arith.mulf %mul3A_250, %add3A_91 : vector<128x64xf32>
    %reduce_sum3A_259 = arith.constant dense<0.000000e+00> : vector<128xf32>
    %reduce_sum3A_260 = vector.multi_reduction <add>, %mul3A_258, %reduce_sum3A_259 [1] : vector<128x64xf32> to vector<128xf32>
    %broadcast_in_dim3A_261 = vector.shape_cast %reduce_sum3A_260 : vector<128xf32> to vector<128x1xf32>
    %mul3A_262 = arith.constant 1.250000e-01 : f32
    %mul3A_263 = vector.broadcast %mul3A_262 : f32 to vector<128x1xf32>
    %mul3A_264 = arith.mulf %broadcast_in_dim3A_261, %mul3A_263 : vector<128x1xf32>
    %slice3A_265 = vector.extract_strided_slice %dot_general3A_96 {offsets = [2, 0], sizes = [1, 64], strides = [1, 1]} : vector<3x64xf32> to vector<1x64xf32>
    %jit3A_266 = arith.constant -1.000000e+30 : f32
    %broadcast_in_dim3A_267 = vector.shape_cast %slice3A_265 : vector<1x64xf32> to vector<1x64xf32>
    %broadcast_in_dim3A_268 = vector.broadcast %broadcast_in_dim3A_267 : vector<1x64xf32> to vector<128x64xf32>
    %broadcast_in_dim3A_269 = vector.broadcast %jit3A_266 : f32 to vector<128x64xf32>
    %select_n3A_270 = arith.select %gt3A_61, %broadcast_in_dim3A_268, %broadcast_in_dim3A_269 : vector<128x64xi1>, vector<128x64xf32>
    %reduce_max3A_271 = arith.constant dense<0xFF800000> : vector<128xf32>
    %reduce_max3A_272 = vector.multi_reduction <maximumf>, %select_n3A_270, %reduce_max3A_271 [1] : vector<128x64xf32> to vector<128xf32>
    %broadcast_in_dim3A_273 = vector.shape_cast %reduce_max3A_272 : vector<128xf32> to vector<128x1xf32>
    %eq3A_274 = vector.broadcast %broadcast_in_dim3A_273 : vector<128x1xf32> to vector<128x64xf32>
    %eq3A_275 = arith.cmpf oeq, %select_n3A_270, %eq3A_274 : vector<128x64xf32>
    %and3A_276 = arith.andi %eq3A_275, %gt3A_61 : vector<128x64xi1>
    %jit3A_277 = arith.constant 64 : i32
    %broadcast_in_dim3A_278 = vector.broadcast %jit3A_277 : i32 to vector<128x64xi32>
    %select_n3A_279 = arith.select %and3A_276, %iota3A, %broadcast_in_dim3A_278 : vector<128x64xi1>, vector<128x64xi32>
    %reduce_min3A_280 = arith.constant dense<2147483647> : vector<128xi32>
    %reduce_min3A_281 = vector.multi_reduction <minsi>, %select_n3A_279, %reduce_min3A_280 [1] : vector<128x64xi32> to vector<128xi32>
    %broadcast_in_dim3A_282 = vector.shape_cast %reduce_min3A_281 : vector<128xi32> to vector<128x1xi32>
    %eq3A_283 = vector.broadcast %broadcast_in_dim3A_282 : vector<128x1xi32> to vector<128x64xi32>
    %eq3A_284 = arith.cmpi eq, %iota3A, %eq3A_283 : vector<128x64xi32>
    %jit3A_285 = arith.constant 1.000000e+00 : f32
    %jit3A_286 = arith.constant 0.000000e+00 : f32
    %broadcast_in_dim3A_287 = vector.broadcast %jit3A_285 : f32 to vector<128x64xf32>
    %broadcast_in_dim3A_288 = vector.broadcast %jit3A_286 : f32 to vector<128x64xf32>
    %select_n3A_289 = arith.select %eq3A_284, %broadcast_in_dim3A_287, %broadcast_in_dim3A_288 : vector<128x64xi1>, vector<128x64xf32>
    %dot_general3A_290 = arith.constant dense<0.000000e+00> : vector<128x64xf32>
    %dot_general3A_291 = tpu.matmul %select_n3A_289, %add3A_55, %dot_general3A_290 {dimension_numbers = #tpu.dot_dimension_numbers<[1], [0], [0], [1], [0, 0, 1, 1], [], []>, transpose_lhs_hint = false} : vector<128x64xf32>, vector<64x64xf32>, vector<128x64xf32> -> vector<128x64xf32>
    %mul3A_292 = arith.mulf %select_n3A_289, %convert_element_type3A : vector<128x64xf32>
    %reduce_sum3A_293 = arith.constant dense<0.000000e+00> : vector<128xf32>
    %reduce_sum3A_294 = vector.multi_reduction <add>, %mul3A_292, %reduce_sum3A_293 [1] : vector<128x64xf32> to vector<128xf32>
    %broadcast_in_dim3A_295 = vector.shape_cast %reduce_sum3A_294 : vector<128xf32> to vector<128x1xf32>
    %lt3A_296 = vector.broadcast %broadcast_in_dim3A_273 : vector<128x1xf32> to vector<128x64xf32>
    %lt3A_297 = arith.cmpf olt, %select_n3A_270, %lt3A_296 : vector<128x64xf32>
    %jit3A_298 = arith.constant -1.000000e+30 : f32
    %broadcast_in_dim3A_299 = vector.broadcast %jit3A_298 : f32 to vector<128x64xf32>
    %select_n3A_300 = arith.select %lt3A_297, %select_n3A_270, %broadcast_in_dim3A_299 : vector<128x64xi1>, vector<128x64xf32>
    %reduce_max3A_301 = arith.constant dense<0xFF800000> : vector<128xf32>
    %reduce_max3A_302 = vector.multi_reduction <maximumf>, %select_n3A_300, %reduce_max3A_301 [1] : vector<128x64xf32> to vector<128xf32>
    %broadcast_in_dim3A_303 = vector.shape_cast %reduce_max3A_302 : vector<128xf32> to vector<128x1xf32>
    %eq3A_304 = vector.broadcast %broadcast_in_dim3A_303 : vector<128x1xf32> to vector<128x64xf32>
    %eq3A_305 = arith.cmpf oeq, %select_n3A_300, %eq3A_304 : vector<128x64xf32>
    %mul3A_306 = arith.constant -1.000000e+30 : f32
    %mul3A_307 = arith.constant 5.000000e-01 : f32
    %mul3A_308 = arith.mulf %mul3A_306, %mul3A_307 : f32
    %gt3A_309 = vector.broadcast %mul3A_308 : f32 to vector<128x64xf32>
    %gt3A_310 = arith.cmpf ogt, %select_n3A_300, %gt3A_309 : vector<128x64xf32>
    %and3A_311 = arith.andi %eq3A_305, %gt3A_310 : vector<128x64xi1>
    %jit3A_312 = arith.constant 64 : i32
    %broadcast_in_dim3A_313 = vector.broadcast %jit3A_312 : i32 to vector<128x64xi32>
    %select_n3A_314 = arith.select %and3A_311, %iota3A, %broadcast_in_dim3A_313 : vector<128x64xi1>, vector<128x64xi32>
    %reduce_min3A_315 = arith.constant dense<2147483647> : vector<128xi32>
    %reduce_min3A_316 = vector.multi_reduction <minsi>, %select_n3A_314, %reduce_min3A_315 [1] : vector<128x64xi32> to vector<128xi32>
    %broadcast_in_dim3A_317 = vector.shape_cast %reduce_min3A_316 : vector<128xi32> to vector<128x1xi32>
    %eq3A_318 = vector.broadcast %broadcast_in_dim3A_317 : vector<128x1xi32> to vector<128x64xi32>
    %eq3A_319 = arith.cmpi eq, %iota3A, %eq3A_318 : vector<128x64xi32>
    %jit3A_320 = arith.constant 1.000000e+00 : f32
    %jit3A_321 = arith.constant 0.000000e+00 : f32
    %broadcast_in_dim3A_322 = vector.broadcast %jit3A_320 : f32 to vector<128x64xf32>
    %broadcast_in_dim3A_323 = vector.broadcast %jit3A_321 : f32 to vector<128x64xf32>
    %select_n3A_324 = arith.select %eq3A_319, %broadcast_in_dim3A_322, %broadcast_in_dim3A_323 : vector<128x64xi1>, vector<128x64xf32>
    %dot_general3A_325 = arith.constant dense<0.000000e+00> : vector<128x64xf32>
    %dot_general3A_326 = tpu.matmul %select_n3A_324, %add3A_55, %dot_general3A_325 {dimension_numbers = #tpu.dot_dimension_numbers<[1], [0], [0], [1], [0, 0, 1, 1], [], []>, transpose_lhs_hint = false} : vector<128x64xf32>, vector<64x64xf32>, vector<128x64xf32> -> vector<128x64xf32>
    %ge3A_327 = arith.constant 2.000000e+00 : f32
    %ge3A_328 = vector.broadcast %ge3A_327 : f32 to vector<128x1xf32>
    %ge3A_329 = arith.cmpf oge, %broadcast_in_dim3A_295, %ge3A_328 : vector<128x1xf32>
    %broadcast_in_dim3A_330 = vector.shape_cast %ge3A_329 : vector<128x1xi1> to vector<128x1xi1>
    %broadcast_in_dim3A_331 = vector.broadcast %broadcast_in_dim3A_330 : vector<128x1xi1> to vector<128x64xi1>
    %select_n3A_332 = arith.select %broadcast_in_dim3A_331, %dot_general3A_291, %dot_general3A_326 : vector<128x64xi1>, vector<128x64xf32>
    %slice3A_333 = vector.extract_strided_slice %div3A_84 {offsets = [0, 2], sizes = [128, 1], strides = [1, 1]} : vector<128x3xf32> to vector<128x1xf32>
    %mul3A_334 = vector.broadcast %slice3A_333 : vector<128x1xf32> to vector<128x64xf32>
    %mul3A_335 = arith.mulf %dot_general3A_291, %mul3A_334 : vector<128x64xf32>
    %mul3A_336 = vector.broadcast %slice3A_333 : vector<128x1xf32> to vector<128x64xf32>
    %mul3A_337 = arith.mulf %select_n3A_332, %mul3A_336 : vector<128x64xf32>
    %mul3A_338 = arith.mulf %mul3A_335, %add3A_91 : vector<128x64xf32>
    %reduce_sum3A_339 = arith.constant dense<0.000000e+00> : vector<128xf32>
    %reduce_sum3A_340 = vector.multi_reduction <add>, %mul3A_338, %reduce_sum3A_339 [1] : vector<128x64xf32> to vector<128xf32>
    %broadcast_in_dim3A_341 = vector.shape_cast %reduce_sum3A_340 : vector<128xf32> to vector<128x1xf32>
    %mul3A_342 = arith.constant 1.250000e-01 : f32
    %mul3A_343 = vector.broadcast %mul3A_342 : f32 to vector<128x1xf32>
    %mul3A_344 = arith.mulf %broadcast_in_dim3A_341, %mul3A_343 : vector<128x1xf32>
    %mul3A_345 = arith.mulf %mul3A_337, %add3A_91 : vector<128x64xf32>
    %reduce_sum3A_346 = arith.constant dense<0.000000e+00> : vector<128xf32>
    %reduce_sum3A_347 = vector.multi_reduction <add>, %mul3A_345, %reduce_sum3A_346 [1] : vector<128x64xf32> to vector<128xf32>
    %broadcast_in_dim3A_348 = vector.shape_cast %reduce_sum3A_347 : vector<128xf32> to vector<128x1xf32>
    %mul3A_349 = arith.constant 1.250000e-01 : f32
    %mul3A_350 = vector.broadcast %mul3A_349 : f32 to vector<128x1xf32>
    %mul3A_351 = arith.mulf %broadcast_in_dim3A_348, %mul3A_350 : vector<128x1xf32>
    %max3A_352 = arith.maximumf %mul3A_170, %mul3A_177 : vector<128x1xf32>
    %max3A_353 = arith.maximumf %max3A_352, %mul3A_257 : vector<128x1xf32>
    %max3A_354 = arith.maximumf %max3A_353, %mul3A_264 : vector<128x1xf32>
    %max3A_355 = arith.maximumf %max3A_354, %mul3A_344 : vector<128x1xf32>
    %max3A_356 = arith.maximumf %max3A_355, %mul3A_351 : vector<128x1xf32>
    %sub3A_357 = arith.subf %mul3A_170, %max3A_356 : vector<128x1xf32>
    %exp3A_358 = math.exp %sub3A_357 : vector<128x1xf32>
    %sub3A_359 = arith.subf %mul3A_177, %max3A_356 : vector<128x1xf32>
    %exp3A_360 = math.exp %sub3A_359 : vector<128x1xf32>
    %sub3A_361 = arith.subf %mul3A_257, %max3A_356 : vector<128x1xf32>
    %exp3A_362 = math.exp %sub3A_361 : vector<128x1xf32>
    %sub3A_363 = arith.subf %mul3A_264, %max3A_356 : vector<128x1xf32>
    %exp3A_364 = math.exp %sub3A_363 : vector<128x1xf32>
    %sub3A_365 = arith.subf %mul3A_344, %max3A_356 : vector<128x1xf32>
    %exp3A_366 = math.exp %sub3A_365 : vector<128x1xf32>
    %sub3A_367 = arith.subf %mul3A_351, %max3A_356 : vector<128x1xf32>
    %exp3A_368 = math.exp %sub3A_367 : vector<128x1xf32>
    %add3A_369 = arith.addf %exp3A_358, %exp3A_360 : vector<128x1xf32>
    %add3A_370 = arith.addf %add3A_369, %exp3A_362 : vector<128x1xf32>
    %add3A_371 = arith.addf %add3A_370, %exp3A_364 : vector<128x1xf32>
    %add3A_372 = arith.addf %add3A_371, %exp3A_366 : vector<128x1xf32>
    %add3A_373 = arith.addf %add3A_372, %exp3A_368 : vector<128x1xf32>
    %div3A_374 = arith.divf %exp3A_358, %add3A_373 : vector<128x1xf32>
    %mul3A_375 = vector.broadcast %div3A_374 : vector<128x1xf32> to vector<128x64xf32>
    %mul3A_376 = arith.mulf %mul3A_375, %mul3A_161 : vector<128x64xf32>
    %div3A_377 = arith.divf %exp3A_360, %add3A_373 : vector<128x1xf32>
    %mul3A_378 = vector.broadcast %div3A_377 : vector<128x1xf32> to vector<128x64xf32>
    %mul3A_379 = arith.mulf %mul3A_378, %mul3A_163 : vector<128x64xf32>
    %add3A_380 = arith.addf %mul3A_376, %mul3A_379 : vector<128x64xf32>
    %div3A_381 = arith.divf %exp3A_362, %add3A_373 : vector<128x1xf32>
    %mul3A_382 = vector.broadcast %div3A_381 : vector<128x1xf32> to vector<128x64xf32>
    %mul3A_383 = arith.mulf %mul3A_382, %mul3A_248 : vector<128x64xf32>
    %add3A_384 = arith.addf %add3A_380, %mul3A_383 : vector<128x64xf32>
    %div3A_385 = arith.divf %exp3A_364, %add3A_373 : vector<128x1xf32>
    %mul3A_386 = vector.broadcast %div3A_385 : vector<128x1xf32> to vector<128x64xf32>
    %mul3A_387 = arith.mulf %mul3A_386, %mul3A_250 : vector<128x64xf32>
    %add3A_388 = arith.addf %add3A_384, %mul3A_387 : vector<128x64xf32>
    %div3A_389 = arith.divf %exp3A_366, %add3A_373 : vector<128x1xf32>
    %mul3A_390 = vector.broadcast %div3A_389 : vector<128x1xf32> to vector<128x64xf32>
    %mul3A_391 = arith.mulf %mul3A_390, %mul3A_335 : vector<128x64xf32>
    %add3A_392 = arith.addf %add3A_388, %mul3A_391 : vector<128x64xf32>
    %div3A_393 = arith.divf %exp3A_368, %add3A_373 : vector<128x1xf32>
    %mul3A_394 = vector.broadcast %div3A_393 : vector<128x1xf32> to vector<128x64xf32>
    %mul3A_395 = arith.mulf %mul3A_394, %mul3A_337 : vector<128x64xf32>
    %add3A_396 = arith.addf %add3A_392, %mul3A_395 : vector<128x64xf32>
    %get3A_397 = arith.constant 0 : index
    %get3A_398 = arith.constant 0 : index
    %get3A_399 = vector.load %arg13[%get3A_397, %get3A_398] : memref<64x64xf32, #tpu.memory_space<vmem>>, vector<64x64xf32>
    %dot_general3A_400 = arith.constant dense<0.000000e+00> : vector<128x64xf32>
    %dot_general3A_401 = tpu.matmul %add3A_396, %get3A_399, %dot_general3A_400 {dimension_numbers = #tpu.dot_dimension_numbers<[1], [0], [0], [1], [0, 0, 1, 1], [], []>, transpose_lhs_hint = false} : vector<128x64xf32>, vector<64x64xf32>, vector<128x64xf32> -> vector<128x64xf32>
    %add3A_402 = vector.broadcast %reshape3A_18 : vector<1x64xf32> to vector<128x64xf32>
    %add3A_403 = arith.addf %dot_general3A_401, %add3A_402 : vector<128x64xf32>
    %swap3A_404 = arith.constant 0 : index
    %swap3A_405 = arith.constant 0 : index
    %swap3A_406 = vector.load %arg15[%swap3A_404, %swap3A_405] : memref<128x64xf32, #tpu.memory_space<vmem>>, vector<128x64xf32>
    tpu.vector_store %arg15[%swap3A_404, %swap3A_405], %add3A_403 {strides = array<i32>} : memref<128x64xf32, #tpu.memory_space<vmem>>, vector<128x64xf32>,
    return
  }
}

</mosaic_0001>

<sc_bundles>
// kernel: kernel.4.cloned.1.call-start
scs
__scs_entry_jumppad:
0x0: {  	(pc) =	sbr.rel $0x88, $3  }
0x1: {  	(tag) =	ssettag $0x0;
	lr =	simm.s32 $0x1  }
0x2: {  	[smem:$0x3F92] =	sst lr;
	_ =	strace $0xD0000000  }
0x3: {  	_ = 	snop  }
0x4: {  	_ = 	snop  }
0x5: {  	_ = 	snop  }
0x6: {  	_ = 	snop  }
0x7: {  	_ = 	snop  }
__scs_overlays_trampoline_lowered:
0x8: {  	[smem:$0x3FA1] =	sst s0  }
0x9: {  	[smem:$0x3FA2] =	sst s1  }
0xa: {  	[smem:$0x3FA3] =	sst s2  }
0xb: {  	[smem:$0x3FA4] =	sst s3  }
0xc: {  	[smem:$0x3FA5] =	sst s4  }
0xd: {  	[smem:$0x3FA6] =	sst s5  }
0xe: {  	[smem:$0x3FA7] =	sst s6  }
0xf: {  	[smem:$0x3FA8] =	sst s7  }
0x10: {  	[smem:$0x3FA9] =	sst s8  }
0x11: {  	[smem:$0x3FAA] =	sst s9;
	s0 =	simm.s32 @!p0 $0x0  }
0x12: {  	s1 =	sld [smem:$0x3F90];
	s0 =	simm.s32 @p0 $0x1  }
0x13: {  	[smem:$0x3FAB] =	sst s0;
	s0 =	simm.s32 @!p1 $0x0  }
0x14: {  	s2 =	sld [smem:$0x3F8F];
	s0 =	simm.s32 @p1 $0x1  }
0x15: {  	[smem:$0x3FAC] =	sst s0;
	s0 =	simm.s32 @!p2 $0x0  }
0x16: {  	s3 =	sld [smem:$0x3FDB];
	s0 =	simm.s32 @p2 $0x1  }
0x17: {  	s4 =	simm.s32 $0x1BF5;
	[smem:$0x3FAE] =	sst s0  }
0x18: {  	s0 =	sld [smem:$0x3F91];
	_ =	swait.ge [sflag:s4], $0x0  }
0x19: {  	s7 =	sld [smem:$0x3F92]  }
0x1a: {  	s8 =	sadd.s32 $0xFFFFE003, lr  }
0x1b: {  	s9 =	sadd.s32 $0xFFFFFEF7, lr;
	s5 =	simm.s32 $0xFFFFFFFF;
	p2 =	slt.u32 s8, $0xFFFFF086  }
0x1c: {  	p1 =	slt.u32 s9, $0xF7A;
	s5 =	simm.s32 @!p2 $0x0  }
0x1d: {  	s5 =	simm.s32 @p1 $0x1;
	p0 =	seq.s32 s7, s2  }
0x1e: {  	s7 =	smul.u32 @!p0 $0xF7A, s2;
	p2 =	seq.s32 @!p0 s5, $0x0  }
0x1f: {  	s9 =	smul.u32 $0xF7A, s1;
	s8 =	simm.s32 @!p0 $0x1BF5;
	p2 =	por !p2, p0  }
0x20: {  	[sflag:s8] =	ssyncset.s32 @!p0 $0xFFFFF086;
	s6 =	sadd.s32 @!p0 s3, s7;
	s7 =	simm.s32 @!p0 $0x108  }
0x21: {  	s3 =	sadd.s32 s3, s9;
	s6 =	sadd.s32 @!p0 $0x88, s6;
	s7 =	simm.s32 @p2 $0x1082  }
0x22: {  	[simem:s7], [sflag:s8] =	dma.local @!p0 [hbm:s6], $0xF7A  }
0x23: {  	s9 =	sor.u32 $0xD0000000, s2;
	s6 =	simm.s32 $0x108;
	_ =	swait.ge @!p0 [sflag:s8], $0x0  }
0x24: {  	s3 =	sadd.s32 $0x88, s3;
	s6 =	simm.s32 @!p1 $0x1082;
	[sflag:s4] =	ssyncset.s32 $0xFFFFF086  }
0x25: {  	[simem:s6], [sflag:s4] =	dma.local [hbm:s3], $0xF7A  }
0x26: {  	[smem:$0x3F92] =	sst s1;
	(tag) =	ssettag s2;
	_ =	strace s9  }
0x27: {  	s1 =	sld [smem:$0x3FA2]  }
0x28: {  	s2 =	sld [smem:$0x3FA3]  }
0x29: {  	s4 =	sld [smem:$0x3FA5]  }
0x2a: {  	p0 =	seq.s32 s5, $0x0;
	s5 =	sld [smem:$0x3FA6]  }
0x2b: {  	s6 =	sld [smem:$0x3FA7]  }
0x2c: {  	s7 =	sld [smem:$0x3FA8]  }
0x2d: {  	s3 =	simm.s32 $0x108;
	s8 =	sld [smem:$0x3FA9]  }
0x2e: {  	s3 =	simm.s32 @!p0 $0x1082;
	s9 =	sld [smem:$0x3FAA]  }
0x2f: {  	lr =	sadd.s32 s0, s3;
	s0 =	sld [smem:$0x3FA1]  }
0x30: {  	s3 =	sld [smem:$0x3FA4]  }
0x31: {  	[smem:$0x3FAD] =	sst s10  }
0x32: {  	s10 =	sld [smem:$0x3FAB];
	_ =	sdelay $0x3  }
0x33: {  	p0 =	seq.s32 s10, $0x1;
	s10 =	sld [smem:$0x3FAD];
	_ =	sdelay $0x3  }
0x34: {  	[smem:$0x3FAD] =	sst s10  }
0x35: {  	s10 =	sld [smem:$0x3FAC];
	_ =	sdelay $0x3  }
0x36: {  	p1 =	seq.s32 s10, $0x1;
	s10 =	sld [smem:$0x3FAD];
	_ =	sdelay $0x3  }
0x37: {  	[smem:$0x3FAD] =	sst s10  }
0x38: {  	s10 =	sld [smem:$0x3FAE]  }
0x39: {  	_ = 	snop;
	(pc) =	sbr.ind lr, $3  }
0x3a: {  	_ = 	snop  }
0x3b: {  	_ = 	snop  }
0x3c: {  	p2 =	seq.s32 s10, $0x1;
	s10 =	sld [smem:$0x3FAD]  }
0x3d: {  	_ =	shalt  }
0x3e: {  	_ =	shalt  }
0x3f: {  	_ =	shalt  }
0x40: {  	_ =	shalt  }
0x41: {  	_ =	shalt  }
0x42: {  	_ =	shalt  }
0x43: {  	_ =	shalt  }
0x44: {  	_ =	shalt  }
0x45: {  	_ =	shalt  }
0x46: {  	_ =	shalt  }
0x47: {  	_ =	shalt  }
0x48: {  	_ =	shalt  }
0x49: {  	_ =	shalt  }
0x4a: {  	_ =	shalt  }
0x4b: {  	_ =	shalt  }
0x4c: {  	_ =	shalt  }
0x4d: {  	_ =	shalt  }
0x4e: {  	_ =	shalt  }
0x4f: {  	_ =	shalt  }
0x50: {  	_ =	shalt  }
0x51: {  	_ =	shalt  }
0x52: {  	_ =	shalt  }
0x53: {  	_ =	shalt  }
0x54: {  	_ =	shalt  }
0x55: {  	_ =	shalt  }
0x56: {  	_ =	shalt  }
0x57: {  	_ =	shalt  }
0x58: {  	_ =	shalt  }
0x59: {  	_ =	shalt  }
0x5a: {  	_ =	shalt  }
0x5b: {  	_ =	shalt  }
0x5c: {  	_ =	shalt  }
0x5d: {  	_ =	shalt  }
0x5e: {  	_ =	shalt  }
0x5f: {  	_ =	shalt  }
0x60: {  	_ =	shalt  }
0x61: {  	_ =	shalt  }
0x62: {  	_ =	shalt  }
0x63: {  	_ =	shalt  }
0x64: {  	_ =	shalt  }
0x65: {  	_ =	shalt  }
0x66: {  	_ =	shalt  }
0x67: {  	_ =	shalt  }
0x68: {  	_ =	shalt  }
0x69: {  	_ =	shalt  }
0x6a: {  	_ =	shalt  }
0x6b: {  	_ =	shalt  }
0x6c: {  	_ =	shalt  }
0x6d: {  	_ =	shalt  }
0x6e: {  	_ =	shalt  }
0x6f: {  	_ =	shalt  }
0x70: {  	_ =	shalt  }
0x71: {  	_ =	shalt  }
0x72: {  	_ =	shalt  }
0x73: {  	_ =	shalt  }
0x74: {  	_ =	shalt  }
0x75: {  	_ =	shalt  }
0x76: {  	_ =	shalt  }
0x77: {  	_ =	shalt  }
0x78: {  	_ =	shalt  }
0x79: {  	_ =	shalt  }
0x7a: {  	_ =	shalt  }
0x7b: {  	_ =	shalt  }
0x7c: {  	_ =	shalt  }
0x7d: {  	_ =	shalt  }
0x7e: {  	_ =	shalt  }
0x7f: {  	_ =	shalt  }
0x80: {  	_ =	shalt  }
0x81: {  	_ =	shalt  }
0x82: {  	_ =	shalt  }
0x83: {  	_ =	shalt  }
0x84: {  	_ =	shalt  }
0x85: {  	_ =	shalt  }
0x86: {  	_ =	shalt  }
0x87: {  	_ =	shalt  }
.Lfunc_end0:
.L_simem_size_0:
called_computation_lowered:
.L_overlay_start_0:
0x88: {  	s2 =	sld [smem:$0x3FD9]  }
0x89: {  	s3 =	sld [smem:$0x3FFE];
	_ =	sdelay $0x1  }
0x8a: {  	s1 =	srdreg.scid  }
0x8b: {  	s0 =	sand.u32 $0x1, s1  }
0x8c: {  	s17 =	sshll.u32 s0, $0xA;
	s2 =	sadd.s32 s3, s2  }
0x8d: {  	s2 =	sadd.s32 s2, s17  }
0x8e: {  	[smem:$0x3FB9] =	sst s2  }
0x8f: {  	_ = 	snop  }
0x90: {  	s2 =	sld [smem:$0x3FC9];
	(tm) =	ssettm $0x1  }
0x91: {  	s18 =	sld [smem:$0x3FFB];
	_ =	sdelay $0x3  }
0x92: {  	_ =	strace s18  }
0x93: {  	s3 =	sld [smem:$0x3FFC];
	_ =	sdelay $0x3  }
0x94: {  	_ =	strace s3  }
0x95: {  	s3 =	sld [smem:$0x3FFD];
	_ =	sdelay $0x3  }
0x96: {  	_ =	strace s3  }
0x97: {  	_ =	strace $0x8FFFFFFF  }
0x98: {  	s19 =	sld [smem:$0x3FDB];
	_ =	sdelay $0x1  }
0x99: {  	s4 =	simm.s32 $_scs_section_size  }
0x9a: {  	s5 =	simm.s32 $_size__tile_overlayer_lowered;
	s6 =	simm.s32 $_tile_overlayer_lowered  }
0x9b: {  	s22 =	simm.s32 $0x1BFF;
	s21 =	sshll.u32 s6, $0x1;
	s3 =	sadd.s32 s4, s19  }
0x9c: {  	s7 =	simm.s32 $0x0;
	s20 =	sshll.u32 s5, $0x1;
	s5 =	sadd.s32 s21, s3  }
0x9d: {  	[timem:s7], [sflag:s22] =	dma.local [hbm:s5], s20  }
0x9e: {  	_ =	swait.ge [sflag:s22], s20  }
0x9f: {  	s4 =	ssub.s32 $0x0, s20;
	[sflag:s22] =	ssyncset.done $0x0  }
0xa0: {  	[sflag:s22] =	ssyncadd.s32 s4;
	_ =	sdelay $0x1  }
0xa1: {  	s23 =	simm.s32 $0x1B8B  }
0xa2: {  	_ =	swait.ge [sflag:s23], $0x1  }
0xa3: {  	[sflag:s23] =	ssyncset.done $0x0  }
0xa4: {  	s25 =	simm.s32 $0x1B8E;
	s24 =	sld [smem:$0x3FFE];
	[sflag:s23] =	ssyncadd.s32 $0xFFFFFFFF  }
0xa5: {  	s26 =	simm.s32 $execute0_lowered;
	[smem:$0x3FD2] =	sst s25  }
0xa6: {  	s5 =	sshll.u32 s26, $0x1;
	_ =	strace $0x80000046;
	[dreg:$0x1] =	wrdreg $0xFFFFFFFF  }
0xa7: {  	s28 =	simm.s32 $_size_execute0_lowered;
	s3 =	sadd.s32 s3, s5;
	[dreg:$0x0] =	wrdreg $0x0  }
0xa8: {  	s5 =	sshll.u32 s28, $0x1;
	[dreg:$0x2] =	wrdreg s3  }
0xa9: {  	[dreg:$0x3] =	wrdreg s5  }
0xaa: {  	[dreg:$0x4] =	wrdreg $0xC0  }
0xab: {  	_ =	task [dreg:s7], $0x5FFFF  }
0xac: {  	[dreg:$0x1] =	wrdreg $0xFFFFFFFF  }
0xad: {  	[dreg:$0x0] =	wrdreg $0x60  }
0xae: {  	[dreg:$0x2] =	wrdreg s2  }
0xaf: {  	[dreg:$0x3] =	wrdreg s24  }
0xb0: {  	[dreg:$0x4] =	wrdreg $0x9  }
0xb1: {  	_ =	task.clear_ibuf [dreg:s7], $0x5FFFF;
	_ =	strace $0x90000046  }
0xb2: {  	s29 =	simm.s32 $0x9;
	_ =	strace $0x80000048  }
0xb3: {  	_ =	swait.ge [sflag:s29], $0x1  }
0xb4: {  	[sflag:s29] =	ssyncadd.s32 $0xFFFFFFFF  }
0xb5: {  	_ =	strace $0x90000048  }
0xb6: {  	_ =	sfence  }
0xb7: {  	s30 =	sld [smem:$0x0];
	_ =	sdelay $0x2  }
0xb8: {  	s31 =	sshll.u32 s1, $0xD;
	s1 =	sshrl.u32 s1, $0x2  }
0xb9: {  	s3 =	sand.u32 $0x4000, s31;
	s1 =	sadd.s32 s1, s30  }
0xba: {  	s0 =	sor.u32 s3, s0;
	s1 =	sshll.u32 s1, $0x11  }
0xbb: {  	s0 =	sor.u32 s1, s0  }
0xbc: {  	s0 =	sadd.s32 $0x8F2B, s0  }
0xbd: {  	[sflag:s0] =	ssyncadd.remote.s32 $0x1  }
0xbe: {  	_ =	sfence.sel $0xFFFF  }
0xbf: {  	[dreg:$0x0] =	wrdreg $0xFFFFFFFF;
	(pc) =	sbr.abs _section_cstart, $3  }
0xc0: {  	[dreg:$0x1] =	wrdreg $0xFFFFFFFF  }
0xc1: {  	_ =	task.clear_ibuf [dreg:s7], $0x2FFFF;
	_ =	strace $0x9FFFFFFF  }
0xc2: {  	(tm) =	ssettm $0x7FFFFFFF  }
0xc3: {  	_ =	shalt  }
tec
execute0_lowered:
.L_overlay_start_1:
0x0: {  	(tag) =	ssettag $0x1  }
0x1: {  	s3 =	rddreg [dreg:$0x0]  }
0x2: {  	s4 =	rddreg [dreg:$0x1]  }
0x3: {  	s0 =	rddreg [dreg:$0x2];
	s2 =	simm.s32 $0x0;
	s5 =	srdreg.scid  }
0x4: {  	s1 =	stileid.u32;
	s10 =	simm.s32 $0x2800;
	s11 =	simm.s32 $0x0  }
0x5: {  	[smem:$0x7FF] =	sst s2;
	s5 =	sand.u32 $0x1, s5;
	s7 =	sshll.u32 s1, $0xA  }
0x6: {  	s8 =	sshll.u32 s1, $0xE;
	s6 =	sshll.u32 s5, $0x9;
	s5 =	ssub.s32 $0x2, s5  }
0x7: {  	_ =	strace $0x80000047;
	s7 =	sor.u32 s6, s7;
	s9 =	sshrl.u32 s5, $0x1  }
0x8: {  	s6 =	sor.u32 s6, s8;
	s8 =	simm.s32 $0x1;
	s7 =	sshrl.u32 s7, $0x3  }
0x9: {  	s5 =	ssub.s32 s5, s9;
	s6 =	sshrl.u32 s6, $0x3;
	s9 =	simm.s32 $0x2000  }
0xa: {  	v1 =	vlaneseq.u32;
	s4 =	sadd.s32 s7, s4;
	s3 =	sadd.s32 s3, s6;
	s5 =	smax.u32 s5, $0x1  }
0xb: {  	v0 =	vimm.s32 $0x0;
	v2 =	vimm.s32 $0x1;
	v1 =	vmul.u32 $0x80, v1;
	s6 =	simm.s32 $0x200;
	s7 =	simm.s32 $0x400;
	s4 =	sadd.s32 $0x2400, s4  }
.LBB2_1:
0xc: {  	[tilespmem:s2], [sflag:$0x1] =	stream.strided.gather [hbm4b:s3+s6], $0x2000, s7, s6, $0x38;
	[tilespmem:$0x2A00] =	vst v63  }
0xd: {  	_ =	swait.ge [sflag:s8], $0x2000  }
0xe: {  	[sflag:s8] =	ssyncset.done $0x0  }
0xf: {  	[sflag:s8] =	ssyncadd.s32 $0xFFFFE000  }
0x10: {  	[tilespmem:$0x2000] =	vst v0  }
0x11: {  	[tilespmem:$0x2010] =	vst v0  }
0x12: {  	[tilespmem:$0x2020] =	vst v0  }
0x13: {  	[tilespmem:$0x2030] =	vst v0  }
0x14: {  	[tilespmem:$0x2080] =	vst v0  }
0x15: {  	[tilespmem:$0x2090] =	vst v0  }
0x16: {  	[tilespmem:$0x20A0] =	vst v0  }
0x17: {  	[tilespmem:$0x20B0] =	vst v0  }
0x18: {  	[tilespmem:$0x2100] =	vst v0  }
0x19: {  	[tilespmem:$0x2110] =	vst v0  }
0x1a: {  	[tilespmem:$0x2120] =	vst v0  }
0x1b: {  	[tilespmem:$0x2130] =	vst v0  }
0x1c: {  	[tilespmem:$0x2180] =	vst v0  }
0x1d: {  	[tilespmem:$0x2190] =	vst v0  }
0x1e: {  	[tilespmem:$0x21A0] =	vst v0  }
0x1f: {  	[tilespmem:$0x21B0] =	vst v0  }
0x20: {  	[tilespmem:$0x2200] =	vst v0  }
0x21: {  	[tilespmem:$0x2210] =	vst v0  }
0x22: {  	[tilespmem:$0x2220] =	vst v0  }
0x23: {  	[tilespmem:$0x2230] =	vst v0  }
0x24: {  	[tilespmem:$0x2280] =	vst v0  }
0x25: {  	[tilespmem:$0x2290] =	vst v0  }
0x26: {  	[tilespmem:$0x22A0] =	vst v0  }
0x27: {  	[tilespmem:$0x22B0] =	vst v0  }
0x28: {  	[tilespmem:$0x2300] =	vst v0  }
0x29: {  	[tilespmem:$0x2310] =	vst v0  }
0x2a: {  	[tilespmem:$0x2320] =	vst v0  }
0x2b: {  	[tilespmem:$0x2330] =	vst v0  }
0x2c: {  	[tilespmem:$0x2380] =	vst v0  }
0x2d: {  	[tilespmem:$0x2390] =	vst v0  }
0x2e: {  	[tilespmem:$0x23A0] =	vst v0  }
0x2f: {  	[tilespmem:$0x23B0] =	vst v0  }
0x30: {  	[tilespmem:$0x2400] =	vst v0  }
0x31: {  	[tilespmem:$0x2410] =	vst v0  }
0x32: {  	[tilespmem:$0x2420] =	vst v0  }
0x33: {  	[tilespmem:$0x2430] =	vst v0  }
0x34: {  	[tilespmem:$0x2480] =	vst v0  }
0x35: {  	[tilespmem:$0x2490] =	vst v0  }
0x36: {  	[tilespmem:$0x24A0] =	vst v0  }
0x37: {  	[tilespmem:$0x24B0] =	vst v0  }
0x38: {  	[tilespmem:$0x2500] =	vst v0  }
0x39: {  	[tilespmem:$0x2510] =	vst v0  }
0x3a: {  	[tilespmem:$0x2520] =	vst v0  }
0x3b: {  	[tilespmem:$0x2530] =	vst v0  }
0x3c: {  	[tilespmem:$0x2580] =	vst v0  }
0x3d: {  	[tilespmem:$0x2590] =	vst v0  }
0x3e: {  	[tilespmem:$0x25A0] =	vst v0  }
0x3f: {  	[tilespmem:$0x25B0] =	vst v0  }
0x40: {  	[tilespmem:$0x2600] =	vst v0  }
0x41: {  	[tilespmem:$0x2610] =	vst v0  }
0x42: {  	[tilespmem:$0x2620] =	vst v0  }
0x43: {  	[tilespmem:$0x2630] =	vst v0  }
0x44: {  	[tilespmem:$0x2680] =	vst v0  }
0x45: {  	[tilespmem:$0x2690] =	vst v0  }
0x46: {  	[tilespmem:$0x26A0] =	vst v0  }
0x47: {  	[tilespmem:$0x26B0] =	vst v0  }
0x48: {  	[tilespmem:$0x2700] =	vst v0  }
0x49: {  	[tilespmem:$0x2710] =	vst v0  }
0x4a: {  	[tilespmem:$0x2720] =	vst v0  }
0x4b: {  	[tilespmem:$0x2730] =	vst v0  }
0x4c: {  	[tilespmem:$0x2780] =	vst v0  }
0x4d: {  	[tilespmem:$0x2790] =	vst v0  }
0x4e: {  	[tilespmem:$0x27A0] =	vst v0  }
0x4f: {  	s12 =	simm.s32 $0x0;
	[tilespmem:$0x27B0] =	vst v0  }
0x50: {  	v3 =	vld [tilespmem:s12+$0x0]  }
0x51: {  	v4 =	vld [tilespmem:s12+$0x10]  }
0x52: {  	v5 =	vld [tilespmem:s12+$0x20]  }
0x53: {  	v6 =	vld [tilespmem:s12+$0x30]  }
0x54: {  	v7 =	vld [tilespmem:s12+$0x40]  }
0x55: {  	v8 =	vld [tilespmem:s12+$0x50];
	v3 =	vadd.s32 v1, v3  }
0x56: {  	v4 =	vadd.s32 v1, v4  }
0x57: {  	v5 =	vadd.s32 v1, v5  }
0x58: {  	v9 =	vld [tilespmem:s12+$0x60];
	v6 =	vadd.s32 v1, v6  }
0x59: {  	v10 =	vld [tilespmem:s12+$0x70];
	v7 =	vadd.s32 v1, v7  }
0x5a: {  	[tilespmem:v3+s9+$0x0] =	vst.idx.add.s32.msk $0xffff, v2;
	v3 =	vadd.s32 v1, v8  }
0x5b: {  	[tilespmem:v4+s9+$0x0] =	vst.idx.add.s32.msk $0xffff, v2  }
0x5c: {  	[tilespmem:v5+s9+$0x0] =	vst.idx.add.s32.msk $0xffff, v2  }
0x5d: {  	v4 =	vadd.s32 v1, v9;
	[tilespmem:v6+s9+$0x0] =	vst.idx.add.s32.msk $0xffff, v2  }
0x5e: {  	[tilespmem:v7+s9+$0x0] =	vst.idx.add.s32.msk $0xffff, v2  }
0x5f: {  	[tilespmem:v3+s9+$0x0] =	vst.idx.add.s32.msk $0xffff, v2;
	v3 =	vadd.s32 v1, v10;
	_ =	sdelay $0x2  }
0x60: {  	s13 =	simm.s32 $0x1000;
	s12 =	simm.s32 $0x800;
	[tilespmem:v4+s9+$0x0] =	vst.idx.add.s32.msk $0xffff, v2  }
.LBB2_2:
0x61: {  	p0 =	sne.s32 s13, $0x7800  }
0x62: {  	s14 =	sshra.s32 s12, $0x2;
	[tilespmem:v3+s9+$0x0] =	vst.idx.add.s32.msk $0xffff, v2;
	s12 =	smov.u32 s13;
	s13 =	sadd.s32 $0x800, s13  }
0x63: {  	v3 =	vld [tilespmem:s14+$0x0]  }
0x64: {  	v4 =	vld [tilespmem:s14+$0x10]  }
0x65: {  	v5 =	vld [tilespmem:s14+$0x20]  }
0x66: {  	v6 =	vld [tilespmem:s14+$0x30]  }
0x67: {  	v7 =	vld [tilespmem:s14+$0x40]  }
0x68: {  	v8 =	vld [tilespmem:s14+$0x50];
	v3 =	vadd.s32 v1, v3  }
0x69: {  	v9 =	vld [tilespmem:s14+$0x60];
	v4 =	vadd.s32 v1, v4  }
0x6a: {  	v10 =	vld [tilespmem:s14+$0x70];
	v5 =	vadd.s32 v1, v5  }
0x6b: {  	v6 =	vadd.s32 v1, v6  }
0x6c: {  	v7 =	vadd.s32 v1, v7  }
0x6d: {  	[tilespmem:v3+s9+$0x0] =	vst.idx.add.s32.msk $0xffff, v2;
	v8 =	vadd.s32 v1, v8  }
0x6e: {  	[tilespmem:v4+s9+$0x0] =	vst.idx.add.s32.msk $0xffff, v2;
	v4 =	vadd.s32 v1, v9  }
.Ltmp0:
0x6f: {  	[tilespmem:v5+s9+$0x0] =	vst.idx.add.s32.msk $0xffff, v2;
	v3 =	vadd.s32 v1, v10;
	(pc) =	sbr.rel @p0 .LBB2_2-.Ltmp0, $4  }
0x70: {  	[tilespmem:v6+s9+$0x0] =	vst.idx.add.s32.msk $0xffff, v2  }
0x71: {  	[tilespmem:v7+s9+$0x0] =	vst.idx.add.s32.msk $0xffff, v2  }
0x72: {  	[tilespmem:v8+s9+$0x0] =	vst.idx.add.s32.msk $0xffff, v2  }
0x73: {  	[tilespmem:v4+s9+$0x0] =	vst.idx.add.s32.msk $0xffff, v2  }
0x74: {  	_ =	sdelay $0x3  }
0x75: {  	s12 =	sshra.s32 s12, $0x2;
	[tilespmem:v3+s9+$0x0] =	vst.idx.add.s32.msk $0xffff, v2  }
0x76: {  	v3 =	vld [tilespmem:s12+$0x0]  }
0x77: {  	v4 =	vld [tilespmem:s12+$0x10]  }
0x78: {  	v5 =	vld [tilespmem:s12+$0x20]  }
0x79: {  	v6 =	vld [tilespmem:s12+$0x30]  }
0x7a: {  	v7 =	vld [tilespmem:s12+$0x40]  }
0x7b: {  	v8 =	vld [tilespmem:s12+$0x50];
	v3 =	vadd.s32 v1, v3  }
0x7c: {  	v9 =	vld [tilespmem:s12+$0x60];
	v4 =	vadd.s32 v1, v4  }
0x7d: {  	v10 =	vld [tilespmem:s12+$0x70];
	v5 =	vadd.s32 v1, v5  }
0x7e: {  	v6 =	vadd.s32 v1, v6  }
0x7f: {  	v7 =	vadd.s32 v1, v7  }
0x80: {  	[tilespmem:v3+s9+$0x0] =	vst.idx.add.s32.msk $0xffff, v2;
	v3 =	vadd.s32 v1, v8  }
0x81: {  	[tilespmem:v4+s9+$0x0] =	vst.idx.add.s32.msk $0xffff, v2;
	v4 =	vadd.s32 v1, v9  }
0x82: {  	[tilespmem:v5+s9+$0x0] =	vst.idx.add.s32.msk $0xffff, v2;
	v5 =	vadd.s32 v1, v10  }
0x83: {  	[tilespmem:v6+s9+$0x0] =	vst.idx.add.s32.msk $0xffff, v2  }
0x84: {  	[tilespmem:v7+s9+$0x0] =	vst.idx.add.s32.msk $0xffff, v2  }
0x85: {  	[tilespmem:v3+s9+$0x0] =	vst.idx.add.s32.msk $0xffff, v2  }
0x86: {  	[tilespmem:v4+s9+$0x0] =	vst.idx.add.s32.msk $0xffff, v2  }
0x87: {  	[tilespmem:v5+s9+$0x0] =	vst.idx.add.s32.msk $0xffff, v2  }
0x88: {  	v3 =	vld [tilespmem:$0x2000]  }
0x89: {  	v4 =	vld [tilespmem:$0x2080]  }
0x8a: {  	v5 =	vld [tilespmem:$0x2100]  }
0x8b: {  	v6 =	vld [tilespmem:$0x2180];
	[tilespmem:$0x2000] =	vst v0  }
0x8c: {  	v19 =	vld [tilespmem:$0x2010];
	[tilespmem:$0x2010] =	vst v0  }
0x8d: {  	v35 =	vld [tilespmem:$0x2020];
	[tilespmem:$0x2020] =	vst v0  }
0x8e: {  	v61 =	vld [tilespmem:$0x2030];
	[tilespmem:$0x2030] =	vst v0  }
0x8f: {  	v7 =	vld [tilespmem:$0x2200];
	[tilespmem:$0x2080] =	vst v0  }
0x90: {  	v20 =	vld [tilespmem:$0x2090];
	[tilespmem:$0x2090] =	vst v0  }
0x91: {  	v36 =	vld [tilespmem:$0x20A0];
	[tilespmem:$0x20A0] =	vst v0  }
0x92: {  	v62 =	vld [tilespmem:$0x20B0];
	[tilespmem:$0x20B0] =	vst v0  }
0x93: {  	v52 =	vld [tilespmem:$0x2280];
	[tilespmem:$0x2100] =	vst v0  }
0x94: {  	v21 =	vld [tilespmem:$0x2110];
	[tilespmem:$0x2110] =	vst v0  }
0x95: {  	v37 =	vld [tilespmem:$0x2120];
	[tilespmem:$0x2120] =	vst v0  }
0x96: {  	v63 =	vld [tilespmem:$0x2130];
	[tilespmem:$0x2130] =	vst v0  }
0x97: {  	v53 =	vld [tilespmem:$0x2300];
	[tilespmem:$0x2180] =	vst v0  }
0x98: {  	v22 =	vld [tilespmem:$0x2190];
	[tilespmem:$0x2190] =	vst v0  }
0x99: {  	v38 =	vld [tilespmem:$0x21A0];
	[tilespmem:$0x21A0] =	vst v0  }
0x9a: {  	v42 =	vld [tilespmem:$0x21B0];
	[tilespmem:$0x21B0] =	vst v0  }
0x9b: {  	v54 =	vld [tilespmem:$0x2380];
	[tilespmem:$0x2200] =	vst v0  }
0x9c: {  	v23 =	vld [tilespmem:$0x2210];
	[tilespmem:$0x2210] =	vst v0  }
0x9d: {  	v39 =	vld [tilespmem:$0x2220];
	[tilespmem:$0x2220] =	vst v0  }
0x9e: {  	v44 =	vld [tilespmem:$0x2230];
	[tilespmem:$0x2230] =	vst v0  }
0x9f: {  	v11 =	vld [tilespmem:$0x2400];
	[tilespmem:$0x2280] =	vst v0  }
0xa0: {  	v24 =	vld [tilespmem:$0x2290];
	[tilespmem:$0x2290] =	vst v0  }
0xa1: {  	v40 =	vld [tilespmem:$0x22A0];
	[tilespmem:$0x22A0] =	vst v0  }
0xa2: {  	v46 =	vld [tilespmem:$0x22B0];
	[tilespmem:$0x22B0] =	vst v0  }
0xa3: {  	v12 =	vld [tilespmem:$0x2480];
	[tilespmem:$0x2300] =	vst v0  }
0xa4: {  	v25 =	vld [tilespmem:$0x2310];
	[tilespmem:$0x2310] =	vst v0  }
0xa5: {  	v41 =	vld [tilespmem:$0x2320];
	[tilespmem:$0x2320] =	vst v0  }
0xa6: {  	v47 =	vld [tilespmem:$0x2330];
	[tilespmem:$0x2330] =	vst v0  }
0xa7: {  	v13 =	vld [tilespmem:$0x2500];
	[tilespmem:$0x2380] =	vst v0  }
0xa8: {  	v26 =	vld [tilespmem:$0x2390];
	[tilespmem:$0x2390] =	vst v0  }
0xa9: {  	v48 =	vld [tilespmem:$0x23B0];
	[tilespmem:$0x23B0] =	vst v0  }
0xaa: {  	v14 =	vld [tilespmem:$0x2580];
	[tilespmem:$0x2400] =	vst v0  }
0xab: {  	v27 =	vld [tilespmem:$0x2410];
	[tilespmem:$0x2410] =	vst v0  }
0xac: {  	v49 =	vld [tilespmem:$0x2430];
	[tilespmem:$0x2430] =	vst v0  }
0xad: {  	v15 =	vld [tilespmem:$0x2600];
	[tilespmem:$0x2480] =	vst v0  }
0xae: {  	v28 =	vld [tilespmem:$0x2490];
	[tilespmem:$0x2490] =	vst v0  }
0xaf: {  	v55 =	vld [tilespmem:$0x24A0];
	[tilespmem:$0x24A0] =	vst v0  }
0xb0: {  	v50 =	vld [tilespmem:$0x24B0];
	[tilespmem:$0x24B0] =	vst v0  }
0xb1: {  	v16 =	vld [tilespmem:$0x2680];
	[tilespmem:$0x2500] =	vst v0;
	v3 =	vadd.s32 v3, v4  }
0xb2: {  	v29 =	vld [tilespmem:$0x2510];
	[tilespmem:$0x2510] =	vst v0;
	v3 =	vadd.s32 v5, v3  }
0xb3: {  	v56 =	vld [tilespmem:$0x2520];
	[tilespmem:$0x2520] =	vst v0;
	v3 =	vadd.s32 v6, v3  }
0xb4: {  	v51 =	vld [tilespmem:$0x2530];
	[tilespmem:$0x2530] =	vst v0;
	v3 =	vadd.s32 v7, v3  }
0xb5: {  	v17 =	vld [tilespmem:$0x2700];
	[tilespmem:$0x2580] =	vst v0;
	v3 =	vadd.s32 v52, v3  }
0xb6: {  	v30 =	vld [tilespmem:$0x2590];
	[tilespmem:$0x2590] =	vst v0;
	v3 =	vadd.s32 v53, v3  }
0xb7: {  	v57 =	vld [tilespmem:$0x25A0];
	[tilespmem:$0x25A0] =	vst v0;
	v3 =	vadd.s32 v54, v3  }
0xb8: {  	v18 =	vld [tilespmem:$0x2780];
	[tilespmem:$0x2600] =	vst v0;
	v3 =	vadd.s32 v11, v3  }
0xb9: {  	v31 =	vld [tilespmem:$0x2610];
	[tilespmem:$0x2610] =	vst v0;
	v3 =	vadd.s32 v12, v3  }
0xba: {  	v58 =	vld [tilespmem:$0x2620];
	[tilespmem:$0x2620] =	vst v0;
	v3 =	vadd.s32 v13, v3  }
0xbb: {  	[tilespmem:$0x2680] =	vst v0;
	v3 =	vadd.s32 v14, v3  }
0xbc: {  	v32 =	vld [tilespmem:$0x2690];
	[tilespmem:$0x2690] =	vst v0;
	v3 =	vadd.s32 v15, v3  }
0xbd: {  	v59 =	vld [tilespmem:$0x26A0];
	[tilespmem:$0x26A0] =	vst v0;
	v43 =	vadd.s32 v19, v20;
	v45 =	vadd.s32 v35, v36;
	v3 =	vadd.s32 v16, v3  }
0xbe: {  	v33 =	vld [tilespmem:$0x2710];
	[tilespmem:$0x2700] =	vst v0;
	v13 =	vadd.s32 v61, v62;
	v3 =	vadd.s32 v17, v3;
	v17 =	vadd.s32 v21, v43  }
0xbf: {  	[tilespmem:$0x2710] =	vst v0;
	v4 =	vld [tilespmem:$0x23A0];
	v3 =	vadd.s32 v18, v3;
	v17 =	vadd.s32 v22, v17;
	v18 =	vadd.s32 v37, v45  }
0xc0: {  	[tilespmem:$0x2780] =	vst v0;
	v5 =	vld [tilespmem:$0x2420];
	v13 =	vadd.s32 v63, v13;
	v17 =	vadd.s32 v23, v17;
	v18 =	vadd.s32 v38, v18  }
0xc1: {  	v34 =	vld [tilespmem:$0x2790];
	[tilespmem:$0x2790] =	vst v0;
	v13 =	vadd.s32 v42, v13;
	v17 =	vadd.s32 v24, v17;
	v18 =	vadd.s32 v39, v18  }
0xc2: {  	v60 =	vld [tilespmem:$0x27A0];
	[tilespmem:$0x27A0] =	vst v0;
	v13 =	vadd.s32 v44, v13;
	v17 =	vadd.s32 v25, v17;
	v18 =	vadd.s32 v40, v18  }
0xc3: {  	[tilespmem:$0x23A0] =	vst v0;
	v52 =	vld [tilespmem:$0x25B0];
	v13 =	vadd.s32 v46, v13;
	v17 =	vadd.s32 v26, v17;
	v18 =	vadd.s32 v41, v18  }
0xc4: {  	[tilespmem:$0x2420] =	vst v0;
	v53 =	vld [tilespmem:$0x2630];
	v13 =	vadd.s32 v47, v13;
	v17 =	vadd.s32 v27, v17;
	v4 =	vadd.s32 v4, v18  }
0xc5: {  	[tilespmem:$0x25B0] =	vst v0;
	v11 =	vld [tilespmem:$0x2720];
	v17 =	vadd.s32 v28, v17;
	v4 =	vadd.s32 v5, v4;
	v5 =	vadd.s32 v48, v13  }
0xc6: {  	[tilespmem:$0x2630] =	vst v0;
	v54 =	vadd.s32 v29, v17;
	v4 =	vadd.s32 v55, v4;
	v5 =	vadd.s32 v49, v5;
	v55 =	vld [tilespmem:$0x26B0]  }
0xc7: {  	[tilespmem:$0x2720] =	vst v0;
	v15 =	vadd.s32 v30, v54;
	v4 =	vadd.s32 v56, v4;
	v5 =	vadd.s32 v50, v5;
	v56 =	vld [tilespmem:$0x2730]  }
0xc8: {  	[tilespmem:$0x2800] =	vst v3;
	v15 =	vadd.s32 v31, v15;
	v4 =	vadd.s32 v57, v4;
	v5 =	vadd.s32 v51, v5;
	v57 =	vld [tilespmem:$0x27B0]  }
0xc9: {  	[tilespmem:$0x26B0] =	vst v0;
	v15 =	vadd.s32 v32, v15;
	v4 =	vadd.s32 v58, v4;
	v5 =	vadd.s32 v52, v5  }
0xca: {  	[tilespmem:$0x2730] =	vst v0;
	v58 =	vadd.s32 v33, v15;
	v4 =	vadd.s32 v59, v4;
	v5 =	vadd.s32 v53, v5;
	v59 =	vld [tilespmem:$0x1E70]  }
0xcb: {  	[tilespmem:$0x27B0] =	vst v0;
	v3 =	vadd.s32 v34, v58;
	v4 =	vadd.s32 v11, v4;
	v5 =	vadd.s32 v55, v5  }
0xcc: {  	[tilespmem:$0x2810] =	vst v3;
	v3 =	vadd.s32 v60, v4;
	v4 =	vadd.s32 v56, v5  }
0xcd: {  	[tilespmem:$0x2820] =	vst v3;
	v3 =	vadd.s32 v57, v4  }
0xce: {  	[tilespmem:$0x2830] =	vst v3  }
0xcf: {  	s31 =	simm.s32 $0x0;
	[tilespmem:$0x2840] =	vst v59  }
0xd0: {  	v3 =	vld [tilespmem:s31+$0x80]  }
0xd1: {  	v4 =	vld [tilespmem:s31+$0x90]  }
0xd2: {  	v5 =	vld [tilespmem:s31+$0xA0]  }
0xd3: {  	v60 =	vld [tilespmem:s31+$0xB0]  }
0xd4: {  	v61 =	vld [tilespmem:s31+$0xC0]  }
0xd5: {  	v62 =	vld [tilespmem:s31+$0xD0];
	v3 =	vadd.s32 v1, v3  }
0xd6: {  	v4 =	vadd.s32 v1, v4  }
0xd7: {  	v5 =	vadd.s32 v1, v5  }
0xd8: {  	v63 =	vld [tilespmem:s31+$0xE0];
	v6 =	vadd.s32 v1, v60  }
0xd9: {  	v10 =	vld [tilespmem:s31+$0xF0];
	v7 =	vadd.s32 v1, v61  }
0xda: {  	[tilespmem:v3+s9+$0x0] =	vst.idx.add.s32.msk $0xffff, v2;
	v3 =	vadd.s32 v1, v62  }
0xdb: {  	[tilespmem:v4+s9+$0x0] =	vst.idx.add.s32.msk $0xffff, v2  }
0xdc: {  	[tilespmem:v5+s9+$0x0] =	vst.idx.add.s32.msk $0xffff, v2  }
0xdd: {  	v4 =	vadd.s32 v1, v63;
	[tilespmem:v6+s9+$0x0] =	vst.idx.add.s32.msk $0xffff, v2  }
0xde: {  	[tilespmem:v7+s9+$0x0] =	vst.idx.add.s32.msk $0xffff, v2  }
0xdf: {  	[tilespmem:v3+s9+$0x0] =	vst.idx.add.s32.msk $0xffff, v2;
	v3 =	vadd.s32 v1, v10;
	_ =	sdelay $0x2  }
0xe0: {  	s13 =	simm.s32 $0x1000;
	s12 =	simm.s32 $0x800;
	[tilespmem:v4+s9+$0x0] =	vst.idx.add.s32.msk $0xffff, v2  }
.LBB2_4:
0xe1: {  	p0 =	sne.s32 s13, $0x7800  }
0xe2: {  	s14 =	sshra.s32 s12, $0x2;
	[tilespmem:v3+s9+$0x0] =	vst.idx.add.s32.msk $0xffff, v2;
	s12 =	smov.u32 s13;
	s13 =	sadd.s32 $0x800, s13  }
0xe3: {  	v3 =	vld [tilespmem:s14+$0x80]  }
0xe4: {  	v4 =	vld [tilespmem:s14+$0x90]  }
0xe5: {  	v5 =	vld [tilespmem:s14+$0xA0]  }
0xe6: {  	v6 =	vld [tilespmem:s14+$0xB0]  }
0xe7: {  	v7 =	vld [tilespmem:s14+$0xC0]  }
0xe8: {  	v8 =	vld [tilespmem:s14+$0xD0];
	v3 =	vadd.s32 v1, v3  }
0xe9: {  	v9 =	vld [tilespmem:s14+$0xE0];
	v4 =	vadd.s32 v1, v4  }
0xea: {  	v10 =	vld [tilespmem:s14+$0xF0];
	v5 =	vadd.s32 v1, v5  }
0xeb: {  	v6 =	vadd.s32 v1, v6  }
0xec: {  	v7 =	vadd.s32 v1, v7  }
0xed: {  	[tilespmem:v3+s9+$0x0] =	vst.idx.add.s32.msk $0xffff, v2;
	v8 =	vadd.s32 v1, v8  }
0xee: {  	[tilespmem:v4+s9+$0x0] =	vst.idx.add.s32.msk $0xffff, v2;
	v4 =	vadd.s32 v1, v9  }
.Ltmp1:
0xef: {  	[tilespmem:v5+s9+$0x0] =	vst.idx.add.s32.msk $0xffff, v2;
	v3 =	vadd.s32 v1, v10;
	(pc) =	sbr.rel @p0 .LBB2_4-.Ltmp1, $4  }
0xf0: {  	[tilespmem:v6+s9+$0x0] =	vst.idx.add.s32.msk $0xffff, v2  }
0xf1: {  	[tilespmem:v7+s9+$0x0] =	vst.idx.add.s32.msk $0xffff, v2  }
0xf2: {  	[tilespmem:v8+s9+$0x0] =	vst.idx.add.s32.msk $0xffff, v2  }
0xf3: {  	[tilespmem:v4+s9+$0x0] =	vst.idx.add.s32.msk $0xffff, v2  }
0xf4: {  	_ =	sdelay $0x3  }
0xf5: {  	s12 =	sshra.s32 s12, $0x2;
	[tilespmem:v3+s9+$0x0] =	vst.idx.add.s32.msk $0xffff, v2  }
0xf6: {  	v3 =	vld [tilespmem:s12+$0x80]  }
0xf7: {  	v4 =	vld [tilespmem:s12+$0x90]  }
0xf8: {  	v5 =	vld [tilespmem:s12+$0xA0]  }
0xf9: {  	v6 =	vld [tilespmem:s12+$0xB0]  }
0xfa: {  	v7 =	vld [tilespmem:s12+$0xC0]  }
0xfb: {  	v8 =	vld [tilespmem:s12+$0xD0];
	v3 =	vadd.s32 v1, v3  }
0xfc: {  	v9 =	vld [tilespmem:s12+$0xE0];
	v4 =	vadd.s32 v1, v4  }
0xfd: {  	v10 =	vld [tilespmem:s12+$0xF0];
	v5 =	vadd.s32 v1, v5  }
0xfe: {  	v6 =	vadd.s32 v1, v6  }
0xff: {  	v7 =	vadd.s32 v1, v7  }
0x100: {  	[tilespmem:v3+s9+$0x0] =	vst.idx.add.s32.msk $0xffff, v2;
	v3 =	vadd.s32 v1, v8  }
0x101: {  	[tilespmem:v4+s9+$0x0] =	vst.idx.add.s32.msk $0xffff, v2;
	v4 =	vadd.s32 v1, v9  }
0x102: {  	[tilespmem:v5+s9+$0x0] =	vst.idx.add.s32.msk $0xffff, v2;
	v5 =	vadd.s32 v1, v10  }
0x103: {  	[tilespmem:v6+s9+$0x0] =	vst.idx.add.s32.msk $0xffff, v2  }
0x104: {  	[tilespmem:v7+s9+$0x0] =	vst.idx.add.s32.msk $0xffff, v2  }
0x105: {  	[tilespmem:v3+s9+$0x0] =	vst.idx.add.s32.msk $0xffff, v2  }
0x106: {  	[tilespmem:v4+s9+$0x0] =	vst.idx.add.s32.msk $0xffff, v2  }
0x107: {  	[tilespmem:v5+s9+$0x0] =	vst.idx.add.s32.msk $0xffff, v2  }
0x108: {  	v3 =	vld [tilespmem:$0x2000]  }
0x109: {  	v4 =	vld [tilespmem:$0x2080]  }
0x10a: {  	v5 =	vld [tilespmem:$0x2100]  }
0x10b: {  	v6 =	vld [tilespmem:$0x2180];
	[tilespmem:$0x2000] =	vst v0  }
0x10c: {  	v19 =	vld [tilespmem:$0x2010];
	[tilespmem:$0x2010] =	vst v0  }
0x10d: {  	v35 =	vld [tilespmem:$0x2020];
	[tilespmem:$0x2020] =	vst v0  }
0x10e: {  	v61 =	vld [tilespmem:$0x2030];
	[tilespmem:$0x2030] =	vst v0  }
0x10f: {  	v7 =	vld [tilespmem:$0x2200];
	[tilespmem:$0x2080] =	vst v0  }
0x110: {  	v20 =	vld [tilespmem:$0x2090];
	[tilespmem:$0x2090] =	vst v0  }
0x111: {  	v36 =	vld [tilespmem:$0x20A0];
	[tilespmem:$0x20A0] =	vst v0  }
0x112: {  	v62 =	vld [tilespmem:$0x20B0];
	[tilespmem:$0x20B0] =	vst v0  }
0x113: {  	v52 =	vld [tilespmem:$0x2280];
	[tilespmem:$0x2100] =	vst v0  }
0x114: {  	v21 =	vld [tilespmem:$0x2110];
	[tilespmem:$0x2110] =	vst v0  }
0x115: {  	v37 =	vld [tilespmem:$0x2120];
	[tilespmem:$0x2120] =	vst v0  }
0x116: {  	v63 =	vld [tilespmem:$0x2130];
	[tilespmem:$0x2130] =	vst v0  }
0x117: {  	v53 =	vld [tilespmem:$0x2300];
	[tilespmem:$0x2180] =	vst v0  }
0x118: {  	v22 =	vld [tilespmem:$0x2190];
	[tilespmem:$0x2190] =	vst v0  }
0x119: {  	v38 =	vld [tilespmem:$0x21A0];
	[tilespmem:$0x21A0] =	vst v0  }
0x11a: {  	v42 =	vld [tilespmem:$0x21B0];
	[tilespmem:$0x21B0] =	vst v0  }
0x11b: {  	v54 =	vld [tilespmem:$0x2380];
	[tilespmem:$0x2200] =	vst v0  }
0x11c: {  	v23 =	vld [tilespmem:$0x2210];
	[tilespmem:$0x2210] =	vst v0  }
0x11d: {  	v39 =	vld [tilespmem:$0x2220];
	[tilespmem:$0x2220] =	vst v0  }
0x11e: {  	v44 =	vld [tilespmem:$0x2230];
	[tilespmem:$0x2230] =	vst v0  }
0x11f: {  	v11 =	vld [tilespmem:$0x2400];
	[tilespmem:$0x2280] =	vst v0  }
0x120: {  	v24 =	vld [tilespmem:$0x2290];
	[tilespmem:$0x2290] =	vst v0  }
0x121: {  	v40 =	vld [tilespmem:$0x22A0];
	[tilespmem:$0x22A0] =	vst v0  }
0x122: {  	v46 =	vld [tilespmem:$0x22B0];
	[tilespmem:$0x22B0] =	vst v0  }
0x123: {  	v12 =	vld [tilespmem:$0x2480];
	[tilespmem:$0x2300] =	vst v0  }
0x124: {  	v25 =	vld [tilespmem:$0x2310];
	[tilespmem:$0x2310] =	vst v0  }
0x125: {  	v41 =	vld [tilespmem:$0x2320];
	[tilespmem:$0x2320] =	vst v0  }
0x126: {  	v47 =	vld [tilespmem:$0x2330];
	[tilespmem:$0x2330] =	vst v0  }
0x127: {  	v13 =	vld [tilespmem:$0x2500];
	[tilespmem:$0x2380] =	vst v0  }
0x128: {  	v26 =	vld [tilespmem:$0x2390];
	[tilespmem:$0x2390] =	vst v0  }
0x129: {  	v48 =	vld [tilespmem:$0x23B0];
	[tilespmem:$0x23B0] =	vst v0  }
0x12a: {  	v14 =	vld [tilespmem:$0x2580];
	[tilespmem:$0x2400] =	vst v0  }
0x12b: {  	v27 =	vld [tilespmem:$0x2410];
	[tilespmem:$0x2410] =	vst v0  }
0x12c: {  	v49 =	vld [tilespmem:$0x2430];
	[tilespmem:$0x2430] =	vst v0  }
0x12d: {  	v15 =	vld [tilespmem:$0x2600];
	[tilespmem:$0x2480] =	vst v0  }
0x12e: {  	v28 =	vld [tilespmem:$0x2490];
	[tilespmem:$0x2490] =	vst v0  }
0x12f: {  	v55 =	vld [tilespmem:$0x24A0];
	[tilespmem:$0x24A0] =	vst v0  }
0x130: {  	v50 =	vld [tilespmem:$0x24B0];
	[tilespmem:$0x24B0] =	vst v0  }
0x131: {  	v16 =	vld [tilespmem:$0x2680];
	[tilespmem:$0x2500] =	vst v0;
	v3 =	vadd.s32 v3, v4  }
0x132: {  	v29 =	vld [tilespmem:$0x2510];
	[tilespmem:$0x2510] =	vst v0;
	v3 =	vadd.s32 v5, v3  }
0x133: {  	v56 =	vld [tilespmem:$0x2520];
	[tilespmem:$0x2520] =	vst v0;
	v3 =	vadd.s32 v6, v3  }
0x134: {  	v51 =	vld [tilespmem:$0x2530];
	[tilespmem:$0x2530] =	vst v0;
	v3 =	vadd.s32 v7, v3  }
0x135: {  	v17 =	vld [tilespmem:$0x2700];
	[tilespmem:$0x2580] =	vst v0;
	v3 =	vadd.s32 v52, v3  }
0x136: {  	v30 =	vld [tilespmem:$0x2590];
	[tilespmem:$0x2590] =	vst v0;
	v3 =	vadd.s32 v53, v3  }
0x137: {  	v57 =	vld [tilespmem:$0x25A0];
	[tilespmem:$0x25A0] =	vst v0;
	v3 =	vadd.s32 v54, v3  }
0x138: {  	v18 =	vld [tilespmem:$0x2780];
	[tilespmem:$0x2600] =	vst v0;
	v3 =	vadd.s32 v11, v3  }
0x139: {  	v31 =	vld [tilespmem:$0x2610];
	[tilespmem:$0x2610] =	vst v0;
	v3 =	vadd.s32 v12, v3  }
0x13a: {  	v58 =	vld [tilespmem:$0x2620];
	[tilespmem:$0x2620] =	vst v0;
	v3 =	vadd.s32 v13, v3  }
0x13b: {  	[tilespmem:$0x2680] =	vst v0;
	v3 =	vadd.s32 v14, v3  }
0x13c: {  	v32 =	vld [tilespmem:$0x2690];
	[tilespmem:$0x2690] =	vst v0;
	v3 =	vadd.s32 v15, v3  }
0x13d: {  	v59 =	vld [tilespmem:$0x26A0];
	[tilespmem:$0x26A0] =	vst v0;
	v43 =	vadd.s32 v19, v20;
	v45 =	vadd.s32 v35, v36;
	v3 =	vadd.s32 v16, v3  }
0x13e: {  	v33 =	vld [tilespmem:$0x2710];
	[tilespmem:$0x2700] =	vst v0;
	v13 =	vadd.s32 v61, v62;
	v3 =	vadd.s32 v17, v3;
	v17 =	vadd.s32 v21, v43  }
0x13f: {  	[tilespmem:$0x2710] =	vst v0;
	v4 =	vld [tilespmem:$0x23A0];
	v3 =	vadd.s32 v18, v3;
	v17 =	vadd.s32 v22, v17;
	v18 =	vadd.s32 v37, v45  }
0x140: {  	[tilespmem:$0x2780] =	vst v0;
	v5 =	vld [tilespmem:$0x2420];
	v13 =	vadd.s32 v63, v13;
	v17 =	vadd.s32 v23, v17;
	v18 =	vadd.s32 v38, v18  }
0x141: {  	v34 =	vld [tilespmem:$0x2790];
	[tilespmem:$0x2790] =	vst v0;
	v13 =	vadd.s32 v42, v13;
	v17 =	vadd.s32 v24, v17;
	v18 =	vadd.s32 v39, v18  }
0x142: {  	v60 =	vld [tilespmem:$0x27A0];
	[tilespmem:$0x27A0] =	vst v0;
	v13 =	vadd.s32 v44, v13;
	v17 =	vadd.s32 v25, v17;
	v18 =	vadd.s32 v40, v18  }
0x143: {  	[tilespmem:$0x23A0] =	vst v0;
	v52 =	vld [tilespmem:$0x25B0];
	v13 =	vadd.s32 v46, v13;
	v17 =	vadd.s32 v26, v17;
	v18 =	vadd.s32 v41, v18  }
0x144: {  	[tilespmem:$0x2420] =	vst v0;
	v53 =	vld [tilespmem:$0x2630];
	v13 =	vadd.s32 v47, v13;
	v17 =	vadd.s32 v27, v17;
	v4 =	vadd.s32 v4, v18  }
0x145: {  	[tilespmem:$0x25B0] =	vst v0;
	v11 =	vld [tilespmem:$0x2720];
	v17 =	vadd.s32 v28, v17;
	v4 =	vadd.s32 v5, v4;
	v5 =	vadd.s32 v48, v13  }
0x146: {  	[tilespmem:$0x2630] =	vst v0;
	v54 =	vadd.s32 v29, v17;
	v4 =	vadd.s32 v55, v4;
	v5 =	vadd.s32 v49, v5;
	v55 =	vld [tilespmem:$0x26B0]  }
0x147: {  	[tilespmem:$0x2720] =	vst v0;
	v15 =	vadd.s32 v30, v54;
	v4 =	vadd.s32 v56, v4;
	v5 =	vadd.s32 v50, v5;
	v56 =	vld [tilespmem:$0x2730]  }
0x148: {  	[tilespmem:$0x2880] =	vst v3;
	v15 =	vadd.s32 v31, v15;
	v4 =	vadd.s32 v57, v4;
	v5 =	vadd.s32 v51, v5;
	v57 =	vld [tilespmem:$0x27B0]  }
0x149: {  	[tilespmem:$0x26B0] =	vst v0;
	v15 =	vadd.s32 v32, v15;
	v4 =	vadd.s32 v58, v4;
	v5 =	vadd.s32 v52, v5  }
0x14a: {  	[tilespmem:$0x2730] =	vst v0;
	v58 =	vadd.s32 v33, v15;
	v4 =	vadd.s32 v59, v4;
	v5 =	vadd.s32 v53, v5;
	v59 =	vld [tilespmem:$0x1EF0]  }
0x14b: {  	[tilespmem:$0x27B0] =	vst v0;
	v3 =	vadd.s32 v34, v58;
	v4 =	vadd.s32 v11, v4;
	v5 =	vadd.s32 v55, v5  }
0x14c: {  	[tilespmem:$0x2890] =	vst v3;
	v3 =	vadd.s32 v60, v4;
	v4 =	vadd.s32 v56, v5  }
0x14d: {  	[tilespmem:$0x28A0] =	vst v3;
	v3 =	vadd.s32 v57, v4  }
0x14e: {  	[tilespmem:$0x28B0] =	vst v3  }
0x14f: {  	s31 =	simm.s32 $0x0;
	[tilespmem:$0x28C0] =	vst v59  }
0x150: {  	v3 =	vld [tilespmem:s31+$0x100]  }
0x151: {  	v4 =	vld [tilespmem:s31+$0x110]  }
0x152: {  	v5 =	vld [tilespmem:s31+$0x120]  }
0x153: {  	v60 =	vld [tilespmem:s31+$0x130]  }
0x154: {  	v61 =	vld [tilespmem:s31+$0x140]  }
0x155: {  	v62 =	vld [tilespmem:s31+$0x150];
	v3 =	vadd.s32 v1, v3  }
0x156: {  	v4 =	vadd.s32 v1, v4  }
0x157: {  	v5 =	vadd.s32 v1, v5  }
0x158: {  	v63 =	vld [tilespmem:s31+$0x160];
	v6 =	vadd.s32 v1, v60  }
0x159: {  	v10 =	vld [tilespmem:s31+$0x170];
	v7 =	vadd.s32 v1, v61  }
0x15a: {  	[tilespmem:v3+s9+$0x0] =	vst.idx.add.s32.msk $0xffff, v2;
	v3 =	vadd.s32 v1, v62  }
0x15b: {  	[tilespmem:v4+s9+$0x0] =	vst.idx.add.s32.msk $0xffff, v2  }
0x15c: {  	[tilespmem:v5+s9+$0x0] =	vst.idx.add.s32.msk $0xffff, v2  }
0x15d: {  	v4 =	vadd.s32 v1, v63;
	[tilespmem:v6+s9+$0x0] =	vst.idx.add.s32.msk $0xffff, v2  }
0x15e: {  	[tilespmem:v7+s9+$0x0] =	vst.idx.add.s32.msk $0xffff, v2  }
0x15f: {  	[tilespmem:v3+s9+$0x0] =	vst.idx.add.s32.msk $0xffff, v2;
	v3 =	vadd.s32 v1, v10;
	_ =	sdelay $0x2  }
0x160: {  	s13 =	simm.s32 $0x1000;
	s12 =	simm.s32 $0x800;
	[tilespmem:v4+s9+$0x0] =	vst.idx.add.s32.msk $0xffff, v2  }
.LBB2_6:
0x161: {  	p0 =	sne.s32 s13, $0x7800  }
0x162: {  	s14 =	sshra.s32 s12, $0x2;
	[tilespmem:v3+s9+$0x0] =	vst.idx.add.s32.msk $0xffff, v2;
	s12 =	smov.u32 s13;
	s13 =	sadd.s32 $0x800, s13  }
0x163: {  	v3 =	vld [tilespmem:s14+$0x100]  }
0x164: {  	v4 =	vld [tilespmem:s14+$0x110]  }
0x165: {  	v5 =	vld [tilespmem:s14+$0x120]  }
0x166: {  	v6 =	vld [tilespmem:s14+$0x130]  }
0x167: {  	v7 =	vld [tilespmem:s14+$0x140]  }
0x168: {  	v8 =	vld [tilespmem:s14+$0x150];
	v3 =	vadd.s32 v1, v3  }
0x169: {  	v9 =	vld [tilespmem:s14+$0x160];
	v4 =	vadd.s32 v1, v4  }
0x16a: {  	v10 =	vld [tilespmem:s14+$0x170];
	v5 =	vadd.s32 v1, v5  }
0x16b: {  	v6 =	vadd.s32 v1, v6  }
0x16c: {  	v7 =	vadd.s32 v1, v7  }
0x16d: {  	[tilespmem:v3+s9+$0x0] =	vst.idx.add.s32.msk $0xffff, v2;
	v8 =	vadd.s32 v1, v8  }
0x16e: {  	[tilespmem:v4+s9+$0x0] =	vst.idx.add.s32.msk $0xffff, v2;
	v4 =	vadd.s32 v1, v9  }
.Ltmp2:
0x16f: {  	[tilespmem:v5+s9+$0x0] =	vst.idx.add.s32.msk $0xffff, v2;
	v3 =	vadd.s32 v1, v10;
	(pc) =	sbr.rel @p0 .LBB2_6-.Ltmp2, $4  }
0x170: {  	[tilespmem:v6+s9+$0x0] =	vst.idx.add.s32.msk $0xffff, v2  }
0x171: {  	[tilespmem:v7+s9+$0x0] =	vst.idx.add.s32.msk $0xffff, v2  }
0x172: {  	[tilespmem:v8+s9+$0x0] =	vst.idx.add.s32.msk $0xffff, v2  }
0x173: {  	[tilespmem:v4+s9+$0x0] =	vst.idx.add.s32.msk $0xffff, v2  }
0x174: {  	_ =	sdelay $0x3  }
0x175: {  	s12 =	sshra.s32 s12, $0x2;
	[tilespmem:v3+s9+$0x0] =	vst.idx.add.s32.msk $0xffff, v2  }
0x176: {  	v3 =	vld [tilespmem:s12+$0x100]  }
0x177: {  	v4 =	vld [tilespmem:s12+$0x110]  }
0x178: {  	v5 =	vld [tilespmem:s12+$0x120]  }
0x179: {  	v6 =	vld [tilespmem:s12+$0x130]  }
0x17a: {  	v7 =	vld [tilespmem:s12+$0x140]  }
0x17b: {  	v8 =	vld [tilespmem:s12+$0x150];
	v3 =	vadd.s32 v1, v3  }
0x17c: {  	v9 =	vld [tilespmem:s12+$0x160];
	v4 =	vadd.s32 v1, v4  }
0x17d: {  	v10 =	vld [tilespmem:s12+$0x170];
	v5 =	vadd.s32 v1, v5  }
0x17e: {  	v6 =	vadd.s32 v1, v6  }
0x17f: {  	v7 =	vadd.s32 v1, v7  }
0x180: {  	[tilespmem:v3+s9+$0x0] =	vst.idx.add.s32.msk $0xffff, v2;
	v3 =	vadd.s32 v1, v8  }
0x181: {  	[tilespmem:v4+s9+$0x0] =	vst.idx.add.s32.msk $0xffff, v2;
	v4 =	vadd.s32 v1, v9  }
0x182: {  	[tilespmem:v5+s9+$0x0] =	vst.idx.add.s32.msk $0xffff, v2;
	v5 =	vadd.s32 v1, v10  }
0x183: {  	[tilespmem:v6+s9+$0x0] =	vst.idx.add.s32.msk $0xffff, v2  }
0x184: {  	[tilespmem:v7+s9+$0x0] =	vst.idx.add.s32.msk $0xffff, v2  }
0x185: {  	[tilespmem:v3+s9+$0x0] =	vst.idx.add.s32.msk $0xffff, v2  }
0x186: {  	[tilespmem:v4+s9+$0x0] =	vst.idx.add.s32.msk $0xffff, v2  }
0x187: {  	[tilespmem:v5+s9+$0x0] =	vst.idx.add.s32.msk $0xffff, v2  }
0x188: {  	v3 =	vld [tilespmem:$0x2000]  }
0x189: {  	v4 =	vld [tilespmem:$0x2080]  }
0x18a: {  	v5 =	vld [tilespmem:$0x2100]  }
0x18b: {  	v6 =	vld [tilespmem:$0x2180];
	[tilespmem:$0x2000] =	vst v0  }
0x18c: {  	v19 =	vld [tilespmem:$0x2010];
	[tilespmem:$0x2010] =	vst v0  }
0x18d: {  	v35 =	vld [tilespmem:$0x2020];
	[tilespmem:$0x2020] =	vst v0  }
0x18e: {  	v61 =	vld [tilespmem:$0x2030];
	[tilespmem:$0x2030] =	vst v0  }
0x18f: {  	v7 =	vld [tilespmem:$0x2200];
	[tilespmem:$0x2080] =	vst v0  }
0x190: {  	v20 =	vld [tilespmem:$0x2090];
	[tilespmem:$0x2090] =	vst v0  }
0x191: {  	v36 =	vld [tilespmem:$0x20A0];
	[tilespmem:$0x20A0] =	vst v0  }
0x192: {  	v62 =	vld [tilespmem:$0x20B0];
	[tilespmem:$0x20B0] =	vst v0  }
0x193: {  	v52 =	vld [tilespmem:$0x2280];
	[tilespmem:$0x2100] =	vst v0  }
0x194: {  	v21 =	vld [tilespmem:$0x2110];
	[tilespmem:$0x2110] =	vst v0  }
0x195: {  	v37 =	vld [tilespmem:$0x2120];
	[tilespmem:$0x2120] =	vst v0  }
0x196: {  	v63 =	vld [tilespmem:$0x2130];
	[tilespmem:$0x2130] =	vst v0  }
0x197: {  	v53 =	vld [tilespmem:$0x2300];
	[tilespmem:$0x2180] =	vst v0  }
0x198: {  	v22 =	vld [tilespmem:$0x2190];
	[tilespmem:$0x2190] =	vst v0  }
0x199: {  	v38 =	vld [tilespmem:$0x21A0];
	[tilespmem:$0x21A0] =	vst v0  }
0x19a: {  	v42 =	vld [tilespmem:$0x21B0];
	[tilespmem:$0x21B0] =	vst v0  }
0x19b: {  	v54 =	vld [tilespmem:$0x2380];
	[tilespmem:$0x2200] =	vst v0  }
0x19c: {  	v23 =	vld [tilespmem:$0x2210];
	[tilespmem:$0x2210] =	vst v0  }
0x19d: {  	v39 =	vld [tilespmem:$0x2220];
	[tilespmem:$0x2220] =	vst v0  }
0x19e: {  	v44 =	vld [tilespmem:$0x2230];
	[tilespmem:$0x2230] =	vst v0  }
0x19f: {  	v11 =	vld [tilespmem:$0x2400];
	[tilespmem:$0x2280] =	vst v0  }
0x1a0: {  	v24 =	vld [tilespmem:$0x2290];
	[tilespmem:$0x2290] =	vst v0  }
0x1a1: {  	v40 =	vld [tilespmem:$0x22A0];
	[tilespmem:$0x22A0] =	vst v0  }
0x1a2: {  	v46 =	vld [tilespmem:$0x22B0];
	[tilespmem:$0x22B0] =	vst v0  }
0x1a3: {  	v12 =	vld [tilespmem:$0x2480];
	[tilespmem:$0x2300] =	vst v0  }
0x1a4: {  	v25 =	vld [tilespmem:$0x2310];
	[tilespmem:$0x2310] =	vst v0  }
0x1a5: {  	v41 =	vld [tilespmem:$0x2320];
	[tilespmem:$0x2320] =	vst v0  }
0x1a6: {  	v47 =	vld [tilespmem:$0x2330];
	[tilespmem:$0x2330] =	vst v0  }
0x1a7: {  	v13 =	vld [tilespmem:$0x2500];
	[tilespmem:$0x2380] =	vst v0  }
0x1a8: {  	v26 =	vld [tilespmem:$0x2390];
	[tilespmem:$0x2390] =	vst v0  }
0x1a9: {  	v48 =	vld [tilespmem:$0x23B0];
	[tilespmem:$0x23B0] =	vst v0  }
0x1aa: {  	v14 =	vld [tilespmem:$0x2580];
	[tilespmem:$0x2400] =	vst v0  }
0x1ab: {  	v27 =	vld [tilespmem:$0x2410];
	[tilespmem:$0x2410] =	vst v0  }
0x1ac: {  	v49 =	vld [tilespmem:$0x2430];
	[tilespmem:$0x2430] =	vst v0  }
0x1ad: {  	v15 =	vld [tilespmem:$0x2600];
	[tilespmem:$0x2480] =	vst v0  }
0x1ae: {  	v28 =	vld [tilespmem:$0x2490];
	[tilespmem:$0x2490] =	vst v0  }
0x1af: {  	v55 =	vld [tilespmem:$0x24A0];
	[tilespmem:$0x24A0] =	vst v0  }
0x1b0: {  	v50 =	vld [tilespmem:$0x24B0];
	[tilespmem:$0x24B0] =	vst v0  }
0x1b1: {  	v16 =	vld [tilespmem:$0x2680];
	[tilespmem:$0x2500] =	vst v0;
	v3 =	vadd.s32 v3, v4  }
0x1b2: {  	v29 =	vld [tilespmem:$0x2510];
	[tilespmem:$0x2510] =	vst v0;
	v3 =	vadd.s32 v5, v3  }
0x1b3: {  	v56 =	vld [tilespmem:$0x2520];
	[tilespmem:$0x2520] =	vst v0;
	v3 =	vadd.s32 v6, v3  }
0x1b4: {  	v51 =	vld [tilespmem:$0x2530];
	[tilespmem:$0x2530] =	vst v0;
	v3 =	vadd.s32 v7, v3  }
0x1b5: {  	v17 =	vld [tilespmem:$0x2700];
	[tilespmem:$0x2580] =	vst v0;
	v3 =	vadd.s32 v52, v3  }
0x1b6: {  	v30 =	vld [tilespmem:$0x2590];
	[tilespmem:$0x2590] =	vst v0;
	v3 =	vadd.s32 v53, v3  }
0x1b7: {  	v57 =	vld [tilespmem:$0x25A0];
	[tilespmem:$0x25A0] =	vst v0;
	v3 =	vadd.s32 v54, v3  }
0x1b8: {  	v18 =	vld [tilespmem:$0x2780];
	[tilespmem:$0x2600] =	vst v0;
	v3 =	vadd.s32 v11, v3  }
0x1b9: {  	v31 =	vld [tilespmem:$0x2610];
	[tilespmem:$0x2610] =	vst v0;
	v3 =	vadd.s32 v12, v3  }
0x1ba: {  	v58 =	vld [tilespmem:$0x2620];
	[tilespmem:$0x2620] =	vst v0;
	v3 =	vadd.s32 v13, v3  }
0x1bb: {  	[tilespmem:$0x2680] =	vst v0;
	v3 =	vadd.s32 v14, v3  }
0x1bc: {  	v32 =	vld [tilespmem:$0x2690];
	[tilespmem:$0x2690] =	vst v0;
	v3 =	vadd.s32 v15, v3  }
0x1bd: {  	v59 =	vld [tilespmem:$0x26A0];
	[tilespmem:$0x26A0] =	vst v0;
	v43 =	vadd.s32 v19, v20;
	v45 =	vadd.s32 v35, v36;
	v3 =	vadd.s32 v16, v3  }
0x1be: {  	v33 =	vld [tilespmem:$0x2710];
	[tilespmem:$0x2700] =	vst v0;
	v13 =	vadd.s32 v61, v62;
	v3 =	vadd.s32 v17, v3;
	v17 =	vadd.s32 v21, v43  }
0x1bf: {  	[tilespmem:$0x2710] =	vst v0;
	v4 =	vld [tilespmem:$0x23A0];
	v3 =	vadd.s32 v18, v3;
	v17 =	vadd.s32 v22, v17;
	v18 =	vadd.s32 v37, v45  }
0x1c0: {  	[tilespmem:$0x2780] =	vst v0;
	v5 =	vld [tilespmem:$0x2420];
	v13 =	vadd.s32 v63, v13;
	v17 =	vadd.s32 v23, v17;
	v18 =	vadd.s32 v38, v18  }
0x1c1: {  	v34 =	vld [tilespmem:$0x2790];
	[tilespmem:$0x2790] =	vst v0;
	v13 =	vadd.s32 v42, v13;
	v17 =	vadd.s32 v24, v17;
	v18 =	vadd.s32 v39, v18  }
0x1c2: {  	v60 =	vld [tilespmem:$0x27A0];
	[tilespmem:$0x27A0] =	vst v0;
	v13 =	vadd.s32 v44, v13;
	v17 =	vadd.s32 v25, v17;
	v18 =	vadd.s32 v40, v18  }
0x1c3: {  	[tilespmem:$0x23A0] =	vst v0;
	v52 =	vld [tilespmem:$0x25B0];
	v13 =	vadd.s32 v46, v13;
	v17 =	vadd.s32 v26, v17;
	v18 =	vadd.s32 v41, v18  }
0x1c4: {  	[tilespmem:$0x2420] =	vst v0;
	v53 =	vld [tilespmem:$0x2630];
	v13 =	vadd.s32 v47, v13;
	v17 =	vadd.s32 v27, v17;
	v4 =	vadd.s32 v4, v18  }
0x1c5: {  	[tilespmem:$0x25B0] =	vst v0;
	v11 =	vld [tilespmem:$0x2720];
	v17 =	vadd.s32 v28, v17;
	v4 =	vadd.s32 v5, v4;
	v5 =	vadd.s32 v48, v13  }
0x1c6: {  	[tilespmem:$0x2630] =	vst v0;
	v54 =	vadd.s32 v29, v17;
	v4 =	vadd.s32 v55, v4;
	v5 =	vadd.s32 v49, v5;
	v55 =	vld [tilespmem:$0x26B0]  }
0x1c7: {  	[tilespmem:$0x2720] =	vst v0;
	v15 =	vadd.s32 v30, v54;
	v4 =	vadd.s32 v56, v4;
	v5 =	vadd.s32 v50, v5;
	v56 =	vld [tilespmem:$0x2730]  }
0x1c8: {  	[tilespmem:$0x2900] =	vst v3;
	v15 =	vadd.s32 v31, v15;
	v4 =	vadd.s32 v57, v4;
	v5 =	vadd.s32 v51, v5;
	v57 =	vld [tilespmem:$0x27B0]  }
0x1c9: {  	[tilespmem:$0x26B0] =	vst v0;
	v15 =	vadd.s32 v32, v15;
	v4 =	vadd.s32 v58, v4;
	v5 =	vadd.s32 v52, v5  }
0x1ca: {  	[tilespmem:$0x2730] =	vst v0;
	v58 =	vadd.s32 v33, v15;
	v4 =	vadd.s32 v59, v4;
	v5 =	vadd.s32 v53, v5;
	v59 =	vld [tilespmem:$0x1F70]  }
0x1cb: {  	[tilespmem:$0x27B0] =	vst v0;
	v3 =	vadd.s32 v34, v58;
	v4 =	vadd.s32 v11, v4;
	v5 =	vadd.s32 v55, v5  }
0x1cc: {  	[tilespmem:$0x2910] =	vst v3;
	v3 =	vadd.s32 v60, v4;
	v4 =	vadd.s32 v56, v5  }
0x1cd: {  	[tilespmem:$0x2920] =	vst v3;
	v3 =	vadd.s32 v57, v4  }
0x1ce: {  	[tilespmem:$0x2930] =	vst v3  }
0x1cf: {  	s31 =	simm.s32 $0x0;
	[tilespmem:$0x2940] =	vst v59  }
0x1d0: {  	v3 =	vld [tilespmem:s31+$0x180]  }
0x1d1: {  	v4 =	vld [tilespmem:s31+$0x190]  }
0x1d2: {  	v5 =	vld [tilespmem:s31+$0x1A0]  }
0x1d3: {  	v60 =	vld [tilespmem:s31+$0x1B0]  }
0x1d4: {  	v61 =	vld [tilespmem:s31+$0x1C0]  }
0x1d5: {  	v62 =	vld [tilespmem:s31+$0x1D0];
	v3 =	vadd.s32 v1, v3  }
0x1d6: {  	v4 =	vadd.s32 v1, v4  }
0x1d7: {  	v5 =	vadd.s32 v1, v5  }
0x1d8: {  	v63 =	vld [tilespmem:s31+$0x1E0];
	v6 =	vadd.s32 v1, v60  }
0x1d9: {  	v10 =	vld [tilespmem:s31+$0x1F0];
	v7 =	vadd.s32 v1, v61  }
0x1da: {  	[tilespmem:v3+s9+$0x0] =	vst.idx.add.s32.msk $0xffff, v2;
	v3 =	vadd.s32 v1, v62  }
0x1db: {  	[tilespmem:v4+s9+$0x0] =	vst.idx.add.s32.msk $0xffff, v2  }
0x1dc: {  	[tilespmem:v5+s9+$0x0] =	vst.idx.add.s32.msk $0xffff, v2  }
0x1dd: {  	v4 =	vadd.s32 v1, v63;
	[tilespmem:v6+s9+$0x0] =	vst.idx.add.s32.msk $0xffff, v2  }
0x1de: {  	[tilespmem:v7+s9+$0x0] =	vst.idx.add.s32.msk $0xffff, v2  }
0x1df: {  	[tilespmem:v3+s9+$0x0] =	vst.idx.add.s32.msk $0xffff, v2;
	v3 =	vadd.s32 v1, v10;
	_ =	sdelay $0x2  }
0x1e0: {  	s13 =	simm.s32 $0x1000;
	s12 =	simm.s32 $0x800;
	[tilespmem:v4+s9+$0x0] =	vst.idx.add.s32.msk $0xffff, v2  }
.LBB2_8:
0x1e1: {  	p0 =	sne.s32 s13, $0x7800  }
0x1e2: {  	s14 =	sshra.s32 s12, $0x2;
	[tilespmem:v3+s9+$0x0] =	vst.idx.add.s32.msk $0xffff, v2;
	s12 =	smov.u32 s13;
	s13 =	sadd.s32 $0x800, s13  }
0x1e3: {  	v3 =	vld [tilespmem:s14+$0x180]  }
0x1e4: {  	v4 =	vld [tilespmem:s14+$0x190]  }
0x1e5: {  	v5 =	vld [tilespmem:s14+$0x1A0]  }
0x1e6: {  	v6 =	vld [tilespmem:s14+$0x1B0]  }
0x1e7: {  	v7 =	vld [tilespmem:s14+$0x1C0]  }
0x1e8: {  	v8 =	vld [tilespmem:s14+$0x1D0];
	v3 =	vadd.s32 v1, v3  }
0x1e9: {  	v9 =	vld [tilespmem:s14+$0x1E0];
	v4 =	vadd.s32 v1, v4  }
0x1ea: {  	v10 =	vld [tilespmem:s14+$0x1F0];
	v5 =	vadd.s32 v1, v5  }
0x1eb: {  	v6 =	vadd.s32 v1, v6  }
0x1ec: {  	v7 =	vadd.s32 v1, v7  }
0x1ed: {  	[tilespmem:v3+s9+$0x0] =	vst.idx.add.s32.msk $0xffff, v2;
	v8 =	vadd.s32 v1, v8  }
0x1ee: {  	[tilespmem:v4+s9+$0x0] =	vst.idx.add.s32.msk $0xffff, v2;
	v4 =	vadd.s32 v1, v9  }
.Ltmp3:
0x1ef: {  	[tilespmem:v5+s9+$0x0] =	vst.idx.add.s32.msk $0xffff, v2;
	v3 =	vadd.s32 v1, v10;
	(pc) =	sbr.rel @p0 .LBB2_8-.Ltmp3, $4  }
0x1f0: {  	[tilespmem:v6+s9+$0x0] =	vst.idx.add.s32.msk $0xffff, v2  }
0x1f1: {  	[tilespmem:v7+s9+$0x0] =	vst.idx.add.s32.msk $0xffff, v2  }
0x1f2: {  	[tilespmem:v8+s9+$0x0] =	vst.idx.add.s32.msk $0xffff, v2  }
0x1f3: {  	[tilespmem:v4+s9+$0x0] =	vst.idx.add.s32.msk $0xffff, v2  }
0x1f4: {  	_ =	sdelay $0x3  }
0x1f5: {  	s12 =	sshra.s32 s12, $0x2;
	[tilespmem:v3+s9+$0x0] =	vst.idx.add.s32.msk $0xffff, v2  }
0x1f6: {  	v3 =	vld [tilespmem:s12+$0x180]  }
0x1f7: {  	v4 =	vld [tilespmem:s12+$0x190]  }
0x1f8: {  	v5 =	vld [tilespmem:s12+$0x1A0]  }
0x1f9: {  	v6 =	vld [tilespmem:s12+$0x1B0]  }
0x1fa: {  	v7 =	vld [tilespmem:s12+$0x1C0]  }
0x1fb: {  	v8 =	vld [tilespmem:s12+$0x1D0];
	v3 =	vadd.s32 v1, v3  }
0x1fc: {  	v9 =	vld [tilespmem:s12+$0x1E0];
	v4 =	vadd.s32 v1, v4  }
0x1fd: {  	v10 =	vld [tilespmem:s12+$0x1F0];
	v5 =	vadd.s32 v1, v5  }
0x1fe: {  	v6 =	vadd.s32 v1, v6  }
0x1ff: {  	v7 =	vadd.s32 v1, v7  }
0x200: {  	[tilespmem:v3+s9+$0x0] =	vst.idx.add.s32.msk $0xffff, v2;
	v3 =	vadd.s32 v1, v8  }
0x201: {  	v51 =	vadd.s32 v1, v9;
	[tilespmem:v4+s9+$0x0] =	vst.idx.add.s32.msk $0xffff, v2  }
0x202: {  	v52 =	vadd.s32 v1, v10;
	[tilespmem:v5+s9+$0x0] =	vst.idx.add.s32.msk $0xffff, v2  }
0x203: {  	[tilespmem:v6+s9+$0x0] =	vst.idx.add.s32.msk $0xffff, v2  }
0x204: {  	[tilespmem:v7+s9+$0x0] =	vst.idx.add.s32.msk $0xffff, v2  }
0x205: {  	[tilespmem:v3+s9+$0x0] =	vst.idx.add.s32.msk $0xffff, v2  }
0x206: {  	[tilespmem:v51+s9+$0x0] =	vst.idx.add.s32.msk $0xffff, v2  }
0x207: {  	[tilespmem:v52+s9+$0x0] =	vst.idx.add.s32.msk $0xffff, v2  }
0x208: {  	v3 =	vld [tilespmem:$0x2000]  }
0x209: {  	v4 =	vld [tilespmem:$0x2080]  }
0x20a: {  	v5 =	vld [tilespmem:$0x2100]  }
0x20b: {  	v6 =	vld [tilespmem:$0x2180]  }
0x20c: {  	v7 =	vld [tilespmem:$0x2200]  }
0x20d: {  	v53 =	vld [tilespmem:$0x2280]  }
0x20e: {  	v54 =	vld [tilespmem:$0x2300]  }
0x20f: {  	v55 =	vld [tilespmem:$0x2380]  }
0x210: {  	v11 =	vld [tilespmem:$0x2400]  }
0x211: {  	v12 =	vld [tilespmem:$0x2480]  }
0x212: {  	v13 =	vld [tilespmem:$0x2500]  }
0x213: {  	v14 =	vld [tilespmem:$0x2580]  }
0x214: {  	v15 =	vld [tilespmem:$0x2600]  }
0x215: {  	v16 =	vld [tilespmem:$0x2680]  }
0x216: {  	v17 =	vld [tilespmem:$0x2700]  }
0x217: {  	v18 =	vld [tilespmem:$0x2780]  }
0x218: {  	v19 =	vld [tilespmem:$0x2010]  }
0x219: {  	v20 =	vld [tilespmem:$0x2090]  }
0x21a: {  	v21 =	vld [tilespmem:$0x2110]  }
0x21b: {  	v22 =	vld [tilespmem:$0x2190]  }
0x21c: {  	v23 =	vld [tilespmem:$0x2210]  }
0x21d: {  	v24 =	vld [tilespmem:$0x2290]  }
0x21e: {  	v25 =	vld [tilespmem:$0x2310]  }
0x21f: {  	v26 =	vld [tilespmem:$0x2390]  }
0x220: {  	v27 =	vld [tilespmem:$0x2410]  }
0x221: {  	v28 =	vld [tilespmem:$0x2490]  }
0x222: {  	v29 =	vld [tilespmem:$0x2510]  }
0x223: {  	v30 =	vld [tilespmem:$0x2590]  }
0x224: {  	v31 =	vld [tilespmem:$0x2610]  }
0x225: {  	v32 =	vld [tilespmem:$0x2690]  }
0x226: {  	v33 =	vld [tilespmem:$0x2710]  }
0x227: {  	v34 =	vld [tilespmem:$0x2790]  }
0x228: {  	v35 =	vld [tilespmem:$0x2020]  }
0x229: {  	v36 =	vld [tilespmem:$0x20A0]  }
0x22a: {  	v37 =	vld [tilespmem:$0x2120]  }
0x22b: {  	v38 =	vld [tilespmem:$0x21A0]  }
0x22c: {  	v39 =	vld [tilespmem:$0x2220]  }
0x22d: {  	v40 =	vld [tilespmem:$0x22A0]  }
0x22e: {  	v41 =	vld [tilespmem:$0x2320]  }
0x22f: {  	v56 =	vld [tilespmem:$0x23A0]  }
0x230: {  	v57 =	vld [tilespmem:$0x2420];
	v3 =	vadd.s32 v3, v4  }
0x231: {  	v58 =	vld [tilespmem:$0x24A0];
	v3 =	vadd.s32 v5, v3  }
0x232: {  	v59 =	vld [tilespmem:$0x2520];
	v3 =	vadd.s32 v6, v3  }
0x233: {  	v60 =	vld [tilespmem:$0x25A0];
	v3 =	vadd.s32 v7, v3  }
0x234: {  	v61 =	vld [tilespmem:$0x2620];
	v3 =	vadd.s32 v53, v3  }
0x235: {  	v62 =	vld [tilespmem:$0x26A0];
	v3 =	vadd.s32 v54, v3  }
0x236: {  	v63 =	vld [tilespmem:$0x2030];
	v3 =	vadd.s32 v55, v3  }
0x237: {  	v42 =	vld [tilespmem:$0x20B0];
	v3 =	vadd.s32 v11, v3  }
0x238: {  	v43 =	vld [tilespmem:$0x2130];
	v3 =	vadd.s32 v12, v3  }
0x239: {  	v44 =	vld [tilespmem:$0x21B0];
	v3 =	vadd.s32 v13, v3  }
0x23a: {  	v46 =	vld [tilespmem:$0x2230];
	v3 =	vadd.s32 v14, v3  }
0x23b: {  	v48 =	vld [tilespmem:$0x22B0];
	v3 =	vadd.s32 v15, v3  }
0x23c: {  	v49 =	vld [tilespmem:$0x2330];
	v45 =	vadd.s32 v19, v20;
	v47 =	vadd.s32 v35, v36;
	v3 =	vadd.s32 v16, v3  }
0x23d: {  	v50 =	vld [tilespmem:$0x23B0];
	v13 =	vadd.s32 v63, v42;
	v3 =	vadd.s32 v17, v3;
	v17 =	vadd.s32 v21, v45  }
0x23e: {  	v51 =	vld [tilespmem:$0x2430];
	v3 =	vadd.s32 v18, v3;
	v17 =	vadd.s32 v22, v17;
	v18 =	vadd.s32 v37, v47  }
0x23f: {  	v52 =	vld [tilespmem:$0x24B0];
	v13 =	vadd.s32 v43, v13;
	v17 =	vadd.s32 v23, v17;
	v18 =	vadd.s32 v38, v18  }
0x240: {  	v53 =	vld [tilespmem:$0x2530];
	v13 =	vadd.s32 v44, v13;
	v17 =	vadd.s32 v24, v17;
	v18 =	vadd.s32 v39, v18  }
0x241: {  	v54 =	vld [tilespmem:$0x25B0];
	v13 =	vadd.s32 v46, v13;
	v17 =	vadd.s32 v25, v17;
	v18 =	vadd.s32 v40, v18  }
0x242: {  	v11 =	vld [tilespmem:$0x2720];
	v13 =	vadd.s32 v48, v13;
	v17 =	vadd.s32 v26, v17;
	v18 =	vadd.s32 v41, v18  }
0x243: {  	v12 =	vld [tilespmem:$0x27A0];
	v13 =	vadd.s32 v49, v13;
	v17 =	vadd.s32 v27, v17;
	v4 =	vadd.s32 v56, v18  }
0x244: {  	v55 =	vadd.s32 v50, v13;
	v56 =	vld [tilespmem:$0x2630];
	v17 =	vadd.s32 v28, v17;
	v4 =	vadd.s32 v57, v4  }
0x245: {  	v5 =	vadd.s32 v51, v55;
	v57 =	vadd.s32 v29, v17;
	v4 =	vadd.s32 v58, v4;
	v58 =	vld [tilespmem:$0x26B0]  }
0x246: {  	v5 =	vadd.s32 v52, v5;
	v15 =	vadd.s32 v30, v57;
	v4 =	vadd.s32 v59, v4;
	v59 =	vld [tilespmem:$0x2730]  }
0x247: {  	v5 =	vadd.s32 v53, v5;
	v15 =	vadd.s32 v31, v15;
	v4 =	vadd.s32 v60, v4;
	v60 =	vld [tilespmem:$0x27B0]  }
0x248: {  	v5 =	vadd.s32 v54, v5;
	v15 =	vadd.s32 v32, v15;
	v4 =	vadd.s32 v61, v4  }
0x249: {  	v5 =	vadd.s32 v56, v5;
	v61 =	vadd.s32 v33, v15;
	v4 =	vadd.s32 v62, v4;
	v62 =	vld [tilespmem:$0x1FF0]  }
0x24a: {  	[tilespmem:$0x2980] =	vst v3;
	v3 =	vadd.s32 v34, v61;
	v4 =	vadd.s32 v11, v4;
	v5 =	vadd.s32 v58, v5  }
0x24b: {  	[tilespmem:$0x2990] =	vst v3;
	v3 =	vadd.s32 v12, v4;
	v63 =	vadd.s32 v59, v5  }
0x24c: {  	s11 =	sadd.s32 $0x1, s11;
	[tilespmem:$0x29A0] =	vst v3;
	v3 =	vadd.s32 v60, v63  }
0x24d: {  	p0 =	sne.s32 s11, s5;
	[tilespmem:$0x29B0] =	vst v3  }
.Ltmp4:
0x24e: {  	[tilespmem:$0x29C0] =	vst v62;
	(pc) =	sbr.rel @p0 .LBB2_1-.Ltmp4, $4  }
0x24f: {  	[hbm4b:s4+s2] =	stream.linear.scatter [tilespmem:s10], [sflag:$0x1], $0x200, $0x38;
	[tilespmem:$0x2A00] =	vst v63  }
0x250: {  	_ =	swait.ge [sflag:s8], $0x200  }
0x251: {  	[sflag:s8] =	ssyncset.done $0x0  }
0x252: {  	[sflag:s8] =	ssyncadd.s32 $0xFFFFFE00  }
0x253: {  	_ =	sfence.sel $0x180000  }
0x254: {  	[bflag:$0x0] =	sbarrier.arrive $0xFFFF  }
0x255: {  	p0 =	sne.s32 s1, $0x0;
	_ =	strace $0x90000047  }
0x256: {  	s0 =	sadd.s32 @!p0 $0x100000, s0;
	[bflag:$0x2] =	sbarrier.arrive $0xFFFF  }
0x257: {  	[sflag:s0] =	ssyncadd.tile.s32 @!p0 $0x1;
	_ =	shalt  }
.Lfunc_end2:
_tile_overlayer_lowered:
.L_overlay_start_2:
0x258: {  	(tag) =	ssettag $0x2  }
0x259: {  	s0 =	rddreg [dreg:$0x0];
	s2 =	stileid.u32  }
0x25a: {  	s1 =	rddreg [dreg:$0x1];
	p0 =	sne.s32 s2, $0x0  }
0x25b: {  	s3 =	rddreg [dreg:$0x2];
	[bflag:$0x3] =	sbarrier.arrive $0xFFFF;
	s2 =	simm.s32 @!p0 $0x1C01  }
0x25c: {  	[timem:s3], [sflag:s2] =	dma.local @!p0 [hbm:s0], s1  }
0x25d: {  	s0 =	simm.s32 @!p0 $0x1  }
0x25e: {  	_ =	swait.ge @!p0 [sflag:s0], s1  }
0x25f: {  	s1 =	ssub.s32 @!p0 $0x0, s1;
	[sflag:s0] =	ssyncset.done @!p0 $0x0  }
0x260: {  	[sflag:s0] =	ssyncadd.s32 @!p0 s1  }
0x261: {  	[bflag:$0x3] =	sbarrier.arrive $0xFFFF  }
0x262: {  	_ =	shalt  }

</sc_bundles>
